<compile_context>
chip_gen: v7x
topology: tpu7x:2x2x1
jax: 0.10.2.dev20260603
libtpu: 0.0.44.dev20260713+nightly
codegen_flags: <defaults>
</compile_context>

<pallas_src>
import functools

import jax
import jax.numpy as jnp
from jax import lax
from jax.experimental import pallas as pl
from jax.experimental.pallas import tpu as pltpu
from jax.experimental.pallas import tpu_sc as plsc

DIM = 64
B = 16384
NC, NS, L = 2, 16, 16
NW = NC * NS
RPW = B // NW
CHUNK = 128
NCH = RPW // CHUNK
NG = CHUNK // L
UNROLL = 8
EPS = 1e-6
MAGIC = 0x5F3759DF


def _sqrt16(x):
    x = jnp.maximum(x, 1e-24)
    i = plsc.bitcast(x, jnp.int32)
    y = plsc.bitcast(MAGIC - (i >> 1), jnp.float32)
    for _ in range(3):
        y = y * (1.5 - 0.5 * x * y * y)
    return x * y


_mesh = plsc.VectorSubcoreMesh(core_axis_name="c", subcore_axis_name="s",
                               num_cores=NC, num_subcores=NS)


@functools.partial(
    pl.kernel,
    out_type=jax.ShapeDtypeStruct((NW * L,), jnp.float32),
    mesh=_mesh,
    scratch_types=[
        pltpu.VMEM((NCH, CHUNK), jnp.int32),
        pltpu.VMEM((NCH, CHUNK), jnp.int32),
        pltpu.VMEM((NCH, CHUNK), jnp.int32),
        pltpu.VMEM((NCH, CHUNK), jnp.int32),
        pltpu.VMEM((NCH, CHUNK), jnp.int32),
        pltpu.VMEM((NCH, CHUNK), jnp.int32),
        pltpu.VMEM((2, CHUNK, DIM), jnp.float32),
        pltpu.VMEM((2, CHUNK, DIM), jnp.float32),
        pltpu.VMEM((RPW,), jnp.float32),
        pltpu.VMEM((6, DIM), jnp.float32),
        pltpu.VMEM((6, DIM), jnp.float32),
        pltpu.VMEM((L,), jnp.float32),
        pltpu.VMEM((L,), jnp.float32),
        pltpu.VMEM((L,), jnp.float32),
        pltpu.SemaphoreType.DMA,
        pltpu.SemaphoreType.DMA,
    ],
    compiler_params=pltpu.CompilerParams(needs_layout_passes=False,
                                         use_tc_tiling_on_sc=False),
)
def _transh_sc(ph, pt, pr, nh, nt, nr, hemb, temb, remb, rhyp, out,
               phv, ptv, prv, nhv, ntv, nrv, hbuf, tbuf, poss,
               rhv, relv, k1r, k4r, stash, sem0, sem1):
    wid = lax.axis_index("s") * NC + lax.axis_index("c")
    sems = (sem0, sem1)
    zero = jnp.zeros((L,), jnp.float32)
    iota = lax.iota(jnp.int32, L)

    pltpu.sync_copy(ph.at[pl.ds(wid * NCH, NCH)], phv)
    pltpu.sync_copy(pt.at[pl.ds(wid * NCH, NCH)], ptv)

    phases = [(0, j) for j in range(NCH)] + [(1, j) for j in range(NCH)]

    def fire(p, slot):
        side, j = phases[p]
        hv = phv if side == 0 else nhv
        tv = ptv if side == 0 else ntv
        return (
            pltpu.async_copy(hemb.at[hv.at[j]], hbuf.at[slot], sems[slot]),
            pltpu.async_copy(temb.at[tv.at[j]], tbuf.at[slot], sems[slot]),
        )

    handles = {0: fire(0, 0), 1: fire(1, 1)}

    pltpu.sync_copy(pr.at[pl.ds(wid * NCH, NCH)], prv)
    pltpu.sync_copy(nh.at[pl.ds(wid * NCH, NCH)], nhv)
    pltpu.sync_copy(nt.at[pl.ds(wid * NCH, NCH)], ntv)
    pltpu.sync_copy(nr.at[pl.ds(wid * NCH, NCH)], nrv)

    pltpu.sync_copy(rhyp, rhv)
    pltpu.sync_copy(remb, relv)
    idx6 = jnp.minimum(iota, 5)

    def kbody(d, carry):
        k1, k4 = carry
        dv = jnp.full((L,), d, jnp.int32)
        rh = plsc.load_gather(rhv, [idx6, dv])
        re = plsc.load_gather(relv, [idx6, dv])
        return k1 + re * rh, k4 + rh

    k1, k4 = lax.fori_loop(0, DIM, kbody, (zero, zero))
    k1r[...] = k1
    k4r[...] = k4

    acc_loss = zero
    for p in range(2 * NCH):
        slot = p % 2
        side, j = phases[p]
        for h in handles.pop(p):
            h.wait()
        rv = prv if side == 0 else nrv
        slot_v = jnp.full((L,), slot, jnp.int32)

        def gbody(g, acc, side=side, j=j, slot_v=slot_v, rv=rv):
            r_ids = rv[j, pl.ds(g * L, L)]
            rows = g * L + iota
            def dbody(d0, carry, rows=rows, r_ids=r_ids, slot_v=slot_v):
                su, su2, urh = carry
                for q in range(UNROLL):
                    dv = (d0 * UNROLL + q + iota) & (DIM - 1)
                    hd = plsc.load_gather(hbuf, [slot_v, rows, dv])
                    td = plsc.load_gather(tbuf, [slot_v, rows, dv])
                    rh = plsc.load_gather(rhv, [r_ids, dv])
                    re = plsc.load_gather(relv, [r_ids, dv])
                    u = hd - td + re
                    su = su + u
                    su2 = su2 + u * u
                    urh = urh + u * rh
                return su, su2, urh

            su, su2, urh = lax.fori_loop(0, DIM // UNROLL, dbody,
                                         (zero, zero, zero))
            c = urh - plsc.load_gather(k1r, [r_ids])
            k4g = plsc.load_gather(k4r, [r_ids])
            s = (su2 - 2.0 * c * urh + c * c
                 + (2.0 * EPS) * (su - c * k4g) + DIM * EPS * EPS)
            score = _sqrt16(s)
            off = j * CHUNK + g * L
            if side == 0:
                poss[pl.ds(off, L)] = score
                return acc
            psc = poss[pl.ds(off, L)]
            return acc + jnp.maximum(psc - score + 1.0, 0.0)

        acc_loss = lax.fori_loop(0, NG, gbody, acc_loss)
        if p + 2 < 2 * NCH:
            handles[p + 2] = fire(p + 2, slot)

    stash[...] = jnp.full((L,), jnp.sum(acc_loss))
    pltpu.sync_copy(stash, out.at[pl.ds(wid * L, L)])


def kernel(posX, negX, H_emb, T_emb, R_emb, R_hyper):
    nrows = B // CHUNK
    ph = posX[:, 0].reshape(nrows, CHUNK)
    pt = posX[:, 1].reshape(nrows, CHUNK)
    pr = posX[:, 2].reshape(nrows, CHUNK)
    nh = negX[:, 0].reshape(nrows, CHUNK)
    nt = negX[:, 1].reshape(nrows, CHUNK)
    nr = negX[:, 2].reshape(nrows, CHUNK)
    partials = _transh_sc(ph, pt, pr, nh, nt, nr,
                          H_emb, T_emb, R_emb, R_hyper)
    return jnp.sum(partials.reshape(NW, L)[:, 0]) / posX.shape[0]

# --- scband reference (transcript-rebuilt; emitter-appended) ---
"""Pipeline reference for scband-trans-h-25254407701175 (READ-ONLY COPY).

The authoritative reference and input builder live on the scoring server;
editing this copy changes nothing except your own understanding.
"""

import jax, jax.numpy as jnp
import numpy as np

VOCAB = 100000
DIM = 64
RELN = 5
B = 16384


def setup_inputs(seed: int = 0) -> dict:
    key = jax.random.key(seed)
    ks = jax.random.split(key, 10)
    ph = jax.random.randint(ks[0], (B, 1), 0, VOCAB)
    pt = jax.random.randint(ks[1], (B, 1), 0, VOCAB)
    pr = jax.random.randint(ks[2], (B, 1), 0, RELN + 1)
    posX = jnp.concatenate([ph, pt, pr], axis=1)
    nh = jax.random.randint(ks[3], (B, 1), 0, VOCAB)
    nt = jax.random.randint(ks[4], (B, 1), 0, VOCAB)
    nr = jax.random.randint(ks[5], (B, 1), 0, RELN + 1)
    negX = jnp.concatenate([nh, nt, nr], axis=1)
    H_emb = jax.random.normal(ks[6], (VOCAB, DIM), dtype=jnp.float32) * 0.1
    T_emb = jax.random.normal(ks[7], (VOCAB, DIM), dtype=jnp.float32) * 0.1
    R_emb = jax.random.normal(ks[8], (RELN + 1, DIM), dtype=jnp.float32) * 0.1
    w = jax.random.normal(ks[9], (RELN + 1, DIM), dtype=jnp.float32)
    R_hyper = w / jnp.sqrt(jnp.sum(jnp.square(w), axis=1, keepdims=True))
    return {"posX": posX, "negX": negX, "H_emb": H_emb, "T_emb": T_emb,
            "R_emb": R_emb, "R_hyper": R_hyper}


def _score(X, H_emb, T_emb, R_emb, R_hyper):
    # Step2: index -> embedding (SparseCore-style gathers)
    head = jnp.take(H_emb, X[:, 0], axis=0)
    tail = jnp.take(T_emb, X[:, 1], axis=0)
    relHyper = jnp.take(R_hyper, X[:, 2], axis=0)
    relation = jnp.take(R_emb, X[:, 2], axis=0)
    # Step3: project onto relation hyperplane
    head = head - relHyper * jnp.sum(head * relHyper, axis=1, keepdims=True)
    tail = tail - relHyper * jnp.sum(tail * relHyper, axis=1, keepdims=True)
    # Step4: PairwiseDistance with p=2 (torch adds eps=1e-6 to the difference)
    diff = head + relation - tail + 1e-6
    return jnp.sqrt(jnp.sum(jnp.square(diff), axis=1))


def reference(posX, negX, H_emb, T_emb, R_emb, R_hyper):
    size = posX.shape[0]
    posScore = _score(posX, H_emb, T_emb, R_emb, R_hyper)
    negScore = _score(negX, H_emb, T_emb, R_emb, R_hyper)
    marginLoss = jnp.sum(jax.nn.relu(posScore - negScore + 1.0))
    # entity norm losses are computed in the torch forward but unused in the return
    _HentityLoss = jnp.sum(jax.nn.relu(jnp.sqrt(jnp.sum(jnp.square(H_emb), axis=1)) - 1.0))
    _TentityLoss = jnp.sum(jax.nn.relu(jnp.sqrt(jnp.sum(jnp.square(T_emb), axis=1)) - 1.0))
    return marginLoss / size

if __name__ == "__main__":
    import jax
    _d = setup_inputs()
    print(jax.jit(kernel)(*tuple(_d.values())))

</pallas_src>

<mosaic_0001>
#map = affine_map<(d0, d1) -> (0, 0)>
#map1 = affine_map<(d0, d1) -> (0)>
module attributes {stable_mosaic.version = 14 : i64} {
  func.func @_transh_sc(%arg0: i32, %arg1: i32, %arg2: memref<128x128xi32, #tpu.memory_space<hbm>>, %arg3: memref<128x128xi32, #tpu.memory_space<hbm>>, %arg4: memref<128x128xi32, #tpu.memory_space<hbm>>, %arg5: memref<128x128xi32, #tpu.memory_space<hbm>>, %arg6: memref<128x128xi32, #tpu.memory_space<hbm>>, %arg7: memref<128x128xi32, #tpu.memory_space<hbm>>, %arg8: memref<100000x64xf32, #tpu.memory_space<hbm>>, %arg9: memref<100000x64xf32, #tpu.memory_space<hbm>>, %arg10: memref<6x64xf32, #tpu.memory_space<hbm>>, %arg11: memref<6x64xf32, #tpu.memory_space<hbm>>, %arg12: memref<512xf32, #tpu.memory_space<hbm>>, %arg13: memref<4x128xi32, #tpu.memory_space<vmem>>, %arg14: memref<4x128xi32, #tpu.memory_space<vmem>>, %arg15: memref<4x128xi32, #tpu.memory_space<vmem>>, %arg16: memref<4x128xi32, #tpu.memory_space<vmem>>, %arg17: memref<4x128xi32, #tpu.memory_space<vmem>>, %arg18: memref<4x128xi32, #tpu.memory_space<vmem>>, %arg19: memref<2x128x64xf32, #tpu.memory_space<vmem>>, %arg20: memref<2x128x64xf32, #tpu.memory_space<vmem>>, %arg21: memref<512xf32, #tpu.memory_space<vmem>>, %arg22: memref<6x64xf32, #tpu.memory_space<vmem>>, %arg23: memref<6x64xf32, #tpu.memory_space<vmem>>, %arg24: memref<16xf32, #tpu.memory_space<vmem>>, %arg25: memref<16xf32, #tpu.memory_space<vmem>>, %arg26: memref<16xf32, #tpu.memory_space<vmem>>, %arg27: memref<!tpu.dma_semaphore, #tpu.memory_space<semaphore_mem>>, %arg28: memref<!tpu.dma_semaphore, #tpu.memory_space<semaphore_mem>>) attributes {dimension_semantics = [#tpu.dimension_semantics<core_parallel>, #tpu.dimension_semantics<subcore_parallel>], iteration_bounds = array<i64: 2, 16>, scalar_prefetch = 0 : i64, scratch_operands = 16 : i64, tpu.core_type = #tpu.core_type<sc_vector_subcore>, window_params = [{transform_indices = #map}, {transform_indices = #map}, {transform_indices = #map}, {transform_indices = #map}, {transform_indices = #map}, {transform_indices = #map}, {transform_indices = #map}, {transform_indices = #map}, {transform_indices = #map}, {transform_indices = #map}, {transform_indices = #map1}]} {
    %mul3A = arith.constant 2 : i32
    %mul3A_0 = arith.muli %arg1, %mul3A : i32
    %add3A = arith.addi %mul3A_0, %arg0 : i32
    %broadcast_in_dim3A = arith.constant 0.000000e+00 : f32
    %broadcast_in_dim3A_1 = vector.broadcast %broadcast_in_dim3A : f32 to vector<16xf32>
    %iota3A = tpu.iota {dimensions = array<i32: 0>} : vector<16xi32>
    %mul3A_2 = arith.constant 4 : i32
    %mul3A_3 = arith.muli %add3A, %mul3A_2 : i32
    "tpu.region"() ({
      %run_scoped3A = tpu.sem_alloc : memref<!tpu.dma_semaphore, #tpu.memory_space<semaphore_mem>>
      %dma_start3A_474 = arith.constant 0 : i32
      %dma_start3A_475 = tpu.memref_slice %arg2[%mul3A_3, %dma_start3A_474] : memref<128x128xi32, #tpu.memory_space<hbm>> -> memref<4x128xi32, #tpu.memory_space<hbm>>
      %dma_start3A_476 = arith.constant 0 : i32
      %dma_start3A_477 = tpu.memref_slice %arg2[%mul3A_3, %dma_start3A_476] : memref<128x128xi32, #tpu.memory_space<hbm>> -> memref<4x128xi32, #tpu.memory_space<hbm>>
      tpu.enqueue_dma source(%dma_start3A_477 : memref<4x128xi32, #tpu.memory_space<hbm>>) target(%arg13 : memref<4x128xi32, #tpu.memory_space<vmem>>) target_semaphore(%run_scoped3A : memref<!tpu.dma_semaphore, #tpu.memory_space<semaphore_mem>>)
      %dma_wait3A_478 = arith.constant 0 : i32
      %dma_wait3A_479 = tpu.memref_slice %arg2[%mul3A_3, %dma_wait3A_478] : memref<128x128xi32, #tpu.memory_space<hbm>> -> memref<4x128xi32, #tpu.memory_space<hbm>>
      %dma_wait3A_480 = arith.constant 0 : i32
      %dma_wait3A_481 = tpu.memref_slice %arg2[%mul3A_3, %dma_wait3A_480] : memref<128x128xi32, #tpu.memory_space<hbm>> -> memref<4x128xi32, #tpu.memory_space<hbm>>
      tpu.wait_dma2 semaphore(%run_scoped3A : memref<!tpu.dma_semaphore, #tpu.memory_space<semaphore_mem>>) src(%dma_wait3A_481 : memref<4x128xi32, #tpu.memory_space<hbm>>) dst(%arg13 : memref<4x128xi32, #tpu.memory_space<vmem>>)
      tpu.yield
    }) : () -> ()
    %mul3A_4 = arith.constant 4 : i32
    %mul3A_5 = arith.muli %add3A, %mul3A_4 : i32
    "tpu.region"() ({
      %run_scoped3A = tpu.sem_alloc : memref<!tpu.dma_semaphore, #tpu.memory_space<semaphore_mem>>
      %dma_start3A_474 = arith.constant 0 : i32
      %dma_start3A_475 = tpu.memref_slice %arg3[%mul3A_5, %dma_start3A_474] : memref<128x128xi32, #tpu.memory_space<hbm>> -> memref<4x128xi32, #tpu.memory_space<hbm>>
      %dma_start3A_476 = arith.constant 0 : i32
      %dma_start3A_477 = tpu.memref_slice %arg3[%mul3A_5, %dma_start3A_476] : memref<128x128xi32, #tpu.memory_space<hbm>> -> memref<4x128xi32, #tpu.memory_space<hbm>>
      tpu.enqueue_dma source(%dma_start3A_477 : memref<4x128xi32, #tpu.memory_space<hbm>>) target(%arg14 : memref<4x128xi32, #tpu.memory_space<vmem>>) target_semaphore(%run_scoped3A : memref<!tpu.dma_semaphore, #tpu.memory_space<semaphore_mem>>)
      %dma_wait3A_478 = arith.constant 0 : i32
      %dma_wait3A_479 = tpu.memref_slice %arg3[%mul3A_5, %dma_wait3A_478] : memref<128x128xi32, #tpu.memory_space<hbm>> -> memref<4x128xi32, #tpu.memory_space<hbm>>
      %dma_wait3A_480 = arith.constant 0 : i32
      %dma_wait3A_481 = tpu.memref_slice %arg3[%mul3A_5, %dma_wait3A_480] : memref<128x128xi32, #tpu.memory_space<hbm>> -> memref<4x128xi32, #tpu.memory_space<hbm>>
      tpu.wait_dma2 semaphore(%run_scoped3A : memref<!tpu.dma_semaphore, #tpu.memory_space<semaphore_mem>>) src(%dma_wait3A_481 : memref<4x128xi32, #tpu.memory_space<hbm>>) dst(%arg14 : memref<4x128xi32, #tpu.memory_space<vmem>>)
      tpu.yield
    }) : () -> ()
    %dma_start3A = arith.constant 0 : i32
    %dma_start3A_6 = arith.constant 0 : i32
    %dma_start3A_7 = arith.constant 0 : i32
    %dma_start3A_8 = arith.constant 0 : i32
    %dma_start3A_9 = tpu.memref_slice %arg19[%dma_start3A_6, %dma_start3A_7, %dma_start3A_8] : memref<2x128x64xf32, #tpu.memory_space<vmem>> -> memref<1x128x64xf32, #tpu.memory_space<vmem>>
    %dma_start3A_10 = tpu.memref_squeeze %dma_start3A_9 : memref<1x128x64xf32, #tpu.memory_space<vmem>> -> memref<128x64xf32, #tpu.memory_space<vmem>>
    %dma_start3A_11 = arith.constant 0 : i32
    %dma_start3A_12 = tpu.memref_slice %arg13[%dma_start3A, %dma_start3A_11] : memref<4x128xi32, #tpu.memory_space<vmem>> -> memref<1x128xi32, #tpu.memory_space<vmem>>
    %dma_start3A_13 = tpu.memref_squeeze %dma_start3A_12 : memref<1x128xi32, #tpu.memory_space<vmem>> -> memref<128xi32, #tpu.memory_space<vmem>>
    %dma_start3A_14 = arith.constant 0 : i32
    %dma_start3A_15 = arith.constant 0 : i32
    %dma_start3A_16 = tpu.memref_slice %arg8[%dma_start3A_14, %dma_start3A_15] : memref<100000x64xf32, #tpu.memory_space<hbm>> -> memref<100000x64xf32, #tpu.memory_space<hbm>>
    tpu.enqueue_indirect_dma source(%dma_start3A_16 : memref<100000x64xf32, #tpu.memory_space<hbm>>) target(%dma_start3A_10 : memref<128x64xf32, #tpu.memory_space<vmem>>) offsets(%dma_start3A_13 : memref<128xi32, #tpu.memory_space<vmem>>) semaphore(%arg27 : memref<!tpu.dma_semaphore, #tpu.memory_space<semaphore_mem>>)
    %dma_start3A_17 = arith.constant 0 : i32
    %dma_start3A_18 = arith.constant 0 : i32
    %dma_start3A_19 = arith.constant 0 : i32
    %dma_start3A_20 = arith.constant 0 : i32
    %dma_start3A_21 = tpu.memref_slice %arg20[%dma_start3A_18, %dma_start3A_19, %dma_start3A_20] : memref<2x128x64xf32, #tpu.memory_space<vmem>> -> memref<1x128x64xf32, #tpu.memory_space<vmem>>
    %dma_start3A_22 = tpu.memref_squeeze %dma_start3A_21 : memref<1x128x64xf32, #tpu.memory_space<vmem>> -> memref<128x64xf32, #tpu.memory_space<vmem>>
    %dma_start3A_23 = arith.constant 0 : i32
    %dma_start3A_24 = tpu.memref_slice %arg14[%dma_start3A_17, %dma_start3A_23] : memref<4x128xi32, #tpu.memory_space<vmem>> -> memref<1x128xi32, #tpu.memory_space<vmem>>
    %dma_start3A_25 = tpu.memref_squeeze %dma_start3A_24 : memref<1x128xi32, #tpu.memory_space<vmem>> -> memref<128xi32, #tpu.memory_space<vmem>>
    %dma_start3A_26 = arith.constant 0 : i32
    %dma_start3A_27 = arith.constant 0 : i32
    %dma_start3A_28 = tpu.memref_slice %arg9[%dma_start3A_26, %dma_start3A_27] : memref<100000x64xf32, #tpu.memory_space<hbm>> -> memref<100000x64xf32, #tpu.memory_space<hbm>>
    tpu.enqueue_indirect_dma source(%dma_start3A_28 : memref<100000x64xf32, #tpu.memory_space<hbm>>) target(%dma_start3A_22 : memref<128x64xf32, #tpu.memory_space<vmem>>) offsets(%dma_start3A_25 : memref<128xi32, #tpu.memory_space<vmem>>) semaphore(%arg27 : memref<!tpu.dma_semaphore, #tpu.memory_space<semaphore_mem>>)
    %dma_start3A_29 = arith.constant 1 : i32
    %dma_start3A_30 = arith.constant 1 : i32
    %dma_start3A_31 = arith.constant 0 : i32
    %dma_start3A_32 = arith.constant 0 : i32
    %dma_start3A_33 = tpu.memref_slice %arg19[%dma_start3A_30, %dma_start3A_31, %dma_start3A_32] : memref<2x128x64xf32, #tpu.memory_space<vmem>> -> memref<1x128x64xf32, #tpu.memory_space<vmem>>
    %dma_start3A_34 = tpu.memref_squeeze %dma_start3A_33 : memref<1x128x64xf32, #tpu.memory_space<vmem>> -> memref<128x64xf32, #tpu.memory_space<vmem>>
    %dma_start3A_35 = arith.constant 0 : i32
    %dma_start3A_36 = tpu.memref_slice %arg13[%dma_start3A_29, %dma_start3A_35] : memref<4x128xi32, #tpu.memory_space<vmem>> -> memref<1x128xi32, #tpu.memory_space<vmem>>
    %dma_start3A_37 = tpu.memref_squeeze %dma_start3A_36 : memref<1x128xi32, #tpu.memory_space<vmem>> -> memref<128xi32, #tpu.memory_space<vmem>>
    %dma_start3A_38 = arith.constant 0 : i32
    %dma_start3A_39 = arith.constant 0 : i32
    %dma_start3A_40 = tpu.memref_slice %arg8[%dma_start3A_38, %dma_start3A_39] : memref<100000x64xf32, #tpu.memory_space<hbm>> -> memref<100000x64xf32, #tpu.memory_space<hbm>>
    tpu.enqueue_indirect_dma source(%dma_start3A_40 : memref<100000x64xf32, #tpu.memory_space<hbm>>) target(%dma_start3A_34 : memref<128x64xf32, #tpu.memory_space<vmem>>) offsets(%dma_start3A_37 : memref<128xi32, #tpu.memory_space<vmem>>) semaphore(%arg28 : memref<!tpu.dma_semaphore, #tpu.memory_space<semaphore_mem>>)
    %dma_start3A_41 = arith.constant 1 : i32
    %dma_start3A_42 = arith.constant 1 : i32
    %dma_start3A_43 = arith.constant 0 : i32
    %dma_start3A_44 = arith.constant 0 : i32
    %dma_start3A_45 = tpu.memref_slice %arg20[%dma_start3A_42, %dma_start3A_43, %dma_start3A_44] : memref<2x128x64xf32, #tpu.memory_space<vmem>> -> memref<1x128x64xf32, #tpu.memory_space<vmem>>
    %dma_start3A_46 = tpu.memref_squeeze %dma_start3A_45 : memref<1x128x64xf32, #tpu.memory_space<vmem>> -> memref<128x64xf32, #tpu.memory_space<vmem>>
    %dma_start3A_47 = arith.constant 0 : i32
    %dma_start3A_48 = tpu.memref_slice %arg14[%dma_start3A_41, %dma_start3A_47] : memref<4x128xi32, #tpu.memory_space<vmem>> -> memref<1x128xi32, #tpu.memory_space<vmem>>
    %dma_start3A_49 = tpu.memref_squeeze %dma_start3A_48 : memref<1x128xi32, #tpu.memory_space<vmem>> -> memref<128xi32, #tpu.memory_space<vmem>>
    %dma_start3A_50 = arith.constant 0 : i32
    %dma_start3A_51 = arith.constant 0 : i32
    %dma_start3A_52 = tpu.memref_slice %arg9[%dma_start3A_50, %dma_start3A_51] : memref<100000x64xf32, #tpu.memory_space<hbm>> -> memref<100000x64xf32, #tpu.memory_space<hbm>>
    tpu.enqueue_indirect_dma source(%dma_start3A_52 : memref<100000x64xf32, #tpu.memory_space<hbm>>) target(%dma_start3A_46 : memref<128x64xf32, #tpu.memory_space<vmem>>) offsets(%dma_start3A_49 : memref<128xi32, #tpu.memory_space<vmem>>) semaphore(%arg28 : memref<!tpu.dma_semaphore, #tpu.memory_space<semaphore_mem>>)
    %mul3A_53 = arith.constant 4 : i32
    %mul3A_54 = arith.muli %add3A, %mul3A_53 : i32
    "tpu.region"() ({
      %run_scoped3A = tpu.sem_alloc : memref<!tpu.dma_semaphore, #tpu.memory_space<semaphore_mem>>
      %dma_start3A_474 = arith.constant 0 : i32
      %dma_start3A_475 = tpu.memref_slice %arg4[%mul3A_54, %dma_start3A_474] : memref<128x128xi32, #tpu.memory_space<hbm>> -> memref<4x128xi32, #tpu.memory_space<hbm>>
      %dma_start3A_476 = arith.constant 0 : i32
      %dma_start3A_477 = tpu.memref_slice %arg4[%mul3A_54, %dma_start3A_476] : memref<128x128xi32, #tpu.memory_space<hbm>> -> memref<4x128xi32, #tpu.memory_space<hbm>>
      tpu.enqueue_dma source(%dma_start3A_477 : memref<4x128xi32, #tpu.memory_space<hbm>>) target(%arg15 : memref<4x128xi32, #tpu.memory_space<vmem>>) target_semaphore(%run_scoped3A : memref<!tpu.dma_semaphore, #tpu.memory_space<semaphore_mem>>)
      %dma_wait3A_478 = arith.constant 0 : i32
      %dma_wait3A_479 = tpu.memref_slice %arg4[%mul3A_54, %dma_wait3A_478] : memref<128x128xi32, #tpu.memory_space<hbm>> -> memref<4x128xi32, #tpu.memory_space<hbm>>
      %dma_wait3A_480 = arith.constant 0 : i32
      %dma_wait3A_481 = tpu.memref_slice %arg4[%mul3A_54, %dma_wait3A_480] : memref<128x128xi32, #tpu.memory_space<hbm>> -> memref<4x128xi32, #tpu.memory_space<hbm>>
      tpu.wait_dma2 semaphore(%run_scoped3A : memref<!tpu.dma_semaphore, #tpu.memory_space<semaphore_mem>>) src(%dma_wait3A_481 : memref<4x128xi32, #tpu.memory_space<hbm>>) dst(%arg15 : memref<4x128xi32, #tpu.memory_space<vmem>>)
      tpu.yield
    }) : () -> ()
    %mul3A_55 = arith.constant 4 : i32
    %mul3A_56 = arith.muli %add3A, %mul3A_55 : i32
    "tpu.region"() ({
      %run_scoped3A = tpu.sem_alloc : memref<!tpu.dma_semaphore, #tpu.memory_space<semaphore_mem>>
      %dma_start3A_474 = arith.constant 0 : i32
      %dma_start3A_475 = tpu.memref_slice %arg5[%mul3A_56, %dma_start3A_474] : memref<128x128xi32, #tpu.memory_space<hbm>> -> memref<4x128xi32, #tpu.memory_space<hbm>>
      %dma_start3A_476 = arith.constant 0 : i32
      %dma_start3A_477 = tpu.memref_slice %arg5[%mul3A_56, %dma_start3A_476] : memref<128x128xi32, #tpu.memory_space<hbm>> -> memref<4x128xi32, #tpu.memory_space<hbm>>
      tpu.enqueue_dma source(%dma_start3A_477 : memref<4x128xi32, #tpu.memory_space<hbm>>) target(%arg16 : memref<4x128xi32, #tpu.memory_space<vmem>>) target_semaphore(%run_scoped3A : memref<!tpu.dma_semaphore, #tpu.memory_space<semaphore_mem>>)
      %dma_wait3A_478 = arith.constant 0 : i32
      %dma_wait3A_479 = tpu.memref_slice %arg5[%mul3A_56, %dma_wait3A_478] : memref<128x128xi32, #tpu.memory_space<hbm>> -> memref<4x128xi32, #tpu.memory_space<hbm>>
      %dma_wait3A_480 = arith.constant 0 : i32
      %dma_wait3A_481 = tpu.memref_slice %arg5[%mul3A_56, %dma_wait3A_480] : memref<128x128xi32, #tpu.memory_space<hbm>> -> memref<4x128xi32, #tpu.memory_space<hbm>>
      tpu.wait_dma2 semaphore(%run_scoped3A : memref<!tpu.dma_semaphore, #tpu.memory_space<semaphore_mem>>) src(%dma_wait3A_481 : memref<4x128xi32, #tpu.memory_space<hbm>>) dst(%arg16 : memref<4x128xi32, #tpu.memory_space<vmem>>)
      tpu.yield
    }) : () -> ()
    %mul3A_57 = arith.constant 4 : i32
    %mul3A_58 = arith.muli %add3A, %mul3A_57 : i32
    "tpu.region"() ({
      %run_scoped3A = tpu.sem_alloc : memref<!tpu.dma_semaphore, #tpu.memory_space<semaphore_mem>>
      %dma_start3A_474 = arith.constant 0 : i32
      %dma_start3A_475 = tpu.memref_slice %arg6[%mul3A_58, %dma_start3A_474] : memref<128x128xi32, #tpu.memory_space<hbm>> -> memref<4x128xi32, #tpu.memory_space<hbm>>
      %dma_start3A_476 = arith.constant 0 : i32
      %dma_start3A_477 = tpu.memref_slice %arg6[%mul3A_58, %dma_start3A_476] : memref<128x128xi32, #tpu.memory_space<hbm>> -> memref<4x128xi32, #tpu.memory_space<hbm>>
      tpu.enqueue_dma source(%dma_start3A_477 : memref<4x128xi32, #tpu.memory_space<hbm>>) target(%arg17 : memref<4x128xi32, #tpu.memory_space<vmem>>) target_semaphore(%run_scoped3A : memref<!tpu.dma_semaphore, #tpu.memory_space<semaphore_mem>>)
      %dma_wait3A_478 = arith.constant 0 : i32
      %dma_wait3A_479 = tpu.memref_slice %arg6[%mul3A_58, %dma_wait3A_478] : memref<128x128xi32, #tpu.memory_space<hbm>> -> memref<4x128xi32, #tpu.memory_space<hbm>>
      %dma_wait3A_480 = arith.constant 0 : i32
      %dma_wait3A_481 = tpu.memref_slice %arg6[%mul3A_58, %dma_wait3A_480] : memref<128x128xi32, #tpu.memory_space<hbm>> -> memref<4x128xi32, #tpu.memory_space<hbm>>
      tpu.wait_dma2 semaphore(%run_scoped3A : memref<!tpu.dma_semaphore, #tpu.memory_space<semaphore_mem>>) src(%dma_wait3A_481 : memref<4x128xi32, #tpu.memory_space<hbm>>) dst(%arg17 : memref<4x128xi32, #tpu.memory_space<vmem>>)
      tpu.yield
    }) : () -> ()
    %mul3A_59 = arith.constant 4 : i32
    %mul3A_60 = arith.muli %add3A, %mul3A_59 : i32
    "tpu.region"() ({
      %run_scoped3A = tpu.sem_alloc : memref<!tpu.dma_semaphore, #tpu.memory_space<semaphore_mem>>
      %dma_start3A_474 = arith.constant 0 : i32
      %dma_start3A_475 = tpu.memref_slice %arg7[%mul3A_60, %dma_start3A_474] : memref<128x128xi32, #tpu.memory_space<hbm>> -> memref<4x128xi32, #tpu.memory_space<hbm>>
      %dma_start3A_476 = arith.constant 0 : i32
      %dma_start3A_477 = tpu.memref_slice %arg7[%mul3A_60, %dma_start3A_476] : memref<128x128xi32, #tpu.memory_space<hbm>> -> memref<4x128xi32, #tpu.memory_space<hbm>>
      tpu.enqueue_dma source(%dma_start3A_477 : memref<4x128xi32, #tpu.memory_space<hbm>>) target(%arg18 : memref<4x128xi32, #tpu.memory_space<vmem>>) target_semaphore(%run_scoped3A : memref<!tpu.dma_semaphore, #tpu.memory_space<semaphore_mem>>)
      %dma_wait3A_478 = arith.constant 0 : i32
      %dma_wait3A_479 = tpu.memref_slice %arg7[%mul3A_60, %dma_wait3A_478] : memref<128x128xi32, #tpu.memory_space<hbm>> -> memref<4x128xi32, #tpu.memory_space<hbm>>
      %dma_wait3A_480 = arith.constant 0 : i32
      %dma_wait3A_481 = tpu.memref_slice %arg7[%mul3A_60, %dma_wait3A_480] : memref<128x128xi32, #tpu.memory_space<hbm>> -> memref<4x128xi32, #tpu.memory_space<hbm>>
      tpu.wait_dma2 semaphore(%run_scoped3A : memref<!tpu.dma_semaphore, #tpu.memory_space<semaphore_mem>>) src(%dma_wait3A_481 : memref<4x128xi32, #tpu.memory_space<hbm>>) dst(%arg18 : memref<4x128xi32, #tpu.memory_space<vmem>>)
      tpu.yield
    }) : () -> ()
    "tpu.region"() ({
      %run_scoped3A = tpu.sem_alloc : memref<!tpu.dma_semaphore, #tpu.memory_space<semaphore_mem>>
      tpu.enqueue_dma source(%arg11 : memref<6x64xf32, #tpu.memory_space<hbm>>) target(%arg22 : memref<6x64xf32, #tpu.memory_space<vmem>>) target_semaphore(%run_scoped3A : memref<!tpu.dma_semaphore, #tpu.memory_space<semaphore_mem>>)
      tpu.wait_dma2 semaphore(%run_scoped3A : memref<!tpu.dma_semaphore, #tpu.memory_space<semaphore_mem>>) src(%arg11 : memref<6x64xf32, #tpu.memory_space<hbm>>) dst(%arg22 : memref<6x64xf32, #tpu.memory_space<vmem>>)
      tpu.yield
    }) : () -> ()
    "tpu.region"() ({
      %run_scoped3A = tpu.sem_alloc : memref<!tpu.dma_semaphore, #tpu.memory_space<semaphore_mem>>
      tpu.enqueue_dma source(%arg10 : memref<6x64xf32, #tpu.memory_space<hbm>>) target(%arg23 : memref<6x64xf32, #tpu.memory_space<vmem>>) target_semaphore(%run_scoped3A : memref<!tpu.dma_semaphore, #tpu.memory_space<semaphore_mem>>)
      tpu.wait_dma2 semaphore(%run_scoped3A : memref<!tpu.dma_semaphore, #tpu.memory_space<semaphore_mem>>) src(%arg10 : memref<6x64xf32, #tpu.memory_space<hbm>>) dst(%arg23 : memref<6x64xf32, #tpu.memory_space<vmem>>)
      tpu.yield
    }) : () -> ()
    %min3A = arith.constant 5 : i32
    %min3A_61 = vector.broadcast %min3A : i32 to vector<16xi32>
    %min3A_62 = arith.minsi %iota3A, %min3A_61 : vector<16xi32>
    %scan3A = arith.constant 0 : i32
    %scan3A_63 = arith.constant 64 : i32
    %scan3A_64 = arith.addi %scan3A, %scan3A_63 : i32
    %scan3A_65 = arith.constant 1 : i32
    %scan3A_66:2 = scf.for %scan3A_474 = %scan3A to %scan3A_64 step %scan3A_65 iter_args(%scan3A_475 = %broadcast_in_dim3A_1, %scan3A_476 = %broadcast_in_dim3A_1) -> (vector<16xf32>, vector<16xf32>)  : i32 {
      %broadcast_in_dim3A_477 = vector.broadcast %scan3A_474 : i32 to vector<16xi32>
      %gather3A = tpu.vector_load_idx %arg22[%min3A_62, %broadcast_in_dim3A_477] : memref<6x64xf32, #tpu.memory_space<vmem>>[vector<16xi32>, vector<16xi32>], vector<16xf32>,
      %gather3A_478 = tpu.vector_load_idx %arg23[%min3A_62, %broadcast_in_dim3A_477] : memref<6x64xf32, #tpu.memory_space<vmem>>[vector<16xi32>, vector<16xi32>], vector<16xf32>,
      %mul3A_479 = arith.mulf %gather3A_478, %gather3A : vector<16xf32>
      %add3A_480 = arith.addf %scan3A_475, %mul3A_479 : vector<16xf32>
      %add3A_481 = arith.addf %scan3A_476, %gather3A : vector<16xf32>
      scf.yield %add3A_480, %add3A_481 : vector<16xf32>, vector<16xf32>
    }
    %scan3A_67 = arith.constant 64 : i32
    %swap3A = arith.constant 0 : index
    %swap3A_68 = tpu.vector_load %arg24[%swap3A] {strides = array<i32>} : memref<16xf32, #tpu.memory_space<vmem>>, vector<16xf32>,
    tpu.vector_store %arg24[%swap3A], %scan3A_66#0 {strides = array<i32>} : memref<16xf32, #tpu.memory_space<vmem>>, vector<16xf32>,
    %swap3A_69 = arith.constant 0 : index
    %swap3A_70 = tpu.vector_load %arg25[%swap3A_69] {strides = array<i32>} : memref<16xf32, #tpu.memory_space<vmem>>, vector<16xf32>,
    tpu.vector_store %arg25[%swap3A_69], %scan3A_66#1 {strides = array<i32>} : memref<16xf32, #tpu.memory_space<vmem>>, vector<16xf32>,
    %dma_wait3A = arith.constant 0 : i32
    %dma_wait3A_71 = arith.constant 0 : i32
    %dma_wait3A_72 = arith.constant 0 : i32
    %dma_wait3A_73 = arith.constant 0 : i32
    %dma_wait3A_74 = tpu.memref_slice %arg19[%dma_wait3A_71, %dma_wait3A_72, %dma_wait3A_73] : memref<2x128x64xf32, #tpu.memory_space<vmem>> -> memref<1x128x64xf32, #tpu.memory_space<vmem>>
    %dma_wait3A_75 = tpu.memref_squeeze %dma_wait3A_74 : memref<1x128x64xf32, #tpu.memory_space<vmem>> -> memref<128x64xf32, #tpu.memory_space<vmem>>
    %dma_wait3A_76 = arith.constant 0 : i32
    %dma_wait3A_77 = tpu.memref_slice %arg13[%dma_wait3A, %dma_wait3A_76] : memref<4x128xi32, #tpu.memory_space<vmem>> -> memref<1x128xi32, #tpu.memory_space<vmem>>
    %dma_wait3A_78 = tpu.memref_squeeze %dma_wait3A_77 : memref<1x128xi32, #tpu.memory_space<vmem>> -> memref<128xi32, #tpu.memory_space<vmem>>
    %dma_wait3A_79 = arith.constant 0 : i32
    %dma_wait3A_80 = arith.constant 0 : i32
    %dma_wait3A_81 = tpu.memref_slice %arg8[%dma_wait3A_79, %dma_wait3A_80] : memref<100000x64xf32, #tpu.memory_space<hbm>> -> memref<100000x64xf32, #tpu.memory_space<hbm>>
    tpu.wait_indirect_dma semaphore(%arg27 : memref<!tpu.dma_semaphore, #tpu.memory_space<semaphore_mem>>) src(%dma_wait3A_81 : memref<100000x64xf32, #tpu.memory_space<hbm>>) dst(%dma_wait3A_75 : memref<128x64xf32, #tpu.memory_space<vmem>>)
    %dma_wait3A_82 = arith.constant 0 : i32
    %dma_wait3A_83 = arith.constant 0 : i32
    %dma_wait3A_84 = arith.constant 0 : i32
    %dma_wait3A_85 = arith.constant 0 : i32
    %dma_wait3A_86 = tpu.memref_slice %arg20[%dma_wait3A_83, %dma_wait3A_84, %dma_wait3A_85] : memref<2x128x64xf32, #tpu.memory_space<vmem>> -> memref<1x128x64xf32, #tpu.memory_space<vmem>>
    %dma_wait3A_87 = tpu.memref_squeeze %dma_wait3A_86 : memref<1x128x64xf32, #tpu.memory_space<vmem>> -> memref<128x64xf32, #tpu.memory_space<vmem>>
    %dma_wait3A_88 = arith.constant 0 : i32
    %dma_wait3A_89 = tpu.memref_slice %arg14[%dma_wait3A_82, %dma_wait3A_88] : memref<4x128xi32, #tpu.memory_space<vmem>> -> memref<1x128xi32, #tpu.memory_space<vmem>>
    %dma_wait3A_90 = tpu.memref_squeeze %dma_wait3A_89 : memref<1x128xi32, #tpu.memory_space<vmem>> -> memref<128xi32, #tpu.memory_space<vmem>>
    %dma_wait3A_91 = arith.constant 0 : i32
    %dma_wait3A_92 = arith.constant 0 : i32
    %dma_wait3A_93 = tpu.memref_slice %arg9[%dma_wait3A_91, %dma_wait3A_92] : memref<100000x64xf32, #tpu.memory_space<hbm>> -> memref<100000x64xf32, #tpu.memory_space<hbm>>
    tpu.wait_indirect_dma semaphore(%arg27 : memref<!tpu.dma_semaphore, #tpu.memory_space<semaphore_mem>>) src(%dma_wait3A_93 : memref<100000x64xf32, #tpu.memory_space<hbm>>) dst(%dma_wait3A_87 : memref<128x64xf32, #tpu.memory_space<vmem>>)
    %broadcast_in_dim3A_94 = arith.constant 0 : i32
    %broadcast_in_dim3A_95 = vector.broadcast %broadcast_in_dim3A_94 : i32 to vector<16xi32>
    %scan3A_96 = arith.constant 0 : i32
    %scan3A_97 = arith.constant 8 : i32
    %scan3A_98 = arith.addi %scan3A_96, %scan3A_97 : i32
    %scan3A_99 = arith.constant 1 : i32
    scf.for %scan3A_474 = %scan3A_96 to %scan3A_98 step %scan3A_99  : i32 {
      %mul3A_475 = arith.constant 16 : i32
      %mul3A_476 = arith.muli %scan3A_474, %mul3A_475 : i32
      %get3A = arith.constant 0 : i32
      %get3A_477 = arith.index_cast %get3A : i32 to index
      %get3A_478 = arith.index_cast %mul3A_476 : i32 to index
      %get3A_479 = tpu.vector_load %arg15[%get3A_477, %get3A_478] {strides = array<i32>} : memref<4x128xi32, #tpu.memory_space<vmem>>, vector<16xi32>,
      %mul3A_480 = arith.constant 16 : i32
      %mul3A_481 = arith.muli %scan3A_474, %mul3A_480 : i32
      %add3A_482 = vector.broadcast %mul3A_481 : i32 to vector<16xi32>
      %add3A_483 = arith.addi %add3A_482, %iota3A : vector<16xi32>
      %scan3A_484 = arith.constant 0 : i32
      %scan3A_485 = arith.constant 8 : i32
      %scan3A_486 = arith.addi %scan3A_484, %scan3A_485 : i32
      %scan3A_487 = arith.constant 1 : i32
      %scan3A_488:3 = scf.for %scan3A_549 = %scan3A_484 to %scan3A_486 step %scan3A_487 iter_args(%scan3A_550 = %broadcast_in_dim3A_1, %scan3A_551 = %broadcast_in_dim3A_1, %scan3A_552 = %broadcast_in_dim3A_1) -> (vector<16xf32>, vector<16xf32>, vector<16xf32>)  : i32 {
        %mul3A_553 = arith.constant 8 : i32
        %mul3A_554 = arith.muli %scan3A_549, %mul3A_553 : i32
        %add3A_555 = arith.constant 0 : i32
        %add3A_556 = arith.addi %mul3A_554, %add3A_555 : i32
        %add3A_557 = vector.broadcast %add3A_556 : i32 to vector<16xi32>
        %add3A_558 = arith.addi %add3A_557, %iota3A : vector<16xi32>
        %and3A = arith.constant 63 : i32
        %and3A_559 = vector.broadcast %and3A : i32 to vector<16xi32>
        %and3A_560 = arith.andi %add3A_558, %and3A_559 : vector<16xi32>
        %gather3A_561 = tpu.vector_load_idx %arg19[%broadcast_in_dim3A_95, %add3A_483, %and3A_560] : memref<2x128x64xf32, #tpu.memory_space<vmem>>[vector<16xi32>, vector<16xi32>, vector<16xi32>], vector<16xf32>,
        %gather3A_562 = tpu.vector_load_idx %arg20[%broadcast_in_dim3A_95, %add3A_483, %and3A_560] : memref<2x128x64xf32, #tpu.memory_space<vmem>>[vector<16xi32>, vector<16xi32>, vector<16xi32>], vector<16xf32>,
        %gather3A_563 = tpu.vector_load_idx %arg22[%get3A_479, %and3A_560] : memref<6x64xf32, #tpu.memory_space<vmem>>[vector<16xi32>, vector<16xi32>], vector<16xf32>,
        %gather3A_564 = tpu.vector_load_idx %arg23[%get3A_479, %and3A_560] : memref<6x64xf32, #tpu.memory_space<vmem>>[vector<16xi32>, vector<16xi32>], vector<16xf32>,
        %sub3A_565 = arith.subf %gather3A_561, %gather3A_562 : vector<16xf32>
        %add3A_566 = arith.addf %sub3A_565, %gather3A_564 : vector<16xf32>
        %add3A_567 = arith.addf %scan3A_550, %add3A_566 : vector<16xf32>
        %mul3A_568 = arith.mulf %add3A_566, %add3A_566 : vector<16xf32>
        %add3A_569 = arith.addf %scan3A_551, %mul3A_568 : vector<16xf32>
        %mul3A_570 = arith.mulf %add3A_566, %gather3A_563 : vector<16xf32>
        %add3A_571 = arith.addf %scan3A_552, %mul3A_570 : vector<16xf32>
        %mul3A_572 = arith.constant 8 : i32
        %mul3A_573 = arith.muli %scan3A_549, %mul3A_572 : i32
        %add3A_574 = arith.constant 1 : i32
        %add3A_575 = arith.addi %mul3A_573, %add3A_574 : i32
        %add3A_576 = vector.broadcast %add3A_575 : i32 to vector<16xi32>
        %add3A_577 = arith.addi %add3A_576, %iota3A : vector<16xi32>
        %and3A_578 = arith.constant 63 : i32
        %and3A_579 = vector.broadcast %and3A_578 : i32 to vector<16xi32>
        %and3A_580 = arith.andi %add3A_577, %and3A_579 : vector<16xi32>
        %gather3A_581 = tpu.vector_load_idx %arg19[%broadcast_in_dim3A_95, %add3A_483, %and3A_580] : memref<2x128x64xf32, #tpu.memory_space<vmem>>[vector<16xi32>, vector<16xi32>, vector<16xi32>], vector<16xf32>,
        %gather3A_582 = tpu.vector_load_idx %arg20[%broadcast_in_dim3A_95, %add3A_483, %and3A_580] : memref<2x128x64xf32, #tpu.memory_space<vmem>>[vector<16xi32>, vector<16xi32>, vector<16xi32>], vector<16xf32>,
        %gather3A_583 = tpu.vector_load_idx %arg22[%get3A_479, %and3A_580] : memref<6x64xf32, #tpu.memory_space<vmem>>[vector<16xi32>, vector<16xi32>], vector<16xf32>,
        %gather3A_584 = tpu.vector_load_idx %arg23[%get3A_479, %and3A_580] : memref<6x64xf32, #tpu.memory_space<vmem>>[vector<16xi32>, vector<16xi32>], vector<16xf32>,
        %sub3A_585 = arith.subf %gather3A_581, %gather3A_582 : vector<16xf32>
        %add3A_586 = arith.addf %sub3A_585, %gather3A_584 : vector<16xf32>
        %add3A_587 = arith.addf %add3A_567, %add3A_586 : vector<16xf32>
        %mul3A_588 = arith.mulf %add3A_586, %add3A_586 : vector<16xf32>
        %add3A_589 = arith.addf %add3A_569, %mul3A_588 : vector<16xf32>
        %mul3A_590 = arith.mulf %add3A_586, %gather3A_583 : vector<16xf32>
        %add3A_591 = arith.addf %add3A_571, %mul3A_590 : vector<16xf32>
        %mul3A_592 = arith.constant 8 : i32
        %mul3A_593 = arith.muli %scan3A_549, %mul3A_592 : i32
        %add3A_594 = arith.constant 2 : i32
        %add3A_595 = arith.addi %mul3A_593, %add3A_594 : i32
        %add3A_596 = vector.broadcast %add3A_595 : i32 to vector<16xi32>
        %add3A_597 = arith.addi %add3A_596, %iota3A : vector<16xi32>
        %and3A_598 = arith.constant 63 : i32
        %and3A_599 = vector.broadcast %and3A_598 : i32 to vector<16xi32>
        %and3A_600 = arith.andi %add3A_597, %and3A_599 : vector<16xi32>
        %gather3A_601 = tpu.vector_load_idx %arg19[%broadcast_in_dim3A_95, %add3A_483, %and3A_600] : memref<2x128x64xf32, #tpu.memory_space<vmem>>[vector<16xi32>, vector<16xi32>, vector<16xi32>], vector<16xf32>,
        %gather3A_602 = tpu.vector_load_idx %arg20[%broadcast_in_dim3A_95, %add3A_483, %and3A_600] : memref<2x128x64xf32, #tpu.memory_space<vmem>>[vector<16xi32>, vector<16xi32>, vector<16xi32>], vector<16xf32>,
        %gather3A_603 = tpu.vector_load_idx %arg22[%get3A_479, %and3A_600] : memref<6x64xf32, #tpu.memory_space<vmem>>[vector<16xi32>, vector<16xi32>], vector<16xf32>,
        %gather3A_604 = tpu.vector_load_idx %arg23[%get3A_479, %and3A_600] : memref<6x64xf32, #tpu.memory_space<vmem>>[vector<16xi32>, vector<16xi32>], vector<16xf32>,
        %sub3A_605 = arith.subf %gather3A_601, %gather3A_602 : vector<16xf32>
        %add3A_606 = arith.addf %sub3A_605, %gather3A_604 : vector<16xf32>
        %add3A_607 = arith.addf %add3A_587, %add3A_606 : vector<16xf32>
        %mul3A_608 = arith.mulf %add3A_606, %add3A_606 : vector<16xf32>
        %add3A_609 = arith.addf %add3A_589, %mul3A_608 : vector<16xf32>
        %mul3A_610 = arith.mulf %add3A_606, %gather3A_603 : vector<16xf32>
        %add3A_611 = arith.addf %add3A_591, %mul3A_610 : vector<16xf32>
        %mul3A_612 = arith.constant 8 : i32
        %mul3A_613 = arith.muli %scan3A_549, %mul3A_612 : i32
        %add3A_614 = arith.constant 3 : i32
        %add3A_615 = arith.addi %mul3A_613, %add3A_614 : i32
        %add3A_616 = vector.broadcast %add3A_615 : i32 to vector<16xi32>
        %add3A_617 = arith.addi %add3A_616, %iota3A : vector<16xi32>
        %and3A_618 = arith.constant 63 : i32
        %and3A_619 = vector.broadcast %and3A_618 : i32 to vector<16xi32>
        %and3A_620 = arith.andi %add3A_617, %and3A_619 : vector<16xi32>
        %gather3A_621 = tpu.vector_load_idx %arg19[%broadcast_in_dim3A_95, %add3A_483, %and3A_620] : memref<2x128x64xf32, #tpu.memory_space<vmem>>[vector<16xi32>, vector<16xi32>, vector<16xi32>], vector<16xf32>,
        %gather3A_622 = tpu.vector_load_idx %arg20[%broadcast_in_dim3A_95, %add3A_483, %and3A_620] : memref<2x128x64xf32, #tpu.memory_space<vmem>>[vector<16xi32>, vector<16xi32>, vector<16xi32>], vector<16xf32>,
        %gather3A_623 = tpu.vector_load_idx %arg22[%get3A_479, %and3A_620] : memref<6x64xf32, #tpu.memory_space<vmem>>[vector<16xi32>, vector<16xi32>], vector<16xf32>,
        %gather3A_624 = tpu.vector_load_idx %arg23[%get3A_479, %and3A_620] : memref<6x64xf32, #tpu.memory_space<vmem>>[vector<16xi32>, vector<16xi32>], vector<16xf32>,
        %sub3A_625 = arith.subf %gather3A_621, %gather3A_622 : vector<16xf32>
        %add3A_626 = arith.addf %sub3A_625, %gather3A_624 : vector<16xf32>
        %add3A_627 = arith.addf %add3A_607, %add3A_626 : vector<16xf32>
        %mul3A_628 = arith.mulf %add3A_626, %add3A_626 : vector<16xf32>
        %add3A_629 = arith.addf %add3A_609, %mul3A_628 : vector<16xf32>
        %mul3A_630 = arith.mulf %add3A_626, %gather3A_623 : vector<16xf32>
        %add3A_631 = arith.addf %add3A_611, %mul3A_630 : vector<16xf32>
        %mul3A_632 = arith.constant 8 : i32
        %mul3A_633 = arith.muli %scan3A_549, %mul3A_632 : i32
        %add3A_634 = arith.constant 4 : i32
        %add3A_635 = arith.addi %mul3A_633, %add3A_634 : i32
        %add3A_636 = vector.broadcast %add3A_635 : i32 to vector<16xi32>
        %add3A_637 = arith.addi %add3A_636, %iota3A : vector<16xi32>
        %and3A_638 = arith.constant 63 : i32
        %and3A_639 = vector.broadcast %and3A_638 : i32 to vector<16xi32>
        %and3A_640 = arith.andi %add3A_637, %and3A_639 : vector<16xi32>
        %gather3A_641 = tpu.vector_load_idx %arg19[%broadcast_in_dim3A_95, %add3A_483, %and3A_640] : memref<2x128x64xf32, #tpu.memory_space<vmem>>[vector<16xi32>, vector<16xi32>, vector<16xi32>], vector<16xf32>,
        %gather3A_642 = tpu.vector_load_idx %arg20[%broadcast_in_dim3A_95, %add3A_483, %and3A_640] : memref<2x128x64xf32, #tpu.memory_space<vmem>>[vector<16xi32>, vector<16xi32>, vector<16xi32>], vector<16xf32>,
        %gather3A_643 = tpu.vector_load_idx %arg22[%get3A_479, %and3A_640] : memref<6x64xf32, #tpu.memory_space<vmem>>[vector<16xi32>, vector<16xi32>], vector<16xf32>,
        %gather3A_644 = tpu.vector_load_idx %arg23[%get3A_479, %and3A_640] : memref<6x64xf32, #tpu.memory_space<vmem>>[vector<16xi32>, vector<16xi32>], vector<16xf32>,
        %sub3A_645 = arith.subf %gather3A_641, %gather3A_642 : vector<16xf32>
        %add3A_646 = arith.addf %sub3A_645, %gather3A_644 : vector<16xf32>
        %add3A_647 = arith.addf %add3A_627, %add3A_646 : vector<16xf32>
        %mul3A_648 = arith.mulf %add3A_646, %add3A_646 : vector<16xf32>
        %add3A_649 = arith.addf %add3A_629, %mul3A_648 : vector<16xf32>
        %mul3A_650 = arith.mulf %add3A_646, %gather3A_643 : vector<16xf32>
        %add3A_651 = arith.addf %add3A_631, %mul3A_650 : vector<16xf32>
        %mul3A_652 = arith.constant 8 : i32
        %mul3A_653 = arith.muli %scan3A_549, %mul3A_652 : i32
        %add3A_654 = arith.constant 5 : i32
        %add3A_655 = arith.addi %mul3A_653, %add3A_654 : i32
        %add3A_656 = vector.broadcast %add3A_655 : i32 to vector<16xi32>
        %add3A_657 = arith.addi %add3A_656, %iota3A : vector<16xi32>
        %and3A_658 = arith.constant 63 : i32
        %and3A_659 = vector.broadcast %and3A_658 : i32 to vector<16xi32>
        %and3A_660 = arith.andi %add3A_657, %and3A_659 : vector<16xi32>
        %gather3A_661 = tpu.vector_load_idx %arg19[%broadcast_in_dim3A_95, %add3A_483, %and3A_660] : memref<2x128x64xf32, #tpu.memory_space<vmem>>[vector<16xi32>, vector<16xi32>, vector<16xi32>], vector<16xf32>,
        %gather3A_662 = tpu.vector_load_idx %arg20[%broadcast_in_dim3A_95, %add3A_483, %and3A_660] : memref<2x128x64xf32, #tpu.memory_space<vmem>>[vector<16xi32>, vector<16xi32>, vector<16xi32>], vector<16xf32>,
        %gather3A_663 = tpu.vector_load_idx %arg22[%get3A_479, %and3A_660] : memref<6x64xf32, #tpu.memory_space<vmem>>[vector<16xi32>, vector<16xi32>], vector<16xf32>,
        %gather3A_664 = tpu.vector_load_idx %arg23[%get3A_479, %and3A_660] : memref<6x64xf32, #tpu.memory_space<vmem>>[vector<16xi32>, vector<16xi32>], vector<16xf32>,
        %sub3A_665 = arith.subf %gather3A_661, %gather3A_662 : vector<16xf32>
        %add3A_666 = arith.addf %sub3A_665, %gather3A_664 : vector<16xf32>
        %add3A_667 = arith.addf %add3A_647, %add3A_666 : vector<16xf32>
        %mul3A_668 = arith.mulf %add3A_666, %add3A_666 : vector<16xf32>
        %add3A_669 = arith.addf %add3A_649, %mul3A_668 : vector<16xf32>
        %mul3A_670 = arith.mulf %add3A_666, %gather3A_663 : vector<16xf32>
        %add3A_671 = arith.addf %add3A_651, %mul3A_670 : vector<16xf32>
        %mul3A_672 = arith.constant 8 : i32
        %mul3A_673 = arith.muli %scan3A_549, %mul3A_672 : i32
        %add3A_674 = arith.constant 6 : i32
        %add3A_675 = arith.addi %mul3A_673, %add3A_674 : i32
        %add3A_676 = vector.broadcast %add3A_675 : i32 to vector<16xi32>
        %add3A_677 = arith.addi %add3A_676, %iota3A : vector<16xi32>
        %and3A_678 = arith.constant 63 : i32
        %and3A_679 = vector.broadcast %and3A_678 : i32 to vector<16xi32>
        %and3A_680 = arith.andi %add3A_677, %and3A_679 : vector<16xi32>
        %gather3A_681 = tpu.vector_load_idx %arg19[%broadcast_in_dim3A_95, %add3A_483, %and3A_680] : memref<2x128x64xf32, #tpu.memory_space<vmem>>[vector<16xi32>, vector<16xi32>, vector<16xi32>], vector<16xf32>,
        %gather3A_682 = tpu.vector_load_idx %arg20[%broadcast_in_dim3A_95, %add3A_483, %and3A_680] : memref<2x128x64xf32, #tpu.memory_space<vmem>>[vector<16xi32>, vector<16xi32>, vector<16xi32>], vector<16xf32>,
        %gather3A_683 = tpu.vector_load_idx %arg22[%get3A_479, %and3A_680] : memref<6x64xf32, #tpu.memory_space<vmem>>[vector<16xi32>, vector<16xi32>], vector<16xf32>,
        %gather3A_684 = tpu.vector_load_idx %arg23[%get3A_479, %and3A_680] : memref<6x64xf32, #tpu.memory_space<vmem>>[vector<16xi32>, vector<16xi32>], vector<16xf32>,
        %sub3A_685 = arith.subf %gather3A_681, %gather3A_682 : vector<16xf32>
        %add3A_686 = arith.addf %sub3A_685, %gather3A_684 : vector<16xf32>
        %add3A_687 = arith.addf %add3A_667, %add3A_686 : vector<16xf32>
        %mul3A_688 = arith.mulf %add3A_686, %add3A_686 : vector<16xf32>
        %add3A_689 = arith.addf %add3A_669, %mul3A_688 : vector<16xf32>
        %mul3A_690 = arith.mulf %add3A_686, %gather3A_683 : vector<16xf32>
        %add3A_691 = arith.addf %add3A_671, %mul3A_690 : vector<16xf32>
        %mul3A_692 = arith.constant 8 : i32
        %mul3A_693 = arith.muli %scan3A_549, %mul3A_692 : i32
        %add3A_694 = arith.constant 7 : i32
        %add3A_695 = arith.addi %mul3A_693, %add3A_694 : i32
        %add3A_696 = vector.broadcast %add3A_695 : i32 to vector<16xi32>
        %add3A_697 = arith.addi %add3A_696, %iota3A : vector<16xi32>
        %and3A_698 = arith.constant 63 : i32
        %and3A_699 = vector.broadcast %and3A_698 : i32 to vector<16xi32>
        %and3A_700 = arith.andi %add3A_697, %and3A_699 : vector<16xi32>
        %gather3A_701 = tpu.vector_load_idx %arg19[%broadcast_in_dim3A_95, %add3A_483, %and3A_700] : memref<2x128x64xf32, #tpu.memory_space<vmem>>[vector<16xi32>, vector<16xi32>, vector<16xi32>], vector<16xf32>,
        %gather3A_702 = tpu.vector_load_idx %arg20[%broadcast_in_dim3A_95, %add3A_483, %and3A_700] : memref<2x128x64xf32, #tpu.memory_space<vmem>>[vector<16xi32>, vector<16xi32>, vector<16xi32>], vector<16xf32>,
        %gather3A_703 = tpu.vector_load_idx %arg22[%get3A_479, %and3A_700] : memref<6x64xf32, #tpu.memory_space<vmem>>[vector<16xi32>, vector<16xi32>], vector<16xf32>,
        %gather3A_704 = tpu.vector_load_idx %arg23[%get3A_479, %and3A_700] : memref<6x64xf32, #tpu.memory_space<vmem>>[vector<16xi32>, vector<16xi32>], vector<16xf32>,
        %sub3A_705 = arith.subf %gather3A_701, %gather3A_702 : vector<16xf32>
        %add3A_706 = arith.addf %sub3A_705, %gather3A_704 : vector<16xf32>
        %add3A_707 = arith.addf %add3A_687, %add3A_706 : vector<16xf32>
        %mul3A_708 = arith.mulf %add3A_706, %add3A_706 : vector<16xf32>
        %add3A_709 = arith.addf %add3A_689, %mul3A_708 : vector<16xf32>
        %mul3A_710 = arith.mulf %add3A_706, %gather3A_703 : vector<16xf32>
        %add3A_711 = arith.addf %add3A_691, %mul3A_710 : vector<16xf32>
        scf.yield %add3A_707, %add3A_709, %add3A_711 : vector<16xf32>, vector<16xf32>, vector<16xf32>
      }
      %scan3A_489 = arith.constant 8 : i32
      %gather3A = tpu.vector_load_idx %arg24[%get3A_479] : memref<16xf32, #tpu.memory_space<vmem>>[vector<16xi32>], vector<16xf32>,
      %sub3A = arith.subf %scan3A_488#2, %gather3A : vector<16xf32>
      %gather3A_490 = tpu.vector_load_idx %arg25[%get3A_479] : memref<16xf32, #tpu.memory_space<vmem>>[vector<16xi32>], vector<16xf32>,
      %mul3A_491 = arith.constant 2.000000e+00 : f32
      %mul3A_492 = vector.broadcast %mul3A_491 : f32 to vector<16xf32>
      %mul3A_493 = arith.mulf %mul3A_492, %sub3A : vector<16xf32>
      %mul3A_494 = arith.mulf %mul3A_493, %scan3A_488#2 : vector<16xf32>
      %sub3A_495 = arith.subf %scan3A_488#1, %mul3A_494 : vector<16xf32>
      %mul3A_496 = arith.mulf %sub3A, %sub3A : vector<16xf32>
      %add3A_497 = arith.addf %sub3A_495, %mul3A_496 : vector<16xf32>
      %mul3A_498 = arith.mulf %sub3A, %gather3A_490 : vector<16xf32>
      %sub3A_499 = arith.subf %scan3A_488#0, %mul3A_498 : vector<16xf32>
      %mul3A_500 = arith.constant 2.000000e-06 : f32
      %mul3A_501 = vector.broadcast %mul3A_500 : f32 to vector<16xf32>
      %mul3A_502 = arith.mulf %mul3A_501, %sub3A_499 : vector<16xf32>
      %add3A_503 = arith.addf %add3A_497, %mul3A_502 : vector<16xf32>
      %add3A_504 = arith.constant 6.400000e-11 : f32
      %add3A_505 = vector.broadcast %add3A_504 : f32 to vector<16xf32>
      %add3A_506 = arith.addf %add3A_503, %add3A_505 : vector<16xf32>
      %max3A = arith.constant 1.000000e-24 : f32
      %max3A_507 = vector.broadcast %max3A : f32 to vector<16xf32>
      %max3A_508 = arith.maximumf %add3A_506, %max3A_507 : vector<16xf32>
      %bitcast3A = vector.bitcast %max3A_508 : vector<16xf32> to vector<16xi32>
      %shift_right_arithmetic3A = arith.constant 1 : i32
      %shift_right_arithmetic3A_509 = vector.broadcast %shift_right_arithmetic3A : i32 to vector<16xi32>
      %shift_right_arithmetic3A_510 = arith.shrsi %bitcast3A, %shift_right_arithmetic3A_509 : vector<16xi32>
      %sub3A_511 = arith.constant 1597463007 : i32
      %sub3A_512 = vector.broadcast %sub3A_511 : i32 to vector<16xi32>
      %sub3A_513 = arith.subi %sub3A_512, %shift_right_arithmetic3A_510 : vector<16xi32>
      %bitcast3A_514 = vector.bitcast %sub3A_513 : vector<16xi32> to vector<16xf32>
      %mul3A_515 = arith.constant 5.000000e-01 : f32
      %mul3A_516 = vector.broadcast %mul3A_515 : f32 to vector<16xf32>
      %mul3A_517 = arith.mulf %mul3A_516, %max3A_508 : vector<16xf32>
      %mul3A_518 = arith.mulf %mul3A_517, %bitcast3A_514 : vector<16xf32>
      %mul3A_519 = arith.mulf %mul3A_518, %bitcast3A_514 : vector<16xf32>
      %sub3A_520 = arith.constant 1.500000e+00 : f32
      %sub3A_521 = vector.broadcast %sub3A_520 : f32 to vector<16xf32>
      %sub3A_522 = arith.subf %sub3A_521, %mul3A_519 : vector<16xf32>
      %mul3A_523 = arith.mulf %bitcast3A_514, %sub3A_522 : vector<16xf32>
      %mul3A_524 = arith.constant 5.000000e-01 : f32
      %mul3A_525 = vector.broadcast %mul3A_524 : f32 to vector<16xf32>
      %mul3A_526 = arith.mulf %mul3A_525, %max3A_508 : vector<16xf32>
      %mul3A_527 = arith.mulf %mul3A_526, %mul3A_523 : vector<16xf32>
      %mul3A_528 = arith.mulf %mul3A_527, %mul3A_523 : vector<16xf32>
      %sub3A_529 = arith.constant 1.500000e+00 : f32
      %sub3A_530 = vector.broadcast %sub3A_529 : f32 to vector<16xf32>
      %sub3A_531 = arith.subf %sub3A_530, %mul3A_528 : vector<16xf32>
      %mul3A_532 = arith.mulf %mul3A_523, %sub3A_531 : vector<16xf32>
      %mul3A_533 = arith.constant 5.000000e-01 : f32
      %mul3A_534 = vector.broadcast %mul3A_533 : f32 to vector<16xf32>
      %mul3A_535 = arith.mulf %mul3A_534, %max3A_508 : vector<16xf32>
      %mul3A_536 = arith.mulf %mul3A_535, %mul3A_532 : vector<16xf32>
      %mul3A_537 = arith.mulf %mul3A_536, %mul3A_532 : vector<16xf32>
      %sub3A_538 = arith.constant 1.500000e+00 : f32
      %sub3A_539 = vector.broadcast %sub3A_538 : f32 to vector<16xf32>
      %sub3A_540 = arith.subf %sub3A_539, %mul3A_537 : vector<16xf32>
      %mul3A_541 = arith.mulf %mul3A_532, %sub3A_540 : vector<16xf32>
      %mul3A_542 = arith.mulf %max3A_508, %mul3A_541 : vector<16xf32>
      %mul3A_543 = arith.constant 16 : i32
      %mul3A_544 = arith.muli %scan3A_474, %mul3A_543 : i32
      %add3A_545 = arith.constant 0 : i32
      %add3A_546 = arith.addi %add3A_545, %mul3A_544 : i32
      %swap3A_547 = arith.index_cast %add3A_546 : i32 to index
      %swap3A_548 = tpu.vector_load %arg21[%swap3A_547] {strides = array<i32>} : memref<512xf32, #tpu.memory_space<vmem>>, vector<16xf32>,
      tpu.vector_store %arg21[%swap3A_547], %mul3A_542 {strides = array<i32>} : memref<512xf32, #tpu.memory_space<vmem>>, vector<16xf32>,
    }
    %scan3A_100 = arith.constant 8 : i32
    %dma_start3A_101 = arith.constant 2 : i32
    %dma_start3A_102 = arith.constant 0 : i32
    %dma_start3A_103 = arith.constant 0 : i32
    %dma_start3A_104 = arith.constant 0 : i32
    %dma_start3A_105 = tpu.memref_slice %arg19[%dma_start3A_102, %dma_start3A_103, %dma_start3A_104] : memref<2x128x64xf32, #tpu.memory_space<vmem>> -> memref<1x128x64xf32, #tpu.memory_space<vmem>>
    %dma_start3A_106 = tpu.memref_squeeze %dma_start3A_105 : memref<1x128x64xf32, #tpu.memory_space<vmem>> -> memref<128x64xf32, #tpu.memory_space<vmem>>
    %dma_start3A_107 = arith.constant 0 : i32
    %dma_start3A_108 = tpu.memref_slice %arg13[%dma_start3A_101, %dma_start3A_107] : memref<4x128xi32, #tpu.memory_space<vmem>> -> memref<1x128xi32, #tpu.memory_space<vmem>>
    %dma_start3A_109 = tpu.memref_squeeze %dma_start3A_108 : memref<1x128xi32, #tpu.memory_space<vmem>> -> memref<128xi32, #tpu.memory_space<vmem>>
    %dma_start3A_110 = arith.constant 0 : i32
    %dma_start3A_111 = arith.constant 0 : i32
    %dma_start3A_112 = tpu.memref_slice %arg8[%dma_start3A_110, %dma_start3A_111] : memref<100000x64xf32, #tpu.memory_space<hbm>> -> memref<100000x64xf32, #tpu.memory_space<hbm>>
    tpu.enqueue_indirect_dma source(%dma_start3A_112 : memref<100000x64xf32, #tpu.memory_space<hbm>>) target(%dma_start3A_106 : memref<128x64xf32, #tpu.memory_space<vmem>>) offsets(%dma_start3A_109 : memref<128xi32, #tpu.memory_space<vmem>>) semaphore(%arg27 : memref<!tpu.dma_semaphore, #tpu.memory_space<semaphore_mem>>)
    %dma_start3A_113 = arith.constant 2 : i32
    %dma_start3A_114 = arith.constant 0 : i32
    %dma_start3A_115 = arith.constant 0 : i32
    %dma_start3A_116 = arith.constant 0 : i32
    %dma_start3A_117 = tpu.memref_slice %arg20[%dma_start3A_114, %dma_start3A_115, %dma_start3A_116] : memref<2x128x64xf32, #tpu.memory_space<vmem>> -> memref<1x128x64xf32, #tpu.memory_space<vmem>>
    %dma_start3A_118 = tpu.memref_squeeze %dma_start3A_117 : memref<1x128x64xf32, #tpu.memory_space<vmem>> -> memref<128x64xf32, #tpu.memory_space<vmem>>
    %dma_start3A_119 = arith.constant 0 : i32
    %dma_start3A_120 = tpu.memref_slice %arg14[%dma_start3A_113, %dma_start3A_119] : memref<4x128xi32, #tpu.memory_space<vmem>> -> memref<1x128xi32, #tpu.memory_space<vmem>>
    %dma_start3A_121 = tpu.memref_squeeze %dma_start3A_120 : memref<1x128xi32, #tpu.memory_space<vmem>> -> memref<128xi32, #tpu.memory_space<vmem>>
    %dma_start3A_122 = arith.constant 0 : i32
    %dma_start3A_123 = arith.constant 0 : i32
    %dma_start3A_124 = tpu.memref_slice %arg9[%dma_start3A_122, %dma_start3A_123] : memref<100000x64xf32, #tpu.memory_space<hbm>> -> memref<100000x64xf32, #tpu.memory_space<hbm>>
    tpu.enqueue_indirect_dma source(%dma_start3A_124 : memref<100000x64xf32, #tpu.memory_space<hbm>>) target(%dma_start3A_118 : memref<128x64xf32, #tpu.memory_space<vmem>>) offsets(%dma_start3A_121 : memref<128xi32, #tpu.memory_space<vmem>>) semaphore(%arg27 : memref<!tpu.dma_semaphore, #tpu.memory_space<semaphore_mem>>)
    %dma_wait3A_125 = arith.constant 1 : i32
    %dma_wait3A_126 = arith.constant 1 : i32
    %dma_wait3A_127 = arith.constant 0 : i32
    %dma_wait3A_128 = arith.constant 0 : i32
    %dma_wait3A_129 = tpu.memref_slice %arg19[%dma_wait3A_126, %dma_wait3A_127, %dma_wait3A_128] : memref<2x128x64xf32, #tpu.memory_space<vmem>> -> memref<1x128x64xf32, #tpu.memory_space<vmem>>
    %dma_wait3A_130 = tpu.memref_squeeze %dma_wait3A_129 : memref<1x128x64xf32, #tpu.memory_space<vmem>> -> memref<128x64xf32, #tpu.memory_space<vmem>>
    %dma_wait3A_131 = arith.constant 0 : i32
    %dma_wait3A_132 = tpu.memref_slice %arg13[%dma_wait3A_125, %dma_wait3A_131] : memref<4x128xi32, #tpu.memory_space<vmem>> -> memref<1x128xi32, #tpu.memory_space<vmem>>
    %dma_wait3A_133 = tpu.memref_squeeze %dma_wait3A_132 : memref<1x128xi32, #tpu.memory_space<vmem>> -> memref<128xi32, #tpu.memory_space<vmem>>
    %dma_wait3A_134 = arith.constant 0 : i32
    %dma_wait3A_135 = arith.constant 0 : i32
    %dma_wait3A_136 = tpu.memref_slice %arg8[%dma_wait3A_134, %dma_wait3A_135] : memref<100000x64xf32, #tpu.memory_space<hbm>> -> memref<100000x64xf32, #tpu.memory_space<hbm>>
    tpu.wait_indirect_dma semaphore(%arg28 : memref<!tpu.dma_semaphore, #tpu.memory_space<semaphore_mem>>) src(%dma_wait3A_136 : memref<100000x64xf32, #tpu.memory_space<hbm>>) dst(%dma_wait3A_130 : memref<128x64xf32, #tpu.memory_space<vmem>>)
    %dma_wait3A_137 = arith.constant 1 : i32
    %dma_wait3A_138 = arith.constant 1 : i32
    %dma_wait3A_139 = arith.constant 0 : i32
    %dma_wait3A_140 = arith.constant 0 : i32
    %dma_wait3A_141 = tpu.memref_slice %arg20[%dma_wait3A_138, %dma_wait3A_139, %dma_wait3A_140] : memref<2x128x64xf32, #tpu.memory_space<vmem>> -> memref<1x128x64xf32, #tpu.memory_space<vmem>>
    %dma_wait3A_142 = tpu.memref_squeeze %dma_wait3A_141 : memref<1x128x64xf32, #tpu.memory_space<vmem>> -> memref<128x64xf32, #tpu.memory_space<vmem>>
    %dma_wait3A_143 = arith.constant 0 : i32
    %dma_wait3A_144 = tpu.memref_slice %arg14[%dma_wait3A_137, %dma_wait3A_143] : memref<4x128xi32, #tpu.memory_space<vmem>> -> memref<1x128xi32, #tpu.memory_space<vmem>>
    %dma_wait3A_145 = tpu.memref_squeeze %dma_wait3A_144 : memref<1x128xi32, #tpu.memory_space<vmem>> -> memref<128xi32, #tpu.memory_space<vmem>>
    %dma_wait3A_146 = arith.constant 0 : i32
    %dma_wait3A_147 = arith.constant 0 : i32
    %dma_wait3A_148 = tpu.memref_slice %arg9[%dma_wait3A_146, %dma_wait3A_147] : memref<100000x64xf32, #tpu.memory_space<hbm>> -> memref<100000x64xf32, #tpu.memory_space<hbm>>
    tpu.wait_indirect_dma semaphore(%arg28 : memref<!tpu.dma_semaphore, #tpu.memory_space<semaphore_mem>>) src(%dma_wait3A_148 : memref<100000x64xf32, #tpu.memory_space<hbm>>) dst(%dma_wait3A_142 : memref<128x64xf32, #tpu.memory_space<vmem>>)
    %broadcast_in_dim3A_149 = arith.constant 1 : i32
    %broadcast_in_dim3A_150 = vector.broadcast %broadcast_in_dim3A_149 : i32 to vector<16xi32>
    %scan3A_151 = arith.constant 0 : i32
    %scan3A_152 = arith.constant 8 : i32
    %scan3A_153 = arith.addi %scan3A_151, %scan3A_152 : i32
    %scan3A_154 = arith.constant 1 : i32
    scf.for %scan3A_474 = %scan3A_151 to %scan3A_153 step %scan3A_154  : i32 {
      %mul3A_475 = arith.constant 16 : i32
      %mul3A_476 = arith.muli %scan3A_474, %mul3A_475 : i32
      %get3A = arith.constant 1 : i32
      %get3A_477 = arith.index_cast %get3A : i32 to index
      %get3A_478 = arith.index_cast %mul3A_476 : i32 to index
      %get3A_479 = tpu.vector_load %arg15[%get3A_477, %get3A_478] {strides = array<i32>} : memref<4x128xi32, #tpu.memory_space<vmem>>, vector<16xi32>,
      %mul3A_480 = arith.constant 16 : i32
      %mul3A_481 = arith.muli %scan3A_474, %mul3A_480 : i32
      %add3A_482 = vector.broadcast %mul3A_481 : i32 to vector<16xi32>
      %add3A_483 = arith.addi %add3A_482, %iota3A : vector<16xi32>
      %scan3A_484 = arith.constant 0 : i32
      %scan3A_485 = arith.constant 8 : i32
      %scan3A_486 = arith.addi %scan3A_484, %scan3A_485 : i32
      %scan3A_487 = arith.constant 1 : i32
      %scan3A_488:3 = scf.for %scan3A_549 = %scan3A_484 to %scan3A_486 step %scan3A_487 iter_args(%scan3A_550 = %broadcast_in_dim3A_1, %scan3A_551 = %broadcast_in_dim3A_1, %scan3A_552 = %broadcast_in_dim3A_1) -> (vector<16xf32>, vector<16xf32>, vector<16xf32>)  : i32 {
        %mul3A_553 = arith.constant 8 : i32
        %mul3A_554 = arith.muli %scan3A_549, %mul3A_553 : i32
        %add3A_555 = arith.constant 0 : i32
        %add3A_556 = arith.addi %mul3A_554, %add3A_555 : i32
        %add3A_557 = vector.broadcast %add3A_556 : i32 to vector<16xi32>
        %add3A_558 = arith.addi %add3A_557, %iota3A : vector<16xi32>
        %and3A = arith.constant 63 : i32
        %and3A_559 = vector.broadcast %and3A : i32 to vector<16xi32>
        %and3A_560 = arith.andi %add3A_558, %and3A_559 : vector<16xi32>
        %gather3A_561 = tpu.vector_load_idx %arg19[%broadcast_in_dim3A_150, %add3A_483, %and3A_560] : memref<2x128x64xf32, #tpu.memory_space<vmem>>[vector<16xi32>, vector<16xi32>, vector<16xi32>], vector<16xf32>,
        %gather3A_562 = tpu.vector_load_idx %arg20[%broadcast_in_dim3A_150, %add3A_483, %and3A_560] : memref<2x128x64xf32, #tpu.memory_space<vmem>>[vector<16xi32>, vector<16xi32>, vector<16xi32>], vector<16xf32>,
        %gather3A_563 = tpu.vector_load_idx %arg22[%get3A_479, %and3A_560] : memref<6x64xf32, #tpu.memory_space<vmem>>[vector<16xi32>, vector<16xi32>], vector<16xf32>,
        %gather3A_564 = tpu.vector_load_idx %arg23[%get3A_479, %and3A_560] : memref<6x64xf32, #tpu.memory_space<vmem>>[vector<16xi32>, vector<16xi32>], vector<16xf32>,
        %sub3A_565 = arith.subf %gather3A_561, %gather3A_562 : vector<16xf32>
        %add3A_566 = arith.addf %sub3A_565, %gather3A_564 : vector<16xf32>
        %add3A_567 = arith.addf %scan3A_550, %add3A_566 : vector<16xf32>
        %mul3A_568 = arith.mulf %add3A_566, %add3A_566 : vector<16xf32>
        %add3A_569 = arith.addf %scan3A_551, %mul3A_568 : vector<16xf32>
        %mul3A_570 = arith.mulf %add3A_566, %gather3A_563 : vector<16xf32>
        %add3A_571 = arith.addf %scan3A_552, %mul3A_570 : vector<16xf32>
        %mul3A_572 = arith.constant 8 : i32
        %mul3A_573 = arith.muli %scan3A_549, %mul3A_572 : i32
        %add3A_574 = arith.constant 1 : i32
        %add3A_575 = arith.addi %mul3A_573, %add3A_574 : i32
        %add3A_576 = vector.broadcast %add3A_575 : i32 to vector<16xi32>
        %add3A_577 = arith.addi %add3A_576, %iota3A : vector<16xi32>
        %and3A_578 = arith.constant 63 : i32
        %and3A_579 = vector.broadcast %and3A_578 : i32 to vector<16xi32>
        %and3A_580 = arith.andi %add3A_577, %and3A_579 : vector<16xi32>
        %gather3A_581 = tpu.vector_load_idx %arg19[%broadcast_in_dim3A_150, %add3A_483, %and3A_580] : memref<2x128x64xf32, #tpu.memory_space<vmem>>[vector<16xi32>, vector<16xi32>, vector<16xi32>], vector<16xf32>,
        %gather3A_582 = tpu.vector_load_idx %arg20[%broadcast_in_dim3A_150, %add3A_483, %and3A_580] : memref<2x128x64xf32, #tpu.memory_space<vmem>>[vector<16xi32>, vector<16xi32>, vector<16xi32>], vector<16xf32>,
        %gather3A_583 = tpu.vector_load_idx %arg22[%get3A_479, %and3A_580] : memref<6x64xf32, #tpu.memory_space<vmem>>[vector<16xi32>, vector<16xi32>], vector<16xf32>,
        %gather3A_584 = tpu.vector_load_idx %arg23[%get3A_479, %and3A_580] : memref<6x64xf32, #tpu.memory_space<vmem>>[vector<16xi32>, vector<16xi32>], vector<16xf32>,
        %sub3A_585 = arith.subf %gather3A_581, %gather3A_582 : vector<16xf32>
        %add3A_586 = arith.addf %sub3A_585, %gather3A_584 : vector<16xf32>
        %add3A_587 = arith.addf %add3A_567, %add3A_586 : vector<16xf32>
        %mul3A_588 = arith.mulf %add3A_586, %add3A_586 : vector<16xf32>
        %add3A_589 = arith.addf %add3A_569, %mul3A_588 : vector<16xf32>
        %mul3A_590 = arith.mulf %add3A_586, %gather3A_583 : vector<16xf32>
        %add3A_591 = arith.addf %add3A_571, %mul3A_590 : vector<16xf32>
        %mul3A_592 = arith.constant 8 : i32
        %mul3A_593 = arith.muli %scan3A_549, %mul3A_592 : i32
        %add3A_594 = arith.constant 2 : i32
        %add3A_595 = arith.addi %mul3A_593, %add3A_594 : i32
        %add3A_596 = vector.broadcast %add3A_595 : i32 to vector<16xi32>
        %add3A_597 = arith.addi %add3A_596, %iota3A : vector<16xi32>
        %and3A_598 = arith.constant 63 : i32
        %and3A_599 = vector.broadcast %and3A_598 : i32 to vector<16xi32>
        %and3A_600 = arith.andi %add3A_597, %and3A_599 : vector<16xi32>
        %gather3A_601 = tpu.vector_load_idx %arg19[%broadcast_in_dim3A_150, %add3A_483, %and3A_600] : memref<2x128x64xf32, #tpu.memory_space<vmem>>[vector<16xi32>, vector<16xi32>, vector<16xi32>], vector<16xf32>,
        %gather3A_602 = tpu.vector_load_idx %arg20[%broadcast_in_dim3A_150, %add3A_483, %and3A_600] : memref<2x128x64xf32, #tpu.memory_space<vmem>>[vector<16xi32>, vector<16xi32>, vector<16xi32>], vector<16xf32>,
        %gather3A_603 = tpu.vector_load_idx %arg22[%get3A_479, %and3A_600] : memref<6x64xf32, #tpu.memory_space<vmem>>[vector<16xi32>, vector<16xi32>], vector<16xf32>,
        %gather3A_604 = tpu.vector_load_idx %arg23[%get3A_479, %and3A_600] : memref<6x64xf32, #tpu.memory_space<vmem>>[vector<16xi32>, vector<16xi32>], vector<16xf32>,
        %sub3A_605 = arith.subf %gather3A_601, %gather3A_602 : vector<16xf32>
        %add3A_606 = arith.addf %sub3A_605, %gather3A_604 : vector<16xf32>
        %add3A_607 = arith.addf %add3A_587, %add3A_606 : vector<16xf32>
        %mul3A_608 = arith.mulf %add3A_606, %add3A_606 : vector<16xf32>
        %add3A_609 = arith.addf %add3A_589, %mul3A_608 : vector<16xf32>
        %mul3A_610 = arith.mulf %add3A_606, %gather3A_603 : vector<16xf32>
        %add3A_611 = arith.addf %add3A_591, %mul3A_610 : vector<16xf32>
        %mul3A_612 = arith.constant 8 : i32
        %mul3A_613 = arith.muli %scan3A_549, %mul3A_612 : i32
        %add3A_614 = arith.constant 3 : i32
        %add3A_615 = arith.addi %mul3A_613, %add3A_614 : i32
        %add3A_616 = vector.broadcast %add3A_615 : i32 to vector<16xi32>
        %add3A_617 = arith.addi %add3A_616, %iota3A : vector<16xi32>
        %and3A_618 = arith.constant 63 : i32
        %and3A_619 = vector.broadcast %and3A_618 : i32 to vector<16xi32>
        %and3A_620 = arith.andi %add3A_617, %and3A_619 : vector<16xi32>
        %gather3A_621 = tpu.vector_load_idx %arg19[%broadcast_in_dim3A_150, %add3A_483, %and3A_620] : memref<2x128x64xf32, #tpu.memory_space<vmem>>[vector<16xi32>, vector<16xi32>, vector<16xi32>], vector<16xf32>,
        %gather3A_622 = tpu.vector_load_idx %arg20[%broadcast_in_dim3A_150, %add3A_483, %and3A_620] : memref<2x128x64xf32, #tpu.memory_space<vmem>>[vector<16xi32>, vector<16xi32>, vector<16xi32>], vector<16xf32>,
        %gather3A_623 = tpu.vector_load_idx %arg22[%get3A_479, %and3A_620] : memref<6x64xf32, #tpu.memory_space<vmem>>[vector<16xi32>, vector<16xi32>], vector<16xf32>,
        %gather3A_624 = tpu.vector_load_idx %arg23[%get3A_479, %and3A_620] : memref<6x64xf32, #tpu.memory_space<vmem>>[vector<16xi32>, vector<16xi32>], vector<16xf32>,
        %sub3A_625 = arith.subf %gather3A_621, %gather3A_622 : vector<16xf32>
        %add3A_626 = arith.addf %sub3A_625, %gather3A_624 : vector<16xf32>
        %add3A_627 = arith.addf %add3A_607, %add3A_626 : vector<16xf32>
        %mul3A_628 = arith.mulf %add3A_626, %add3A_626 : vector<16xf32>
        %add3A_629 = arith.addf %add3A_609, %mul3A_628 : vector<16xf32>
        %mul3A_630 = arith.mulf %add3A_626, %gather3A_623 : vector<16xf32>
        %add3A_631 = arith.addf %add3A_611, %mul3A_630 : vector<16xf32>
        %mul3A_632 = arith.constant 8 : i32
        %mul3A_633 = arith.muli %scan3A_549, %mul3A_632 : i32
        %add3A_634 = arith.constant 4 : i32
        %add3A_635 = arith.addi %mul3A_633, %add3A_634 : i32
        %add3A_636 = vector.broadcast %add3A_635 : i32 to vector<16xi32>
        %add3A_637 = arith.addi %add3A_636, %iota3A : vector<16xi32>
        %and3A_638 = arith.constant 63 : i32
        %and3A_639 = vector.broadcast %and3A_638 : i32 to vector<16xi32>
        %and3A_640 = arith.andi %add3A_637, %and3A_639 : vector<16xi32>
        %gather3A_641 = tpu.vector_load_idx %arg19[%broadcast_in_dim3A_150, %add3A_483, %and3A_640] : memref<2x128x64xf32, #tpu.memory_space<vmem>>[vector<16xi32>, vector<16xi32>, vector<16xi32>], vector<16xf32>,
        %gather3A_642 = tpu.vector_load_idx %arg20[%broadcast_in_dim3A_150, %add3A_483, %and3A_640] : memref<2x128x64xf32, #tpu.memory_space<vmem>>[vector<16xi32>, vector<16xi32>, vector<16xi32>], vector<16xf32>,
        %gather3A_643 = tpu.vector_load_idx %arg22[%get3A_479, %and3A_640] : memref<6x64xf32, #tpu.memory_space<vmem>>[vector<16xi32>, vector<16xi32>], vector<16xf32>,
        %gather3A_644 = tpu.vector_load_idx %arg23[%get3A_479, %and3A_640] : memref<6x64xf32, #tpu.memory_space<vmem>>[vector<16xi32>, vector<16xi32>], vector<16xf32>,
        %sub3A_645 = arith.subf %gather3A_641, %gather3A_642 : vector<16xf32>
        %add3A_646 = arith.addf %sub3A_645, %gather3A_644 : vector<16xf32>
        %add3A_647 = arith.addf %add3A_627, %add3A_646 : vector<16xf32>
        %mul3A_648 = arith.mulf %add3A_646, %add3A_646 : vector<16xf32>
        %add3A_649 = arith.addf %add3A_629, %mul3A_648 : vector<16xf32>
        %mul3A_650 = arith.mulf %add3A_646, %gather3A_643 : vector<16xf32>
        %add3A_651 = arith.addf %add3A_631, %mul3A_650 : vector<16xf32>
        %mul3A_652 = arith.constant 8 : i32
        %mul3A_653 = arith.muli %scan3A_549, %mul3A_652 : i32
        %add3A_654 = arith.constant 5 : i32
        %add3A_655 = arith.addi %mul3A_653, %add3A_654 : i32
        %add3A_656 = vector.broadcast %add3A_655 : i32 to vector<16xi32>
        %add3A_657 = arith.addi %add3A_656, %iota3A : vector<16xi32>
        %and3A_658 = arith.constant 63 : i32
        %and3A_659 = vector.broadcast %and3A_658 : i32 to vector<16xi32>
        %and3A_660 = arith.andi %add3A_657, %and3A_659 : vector<16xi32>
        %gather3A_661 = tpu.vector_load_idx %arg19[%broadcast_in_dim3A_150, %add3A_483, %and3A_660] : memref<2x128x64xf32, #tpu.memory_space<vmem>>[vector<16xi32>, vector<16xi32>, vector<16xi32>], vector<16xf32>,
        %gather3A_662 = tpu.vector_load_idx %arg20[%broadcast_in_dim3A_150, %add3A_483, %and3A_660] : memref<2x128x64xf32, #tpu.memory_space<vmem>>[vector<16xi32>, vector<16xi32>, vector<16xi32>], vector<16xf32>,
        %gather3A_663 = tpu.vector_load_idx %arg22[%get3A_479, %and3A_660] : memref<6x64xf32, #tpu.memory_space<vmem>>[vector<16xi32>, vector<16xi32>], vector<16xf32>,
        %gather3A_664 = tpu.vector_load_idx %arg23[%get3A_479, %and3A_660] : memref<6x64xf32, #tpu.memory_space<vmem>>[vector<16xi32>, vector<16xi32>], vector<16xf32>,
        %sub3A_665 = arith.subf %gather3A_661, %gather3A_662 : vector<16xf32>
        %add3A_666 = arith.addf %sub3A_665, %gather3A_664 : vector<16xf32>
        %add3A_667 = arith.addf %add3A_647, %add3A_666 : vector<16xf32>
        %mul3A_668 = arith.mulf %add3A_666, %add3A_666 : vector<16xf32>
        %add3A_669 = arith.addf %add3A_649, %mul3A_668 : vector<16xf32>
        %mul3A_670 = arith.mulf %add3A_666, %gather3A_663 : vector<16xf32>
        %add3A_671 = arith.addf %add3A_651, %mul3A_670 : vector<16xf32>
        %mul3A_672 = arith.constant 8 : i32
        %mul3A_673 = arith.muli %scan3A_549, %mul3A_672 : i32
        %add3A_674 = arith.constant 6 : i32
        %add3A_675 = arith.addi %mul3A_673, %add3A_674 : i32
        %add3A_676 = vector.broadcast %add3A_675 : i32 to vector<16xi32>
        %add3A_677 = arith.addi %add3A_676, %iota3A : vector<16xi32>
        %and3A_678 = arith.constant 63 : i32
        %and3A_679 = vector.broadcast %and3A_678 : i32 to vector<16xi32>
        %and3A_680 = arith.andi %add3A_677, %and3A_679 : vector<16xi32>
        %gather3A_681 = tpu.vector_load_idx %arg19[%broadcast_in_dim3A_150, %add3A_483, %and3A_680] : memref<2x128x64xf32, #tpu.memory_space<vmem>>[vector<16xi32>, vector<16xi32>, vector<16xi32>], vector<16xf32>,
        %gather3A_682 = tpu.vector_load_idx %arg20[%broadcast_in_dim3A_150, %add3A_483, %and3A_680] : memref<2x128x64xf32, #tpu.memory_space<vmem>>[vector<16xi32>, vector<16xi32>, vector<16xi32>], vector<16xf32>,
        %gather3A_683 = tpu.vector_load_idx %arg22[%get3A_479, %and3A_680] : memref<6x64xf32, #tpu.memory_space<vmem>>[vector<16xi32>, vector<16xi32>], vector<16xf32>,
        %gather3A_684 = tpu.vector_load_idx %arg23[%get3A_479, %and3A_680] : memref<6x64xf32, #tpu.memory_space<vmem>>[vector<16xi32>, vector<16xi32>], vector<16xf32>,
        %sub3A_685 = arith.subf %gather3A_681, %gather3A_682 : vector<16xf32>
        %add3A_686 = arith.addf %sub3A_685, %gather3A_684 : vector<16xf32>
        %add3A_687 = arith.addf %add3A_667, %add3A_686 : vector<16xf32>
        %mul3A_688 = arith.mulf %add3A_686, %add3A_686 : vector<16xf32>
        %add3A_689 = arith.addf %add3A_669, %mul3A_688 : vector<16xf32>
        %mul3A_690 = arith.mulf %add3A_686, %gather3A_683 : vector<16xf32>
        %add3A_691 = arith.addf %add3A_671, %mul3A_690 : vector<16xf32>
        %mul3A_692 = arith.constant 8 : i32
        %mul3A_693 = arith.muli %scan3A_549, %mul3A_692 : i32
        %add3A_694 = arith.constant 7 : i32
        %add3A_695 = arith.addi %mul3A_693, %add3A_694 : i32
        %add3A_696 = vector.broadcast %add3A_695 : i32 to vector<16xi32>
        %add3A_697 = arith.addi %add3A_696, %iota3A : vector<16xi32>
        %and3A_698 = arith.constant 63 : i32
        %and3A_699 = vector.broadcast %and3A_698 : i32 to vector<16xi32>
        %and3A_700 = arith.andi %add3A_697, %and3A_699 : vector<16xi32>
        %gather3A_701 = tpu.vector_load_idx %arg19[%broadcast_in_dim3A_150, %add3A_483, %and3A_700] : memref<2x128x64xf32, #tpu.memory_space<vmem>>[vector<16xi32>, vector<16xi32>, vector<16xi32>], vector<16xf32>,
        %gather3A_702 = tpu.vector_load_idx %arg20[%broadcast_in_dim3A_150, %add3A_483, %and3A_700] : memref<2x128x64xf32, #tpu.memory_space<vmem>>[vector<16xi32>, vector<16xi32>, vector<16xi32>], vector<16xf32>,
        %gather3A_703 = tpu.vector_load_idx %arg22[%get3A_479, %and3A_700] : memref<6x64xf32, #tpu.memory_space<vmem>>[vector<16xi32>, vector<16xi32>], vector<16xf32>,
        %gather3A_704 = tpu.vector_load_idx %arg23[%get3A_479, %and3A_700] : memref<6x64xf32, #tpu.memory_space<vmem>>[vector<16xi32>, vector<16xi32>], vector<16xf32>,
        %sub3A_705 = arith.subf %gather3A_701, %gather3A_702 : vector<16xf32>
        %add3A_706 = arith.addf %sub3A_705, %gather3A_704 : vector<16xf32>
        %add3A_707 = arith.addf %add3A_687, %add3A_706 : vector<16xf32>
        %mul3A_708 = arith.mulf %add3A_706, %add3A_706 : vector<16xf32>
        %add3A_709 = arith.addf %add3A_689, %mul3A_708 : vector<16xf32>
        %mul3A_710 = arith.mulf %add3A_706, %gather3A_703 : vector<16xf32>
        %add3A_711 = arith.addf %add3A_691, %mul3A_710 : vector<16xf32>
        scf.yield %add3A_707, %add3A_709, %add3A_711 : vector<16xf32>, vector<16xf32>, vector<16xf32>
      }
      %scan3A_489 = arith.constant 8 : i32
      %gather3A = tpu.vector_load_idx %arg24[%get3A_479] : memref<16xf32, #tpu.memory_space<vmem>>[vector<16xi32>], vector<16xf32>,
      %sub3A = arith.subf %scan3A_488#2, %gather3A : vector<16xf32>
      %gather3A_490 = tpu.vector_load_idx %arg25[%get3A_479] : memref<16xf32, #tpu.memory_space<vmem>>[vector<16xi32>], vector<16xf32>,
      %mul3A_491 = arith.constant 2.000000e+00 : f32
      %mul3A_492 = vector.broadcast %mul3A_491 : f32 to vector<16xf32>
      %mul3A_493 = arith.mulf %mul3A_492, %sub3A : vector<16xf32>
      %mul3A_494 = arith.mulf %mul3A_493, %scan3A_488#2 : vector<16xf32>
      %sub3A_495 = arith.subf %scan3A_488#1, %mul3A_494 : vector<16xf32>
      %mul3A_496 = arith.mulf %sub3A, %sub3A : vector<16xf32>
      %add3A_497 = arith.addf %sub3A_495, %mul3A_496 : vector<16xf32>
      %mul3A_498 = arith.mulf %sub3A, %gather3A_490 : vector<16xf32>
      %sub3A_499 = arith.subf %scan3A_488#0, %mul3A_498 : vector<16xf32>
      %mul3A_500 = arith.constant 2.000000e-06 : f32
      %mul3A_501 = vector.broadcast %mul3A_500 : f32 to vector<16xf32>
      %mul3A_502 = arith.mulf %mul3A_501, %sub3A_499 : vector<16xf32>
      %add3A_503 = arith.addf %add3A_497, %mul3A_502 : vector<16xf32>
      %add3A_504 = arith.constant 6.400000e-11 : f32
      %add3A_505 = vector.broadcast %add3A_504 : f32 to vector<16xf32>
      %add3A_506 = arith.addf %add3A_503, %add3A_505 : vector<16xf32>
      %max3A = arith.constant 1.000000e-24 : f32
      %max3A_507 = vector.broadcast %max3A : f32 to vector<16xf32>
      %max3A_508 = arith.maximumf %add3A_506, %max3A_507 : vector<16xf32>
      %bitcast3A = vector.bitcast %max3A_508 : vector<16xf32> to vector<16xi32>
      %shift_right_arithmetic3A = arith.constant 1 : i32
      %shift_right_arithmetic3A_509 = vector.broadcast %shift_right_arithmetic3A : i32 to vector<16xi32>
      %shift_right_arithmetic3A_510 = arith.shrsi %bitcast3A, %shift_right_arithmetic3A_509 : vector<16xi32>
      %sub3A_511 = arith.constant 1597463007 : i32
      %sub3A_512 = vector.broadcast %sub3A_511 : i32 to vector<16xi32>
      %sub3A_513 = arith.subi %sub3A_512, %shift_right_arithmetic3A_510 : vector<16xi32>
      %bitcast3A_514 = vector.bitcast %sub3A_513 : vector<16xi32> to vector<16xf32>
      %mul3A_515 = arith.constant 5.000000e-01 : f32
      %mul3A_516 = vector.broadcast %mul3A_515 : f32 to vector<16xf32>
      %mul3A_517 = arith.mulf %mul3A_516, %max3A_508 : vector<16xf32>
      %mul3A_518 = arith.mulf %mul3A_517, %bitcast3A_514 : vector<16xf32>
      %mul3A_519 = arith.mulf %mul3A_518, %bitcast3A_514 : vector<16xf32>
      %sub3A_520 = arith.constant 1.500000e+00 : f32
      %sub3A_521 = vector.broadcast %sub3A_520 : f32 to vector<16xf32>
      %sub3A_522 = arith.subf %sub3A_521, %mul3A_519 : vector<16xf32>
      %mul3A_523 = arith.mulf %bitcast3A_514, %sub3A_522 : vector<16xf32>
      %mul3A_524 = arith.constant 5.000000e-01 : f32
      %mul3A_525 = vector.broadcast %mul3A_524 : f32 to vector<16xf32>
      %mul3A_526 = arith.mulf %mul3A_525, %max3A_508 : vector<16xf32>
      %mul3A_527 = arith.mulf %mul3A_526, %mul3A_523 : vector<16xf32>
      %mul3A_528 = arith.mulf %mul3A_527, %mul3A_523 : vector<16xf32>
      %sub3A_529 = arith.constant 1.500000e+00 : f32
      %sub3A_530 = vector.broadcast %sub3A_529 : f32 to vector<16xf32>
      %sub3A_531 = arith.subf %sub3A_530, %mul3A_528 : vector<16xf32>
      %mul3A_532 = arith.mulf %mul3A_523, %sub3A_531 : vector<16xf32>
      %mul3A_533 = arith.constant 5.000000e-01 : f32
      %mul3A_534 = vector.broadcast %mul3A_533 : f32 to vector<16xf32>
      %mul3A_535 = arith.mulf %mul3A_534, %max3A_508 : vector<16xf32>
      %mul3A_536 = arith.mulf %mul3A_535, %mul3A_532 : vector<16xf32>
      %mul3A_537 = arith.mulf %mul3A_536, %mul3A_532 : vector<16xf32>
      %sub3A_538 = arith.constant 1.500000e+00 : f32
      %sub3A_539 = vector.broadcast %sub3A_538 : f32 to vector<16xf32>
      %sub3A_540 = arith.subf %sub3A_539, %mul3A_537 : vector<16xf32>
      %mul3A_541 = arith.mulf %mul3A_532, %sub3A_540 : vector<16xf32>
      %mul3A_542 = arith.mulf %max3A_508, %mul3A_541 : vector<16xf32>
      %mul3A_543 = arith.constant 16 : i32
      %mul3A_544 = arith.muli %scan3A_474, %mul3A_543 : i32
      %add3A_545 = arith.constant 128 : i32
      %add3A_546 = arith.addi %add3A_545, %mul3A_544 : i32
      %swap3A_547 = arith.index_cast %add3A_546 : i32 to index
      %swap3A_548 = tpu.vector_load %arg21[%swap3A_547] {strides = array<i32>} : memref<512xf32, #tpu.memory_space<vmem>>, vector<16xf32>,
      tpu.vector_store %arg21[%swap3A_547], %mul3A_542 {strides = array<i32>} : memref<512xf32, #tpu.memory_space<vmem>>, vector<16xf32>,
    }
    %scan3A_155 = arith.constant 8 : i32
    %dma_start3A_156 = arith.constant 3 : i32
    %dma_start3A_157 = arith.constant 1 : i32
    %dma_start3A_158 = arith.constant 0 : i32
    %dma_start3A_159 = arith.constant 0 : i32
    %dma_start3A_160 = tpu.memref_slice %arg19[%dma_start3A_157, %dma_start3A_158, %dma_start3A_159] : memref<2x128x64xf32, #tpu.memory_space<vmem>> -> memref<1x128x64xf32, #tpu.memory_space<vmem>>
    %dma_start3A_161 = tpu.memref_squeeze %dma_start3A_160 : memref<1x128x64xf32, #tpu.memory_space<vmem>> -> memref<128x64xf32, #tpu.memory_space<vmem>>
    %dma_start3A_162 = arith.constant 0 : i32
    %dma_start3A_163 = tpu.memref_slice %arg13[%dma_start3A_156, %dma_start3A_162] : memref<4x128xi32, #tpu.memory_space<vmem>> -> memref<1x128xi32, #tpu.memory_space<vmem>>
    %dma_start3A_164 = tpu.memref_squeeze %dma_start3A_163 : memref<1x128xi32, #tpu.memory_space<vmem>> -> memref<128xi32, #tpu.memory_space<vmem>>
    %dma_start3A_165 = arith.constant 0 : i32
    %dma_start3A_166 = arith.constant 0 : i32
    %dma_start3A_167 = tpu.memref_slice %arg8[%dma_start3A_165, %dma_start3A_166] : memref<100000x64xf32, #tpu.memory_space<hbm>> -> memref<100000x64xf32, #tpu.memory_space<hbm>>
    tpu.enqueue_indirect_dma source(%dma_start3A_167 : memref<100000x64xf32, #tpu.memory_space<hbm>>) target(%dma_start3A_161 : memref<128x64xf32, #tpu.memory_space<vmem>>) offsets(%dma_start3A_164 : memref<128xi32, #tpu.memory_space<vmem>>) semaphore(%arg28 : memref<!tpu.dma_semaphore, #tpu.memory_space<semaphore_mem>>)
    %dma_start3A_168 = arith.constant 3 : i32
    %dma_start3A_169 = arith.constant 1 : i32
    %dma_start3A_170 = arith.constant 0 : i32
    %dma_start3A_171 = arith.constant 0 : i32
    %dma_start3A_172 = tpu.memref_slice %arg20[%dma_start3A_169, %dma_start3A_170, %dma_start3A_171] : memref<2x128x64xf32, #tpu.memory_space<vmem>> -> memref<1x128x64xf32, #tpu.memory_space<vmem>>
    %dma_start3A_173 = tpu.memref_squeeze %dma_start3A_172 : memref<1x128x64xf32, #tpu.memory_space<vmem>> -> memref<128x64xf32, #tpu.memory_space<vmem>>
    %dma_start3A_174 = arith.constant 0 : i32
    %dma_start3A_175 = tpu.memref_slice %arg14[%dma_start3A_168, %dma_start3A_174] : memref<4x128xi32, #tpu.memory_space<vmem>> -> memref<1x128xi32, #tpu.memory_space<vmem>>
    %dma_start3A_176 = tpu.memref_squeeze %dma_start3A_175 : memref<1x128xi32, #tpu.memory_space<vmem>> -> memref<128xi32, #tpu.memory_space<vmem>>
    %dma_start3A_177 = arith.constant 0 : i32
    %dma_start3A_178 = arith.constant 0 : i32
    %dma_start3A_179 = tpu.memref_slice %arg9[%dma_start3A_177, %dma_start3A_178] : memref<100000x64xf32, #tpu.memory_space<hbm>> -> memref<100000x64xf32, #tpu.memory_space<hbm>>
    tpu.enqueue_indirect_dma source(%dma_start3A_179 : memref<100000x64xf32, #tpu.memory_space<hbm>>) target(%dma_start3A_173 : memref<128x64xf32, #tpu.memory_space<vmem>>) offsets(%dma_start3A_176 : memref<128xi32, #tpu.memory_space<vmem>>) semaphore(%arg28 : memref<!tpu.dma_semaphore, #tpu.memory_space<semaphore_mem>>)
    %dma_wait3A_180 = arith.constant 2 : i32
    %dma_wait3A_181 = arith.constant 0 : i32
    %dma_wait3A_182 = arith.constant 0 : i32
    %dma_wait3A_183 = arith.constant 0 : i32
    %dma_wait3A_184 = tpu.memref_slice %arg19[%dma_wait3A_181, %dma_wait3A_182, %dma_wait3A_183] : memref<2x128x64xf32, #tpu.memory_space<vmem>> -> memref<1x128x64xf32, #tpu.memory_space<vmem>>
    %dma_wait3A_185 = tpu.memref_squeeze %dma_wait3A_184 : memref<1x128x64xf32, #tpu.memory_space<vmem>> -> memref<128x64xf32, #tpu.memory_space<vmem>>
    %dma_wait3A_186 = arith.constant 0 : i32
    %dma_wait3A_187 = tpu.memref_slice %arg13[%dma_wait3A_180, %dma_wait3A_186] : memref<4x128xi32, #tpu.memory_space<vmem>> -> memref<1x128xi32, #tpu.memory_space<vmem>>
    %dma_wait3A_188 = tpu.memref_squeeze %dma_wait3A_187 : memref<1x128xi32, #tpu.memory_space<vmem>> -> memref<128xi32, #tpu.memory_space<vmem>>
    %dma_wait3A_189 = arith.constant 0 : i32
    %dma_wait3A_190 = arith.constant 0 : i32
    %dma_wait3A_191 = tpu.memref_slice %arg8[%dma_wait3A_189, %dma_wait3A_190] : memref<100000x64xf32, #tpu.memory_space<hbm>> -> memref<100000x64xf32, #tpu.memory_space<hbm>>
    tpu.wait_indirect_dma semaphore(%arg27 : memref<!tpu.dma_semaphore, #tpu.memory_space<semaphore_mem>>) src(%dma_wait3A_191 : memref<100000x64xf32, #tpu.memory_space<hbm>>) dst(%dma_wait3A_185 : memref<128x64xf32, #tpu.memory_space<vmem>>)
    %dma_wait3A_192 = arith.constant 2 : i32
    %dma_wait3A_193 = arith.constant 0 : i32
    %dma_wait3A_194 = arith.constant 0 : i32
    %dma_wait3A_195 = arith.constant 0 : i32
    %dma_wait3A_196 = tpu.memref_slice %arg20[%dma_wait3A_193, %dma_wait3A_194, %dma_wait3A_195] : memref<2x128x64xf32, #tpu.memory_space<vmem>> -> memref<1x128x64xf32, #tpu.memory_space<vmem>>
    %dma_wait3A_197 = tpu.memref_squeeze %dma_wait3A_196 : memref<1x128x64xf32, #tpu.memory_space<vmem>> -> memref<128x64xf32, #tpu.memory_space<vmem>>
    %dma_wait3A_198 = arith.constant 0 : i32
    %dma_wait3A_199 = tpu.memref_slice %arg14[%dma_wait3A_192, %dma_wait3A_198] : memref<4x128xi32, #tpu.memory_space<vmem>> -> memref<1x128xi32, #tpu.memory_space<vmem>>
    %dma_wait3A_200 = tpu.memref_squeeze %dma_wait3A_199 : memref<1x128xi32, #tpu.memory_space<vmem>> -> memref<128xi32, #tpu.memory_space<vmem>>
    %dma_wait3A_201 = arith.constant 0 : i32
    %dma_wait3A_202 = arith.constant 0 : i32
    %dma_wait3A_203 = tpu.memref_slice %arg9[%dma_wait3A_201, %dma_wait3A_202] : memref<100000x64xf32, #tpu.memory_space<hbm>> -> memref<100000x64xf32, #tpu.memory_space<hbm>>
    tpu.wait_indirect_dma semaphore(%arg27 : memref<!tpu.dma_semaphore, #tpu.memory_space<semaphore_mem>>) src(%dma_wait3A_203 : memref<100000x64xf32, #tpu.memory_space<hbm>>) dst(%dma_wait3A_197 : memref<128x64xf32, #tpu.memory_space<vmem>>)
    %broadcast_in_dim3A_204 = arith.constant 0 : i32
    %broadcast_in_dim3A_205 = vector.broadcast %broadcast_in_dim3A_204 : i32 to vector<16xi32>
    %scan3A_206 = arith.constant 0 : i32
    %scan3A_207 = arith.constant 8 : i32
    %scan3A_208 = arith.addi %scan3A_206, %scan3A_207 : i32
    %scan3A_209 = arith.constant 1 : i32
    scf.for %scan3A_474 = %scan3A_206 to %scan3A_208 step %scan3A_209  : i32 {
      %mul3A_475 = arith.constant 16 : i32
      %mul3A_476 = arith.muli %scan3A_474, %mul3A_475 : i32
      %get3A = arith.constant 2 : i32
      %get3A_477 = arith.index_cast %get3A : i32 to index
      %get3A_478 = arith.index_cast %mul3A_476 : i32 to index
      %get3A_479 = tpu.vector_load %arg15[%get3A_477, %get3A_478] {strides = array<i32>} : memref<4x128xi32, #tpu.memory_space<vmem>>, vector<16xi32>,
      %mul3A_480 = arith.constant 16 : i32
      %mul3A_481 = arith.muli %scan3A_474, %mul3A_480 : i32
      %add3A_482 = vector.broadcast %mul3A_481 : i32 to vector<16xi32>
      %add3A_483 = arith.addi %add3A_482, %iota3A : vector<16xi32>
      %scan3A_484 = arith.constant 0 : i32
      %scan3A_485 = arith.constant 8 : i32
      %scan3A_486 = arith.addi %scan3A_484, %scan3A_485 : i32
      %scan3A_487 = arith.constant 1 : i32
      %scan3A_488:3 = scf.for %scan3A_549 = %scan3A_484 to %scan3A_486 step %scan3A_487 iter_args(%scan3A_550 = %broadcast_in_dim3A_1, %scan3A_551 = %broadcast_in_dim3A_1, %scan3A_552 = %broadcast_in_dim3A_1) -> (vector<16xf32>, vector<16xf32>, vector<16xf32>)  : i32 {
        %mul3A_553 = arith.constant 8 : i32
        %mul3A_554 = arith.muli %scan3A_549, %mul3A_553 : i32
        %add3A_555 = arith.constant 0 : i32
        %add3A_556 = arith.addi %mul3A_554, %add3A_555 : i32
        %add3A_557 = vector.broadcast %add3A_556 : i32 to vector<16xi32>
        %add3A_558 = arith.addi %add3A_557, %iota3A : vector<16xi32>
        %and3A = arith.constant 63 : i32
        %and3A_559 = vector.broadcast %and3A : i32 to vector<16xi32>
        %and3A_560 = arith.andi %add3A_558, %and3A_559 : vector<16xi32>
        %gather3A_561 = tpu.vector_load_idx %arg19[%broadcast_in_dim3A_205, %add3A_483, %and3A_560] : memref<2x128x64xf32, #tpu.memory_space<vmem>>[vector<16xi32>, vector<16xi32>, vector<16xi32>], vector<16xf32>,
        %gather3A_562 = tpu.vector_load_idx %arg20[%broadcast_in_dim3A_205, %add3A_483, %and3A_560] : memref<2x128x64xf32, #tpu.memory_space<vmem>>[vector<16xi32>, vector<16xi32>, vector<16xi32>], vector<16xf32>,
        %gather3A_563 = tpu.vector_load_idx %arg22[%get3A_479, %and3A_560] : memref<6x64xf32, #tpu.memory_space<vmem>>[vector<16xi32>, vector<16xi32>], vector<16xf32>,
        %gather3A_564 = tpu.vector_load_idx %arg23[%get3A_479, %and3A_560] : memref<6x64xf32, #tpu.memory_space<vmem>>[vector<16xi32>, vector<16xi32>], vector<16xf32>,
        %sub3A_565 = arith.subf %gather3A_561, %gather3A_562 : vector<16xf32>
        %add3A_566 = arith.addf %sub3A_565, %gather3A_564 : vector<16xf32>
        %add3A_567 = arith.addf %scan3A_550, %add3A_566 : vector<16xf32>
        %mul3A_568 = arith.mulf %add3A_566, %add3A_566 : vector<16xf32>
        %add3A_569 = arith.addf %scan3A_551, %mul3A_568 : vector<16xf32>
        %mul3A_570 = arith.mulf %add3A_566, %gather3A_563 : vector<16xf32>
        %add3A_571 = arith.addf %scan3A_552, %mul3A_570 : vector<16xf32>
        %mul3A_572 = arith.constant 8 : i32
        %mul3A_573 = arith.muli %scan3A_549, %mul3A_572 : i32
        %add3A_574 = arith.constant 1 : i32
        %add3A_575 = arith.addi %mul3A_573, %add3A_574 : i32
        %add3A_576 = vector.broadcast %add3A_575 : i32 to vector<16xi32>
        %add3A_577 = arith.addi %add3A_576, %iota3A : vector<16xi32>
        %and3A_578 = arith.constant 63 : i32
        %and3A_579 = vector.broadcast %and3A_578 : i32 to vector<16xi32>
        %and3A_580 = arith.andi %add3A_577, %and3A_579 : vector<16xi32>
        %gather3A_581 = tpu.vector_load_idx %arg19[%broadcast_in_dim3A_205, %add3A_483, %and3A_580] : memref<2x128x64xf32, #tpu.memory_space<vmem>>[vector<16xi32>, vector<16xi32>, vector<16xi32>], vector<16xf32>,
        %gather3A_582 = tpu.vector_load_idx %arg20[%broadcast_in_dim3A_205, %add3A_483, %and3A_580] : memref<2x128x64xf32, #tpu.memory_space<vmem>>[vector<16xi32>, vector<16xi32>, vector<16xi32>], vector<16xf32>,
        %gather3A_583 = tpu.vector_load_idx %arg22[%get3A_479, %and3A_580] : memref<6x64xf32, #tpu.memory_space<vmem>>[vector<16xi32>, vector<16xi32>], vector<16xf32>,
        %gather3A_584 = tpu.vector_load_idx %arg23[%get3A_479, %and3A_580] : memref<6x64xf32, #tpu.memory_space<vmem>>[vector<16xi32>, vector<16xi32>], vector<16xf32>,
        %sub3A_585 = arith.subf %gather3A_581, %gather3A_582 : vector<16xf32>
        %add3A_586 = arith.addf %sub3A_585, %gather3A_584 : vector<16xf32>
        %add3A_587 = arith.addf %add3A_567, %add3A_586 : vector<16xf32>
        %mul3A_588 = arith.mulf %add3A_586, %add3A_586 : vector<16xf32>
        %add3A_589 = arith.addf %add3A_569, %mul3A_588 : vector<16xf32>
        %mul3A_590 = arith.mulf %add3A_586, %gather3A_583 : vector<16xf32>
        %add3A_591 = arith.addf %add3A_571, %mul3A_590 : vector<16xf32>
        %mul3A_592 = arith.constant 8 : i32
        %mul3A_593 = arith.muli %scan3A_549, %mul3A_592 : i32
        %add3A_594 = arith.constant 2 : i32
        %add3A_595 = arith.addi %mul3A_593, %add3A_594 : i32
        %add3A_596 = vector.broadcast %add3A_595 : i32 to vector<16xi32>
        %add3A_597 = arith.addi %add3A_596, %iota3A : vector<16xi32>
        %and3A_598 = arith.constant 63 : i32
        %and3A_599 = vector.broadcast %and3A_598 : i32 to vector<16xi32>
        %and3A_600 = arith.andi %add3A_597, %and3A_599 : vector<16xi32>
        %gather3A_601 = tpu.vector_load_idx %arg19[%broadcast_in_dim3A_205, %add3A_483, %and3A_600] : memref<2x128x64xf32, #tpu.memory_space<vmem>>[vector<16xi32>, vector<16xi32>, vector<16xi32>], vector<16xf32>,
        %gather3A_602 = tpu.vector_load_idx %arg20[%broadcast_in_dim3A_205, %add3A_483, %and3A_600] : memref<2x128x64xf32, #tpu.memory_space<vmem>>[vector<16xi32>, vector<16xi32>, vector<16xi32>], vector<16xf32>,
        %gather3A_603 = tpu.vector_load_idx %arg22[%get3A_479, %and3A_600] : memref<6x64xf32, #tpu.memory_space<vmem>>[vector<16xi32>, vector<16xi32>], vector<16xf32>,
        %gather3A_604 = tpu.vector_load_idx %arg23[%get3A_479, %and3A_600] : memref<6x64xf32, #tpu.memory_space<vmem>>[vector<16xi32>, vector<16xi32>], vector<16xf32>,
        %sub3A_605 = arith.subf %gather3A_601, %gather3A_602 : vector<16xf32>
        %add3A_606 = arith.addf %sub3A_605, %gather3A_604 : vector<16xf32>
        %add3A_607 = arith.addf %add3A_587, %add3A_606 : vector<16xf32>
        %mul3A_608 = arith.mulf %add3A_606, %add3A_606 : vector<16xf32>
        %add3A_609 = arith.addf %add3A_589, %mul3A_608 : vector<16xf32>
        %mul3A_610 = arith.mulf %add3A_606, %gather3A_603 : vector<16xf32>
        %add3A_611 = arith.addf %add3A_591, %mul3A_610 : vector<16xf32>
        %mul3A_612 = arith.constant 8 : i32
        %mul3A_613 = arith.muli %scan3A_549, %mul3A_612 : i32
        %add3A_614 = arith.constant 3 : i32
        %add3A_615 = arith.addi %mul3A_613, %add3A_614 : i32
        %add3A_616 = vector.broadcast %add3A_615 : i32 to vector<16xi32>
        %add3A_617 = arith.addi %add3A_616, %iota3A : vector<16xi32>
        %and3A_618 = arith.constant 63 : i32
        %and3A_619 = vector.broadcast %and3A_618 : i32 to vector<16xi32>
        %and3A_620 = arith.andi %add3A_617, %and3A_619 : vector<16xi32>
        %gather3A_621 = tpu.vector_load_idx %arg19[%broadcast_in_dim3A_205, %add3A_483, %and3A_620] : memref<2x128x64xf32, #tpu.memory_space<vmem>>[vector<16xi32>, vector<16xi32>, vector<16xi32>], vector<16xf32>,
        %gather3A_622 = tpu.vector_load_idx %arg20[%broadcast_in_dim3A_205, %add3A_483, %and3A_620] : memref<2x128x64xf32, #tpu.memory_space<vmem>>[vector<16xi32>, vector<16xi32>, vector<16xi32>], vector<16xf32>,
        %gather3A_623 = tpu.vector_load_idx %arg22[%get3A_479, %and3A_620] : memref<6x64xf32, #tpu.memory_space<vmem>>[vector<16xi32>, vector<16xi32>], vector<16xf32>,
        %gather3A_624 = tpu.vector_load_idx %arg23[%get3A_479, %and3A_620] : memref<6x64xf32, #tpu.memory_space<vmem>>[vector<16xi32>, vector<16xi32>], vector<16xf32>,
        %sub3A_625 = arith.subf %gather3A_621, %gather3A_622 : vector<16xf32>
        %add3A_626 = arith.addf %sub3A_625, %gather3A_624 : vector<16xf32>
        %add3A_627 = arith.addf %add3A_607, %add3A_626 : vector<16xf32>
        %mul3A_628 = arith.mulf %add3A_626, %add3A_626 : vector<16xf32>
        %add3A_629 = arith.addf %add3A_609, %mul3A_628 : vector<16xf32>
        %mul3A_630 = arith.mulf %add3A_626, %gather3A_623 : vector<16xf32>
        %add3A_631 = arith.addf %add3A_611, %mul3A_630 : vector<16xf32>
        %mul3A_632 = arith.constant 8 : i32
        %mul3A_633 = arith.muli %scan3A_549, %mul3A_632 : i32
        %add3A_634 = arith.constant 4 : i32
        %add3A_635 = arith.addi %mul3A_633, %add3A_634 : i32
        %add3A_636 = vector.broadcast %add3A_635 : i32 to vector<16xi32>
        %add3A_637 = arith.addi %add3A_636, %iota3A : vector<16xi32>
        %and3A_638 = arith.constant 63 : i32
        %and3A_639 = vector.broadcast %and3A_638 : i32 to vector<16xi32>
        %and3A_640 = arith.andi %add3A_637, %and3A_639 : vector<16xi32>
        %gather3A_641 = tpu.vector_load_idx %arg19[%broadcast_in_dim3A_205, %add3A_483, %and3A_640] : memref<2x128x64xf32, #tpu.memory_space<vmem>>[vector<16xi32>, vector<16xi32>, vector<16xi32>], vector<16xf32>,
        %gather3A_642 = tpu.vector_load_idx %arg20[%broadcast_in_dim3A_205, %add3A_483, %and3A_640] : memref<2x128x64xf32, #tpu.memory_space<vmem>>[vector<16xi32>, vector<16xi32>, vector<16xi32>], vector<16xf32>,
        %gather3A_643 = tpu.vector_load_idx %arg22[%get3A_479, %and3A_640] : memref<6x64xf32, #tpu.memory_space<vmem>>[vector<16xi32>, vector<16xi32>], vector<16xf32>,
        %gather3A_644 = tpu.vector_load_idx %arg23[%get3A_479, %and3A_640] : memref<6x64xf32, #tpu.memory_space<vmem>>[vector<16xi32>, vector<16xi32>], vector<16xf32>,
        %sub3A_645 = arith.subf %gather3A_641, %gather3A_642 : vector<16xf32>
        %add3A_646 = arith.addf %sub3A_645, %gather3A_644 : vector<16xf32>
        %add3A_647 = arith.addf %add3A_627, %add3A_646 : vector<16xf32>
        %mul3A_648 = arith.mulf %add3A_646, %add3A_646 : vector<16xf32>
        %add3A_649 = arith.addf %add3A_629, %mul3A_648 : vector<16xf32>
        %mul3A_650 = arith.mulf %add3A_646, %gather3A_643 : vector<16xf32>
        %add3A_651 = arith.addf %add3A_631, %mul3A_650 : vector<16xf32>
        %mul3A_652 = arith.constant 8 : i32
        %mul3A_653 = arith.muli %scan3A_549, %mul3A_652 : i32
        %add3A_654 = arith.constant 5 : i32
        %add3A_655 = arith.addi %mul3A_653, %add3A_654 : i32
        %add3A_656 = vector.broadcast %add3A_655 : i32 to vector<16xi32>
        %add3A_657 = arith.addi %add3A_656, %iota3A : vector<16xi32>
        %and3A_658 = arith.constant 63 : i32
        %and3A_659 = vector.broadcast %and3A_658 : i32 to vector<16xi32>
        %and3A_660 = arith.andi %add3A_657, %and3A_659 : vector<16xi32>
        %gather3A_661 = tpu.vector_load_idx %arg19[%broadcast_in_dim3A_205, %add3A_483, %and3A_660] : memref<2x128x64xf32, #tpu.memory_space<vmem>>[vector<16xi32>, vector<16xi32>, vector<16xi32>], vector<16xf32>,
        %gather3A_662 = tpu.vector_load_idx %arg20[%broadcast_in_dim3A_205, %add3A_483, %and3A_660] : memref<2x128x64xf32, #tpu.memory_space<vmem>>[vector<16xi32>, vector<16xi32>, vector<16xi32>], vector<16xf32>,
        %gather3A_663 = tpu.vector_load_idx %arg22[%get3A_479, %and3A_660] : memref<6x64xf32, #tpu.memory_space<vmem>>[vector<16xi32>, vector<16xi32>], vector<16xf32>,
        %gather3A_664 = tpu.vector_load_idx %arg23[%get3A_479, %and3A_660] : memref<6x64xf32, #tpu.memory_space<vmem>>[vector<16xi32>, vector<16xi32>], vector<16xf32>,
        %sub3A_665 = arith.subf %gather3A_661, %gather3A_662 : vector<16xf32>
        %add3A_666 = arith.addf %sub3A_665, %gather3A_664 : vector<16xf32>
        %add3A_667 = arith.addf %add3A_647, %add3A_666 : vector<16xf32>
        %mul3A_668 = arith.mulf %add3A_666, %add3A_666 : vector<16xf32>
        %add3A_669 = arith.addf %add3A_649, %mul3A_668 : vector<16xf32>
        %mul3A_670 = arith.mulf %add3A_666, %gather3A_663 : vector<16xf32>
        %add3A_671 = arith.addf %add3A_651, %mul3A_670 : vector<16xf32>
        %mul3A_672 = arith.constant 8 : i32
        %mul3A_673 = arith.muli %scan3A_549, %mul3A_672 : i32
        %add3A_674 = arith.constant 6 : i32
        %add3A_675 = arith.addi %mul3A_673, %add3A_674 : i32
        %add3A_676 = vector.broadcast %add3A_675 : i32 to vector<16xi32>
        %add3A_677 = arith.addi %add3A_676, %iota3A : vector<16xi32>
        %and3A_678 = arith.constant 63 : i32
        %and3A_679 = vector.broadcast %and3A_678 : i32 to vector<16xi32>
        %and3A_680 = arith.andi %add3A_677, %and3A_679 : vector<16xi32>
        %gather3A_681 = tpu.vector_load_idx %arg19[%broadcast_in_dim3A_205, %add3A_483, %and3A_680] : memref<2x128x64xf32, #tpu.memory_space<vmem>>[vector<16xi32>, vector<16xi32>, vector<16xi32>], vector<16xf32>,
        %gather3A_682 = tpu.vector_load_idx %arg20[%broadcast_in_dim3A_205, %add3A_483, %and3A_680] : memref<2x128x64xf32, #tpu.memory_space<vmem>>[vector<16xi32>, vector<16xi32>, vector<16xi32>], vector<16xf32>,
        %gather3A_683 = tpu.vector_load_idx %arg22[%get3A_479, %and3A_680] : memref<6x64xf32, #tpu.memory_space<vmem>>[vector<16xi32>, vector<16xi32>], vector<16xf32>,
        %gather3A_684 = tpu.vector_load_idx %arg23[%get3A_479, %and3A_680] : memref<6x64xf32, #tpu.memory_space<vmem>>[vector<16xi32>, vector<16xi32>], vector<16xf32>,
        %sub3A_685 = arith.subf %gather3A_681, %gather3A_682 : vector<16xf32>
        %add3A_686 = arith.addf %sub3A_685, %gather3A_684 : vector<16xf32>
        %add3A_687 = arith.addf %add3A_667, %add3A_686 : vector<16xf32>
        %mul3A_688 = arith.mulf %add3A_686, %add3A_686 : vector<16xf32>
        %add3A_689 = arith.addf %add3A_669, %mul3A_688 : vector<16xf32>
        %mul3A_690 = arith.mulf %add3A_686, %gather3A_683 : vector<16xf32>
        %add3A_691 = arith.addf %add3A_671, %mul3A_690 : vector<16xf32>
        %mul3A_692 = arith.constant 8 : i32
        %mul3A_693 = arith.muli %scan3A_549, %mul3A_692 : i32
        %add3A_694 = arith.constant 7 : i32
        %add3A_695 = arith.addi %mul3A_693, %add3A_694 : i32
        %add3A_696 = vector.broadcast %add3A_695 : i32 to vector<16xi32>
        %add3A_697 = arith.addi %add3A_696, %iota3A : vector<16xi32>
        %and3A_698 = arith.constant 63 : i32
        %and3A_699 = vector.broadcast %and3A_698 : i32 to vector<16xi32>
        %and3A_700 = arith.andi %add3A_697, %and3A_699 : vector<16xi32>
        %gather3A_701 = tpu.vector_load_idx %arg19[%broadcast_in_dim3A_205, %add3A_483, %and3A_700] : memref<2x128x64xf32, #tpu.memory_space<vmem>>[vector<16xi32>, vector<16xi32>, vector<16xi32>], vector<16xf32>,
        %gather3A_702 = tpu.vector_load_idx %arg20[%broadcast_in_dim3A_205, %add3A_483, %and3A_700] : memref<2x128x64xf32, #tpu.memory_space<vmem>>[vector<16xi32>, vector<16xi32>, vector<16xi32>], vector<16xf32>,
        %gather3A_703 = tpu.vector_load_idx %arg22[%get3A_479, %and3A_700] : memref<6x64xf32, #tpu.memory_space<vmem>>[vector<16xi32>, vector<16xi32>], vector<16xf32>,
        %gather3A_704 = tpu.vector_load_idx %arg23[%get3A_479, %and3A_700] : memref<6x64xf32, #tpu.memory_space<vmem>>[vector<16xi32>, vector<16xi32>], vector<16xf32>,
        %sub3A_705 = arith.subf %gather3A_701, %gather3A_702 : vector<16xf32>
        %add3A_706 = arith.addf %sub3A_705, %gather3A_704 : vector<16xf32>
        %add3A_707 = arith.addf %add3A_687, %add3A_706 : vector<16xf32>
        %mul3A_708 = arith.mulf %add3A_706, %add3A_706 : vector<16xf32>
        %add3A_709 = arith.addf %add3A_689, %mul3A_708 : vector<16xf32>
        %mul3A_710 = arith.mulf %add3A_706, %gather3A_703 : vector<16xf32>
        %add3A_711 = arith.addf %add3A_691, %mul3A_710 : vector<16xf32>
        scf.yield %add3A_707, %add3A_709, %add3A_711 : vector<16xf32>, vector<16xf32>, vector<16xf32>
      }
      %scan3A_489 = arith.constant 8 : i32
      %gather3A = tpu.vector_load_idx %arg24[%get3A_479] : memref<16xf32, #tpu.memory_space<vmem>>[vector<16xi32>], vector<16xf32>,
      %sub3A = arith.subf %scan3A_488#2, %gather3A : vector<16xf32>
      %gather3A_490 = tpu.vector_load_idx %arg25[%get3A_479] : memref<16xf32, #tpu.memory_space<vmem>>[vector<16xi32>], vector<16xf32>,
      %mul3A_491 = arith.constant 2.000000e+00 : f32
      %mul3A_492 = vector.broadcast %mul3A_491 : f32 to vector<16xf32>
      %mul3A_493 = arith.mulf %mul3A_492, %sub3A : vector<16xf32>
      %mul3A_494 = arith.mulf %mul3A_493, %scan3A_488#2 : vector<16xf32>
      %sub3A_495 = arith.subf %scan3A_488#1, %mul3A_494 : vector<16xf32>
      %mul3A_496 = arith.mulf %sub3A, %sub3A : vector<16xf32>
      %add3A_497 = arith.addf %sub3A_495, %mul3A_496 : vector<16xf32>
      %mul3A_498 = arith.mulf %sub3A, %gather3A_490 : vector<16xf32>
      %sub3A_499 = arith.subf %scan3A_488#0, %mul3A_498 : vector<16xf32>
      %mul3A_500 = arith.constant 2.000000e-06 : f32
      %mul3A_501 = vector.broadcast %mul3A_500 : f32 to vector<16xf32>
      %mul3A_502 = arith.mulf %mul3A_501, %sub3A_499 : vector<16xf32>
      %add3A_503 = arith.addf %add3A_497, %mul3A_502 : vector<16xf32>
      %add3A_504 = arith.constant 6.400000e-11 : f32
      %add3A_505 = vector.broadcast %add3A_504 : f32 to vector<16xf32>
      %add3A_506 = arith.addf %add3A_503, %add3A_505 : vector<16xf32>
      %max3A = arith.constant 1.000000e-24 : f32
      %max3A_507 = vector.broadcast %max3A : f32 to vector<16xf32>
      %max3A_508 = arith.maximumf %add3A_506, %max3A_507 : vector<16xf32>
      %bitcast3A = vector.bitcast %max3A_508 : vector<16xf32> to vector<16xi32>
      %shift_right_arithmetic3A = arith.constant 1 : i32
      %shift_right_arithmetic3A_509 = vector.broadcast %shift_right_arithmetic3A : i32 to vector<16xi32>
      %shift_right_arithmetic3A_510 = arith.shrsi %bitcast3A, %shift_right_arithmetic3A_509 : vector<16xi32>
      %sub3A_511 = arith.constant 1597463007 : i32
      %sub3A_512 = vector.broadcast %sub3A_511 : i32 to vector<16xi32>
      %sub3A_513 = arith.subi %sub3A_512, %shift_right_arithmetic3A_510 : vector<16xi32>
      %bitcast3A_514 = vector.bitcast %sub3A_513 : vector<16xi32> to vector<16xf32>
      %mul3A_515 = arith.constant 5.000000e-01 : f32
      %mul3A_516 = vector.broadcast %mul3A_515 : f32 to vector<16xf32>
      %mul3A_517 = arith.mulf %mul3A_516, %max3A_508 : vector<16xf32>
      %mul3A_518 = arith.mulf %mul3A_517, %bitcast3A_514 : vector<16xf32>
      %mul3A_519 = arith.mulf %mul3A_518, %bitcast3A_514 : vector<16xf32>
      %sub3A_520 = arith.constant 1.500000e+00 : f32
      %sub3A_521 = vector.broadcast %sub3A_520 : f32 to vector<16xf32>
      %sub3A_522 = arith.subf %sub3A_521, %mul3A_519 : vector<16xf32>
      %mul3A_523 = arith.mulf %bitcast3A_514, %sub3A_522 : vector<16xf32>
      %mul3A_524 = arith.constant 5.000000e-01 : f32
      %mul3A_525 = vector.broadcast %mul3A_524 : f32 to vector<16xf32>
      %mul3A_526 = arith.mulf %mul3A_525, %max3A_508 : vector<16xf32>
      %mul3A_527 = arith.mulf %mul3A_526, %mul3A_523 : vector<16xf32>
      %mul3A_528 = arith.mulf %mul3A_527, %mul3A_523 : vector<16xf32>
      %sub3A_529 = arith.constant 1.500000e+00 : f32
      %sub3A_530 = vector.broadcast %sub3A_529 : f32 to vector<16xf32>
      %sub3A_531 = arith.subf %sub3A_530, %mul3A_528 : vector<16xf32>
      %mul3A_532 = arith.mulf %mul3A_523, %sub3A_531 : vector<16xf32>
      %mul3A_533 = arith.constant 5.000000e-01 : f32
      %mul3A_534 = vector.broadcast %mul3A_533 : f32 to vector<16xf32>
      %mul3A_535 = arith.mulf %mul3A_534, %max3A_508 : vector<16xf32>
      %mul3A_536 = arith.mulf %mul3A_535, %mul3A_532 : vector<16xf32>
      %mul3A_537 = arith.mulf %mul3A_536, %mul3A_532 : vector<16xf32>
      %sub3A_538 = arith.constant 1.500000e+00 : f32
      %sub3A_539 = vector.broadcast %sub3A_538 : f32 to vector<16xf32>
      %sub3A_540 = arith.subf %sub3A_539, %mul3A_537 : vector<16xf32>
      %mul3A_541 = arith.mulf %mul3A_532, %sub3A_540 : vector<16xf32>
      %mul3A_542 = arith.mulf %max3A_508, %mul3A_541 : vector<16xf32>
      %mul3A_543 = arith.constant 16 : i32
      %mul3A_544 = arith.muli %scan3A_474, %mul3A_543 : i32
      %add3A_545 = arith.constant 256 : i32
      %add3A_546 = arith.addi %add3A_545, %mul3A_544 : i32
      %swap3A_547 = arith.index_cast %add3A_546 : i32 to index
      %swap3A_548 = tpu.vector_load %arg21[%swap3A_547] {strides = array<i32>} : memref<512xf32, #tpu.memory_space<vmem>>, vector<16xf32>,
      tpu.vector_store %arg21[%swap3A_547], %mul3A_542 {strides = array<i32>} : memref<512xf32, #tpu.memory_space<vmem>>, vector<16xf32>,
    }
    %scan3A_210 = arith.constant 8 : i32
    %dma_start3A_211 = arith.constant 0 : i32
    %dma_start3A_212 = arith.constant 0 : i32
    %dma_start3A_213 = arith.constant 0 : i32
    %dma_start3A_214 = arith.constant 0 : i32
    %dma_start3A_215 = tpu.memref_slice %arg19[%dma_start3A_212, %dma_start3A_213, %dma_start3A_214] : memref<2x128x64xf32, #tpu.memory_space<vmem>> -> memref<1x128x64xf32, #tpu.memory_space<vmem>>
    %dma_start3A_216 = tpu.memref_squeeze %dma_start3A_215 : memref<1x128x64xf32, #tpu.memory_space<vmem>> -> memref<128x64xf32, #tpu.memory_space<vmem>>
    %dma_start3A_217 = arith.constant 0 : i32
    %dma_start3A_218 = tpu.memref_slice %arg16[%dma_start3A_211, %dma_start3A_217] : memref<4x128xi32, #tpu.memory_space<vmem>> -> memref<1x128xi32, #tpu.memory_space<vmem>>
    %dma_start3A_219 = tpu.memref_squeeze %dma_start3A_218 : memref<1x128xi32, #tpu.memory_space<vmem>> -> memref<128xi32, #tpu.memory_space<vmem>>
    %dma_start3A_220 = arith.constant 0 : i32
    %dma_start3A_221 = arith.constant 0 : i32
    %dma_start3A_222 = tpu.memref_slice %arg8[%dma_start3A_220, %dma_start3A_221] : memref<100000x64xf32, #tpu.memory_space<hbm>> -> memref<100000x64xf32, #tpu.memory_space<hbm>>
    tpu.enqueue_indirect_dma source(%dma_start3A_222 : memref<100000x64xf32, #tpu.memory_space<hbm>>) target(%dma_start3A_216 : memref<128x64xf32, #tpu.memory_space<vmem>>) offsets(%dma_start3A_219 : memref<128xi32, #tpu.memory_space<vmem>>) semaphore(%arg27 : memref<!tpu.dma_semaphore, #tpu.memory_space<semaphore_mem>>)
    %dma_start3A_223 = arith.constant 0 : i32
    %dma_start3A_224 = arith.constant 0 : i32
    %dma_start3A_225 = arith.constant 0 : i32
    %dma_start3A_226 = arith.constant 0 : i32
    %dma_start3A_227 = tpu.memref_slice %arg20[%dma_start3A_224, %dma_start3A_225, %dma_start3A_226] : memref<2x128x64xf32, #tpu.memory_space<vmem>> -> memref<1x128x64xf32, #tpu.memory_space<vmem>>
    %dma_start3A_228 = tpu.memref_squeeze %dma_start3A_227 : memref<1x128x64xf32, #tpu.memory_space<vmem>> -> memref<128x64xf32, #tpu.memory_space<vmem>>
    %dma_start3A_229 = arith.constant 0 : i32
    %dma_start3A_230 = tpu.memref_slice %arg17[%dma_start3A_223, %dma_start3A_229] : memref<4x128xi32, #tpu.memory_space<vmem>> -> memref<1x128xi32, #tpu.memory_space<vmem>>
    %dma_start3A_231 = tpu.memref_squeeze %dma_start3A_230 : memref<1x128xi32, #tpu.memory_space<vmem>> -> memref<128xi32, #tpu.memory_space<vmem>>
    %dma_start3A_232 = arith.constant 0 : i32
    %dma_start3A_233 = arith.constant 0 : i32
    %dma_start3A_234 = tpu.memref_slice %arg9[%dma_start3A_232, %dma_start3A_233] : memref<100000x64xf32, #tpu.memory_space<hbm>> -> memref<100000x64xf32, #tpu.memory_space<hbm>>
    tpu.enqueue_indirect_dma source(%dma_start3A_234 : memref<100000x64xf32, #tpu.memory_space<hbm>>) target(%dma_start3A_228 : memref<128x64xf32, #tpu.memory_space<vmem>>) offsets(%dma_start3A_231 : memref<128xi32, #tpu.memory_space<vmem>>) semaphore(%arg27 : memref<!tpu.dma_semaphore, #tpu.memory_space<semaphore_mem>>)
    %dma_wait3A_235 = arith.constant 3 : i32
    %dma_wait3A_236 = arith.constant 1 : i32
    %dma_wait3A_237 = arith.constant 0 : i32
    %dma_wait3A_238 = arith.constant 0 : i32
    %dma_wait3A_239 = tpu.memref_slice %arg19[%dma_wait3A_236, %dma_wait3A_237, %dma_wait3A_238] : memref<2x128x64xf32, #tpu.memory_space<vmem>> -> memref<1x128x64xf32, #tpu.memory_space<vmem>>
    %dma_wait3A_240 = tpu.memref_squeeze %dma_wait3A_239 : memref<1x128x64xf32, #tpu.memory_space<vmem>> -> memref<128x64xf32, #tpu.memory_space<vmem>>
    %dma_wait3A_241 = arith.constant 0 : i32
    %dma_wait3A_242 = tpu.memref_slice %arg13[%dma_wait3A_235, %dma_wait3A_241] : memref<4x128xi32, #tpu.memory_space<vmem>> -> memref<1x128xi32, #tpu.memory_space<vmem>>
    %dma_wait3A_243 = tpu.memref_squeeze %dma_wait3A_242 : memref<1x128xi32, #tpu.memory_space<vmem>> -> memref<128xi32, #tpu.memory_space<vmem>>
    %dma_wait3A_244 = arith.constant 0 : i32
    %dma_wait3A_245 = arith.constant 0 : i32
    %dma_wait3A_246 = tpu.memref_slice %arg8[%dma_wait3A_244, %dma_wait3A_245] : memref<100000x64xf32, #tpu.memory_space<hbm>> -> memref<100000x64xf32, #tpu.memory_space<hbm>>
    tpu.wait_indirect_dma semaphore(%arg28 : memref<!tpu.dma_semaphore, #tpu.memory_space<semaphore_mem>>) src(%dma_wait3A_246 : memref<100000x64xf32, #tpu.memory_space<hbm>>) dst(%dma_wait3A_240 : memref<128x64xf32, #tpu.memory_space<vmem>>)
    %dma_wait3A_247 = arith.constant 3 : i32
    %dma_wait3A_248 = arith.constant 1 : i32
    %dma_wait3A_249 = arith.constant 0 : i32
    %dma_wait3A_250 = arith.constant 0 : i32
    %dma_wait3A_251 = tpu.memref_slice %arg20[%dma_wait3A_248, %dma_wait3A_249, %dma_wait3A_250] : memref<2x128x64xf32, #tpu.memory_space<vmem>> -> memref<1x128x64xf32, #tpu.memory_space<vmem>>
    %dma_wait3A_252 = tpu.memref_squeeze %dma_wait3A_251 : memref<1x128x64xf32, #tpu.memory_space<vmem>> -> memref<128x64xf32, #tpu.memory_space<vmem>>
    %dma_wait3A_253 = arith.constant 0 : i32
    %dma_wait3A_254 = tpu.memref_slice %arg14[%dma_wait3A_247, %dma_wait3A_253] : memref<4x128xi32, #tpu.memory_space<vmem>> -> memref<1x128xi32, #tpu.memory_space<vmem>>
    %dma_wait3A_255 = tpu.memref_squeeze %dma_wait3A_254 : memref<1x128xi32, #tpu.memory_space<vmem>> -> memref<128xi32, #tpu.memory_space<vmem>>
    %dma_wait3A_256 = arith.constant 0 : i32
    %dma_wait3A_257 = arith.constant 0 : i32
    %dma_wait3A_258 = tpu.memref_slice %arg9[%dma_wait3A_256, %dma_wait3A_257] : memref<100000x64xf32, #tpu.memory_space<hbm>> -> memref<100000x64xf32, #tpu.memory_space<hbm>>
    tpu.wait_indirect_dma semaphore(%arg28 : memref<!tpu.dma_semaphore, #tpu.memory_space<semaphore_mem>>) src(%dma_wait3A_258 : memref<100000x64xf32, #tpu.memory_space<hbm>>) dst(%dma_wait3A_252 : memref<128x64xf32, #tpu.memory_space<vmem>>)
    %broadcast_in_dim3A_259 = arith.constant 1 : i32
    %broadcast_in_dim3A_260 = vector.broadcast %broadcast_in_dim3A_259 : i32 to vector<16xi32>
    %scan3A_261 = arith.constant 0 : i32
    %scan3A_262 = arith.constant 8 : i32
    %scan3A_263 = arith.addi %scan3A_261, %scan3A_262 : i32
    %scan3A_264 = arith.constant 1 : i32
    scf.for %scan3A_474 = %scan3A_261 to %scan3A_263 step %scan3A_264  : i32 {
      %mul3A_475 = arith.constant 16 : i32
      %mul3A_476 = arith.muli %scan3A_474, %mul3A_475 : i32
      %get3A = arith.constant 3 : i32
      %get3A_477 = arith.index_cast %get3A : i32 to index
      %get3A_478 = arith.index_cast %mul3A_476 : i32 to index
      %get3A_479 = tpu.vector_load %arg15[%get3A_477, %get3A_478] {strides = array<i32>} : memref<4x128xi32, #tpu.memory_space<vmem>>, vector<16xi32>,
      %mul3A_480 = arith.constant 16 : i32
      %mul3A_481 = arith.muli %scan3A_474, %mul3A_480 : i32
      %add3A_482 = vector.broadcast %mul3A_481 : i32 to vector<16xi32>
      %add3A_483 = arith.addi %add3A_482, %iota3A : vector<16xi32>
      %scan3A_484 = arith.constant 0 : i32
      %scan3A_485 = arith.constant 8 : i32
      %scan3A_486 = arith.addi %scan3A_484, %scan3A_485 : i32
      %scan3A_487 = arith.constant 1 : i32
      %scan3A_488:3 = scf.for %scan3A_549 = %scan3A_484 to %scan3A_486 step %scan3A_487 iter_args(%scan3A_550 = %broadcast_in_dim3A_1, %scan3A_551 = %broadcast_in_dim3A_1, %scan3A_552 = %broadcast_in_dim3A_1) -> (vector<16xf32>, vector<16xf32>, vector<16xf32>)  : i32 {
        %mul3A_553 = arith.constant 8 : i32
        %mul3A_554 = arith.muli %scan3A_549, %mul3A_553 : i32
        %add3A_555 = arith.constant 0 : i32
        %add3A_556 = arith.addi %mul3A_554, %add3A_555 : i32
        %add3A_557 = vector.broadcast %add3A_556 : i32 to vector<16xi32>
        %add3A_558 = arith.addi %add3A_557, %iota3A : vector<16xi32>
        %and3A = arith.constant 63 : i32
        %and3A_559 = vector.broadcast %and3A : i32 to vector<16xi32>
        %and3A_560 = arith.andi %add3A_558, %and3A_559 : vector<16xi32>
        %gather3A_561 = tpu.vector_load_idx %arg19[%broadcast_in_dim3A_260, %add3A_483, %and3A_560] : memref<2x128x64xf32, #tpu.memory_space<vmem>>[vector<16xi32>, vector<16xi32>, vector<16xi32>], vector<16xf32>,
        %gather3A_562 = tpu.vector_load_idx %arg20[%broadcast_in_dim3A_260, %add3A_483, %and3A_560] : memref<2x128x64xf32, #tpu.memory_space<vmem>>[vector<16xi32>, vector<16xi32>, vector<16xi32>], vector<16xf32>,
        %gather3A_563 = tpu.vector_load_idx %arg22[%get3A_479, %and3A_560] : memref<6x64xf32, #tpu.memory_space<vmem>>[vector<16xi32>, vector<16xi32>], vector<16xf32>,
        %gather3A_564 = tpu.vector_load_idx %arg23[%get3A_479, %and3A_560] : memref<6x64xf32, #tpu.memory_space<vmem>>[vector<16xi32>, vector<16xi32>], vector<16xf32>,
        %sub3A_565 = arith.subf %gather3A_561, %gather3A_562 : vector<16xf32>
        %add3A_566 = arith.addf %sub3A_565, %gather3A_564 : vector<16xf32>
        %add3A_567 = arith.addf %scan3A_550, %add3A_566 : vector<16xf32>
        %mul3A_568 = arith.mulf %add3A_566, %add3A_566 : vector<16xf32>
        %add3A_569 = arith.addf %scan3A_551, %mul3A_568 : vector<16xf32>
        %mul3A_570 = arith.mulf %add3A_566, %gather3A_563 : vector<16xf32>
        %add3A_571 = arith.addf %scan3A_552, %mul3A_570 : vector<16xf32>
        %mul3A_572 = arith.constant 8 : i32
        %mul3A_573 = arith.muli %scan3A_549, %mul3A_572 : i32
        %add3A_574 = arith.constant 1 : i32
        %add3A_575 = arith.addi %mul3A_573, %add3A_574 : i32
        %add3A_576 = vector.broadcast %add3A_575 : i32 to vector<16xi32>
        %add3A_577 = arith.addi %add3A_576, %iota3A : vector<16xi32>
        %and3A_578 = arith.constant 63 : i32
        %and3A_579 = vector.broadcast %and3A_578 : i32 to vector<16xi32>
        %and3A_580 = arith.andi %add3A_577, %and3A_579 : vector<16xi32>
        %gather3A_581 = tpu.vector_load_idx %arg19[%broadcast_in_dim3A_260, %add3A_483, %and3A_580] : memref<2x128x64xf32, #tpu.memory_space<vmem>>[vector<16xi32>, vector<16xi32>, vector<16xi32>], vector<16xf32>,
        %gather3A_582 = tpu.vector_load_idx %arg20[%broadcast_in_dim3A_260, %add3A_483, %and3A_580] : memref<2x128x64xf32, #tpu.memory_space<vmem>>[vector<16xi32>, vector<16xi32>, vector<16xi32>], vector<16xf32>,
        %gather3A_583 = tpu.vector_load_idx %arg22[%get3A_479, %and3A_580] : memref<6x64xf32, #tpu.memory_space<vmem>>[vector<16xi32>, vector<16xi32>], vector<16xf32>,
        %gather3A_584 = tpu.vector_load_idx %arg23[%get3A_479, %and3A_580] : memref<6x64xf32, #tpu.memory_space<vmem>>[vector<16xi32>, vector<16xi32>], vector<16xf32>,
        %sub3A_585 = arith.subf %gather3A_581, %gather3A_582 : vector<16xf32>
        %add3A_586 = arith.addf %sub3A_585, %gather3A_584 : vector<16xf32>
        %add3A_587 = arith.addf %add3A_567, %add3A_586 : vector<16xf32>
        %mul3A_588 = arith.mulf %add3A_586, %add3A_586 : vector<16xf32>
        %add3A_589 = arith.addf %add3A_569, %mul3A_588 : vector<16xf32>
        %mul3A_590 = arith.mulf %add3A_586, %gather3A_583 : vector<16xf32>
        %add3A_591 = arith.addf %add3A_571, %mul3A_590 : vector<16xf32>
        %mul3A_592 = arith.constant 8 : i32
        %mul3A_593 = arith.muli %scan3A_549, %mul3A_592 : i32
        %add3A_594 = arith.constant 2 : i32
        %add3A_595 = arith.addi %mul3A_593, %add3A_594 : i32
        %add3A_596 = vector.broadcast %add3A_595 : i32 to vector<16xi32>
        %add3A_597 = arith.addi %add3A_596, %iota3A : vector<16xi32>
        %and3A_598 = arith.constant 63 : i32
        %and3A_599 = vector.broadcast %and3A_598 : i32 to vector<16xi32>
        %and3A_600 = arith.andi %add3A_597, %and3A_599 : vector<16xi32>
        %gather3A_601 = tpu.vector_load_idx %arg19[%broadcast_in_dim3A_260, %add3A_483, %and3A_600] : memref<2x128x64xf32, #tpu.memory_space<vmem>>[vector<16xi32>, vector<16xi32>, vector<16xi32>], vector<16xf32>,
        %gather3A_602 = tpu.vector_load_idx %arg20[%broadcast_in_dim3A_260, %add3A_483, %and3A_600] : memref<2x128x64xf32, #tpu.memory_space<vmem>>[vector<16xi32>, vector<16xi32>, vector<16xi32>], vector<16xf32>,
        %gather3A_603 = tpu.vector_load_idx %arg22[%get3A_479, %and3A_600] : memref<6x64xf32, #tpu.memory_space<vmem>>[vector<16xi32>, vector<16xi32>], vector<16xf32>,
        %gather3A_604 = tpu.vector_load_idx %arg23[%get3A_479, %and3A_600] : memref<6x64xf32, #tpu.memory_space<vmem>>[vector<16xi32>, vector<16xi32>], vector<16xf32>,
        %sub3A_605 = arith.subf %gather3A_601, %gather3A_602 : vector<16xf32>
        %add3A_606 = arith.addf %sub3A_605, %gather3A_604 : vector<16xf32>
        %add3A_607 = arith.addf %add3A_587, %add3A_606 : vector<16xf32>
        %mul3A_608 = arith.mulf %add3A_606, %add3A_606 : vector<16xf32>
        %add3A_609 = arith.addf %add3A_589, %mul3A_608 : vector<16xf32>
        %mul3A_610 = arith.mulf %add3A_606, %gather3A_603 : vector<16xf32>
        %add3A_611 = arith.addf %add3A_591, %mul3A_610 : vector<16xf32>
        %mul3A_612 = arith.constant 8 : i32
        %mul3A_613 = arith.muli %scan3A_549, %mul3A_612 : i32
        %add3A_614 = arith.constant 3 : i32
        %add3A_615 = arith.addi %mul3A_613, %add3A_614 : i32
        %add3A_616 = vector.broadcast %add3A_615 : i32 to vector<16xi32>
        %add3A_617 = arith.addi %add3A_616, %iota3A : vector<16xi32>
        %and3A_618 = arith.constant 63 : i32
        %and3A_619 = vector.broadcast %and3A_618 : i32 to vector<16xi32>
        %and3A_620 = arith.andi %add3A_617, %and3A_619 : vector<16xi32>
        %gather3A_621 = tpu.vector_load_idx %arg19[%broadcast_in_dim3A_260, %add3A_483, %and3A_620] : memref<2x128x64xf32, #tpu.memory_space<vmem>>[vector<16xi32>, vector<16xi32>, vector<16xi32>], vector<16xf32>,
        %gather3A_622 = tpu.vector_load_idx %arg20[%broadcast_in_dim3A_260, %add3A_483, %and3A_620] : memref<2x128x64xf32, #tpu.memory_space<vmem>>[vector<16xi32>, vector<16xi32>, vector<16xi32>], vector<16xf32>,
        %gather3A_623 = tpu.vector_load_idx %arg22[%get3A_479, %and3A_620] : memref<6x64xf32, #tpu.memory_space<vmem>>[vector<16xi32>, vector<16xi32>], vector<16xf32>,
        %gather3A_624 = tpu.vector_load_idx %arg23[%get3A_479, %and3A_620] : memref<6x64xf32, #tpu.memory_space<vmem>>[vector<16xi32>, vector<16xi32>], vector<16xf32>,
        %sub3A_625 = arith.subf %gather3A_621, %gather3A_622 : vector<16xf32>
        %add3A_626 = arith.addf %sub3A_625, %gather3A_624 : vector<16xf32>
        %add3A_627 = arith.addf %add3A_607, %add3A_626 : vector<16xf32>
        %mul3A_628 = arith.mulf %add3A_626, %add3A_626 : vector<16xf32>
        %add3A_629 = arith.addf %add3A_609, %mul3A_628 : vector<16xf32>
        %mul3A_630 = arith.mulf %add3A_626, %gather3A_623 : vector<16xf32>
        %add3A_631 = arith.addf %add3A_611, %mul3A_630 : vector<16xf32>
        %mul3A_632 = arith.constant 8 : i32
        %mul3A_633 = arith.muli %scan3A_549, %mul3A_632 : i32
        %add3A_634 = arith.constant 4 : i32
        %add3A_635 = arith.addi %mul3A_633, %add3A_634 : i32
        %add3A_636 = vector.broadcast %add3A_635 : i32 to vector<16xi32>
        %add3A_637 = arith.addi %add3A_636, %iota3A : vector<16xi32>
        %and3A_638 = arith.constant 63 : i32
        %and3A_639 = vector.broadcast %and3A_638 : i32 to vector<16xi32>
        %and3A_640 = arith.andi %add3A_637, %and3A_639 : vector<16xi32>
        %gather3A_641 = tpu.vector_load_idx %arg19[%broadcast_in_dim3A_260, %add3A_483, %and3A_640] : memref<2x128x64xf32, #tpu.memory_space<vmem>>[vector<16xi32>, vector<16xi32>, vector<16xi32>], vector<16xf32>,
        %gather3A_642 = tpu.vector_load_idx %arg20[%broadcast_in_dim3A_260, %add3A_483, %and3A_640] : memref<2x128x64xf32, #tpu.memory_space<vmem>>[vector<16xi32>, vector<16xi32>, vector<16xi32>], vector<16xf32>,
        %gather3A_643 = tpu.vector_load_idx %arg22[%get3A_479, %and3A_640] : memref<6x64xf32, #tpu.memory_space<vmem>>[vector<16xi32>, vector<16xi32>], vector<16xf32>,
        %gather3A_644 = tpu.vector_load_idx %arg23[%get3A_479, %and3A_640] : memref<6x64xf32, #tpu.memory_space<vmem>>[vector<16xi32>, vector<16xi32>], vector<16xf32>,
        %sub3A_645 = arith.subf %gather3A_641, %gather3A_642 : vector<16xf32>
        %add3A_646 = arith.addf %sub3A_645, %gather3A_644 : vector<16xf32>
        %add3A_647 = arith.addf %add3A_627, %add3A_646 : vector<16xf32>
        %mul3A_648 = arith.mulf %add3A_646, %add3A_646 : vector<16xf32>
        %add3A_649 = arith.addf %add3A_629, %mul3A_648 : vector<16xf32>
        %mul3A_650 = arith.mulf %add3A_646, %gather3A_643 : vector<16xf32>
        %add3A_651 = arith.addf %add3A_631, %mul3A_650 : vector<16xf32>
        %mul3A_652 = arith.constant 8 : i32
        %mul3A_653 = arith.muli %scan3A_549, %mul3A_652 : i32
        %add3A_654 = arith.constant 5 : i32
        %add3A_655 = arith.addi %mul3A_653, %add3A_654 : i32
        %add3A_656 = vector.broadcast %add3A_655 : i32 to vector<16xi32>
        %add3A_657 = arith.addi %add3A_656, %iota3A : vector<16xi32>
        %and3A_658 = arith.constant 63 : i32
        %and3A_659 = vector.broadcast %and3A_658 : i32 to vector<16xi32>
        %and3A_660 = arith.andi %add3A_657, %and3A_659 : vector<16xi32>
        %gather3A_661 = tpu.vector_load_idx %arg19[%broadcast_in_dim3A_260, %add3A_483, %and3A_660] : memref<2x128x64xf32, #tpu.memory_space<vmem>>[vector<16xi32>, vector<16xi32>, vector<16xi32>], vector<16xf32>,
        %gather3A_662 = tpu.vector_load_idx %arg20[%broadcast_in_dim3A_260, %add3A_483, %and3A_660] : memref<2x128x64xf32, #tpu.memory_space<vmem>>[vector<16xi32>, vector<16xi32>, vector<16xi32>], vector<16xf32>,
        %gather3A_663 = tpu.vector_load_idx %arg22[%get3A_479, %and3A_660] : memref<6x64xf32, #tpu.memory_space<vmem>>[vector<16xi32>, vector<16xi32>], vector<16xf32>,
        %gather3A_664 = tpu.vector_load_idx %arg23[%get3A_479, %and3A_660] : memref<6x64xf32, #tpu.memory_space<vmem>>[vector<16xi32>, vector<16xi32>], vector<16xf32>,
        %sub3A_665 = arith.subf %gather3A_661, %gather3A_662 : vector<16xf32>
        %add3A_666 = arith.addf %sub3A_665, %gather3A_664 : vector<16xf32>
        %add3A_667 = arith.addf %add3A_647, %add3A_666 : vector<16xf32>
        %mul3A_668 = arith.mulf %add3A_666, %add3A_666 : vector<16xf32>
        %add3A_669 = arith.addf %add3A_649, %mul3A_668 : vector<16xf32>
        %mul3A_670 = arith.mulf %add3A_666, %gather3A_663 : vector<16xf32>
        %add3A_671 = arith.addf %add3A_651, %mul3A_670 : vector<16xf32>
        %mul3A_672 = arith.constant 8 : i32
        %mul3A_673 = arith.muli %scan3A_549, %mul3A_672 : i32
        %add3A_674 = arith.constant 6 : i32
        %add3A_675 = arith.addi %mul3A_673, %add3A_674 : i32
        %add3A_676 = vector.broadcast %add3A_675 : i32 to vector<16xi32>
        %add3A_677 = arith.addi %add3A_676, %iota3A : vector<16xi32>
        %and3A_678 = arith.constant 63 : i32
        %and3A_679 = vector.broadcast %and3A_678 : i32 to vector<16xi32>
        %and3A_680 = arith.andi %add3A_677, %and3A_679 : vector<16xi32>
        %gather3A_681 = tpu.vector_load_idx %arg19[%broadcast_in_dim3A_260, %add3A_483, %and3A_680] : memref<2x128x64xf32, #tpu.memory_space<vmem>>[vector<16xi32>, vector<16xi32>, vector<16xi32>], vector<16xf32>,
        %gather3A_682 = tpu.vector_load_idx %arg20[%broadcast_in_dim3A_260, %add3A_483, %and3A_680] : memref<2x128x64xf32, #tpu.memory_space<vmem>>[vector<16xi32>, vector<16xi32>, vector<16xi32>], vector<16xf32>,
        %gather3A_683 = tpu.vector_load_idx %arg22[%get3A_479, %and3A_680] : memref<6x64xf32, #tpu.memory_space<vmem>>[vector<16xi32>, vector<16xi32>], vector<16xf32>,
        %gather3A_684 = tpu.vector_load_idx %arg23[%get3A_479, %and3A_680] : memref<6x64xf32, #tpu.memory_space<vmem>>[vector<16xi32>, vector<16xi32>], vector<16xf32>,
        %sub3A_685 = arith.subf %gather3A_681, %gather3A_682 : vector<16xf32>
        %add3A_686 = arith.addf %sub3A_685, %gather3A_684 : vector<16xf32>
        %add3A_687 = arith.addf %add3A_667, %add3A_686 : vector<16xf32>
        %mul3A_688 = arith.mulf %add3A_686, %add3A_686 : vector<16xf32>
        %add3A_689 = arith.addf %add3A_669, %mul3A_688 : vector<16xf32>
        %mul3A_690 = arith.mulf %add3A_686, %gather3A_683 : vector<16xf32>
        %add3A_691 = arith.addf %add3A_671, %mul3A_690 : vector<16xf32>
        %mul3A_692 = arith.constant 8 : i32
        %mul3A_693 = arith.muli %scan3A_549, %mul3A_692 : i32
        %add3A_694 = arith.constant 7 : i32
        %add3A_695 = arith.addi %mul3A_693, %add3A_694 : i32
        %add3A_696 = vector.broadcast %add3A_695 : i32 to vector<16xi32>
        %add3A_697 = arith.addi %add3A_696, %iota3A : vector<16xi32>
        %and3A_698 = arith.constant 63 : i32
        %and3A_699 = vector.broadcast %and3A_698 : i32 to vector<16xi32>
        %and3A_700 = arith.andi %add3A_697, %and3A_699 : vector<16xi32>
        %gather3A_701 = tpu.vector_load_idx %arg19[%broadcast_in_dim3A_260, %add3A_483, %and3A_700] : memref<2x128x64xf32, #tpu.memory_space<vmem>>[vector<16xi32>, vector<16xi32>, vector<16xi32>], vector<16xf32>,
        %gather3A_702 = tpu.vector_load_idx %arg20[%broadcast_in_dim3A_260, %add3A_483, %and3A_700] : memref<2x128x64xf32, #tpu.memory_space<vmem>>[vector<16xi32>, vector<16xi32>, vector<16xi32>], vector<16xf32>,
        %gather3A_703 = tpu.vector_load_idx %arg22[%get3A_479, %and3A_700] : memref<6x64xf32, #tpu.memory_space<vmem>>[vector<16xi32>, vector<16xi32>], vector<16xf32>,
        %gather3A_704 = tpu.vector_load_idx %arg23[%get3A_479, %and3A_700] : memref<6x64xf32, #tpu.memory_space<vmem>>[vector<16xi32>, vector<16xi32>], vector<16xf32>,
        %sub3A_705 = arith.subf %gather3A_701, %gather3A_702 : vector<16xf32>
        %add3A_706 = arith.addf %sub3A_705, %gather3A_704 : vector<16xf32>
        %add3A_707 = arith.addf %add3A_687, %add3A_706 : vector<16xf32>
        %mul3A_708 = arith.mulf %add3A_706, %add3A_706 : vector<16xf32>
        %add3A_709 = arith.addf %add3A_689, %mul3A_708 : vector<16xf32>
        %mul3A_710 = arith.mulf %add3A_706, %gather3A_703 : vector<16xf32>
        %add3A_711 = arith.addf %add3A_691, %mul3A_710 : vector<16xf32>
        scf.yield %add3A_707, %add3A_709, %add3A_711 : vector<16xf32>, vector<16xf32>, vector<16xf32>
      }
      %scan3A_489 = arith.constant 8 : i32
      %gather3A = tpu.vector_load_idx %arg24[%get3A_479] : memref<16xf32, #tpu.memory_space<vmem>>[vector<16xi32>], vector<16xf32>,
      %sub3A = arith.subf %scan3A_488#2, %gather3A : vector<16xf32>
      %gather3A_490 = tpu.vector_load_idx %arg25[%get3A_479] : memref<16xf32, #tpu.memory_space<vmem>>[vector<16xi32>], vector<16xf32>,
      %mul3A_491 = arith.constant 2.000000e+00 : f32
      %mul3A_492 = vector.broadcast %mul3A_491 : f32 to vector<16xf32>
      %mul3A_493 = arith.mulf %mul3A_492, %sub3A : vector<16xf32>
      %mul3A_494 = arith.mulf %mul3A_493, %scan3A_488#2 : vector<16xf32>
      %sub3A_495 = arith.subf %scan3A_488#1, %mul3A_494 : vector<16xf32>
      %mul3A_496 = arith.mulf %sub3A, %sub3A : vector<16xf32>
      %add3A_497 = arith.addf %sub3A_495, %mul3A_496 : vector<16xf32>
      %mul3A_498 = arith.mulf %sub3A, %gather3A_490 : vector<16xf32>
      %sub3A_499 = arith.subf %scan3A_488#0, %mul3A_498 : vector<16xf32>
      %mul3A_500 = arith.constant 2.000000e-06 : f32
      %mul3A_501 = vector.broadcast %mul3A_500 : f32 to vector<16xf32>
      %mul3A_502 = arith.mulf %mul3A_501, %sub3A_499 : vector<16xf32>
      %add3A_503 = arith.addf %add3A_497, %mul3A_502 : vector<16xf32>
      %add3A_504 = arith.constant 6.400000e-11 : f32
      %add3A_505 = vector.broadcast %add3A_504 : f32 to vector<16xf32>
      %add3A_506 = arith.addf %add3A_503, %add3A_505 : vector<16xf32>
      %max3A = arith.constant 1.000000e-24 : f32
      %max3A_507 = vector.broadcast %max3A : f32 to vector<16xf32>
      %max3A_508 = arith.maximumf %add3A_506, %max3A_507 : vector<16xf32>
      %bitcast3A = vector.bitcast %max3A_508 : vector<16xf32> to vector<16xi32>
      %shift_right_arithmetic3A = arith.constant 1 : i32
      %shift_right_arithmetic3A_509 = vector.broadcast %shift_right_arithmetic3A : i32 to vector<16xi32>
      %shift_right_arithmetic3A_510 = arith.shrsi %bitcast3A, %shift_right_arithmetic3A_509 : vector<16xi32>
      %sub3A_511 = arith.constant 1597463007 : i32
      %sub3A_512 = vector.broadcast %sub3A_511 : i32 to vector<16xi32>
      %sub3A_513 = arith.subi %sub3A_512, %shift_right_arithmetic3A_510 : vector<16xi32>
      %bitcast3A_514 = vector.bitcast %sub3A_513 : vector<16xi32> to vector<16xf32>
      %mul3A_515 = arith.constant 5.000000e-01 : f32
      %mul3A_516 = vector.broadcast %mul3A_515 : f32 to vector<16xf32>
      %mul3A_517 = arith.mulf %mul3A_516, %max3A_508 : vector<16xf32>
      %mul3A_518 = arith.mulf %mul3A_517, %bitcast3A_514 : vector<16xf32>
      %mul3A_519 = arith.mulf %mul3A_518, %bitcast3A_514 : vector<16xf32>
      %sub3A_520 = arith.constant 1.500000e+00 : f32
      %sub3A_521 = vector.broadcast %sub3A_520 : f32 to vector<16xf32>
      %sub3A_522 = arith.subf %sub3A_521, %mul3A_519 : vector<16xf32>
      %mul3A_523 = arith.mulf %bitcast3A_514, %sub3A_522 : vector<16xf32>
      %mul3A_524 = arith.constant 5.000000e-01 : f32
      %mul3A_525 = vector.broadcast %mul3A_524 : f32 to vector<16xf32>
      %mul3A_526 = arith.mulf %mul3A_525, %max3A_508 : vector<16xf32>
      %mul3A_527 = arith.mulf %mul3A_526, %mul3A_523 : vector<16xf32>
      %mul3A_528 = arith.mulf %mul3A_527, %mul3A_523 : vector<16xf32>
      %sub3A_529 = arith.constant 1.500000e+00 : f32
      %sub3A_530 = vector.broadcast %sub3A_529 : f32 to vector<16xf32>
      %sub3A_531 = arith.subf %sub3A_530, %mul3A_528 : vector<16xf32>
      %mul3A_532 = arith.mulf %mul3A_523, %sub3A_531 : vector<16xf32>
      %mul3A_533 = arith.constant 5.000000e-01 : f32
      %mul3A_534 = vector.broadcast %mul3A_533 : f32 to vector<16xf32>
      %mul3A_535 = arith.mulf %mul3A_534, %max3A_508 : vector<16xf32>
      %mul3A_536 = arith.mulf %mul3A_535, %mul3A_532 : vector<16xf32>
      %mul3A_537 = arith.mulf %mul3A_536, %mul3A_532 : vector<16xf32>
      %sub3A_538 = arith.constant 1.500000e+00 : f32
      %sub3A_539 = vector.broadcast %sub3A_538 : f32 to vector<16xf32>
      %sub3A_540 = arith.subf %sub3A_539, %mul3A_537 : vector<16xf32>
      %mul3A_541 = arith.mulf %mul3A_532, %sub3A_540 : vector<16xf32>
      %mul3A_542 = arith.mulf %max3A_508, %mul3A_541 : vector<16xf32>
      %mul3A_543 = arith.constant 16 : i32
      %mul3A_544 = arith.muli %scan3A_474, %mul3A_543 : i32
      %add3A_545 = arith.constant 384 : i32
      %add3A_546 = arith.addi %add3A_545, %mul3A_544 : i32
      %swap3A_547 = arith.index_cast %add3A_546 : i32 to index
      %swap3A_548 = tpu.vector_load %arg21[%swap3A_547] {strides = array<i32>} : memref<512xf32, #tpu.memory_space<vmem>>, vector<16xf32>,
      tpu.vector_store %arg21[%swap3A_547], %mul3A_542 {strides = array<i32>} : memref<512xf32, #tpu.memory_space<vmem>>, vector<16xf32>,
    }
    %scan3A_265 = arith.constant 8 : i32
    %dma_start3A_266 = arith.constant 1 : i32
    %dma_start3A_267 = arith.constant 1 : i32
    %dma_start3A_268 = arith.constant 0 : i32
    %dma_start3A_269 = arith.constant 0 : i32
    %dma_start3A_270 = tpu.memref_slice %arg19[%dma_start3A_267, %dma_start3A_268, %dma_start3A_269] : memref<2x128x64xf32, #tpu.memory_space<vmem>> -> memref<1x128x64xf32, #tpu.memory_space<vmem>>
    %dma_start3A_271 = tpu.memref_squeeze %dma_start3A_270 : memref<1x128x64xf32, #tpu.memory_space<vmem>> -> memref<128x64xf32, #tpu.memory_space<vmem>>
    %dma_start3A_272 = arith.constant 0 : i32
    %dma_start3A_273 = tpu.memref_slice %arg16[%dma_start3A_266, %dma_start3A_272] : memref<4x128xi32, #tpu.memory_space<vmem>> -> memref<1x128xi32, #tpu.memory_space<vmem>>
    %dma_start3A_274 = tpu.memref_squeeze %dma_start3A_273 : memref<1x128xi32, #tpu.memory_space<vmem>> -> memref<128xi32, #tpu.memory_space<vmem>>
    %dma_start3A_275 = arith.constant 0 : i32
    %dma_start3A_276 = arith.constant 0 : i32
    %dma_start3A_277 = tpu.memref_slice %arg8[%dma_start3A_275, %dma_start3A_276] : memref<100000x64xf32, #tpu.memory_space<hbm>> -> memref<100000x64xf32, #tpu.memory_space<hbm>>
    tpu.enqueue_indirect_dma source(%dma_start3A_277 : memref<100000x64xf32, #tpu.memory_space<hbm>>) target(%dma_start3A_271 : memref<128x64xf32, #tpu.memory_space<vmem>>) offsets(%dma_start3A_274 : memref<128xi32, #tpu.memory_space<vmem>>) semaphore(%arg28 : memref<!tpu.dma_semaphore, #tpu.memory_space<semaphore_mem>>)
    %dma_start3A_278 = arith.constant 1 : i32
    %dma_start3A_279 = arith.constant 1 : i32
    %dma_start3A_280 = arith.constant 0 : i32
    %dma_start3A_281 = arith.constant 0 : i32
    %dma_start3A_282 = tpu.memref_slice %arg20[%dma_start3A_279, %dma_start3A_280, %dma_start3A_281] : memref<2x128x64xf32, #tpu.memory_space<vmem>> -> memref<1x128x64xf32, #tpu.memory_space<vmem>>
    %dma_start3A_283 = tpu.memref_squeeze %dma_start3A_282 : memref<1x128x64xf32, #tpu.memory_space<vmem>> -> memref<128x64xf32, #tpu.memory_space<vmem>>
    %dma_start3A_284 = arith.constant 0 : i32
    %dma_start3A_285 = tpu.memref_slice %arg17[%dma_start3A_278, %dma_start3A_284] : memref<4x128xi32, #tpu.memory_space<vmem>> -> memref<1x128xi32, #tpu.memory_space<vmem>>
    %dma_start3A_286 = tpu.memref_squeeze %dma_start3A_285 : memref<1x128xi32, #tpu.memory_space<vmem>> -> memref<128xi32, #tpu.memory_space<vmem>>
    %dma_start3A_287 = arith.constant 0 : i32
    %dma_start3A_288 = arith.constant 0 : i32
    %dma_start3A_289 = tpu.memref_slice %arg9[%dma_start3A_287, %dma_start3A_288] : memref<100000x64xf32, #tpu.memory_space<hbm>> -> memref<100000x64xf32, #tpu.memory_space<hbm>>
    tpu.enqueue_indirect_dma source(%dma_start3A_289 : memref<100000x64xf32, #tpu.memory_space<hbm>>) target(%dma_start3A_283 : memref<128x64xf32, #tpu.memory_space<vmem>>) offsets(%dma_start3A_286 : memref<128xi32, #tpu.memory_space<vmem>>) semaphore(%arg28 : memref<!tpu.dma_semaphore, #tpu.memory_space<semaphore_mem>>)
    %dma_wait3A_290 = arith.constant 0 : i32
    %dma_wait3A_291 = arith.constant 0 : i32
    %dma_wait3A_292 = arith.constant 0 : i32
    %dma_wait3A_293 = arith.constant 0 : i32
    %dma_wait3A_294 = tpu.memref_slice %arg19[%dma_wait3A_291, %dma_wait3A_292, %dma_wait3A_293] : memref<2x128x64xf32, #tpu.memory_space<vmem>> -> memref<1x128x64xf32, #tpu.memory_space<vmem>>
    %dma_wait3A_295 = tpu.memref_squeeze %dma_wait3A_294 : memref<1x128x64xf32, #tpu.memory_space<vmem>> -> memref<128x64xf32, #tpu.memory_space<vmem>>
    %dma_wait3A_296 = arith.constant 0 : i32
    %dma_wait3A_297 = tpu.memref_slice %arg16[%dma_wait3A_290, %dma_wait3A_296] : memref<4x128xi32, #tpu.memory_space<vmem>> -> memref<1x128xi32, #tpu.memory_space<vmem>>
    %dma_wait3A_298 = tpu.memref_squeeze %dma_wait3A_297 : memref<1x128xi32, #tpu.memory_space<vmem>> -> memref<128xi32, #tpu.memory_space<vmem>>
    %dma_wait3A_299 = arith.constant 0 : i32
    %dma_wait3A_300 = arith.constant 0 : i32
    %dma_wait3A_301 = tpu.memref_slice %arg8[%dma_wait3A_299, %dma_wait3A_300] : memref<100000x64xf32, #tpu.memory_space<hbm>> -> memref<100000x64xf32, #tpu.memory_space<hbm>>
    tpu.wait_indirect_dma semaphore(%arg27 : memref<!tpu.dma_semaphore, #tpu.memory_space<semaphore_mem>>) src(%dma_wait3A_301 : memref<100000x64xf32, #tpu.memory_space<hbm>>) dst(%dma_wait3A_295 : memref<128x64xf32, #tpu.memory_space<vmem>>)
    %dma_wait3A_302 = arith.constant 0 : i32
    %dma_wait3A_303 = arith.constant 0 : i32
    %dma_wait3A_304 = arith.constant 0 : i32
    %dma_wait3A_305 = arith.constant 0 : i32
    %dma_wait3A_306 = tpu.memref_slice %arg20[%dma_wait3A_303, %dma_wait3A_304, %dma_wait3A_305] : memref<2x128x64xf32, #tpu.memory_space<vmem>> -> memref<1x128x64xf32, #tpu.memory_space<vmem>>
    %dma_wait3A_307 = tpu.memref_squeeze %dma_wait3A_306 : memref<1x128x64xf32, #tpu.memory_space<vmem>> -> memref<128x64xf32, #tpu.memory_space<vmem>>
    %dma_wait3A_308 = arith.constant 0 : i32
    %dma_wait3A_309 = tpu.memref_slice %arg17[%dma_wait3A_302, %dma_wait3A_308] : memref<4x128xi32, #tpu.memory_space<vmem>> -> memref<1x128xi32, #tpu.memory_space<vmem>>
    %dma_wait3A_310 = tpu.memref_squeeze %dma_wait3A_309 : memref<1x128xi32, #tpu.memory_space<vmem>> -> memref<128xi32, #tpu.memory_space<vmem>>
    %dma_wait3A_311 = arith.constant 0 : i32
    %dma_wait3A_312 = arith.constant 0 : i32
    %dma_wait3A_313 = tpu.memref_slice %arg9[%dma_wait3A_311, %dma_wait3A_312] : memref<100000x64xf32, #tpu.memory_space<hbm>> -> memref<100000x64xf32, #tpu.memory_space<hbm>>
    tpu.wait_indirect_dma semaphore(%arg27 : memref<!tpu.dma_semaphore, #tpu.memory_space<semaphore_mem>>) src(%dma_wait3A_313 : memref<100000x64xf32, #tpu.memory_space<hbm>>) dst(%dma_wait3A_307 : memref<128x64xf32, #tpu.memory_space<vmem>>)
    %broadcast_in_dim3A_314 = arith.constant 0 : i32
    %broadcast_in_dim3A_315 = vector.broadcast %broadcast_in_dim3A_314 : i32 to vector<16xi32>
    %scan3A_316 = arith.constant 0 : i32
    %scan3A_317 = arith.constant 8 : i32
    %scan3A_318 = arith.addi %scan3A_316, %scan3A_317 : i32
    %scan3A_319 = arith.constant 1 : i32
    %scan3A_320 = scf.for %scan3A_474 = %scan3A_316 to %scan3A_318 step %scan3A_319 iter_args(%scan3A_475 = %broadcast_in_dim3A_1) -> (vector<16xf32>)  : i32 {
      %mul3A_476 = arith.constant 16 : i32
      %mul3A_477 = arith.muli %scan3A_474, %mul3A_476 : i32
      %get3A = arith.constant 0 : i32
      %get3A_478 = arith.index_cast %get3A : i32 to index
      %get3A_479 = arith.index_cast %mul3A_477 : i32 to index
      %get3A_480 = tpu.vector_load %arg18[%get3A_478, %get3A_479] {strides = array<i32>} : memref<4x128xi32, #tpu.memory_space<vmem>>, vector<16xi32>,
      %mul3A_481 = arith.constant 16 : i32
      %mul3A_482 = arith.muli %scan3A_474, %mul3A_481 : i32
      %add3A_483 = vector.broadcast %mul3A_482 : i32 to vector<16xi32>
      %add3A_484 = arith.addi %add3A_483, %iota3A : vector<16xi32>
      %scan3A_485 = arith.constant 0 : i32
      %scan3A_486 = arith.constant 8 : i32
      %scan3A_487 = arith.addi %scan3A_485, %scan3A_486 : i32
      %scan3A_488 = arith.constant 1 : i32
      %scan3A_489:3 = scf.for %scan3A_558 = %scan3A_485 to %scan3A_487 step %scan3A_488 iter_args(%scan3A_559 = %broadcast_in_dim3A_1, %scan3A_560 = %broadcast_in_dim3A_1, %scan3A_561 = %broadcast_in_dim3A_1) -> (vector<16xf32>, vector<16xf32>, vector<16xf32>)  : i32 {
        %mul3A_562 = arith.constant 8 : i32
        %mul3A_563 = arith.muli %scan3A_558, %mul3A_562 : i32
        %add3A_564 = arith.constant 0 : i32
        %add3A_565 = arith.addi %mul3A_563, %add3A_564 : i32
        %add3A_566 = vector.broadcast %add3A_565 : i32 to vector<16xi32>
        %add3A_567 = arith.addi %add3A_566, %iota3A : vector<16xi32>
        %and3A = arith.constant 63 : i32
        %and3A_568 = vector.broadcast %and3A : i32 to vector<16xi32>
        %and3A_569 = arith.andi %add3A_567, %and3A_568 : vector<16xi32>
        %gather3A_570 = tpu.vector_load_idx %arg19[%broadcast_in_dim3A_315, %add3A_484, %and3A_569] : memref<2x128x64xf32, #tpu.memory_space<vmem>>[vector<16xi32>, vector<16xi32>, vector<16xi32>], vector<16xf32>,
        %gather3A_571 = tpu.vector_load_idx %arg20[%broadcast_in_dim3A_315, %add3A_484, %and3A_569] : memref<2x128x64xf32, #tpu.memory_space<vmem>>[vector<16xi32>, vector<16xi32>, vector<16xi32>], vector<16xf32>,
        %gather3A_572 = tpu.vector_load_idx %arg22[%get3A_480, %and3A_569] : memref<6x64xf32, #tpu.memory_space<vmem>>[vector<16xi32>, vector<16xi32>], vector<16xf32>,
        %gather3A_573 = tpu.vector_load_idx %arg23[%get3A_480, %and3A_569] : memref<6x64xf32, #tpu.memory_space<vmem>>[vector<16xi32>, vector<16xi32>], vector<16xf32>,
        %sub3A_574 = arith.subf %gather3A_570, %gather3A_571 : vector<16xf32>
        %add3A_575 = arith.addf %sub3A_574, %gather3A_573 : vector<16xf32>
        %add3A_576 = arith.addf %scan3A_559, %add3A_575 : vector<16xf32>
        %mul3A_577 = arith.mulf %add3A_575, %add3A_575 : vector<16xf32>
        %add3A_578 = arith.addf %scan3A_560, %mul3A_577 : vector<16xf32>
        %mul3A_579 = arith.mulf %add3A_575, %gather3A_572 : vector<16xf32>
        %add3A_580 = arith.addf %scan3A_561, %mul3A_579 : vector<16xf32>
        %mul3A_581 = arith.constant 8 : i32
        %mul3A_582 = arith.muli %scan3A_558, %mul3A_581 : i32
        %add3A_583 = arith.constant 1 : i32
        %add3A_584 = arith.addi %mul3A_582, %add3A_583 : i32
        %add3A_585 = vector.broadcast %add3A_584 : i32 to vector<16xi32>
        %add3A_586 = arith.addi %add3A_585, %iota3A : vector<16xi32>
        %and3A_587 = arith.constant 63 : i32
        %and3A_588 = vector.broadcast %and3A_587 : i32 to vector<16xi32>
        %and3A_589 = arith.andi %add3A_586, %and3A_588 : vector<16xi32>
        %gather3A_590 = tpu.vector_load_idx %arg19[%broadcast_in_dim3A_315, %add3A_484, %and3A_589] : memref<2x128x64xf32, #tpu.memory_space<vmem>>[vector<16xi32>, vector<16xi32>, vector<16xi32>], vector<16xf32>,
        %gather3A_591 = tpu.vector_load_idx %arg20[%broadcast_in_dim3A_315, %add3A_484, %and3A_589] : memref<2x128x64xf32, #tpu.memory_space<vmem>>[vector<16xi32>, vector<16xi32>, vector<16xi32>], vector<16xf32>,
        %gather3A_592 = tpu.vector_load_idx %arg22[%get3A_480, %and3A_589] : memref<6x64xf32, #tpu.memory_space<vmem>>[vector<16xi32>, vector<16xi32>], vector<16xf32>,
        %gather3A_593 = tpu.vector_load_idx %arg23[%get3A_480, %and3A_589] : memref<6x64xf32, #tpu.memory_space<vmem>>[vector<16xi32>, vector<16xi32>], vector<16xf32>,
        %sub3A_594 = arith.subf %gather3A_590, %gather3A_591 : vector<16xf32>
        %add3A_595 = arith.addf %sub3A_594, %gather3A_593 : vector<16xf32>
        %add3A_596 = arith.addf %add3A_576, %add3A_595 : vector<16xf32>
        %mul3A_597 = arith.mulf %add3A_595, %add3A_595 : vector<16xf32>
        %add3A_598 = arith.addf %add3A_578, %mul3A_597 : vector<16xf32>
        %mul3A_599 = arith.mulf %add3A_595, %gather3A_592 : vector<16xf32>
        %add3A_600 = arith.addf %add3A_580, %mul3A_599 : vector<16xf32>
        %mul3A_601 = arith.constant 8 : i32
        %mul3A_602 = arith.muli %scan3A_558, %mul3A_601 : i32
        %add3A_603 = arith.constant 2 : i32
        %add3A_604 = arith.addi %mul3A_602, %add3A_603 : i32
        %add3A_605 = vector.broadcast %add3A_604 : i32 to vector<16xi32>
        %add3A_606 = arith.addi %add3A_605, %iota3A : vector<16xi32>
        %and3A_607 = arith.constant 63 : i32
        %and3A_608 = vector.broadcast %and3A_607 : i32 to vector<16xi32>
        %and3A_609 = arith.andi %add3A_606, %and3A_608 : vector<16xi32>
        %gather3A_610 = tpu.vector_load_idx %arg19[%broadcast_in_dim3A_315, %add3A_484, %and3A_609] : memref<2x128x64xf32, #tpu.memory_space<vmem>>[vector<16xi32>, vector<16xi32>, vector<16xi32>], vector<16xf32>,
        %gather3A_611 = tpu.vector_load_idx %arg20[%broadcast_in_dim3A_315, %add3A_484, %and3A_609] : memref<2x128x64xf32, #tpu.memory_space<vmem>>[vector<16xi32>, vector<16xi32>, vector<16xi32>], vector<16xf32>,
        %gather3A_612 = tpu.vector_load_idx %arg22[%get3A_480, %and3A_609] : memref<6x64xf32, #tpu.memory_space<vmem>>[vector<16xi32>, vector<16xi32>], vector<16xf32>,
        %gather3A_613 = tpu.vector_load_idx %arg23[%get3A_480, %and3A_609] : memref<6x64xf32, #tpu.memory_space<vmem>>[vector<16xi32>, vector<16xi32>], vector<16xf32>,
        %sub3A_614 = arith.subf %gather3A_610, %gather3A_611 : vector<16xf32>
        %add3A_615 = arith.addf %sub3A_614, %gather3A_613 : vector<16xf32>
        %add3A_616 = arith.addf %add3A_596, %add3A_615 : vector<16xf32>
        %mul3A_617 = arith.mulf %add3A_615, %add3A_615 : vector<16xf32>
        %add3A_618 = arith.addf %add3A_598, %mul3A_617 : vector<16xf32>
        %mul3A_619 = arith.mulf %add3A_615, %gather3A_612 : vector<16xf32>
        %add3A_620 = arith.addf %add3A_600, %mul3A_619 : vector<16xf32>
        %mul3A_621 = arith.constant 8 : i32
        %mul3A_622 = arith.muli %scan3A_558, %mul3A_621 : i32
        %add3A_623 = arith.constant 3 : i32
        %add3A_624 = arith.addi %mul3A_622, %add3A_623 : i32
        %add3A_625 = vector.broadcast %add3A_624 : i32 to vector<16xi32>
        %add3A_626 = arith.addi %add3A_625, %iota3A : vector<16xi32>
        %and3A_627 = arith.constant 63 : i32
        %and3A_628 = vector.broadcast %and3A_627 : i32 to vector<16xi32>
        %and3A_629 = arith.andi %add3A_626, %and3A_628 : vector<16xi32>
        %gather3A_630 = tpu.vector_load_idx %arg19[%broadcast_in_dim3A_315, %add3A_484, %and3A_629] : memref<2x128x64xf32, #tpu.memory_space<vmem>>[vector<16xi32>, vector<16xi32>, vector<16xi32>], vector<16xf32>,
        %gather3A_631 = tpu.vector_load_idx %arg20[%broadcast_in_dim3A_315, %add3A_484, %and3A_629] : memref<2x128x64xf32, #tpu.memory_space<vmem>>[vector<16xi32>, vector<16xi32>, vector<16xi32>], vector<16xf32>,
        %gather3A_632 = tpu.vector_load_idx %arg22[%get3A_480, %and3A_629] : memref<6x64xf32, #tpu.memory_space<vmem>>[vector<16xi32>, vector<16xi32>], vector<16xf32>,
        %gather3A_633 = tpu.vector_load_idx %arg23[%get3A_480, %and3A_629] : memref<6x64xf32, #tpu.memory_space<vmem>>[vector<16xi32>, vector<16xi32>], vector<16xf32>,
        %sub3A_634 = arith.subf %gather3A_630, %gather3A_631 : vector<16xf32>
        %add3A_635 = arith.addf %sub3A_634, %gather3A_633 : vector<16xf32>
        %add3A_636 = arith.addf %add3A_616, %add3A_635 : vector<16xf32>
        %mul3A_637 = arith.mulf %add3A_635, %add3A_635 : vector<16xf32>
        %add3A_638 = arith.addf %add3A_618, %mul3A_637 : vector<16xf32>
        %mul3A_639 = arith.mulf %add3A_635, %gather3A_632 : vector<16xf32>
        %add3A_640 = arith.addf %add3A_620, %mul3A_639 : vector<16xf32>
        %mul3A_641 = arith.constant 8 : i32
        %mul3A_642 = arith.muli %scan3A_558, %mul3A_641 : i32
        %add3A_643 = arith.constant 4 : i32
        %add3A_644 = arith.addi %mul3A_642, %add3A_643 : i32
        %add3A_645 = vector.broadcast %add3A_644 : i32 to vector<16xi32>
        %add3A_646 = arith.addi %add3A_645, %iota3A : vector<16xi32>
        %and3A_647 = arith.constant 63 : i32
        %and3A_648 = vector.broadcast %and3A_647 : i32 to vector<16xi32>
        %and3A_649 = arith.andi %add3A_646, %and3A_648 : vector<16xi32>
        %gather3A_650 = tpu.vector_load_idx %arg19[%broadcast_in_dim3A_315, %add3A_484, %and3A_649] : memref<2x128x64xf32, #tpu.memory_space<vmem>>[vector<16xi32>, vector<16xi32>, vector<16xi32>], vector<16xf32>,
        %gather3A_651 = tpu.vector_load_idx %arg20[%broadcast_in_dim3A_315, %add3A_484, %and3A_649] : memref<2x128x64xf32, #tpu.memory_space<vmem>>[vector<16xi32>, vector<16xi32>, vector<16xi32>], vector<16xf32>,
        %gather3A_652 = tpu.vector_load_idx %arg22[%get3A_480, %and3A_649] : memref<6x64xf32, #tpu.memory_space<vmem>>[vector<16xi32>, vector<16xi32>], vector<16xf32>,
        %gather3A_653 = tpu.vector_load_idx %arg23[%get3A_480, %and3A_649] : memref<6x64xf32, #tpu.memory_space<vmem>>[vector<16xi32>, vector<16xi32>], vector<16xf32>,
        %sub3A_654 = arith.subf %gather3A_650, %gather3A_651 : vector<16xf32>
        %add3A_655 = arith.addf %sub3A_654, %gather3A_653 : vector<16xf32>
        %add3A_656 = arith.addf %add3A_636, %add3A_655 : vector<16xf32>
        %mul3A_657 = arith.mulf %add3A_655, %add3A_655 : vector<16xf32>
        %add3A_658 = arith.addf %add3A_638, %mul3A_657 : vector<16xf32>
        %mul3A_659 = arith.mulf %add3A_655, %gather3A_652 : vector<16xf32>
        %add3A_660 = arith.addf %add3A_640, %mul3A_659 : vector<16xf32>
        %mul3A_661 = arith.constant 8 : i32
        %mul3A_662 = arith.muli %scan3A_558, %mul3A_661 : i32
        %add3A_663 = arith.constant 5 : i32
        %add3A_664 = arith.addi %mul3A_662, %add3A_663 : i32
        %add3A_665 = vector.broadcast %add3A_664 : i32 to vector<16xi32>
        %add3A_666 = arith.addi %add3A_665, %iota3A : vector<16xi32>
        %and3A_667 = arith.constant 63 : i32
        %and3A_668 = vector.broadcast %and3A_667 : i32 to vector<16xi32>
        %and3A_669 = arith.andi %add3A_666, %and3A_668 : vector<16xi32>
        %gather3A_670 = tpu.vector_load_idx %arg19[%broadcast_in_dim3A_315, %add3A_484, %and3A_669] : memref<2x128x64xf32, #tpu.memory_space<vmem>>[vector<16xi32>, vector<16xi32>, vector<16xi32>], vector<16xf32>,
        %gather3A_671 = tpu.vector_load_idx %arg20[%broadcast_in_dim3A_315, %add3A_484, %and3A_669] : memref<2x128x64xf32, #tpu.memory_space<vmem>>[vector<16xi32>, vector<16xi32>, vector<16xi32>], vector<16xf32>,
        %gather3A_672 = tpu.vector_load_idx %arg22[%get3A_480, %and3A_669] : memref<6x64xf32, #tpu.memory_space<vmem>>[vector<16xi32>, vector<16xi32>], vector<16xf32>,
        %gather3A_673 = tpu.vector_load_idx %arg23[%get3A_480, %and3A_669] : memref<6x64xf32, #tpu.memory_space<vmem>>[vector<16xi32>, vector<16xi32>], vector<16xf32>,
        %sub3A_674 = arith.subf %gather3A_670, %gather3A_671 : vector<16xf32>
        %add3A_675 = arith.addf %sub3A_674, %gather3A_673 : vector<16xf32>
        %add3A_676 = arith.addf %add3A_656, %add3A_675 : vector<16xf32>
        %mul3A_677 = arith.mulf %add3A_675, %add3A_675 : vector<16xf32>
        %add3A_678 = arith.addf %add3A_658, %mul3A_677 : vector<16xf32>
        %mul3A_679 = arith.mulf %add3A_675, %gather3A_672 : vector<16xf32>
        %add3A_680 = arith.addf %add3A_660, %mul3A_679 : vector<16xf32>
        %mul3A_681 = arith.constant 8 : i32
        %mul3A_682 = arith.muli %scan3A_558, %mul3A_681 : i32
        %add3A_683 = arith.constant 6 : i32
        %add3A_684 = arith.addi %mul3A_682, %add3A_683 : i32
        %add3A_685 = vector.broadcast %add3A_684 : i32 to vector<16xi32>
        %add3A_686 = arith.addi %add3A_685, %iota3A : vector<16xi32>
        %and3A_687 = arith.constant 63 : i32
        %and3A_688 = vector.broadcast %and3A_687 : i32 to vector<16xi32>
        %and3A_689 = arith.andi %add3A_686, %and3A_688 : vector<16xi32>
        %gather3A_690 = tpu.vector_load_idx %arg19[%broadcast_in_dim3A_315, %add3A_484, %and3A_689] : memref<2x128x64xf32, #tpu.memory_space<vmem>>[vector<16xi32>, vector<16xi32>, vector<16xi32>], vector<16xf32>,
        %gather3A_691 = tpu.vector_load_idx %arg20[%broadcast_in_dim3A_315, %add3A_484, %and3A_689] : memref<2x128x64xf32, #tpu.memory_space<vmem>>[vector<16xi32>, vector<16xi32>, vector<16xi32>], vector<16xf32>,
        %gather3A_692 = tpu.vector_load_idx %arg22[%get3A_480, %and3A_689] : memref<6x64xf32, #tpu.memory_space<vmem>>[vector<16xi32>, vector<16xi32>], vector<16xf32>,
        %gather3A_693 = tpu.vector_load_idx %arg23[%get3A_480, %and3A_689] : memref<6x64xf32, #tpu.memory_space<vmem>>[vector<16xi32>, vector<16xi32>], vector<16xf32>,
        %sub3A_694 = arith.subf %gather3A_690, %gather3A_691 : vector<16xf32>
        %add3A_695 = arith.addf %sub3A_694, %gather3A_693 : vector<16xf32>
        %add3A_696 = arith.addf %add3A_676, %add3A_695 : vector<16xf32>
        %mul3A_697 = arith.mulf %add3A_695, %add3A_695 : vector<16xf32>
        %add3A_698 = arith.addf %add3A_678, %mul3A_697 : vector<16xf32>
        %mul3A_699 = arith.mulf %add3A_695, %gather3A_692 : vector<16xf32>
        %add3A_700 = arith.addf %add3A_680, %mul3A_699 : vector<16xf32>
        %mul3A_701 = arith.constant 8 : i32
        %mul3A_702 = arith.muli %scan3A_558, %mul3A_701 : i32
        %add3A_703 = arith.constant 7 : i32
        %add3A_704 = arith.addi %mul3A_702, %add3A_703 : i32
        %add3A_705 = vector.broadcast %add3A_704 : i32 to vector<16xi32>
        %add3A_706 = arith.addi %add3A_705, %iota3A : vector<16xi32>
        %and3A_707 = arith.constant 63 : i32
        %and3A_708 = vector.broadcast %and3A_707 : i32 to vector<16xi32>
        %and3A_709 = arith.andi %add3A_706, %and3A_708 : vector<16xi32>
        %gather3A_710 = tpu.vector_load_idx %arg19[%broadcast_in_dim3A_315, %add3A_484, %and3A_709] : memref<2x128x64xf32, #tpu.memory_space<vmem>>[vector<16xi32>, vector<16xi32>, vector<16xi32>], vector<16xf32>,
        %gather3A_711 = tpu.vector_load_idx %arg20[%broadcast_in_dim3A_315, %add3A_484, %and3A_709] : memref<2x128x64xf32, #tpu.memory_space<vmem>>[vector<16xi32>, vector<16xi32>, vector<16xi32>], vector<16xf32>,
        %gather3A_712 = tpu.vector_load_idx %arg22[%get3A_480, %and3A_709] : memref<6x64xf32, #tpu.memory_space<vmem>>[vector<16xi32>, vector<16xi32>], vector<16xf32>,
        %gather3A_713 = tpu.vector_load_idx %arg23[%get3A_480, %and3A_709] : memref<6x64xf32, #tpu.memory_space<vmem>>[vector<16xi32>, vector<16xi32>], vector<16xf32>,
        %sub3A_714 = arith.subf %gather3A_710, %gather3A_711 : vector<16xf32>
        %add3A_715 = arith.addf %sub3A_714, %gather3A_713 : vector<16xf32>
        %add3A_716 = arith.addf %add3A_696, %add3A_715 : vector<16xf32>
        %mul3A_717 = arith.mulf %add3A_715, %add3A_715 : vector<16xf32>
        %add3A_718 = arith.addf %add3A_698, %mul3A_717 : vector<16xf32>
        %mul3A_719 = arith.mulf %add3A_715, %gather3A_712 : vector<16xf32>
        %add3A_720 = arith.addf %add3A_700, %mul3A_719 : vector<16xf32>
        scf.yield %add3A_716, %add3A_718, %add3A_720 : vector<16xf32>, vector<16xf32>, vector<16xf32>
      }
      %scan3A_490 = arith.constant 8 : i32
      %gather3A = tpu.vector_load_idx %arg24[%get3A_480] : memref<16xf32, #tpu.memory_space<vmem>>[vector<16xi32>], vector<16xf32>,
      %sub3A = arith.subf %scan3A_489#2, %gather3A : vector<16xf32>
      %gather3A_491 = tpu.vector_load_idx %arg25[%get3A_480] : memref<16xf32, #tpu.memory_space<vmem>>[vector<16xi32>], vector<16xf32>,
      %mul3A_492 = arith.constant 2.000000e+00 : f32
      %mul3A_493 = vector.broadcast %mul3A_492 : f32 to vector<16xf32>
      %mul3A_494 = arith.mulf %mul3A_493, %sub3A : vector<16xf32>
      %mul3A_495 = arith.mulf %mul3A_494, %scan3A_489#2 : vector<16xf32>
      %sub3A_496 = arith.subf %scan3A_489#1, %mul3A_495 : vector<16xf32>
      %mul3A_497 = arith.mulf %sub3A, %sub3A : vector<16xf32>
      %add3A_498 = arith.addf %sub3A_496, %mul3A_497 : vector<16xf32>
      %mul3A_499 = arith.mulf %sub3A, %gather3A_491 : vector<16xf32>
      %sub3A_500 = arith.subf %scan3A_489#0, %mul3A_499 : vector<16xf32>
      %mul3A_501 = arith.constant 2.000000e-06 : f32
      %mul3A_502 = vector.broadcast %mul3A_501 : f32 to vector<16xf32>
      %mul3A_503 = arith.mulf %mul3A_502, %sub3A_500 : vector<16xf32>
      %add3A_504 = arith.addf %add3A_498, %mul3A_503 : vector<16xf32>
      %add3A_505 = arith.constant 6.400000e-11 : f32
      %add3A_506 = vector.broadcast %add3A_505 : f32 to vector<16xf32>
      %add3A_507 = arith.addf %add3A_504, %add3A_506 : vector<16xf32>
      %max3A = arith.constant 1.000000e-24 : f32
      %max3A_508 = vector.broadcast %max3A : f32 to vector<16xf32>
      %max3A_509 = arith.maximumf %add3A_507, %max3A_508 : vector<16xf32>
      %bitcast3A = vector.bitcast %max3A_509 : vector<16xf32> to vector<16xi32>
      %shift_right_arithmetic3A = arith.constant 1 : i32
      %shift_right_arithmetic3A_510 = vector.broadcast %shift_right_arithmetic3A : i32 to vector<16xi32>
      %shift_right_arithmetic3A_511 = arith.shrsi %bitcast3A, %shift_right_arithmetic3A_510 : vector<16xi32>
      %sub3A_512 = arith.constant 1597463007 : i32
      %sub3A_513 = vector.broadcast %sub3A_512 : i32 to vector<16xi32>
      %sub3A_514 = arith.subi %sub3A_513, %shift_right_arithmetic3A_511 : vector<16xi32>
      %bitcast3A_515 = vector.bitcast %sub3A_514 : vector<16xi32> to vector<16xf32>
      %mul3A_516 = arith.constant 5.000000e-01 : f32
      %mul3A_517 = vector.broadcast %mul3A_516 : f32 to vector<16xf32>
      %mul3A_518 = arith.mulf %mul3A_517, %max3A_509 : vector<16xf32>
      %mul3A_519 = arith.mulf %mul3A_518, %bitcast3A_515 : vector<16xf32>
      %mul3A_520 = arith.mulf %mul3A_519, %bitcast3A_515 : vector<16xf32>
      %sub3A_521 = arith.constant 1.500000e+00 : f32
      %sub3A_522 = vector.broadcast %sub3A_521 : f32 to vector<16xf32>
      %sub3A_523 = arith.subf %sub3A_522, %mul3A_520 : vector<16xf32>
      %mul3A_524 = arith.mulf %bitcast3A_515, %sub3A_523 : vector<16xf32>
      %mul3A_525 = arith.constant 5.000000e-01 : f32
      %mul3A_526 = vector.broadcast %mul3A_525 : f32 to vector<16xf32>
      %mul3A_527 = arith.mulf %mul3A_526, %max3A_509 : vector<16xf32>
      %mul3A_528 = arith.mulf %mul3A_527, %mul3A_524 : vector<16xf32>
      %mul3A_529 = arith.mulf %mul3A_528, %mul3A_524 : vector<16xf32>
      %sub3A_530 = arith.constant 1.500000e+00 : f32
      %sub3A_531 = vector.broadcast %sub3A_530 : f32 to vector<16xf32>
      %sub3A_532 = arith.subf %sub3A_531, %mul3A_529 : vector<16xf32>
      %mul3A_533 = arith.mulf %mul3A_524, %sub3A_532 : vector<16xf32>
      %mul3A_534 = arith.constant 5.000000e-01 : f32
      %mul3A_535 = vector.broadcast %mul3A_534 : f32 to vector<16xf32>
      %mul3A_536 = arith.mulf %mul3A_535, %max3A_509 : vector<16xf32>
      %mul3A_537 = arith.mulf %mul3A_536, %mul3A_533 : vector<16xf32>
      %mul3A_538 = arith.mulf %mul3A_537, %mul3A_533 : vector<16xf32>
      %sub3A_539 = arith.constant 1.500000e+00 : f32
      %sub3A_540 = vector.broadcast %sub3A_539 : f32 to vector<16xf32>
      %sub3A_541 = arith.subf %sub3A_540, %mul3A_538 : vector<16xf32>
      %mul3A_542 = arith.mulf %mul3A_533, %sub3A_541 : vector<16xf32>
      %mul3A_543 = arith.mulf %max3A_509, %mul3A_542 : vector<16xf32>
      %mul3A_544 = arith.constant 16 : i32
      %mul3A_545 = arith.muli %scan3A_474, %mul3A_544 : i32
      %add3A_546 = arith.constant 0 : i32
      %add3A_547 = arith.addi %add3A_546, %mul3A_545 : i32
      %get3A_548 = arith.index_cast %add3A_547 : i32 to index
      %get3A_549 = tpu.vector_load %arg21[%get3A_548] {strides = array<i32>} : memref<512xf32, #tpu.memory_space<vmem>>, vector<16xf32>,
      %sub3A_550 = arith.subf %get3A_549, %mul3A_543 : vector<16xf32>
      %add3A_551 = arith.constant 1.000000e+00 : f32
      %add3A_552 = vector.broadcast %add3A_551 : f32 to vector<16xf32>
      %add3A_553 = arith.addf %sub3A_550, %add3A_552 : vector<16xf32>
      %max3A_554 = arith.constant 0.000000e+00 : f32
      %max3A_555 = vector.broadcast %max3A_554 : f32 to vector<16xf32>
      %max3A_556 = arith.maximumf %add3A_553, %max3A_555 : vector<16xf32>
      %add3A_557 = arith.addf %scan3A_475, %max3A_556 : vector<16xf32>
      scf.yield %add3A_557 : vector<16xf32>
    }
    %scan3A_321 = arith.constant 8 : i32
    %dma_start3A_322 = arith.constant 2 : i32
    %dma_start3A_323 = arith.constant 0 : i32
    %dma_start3A_324 = arith.constant 0 : i32
    %dma_start3A_325 = arith.constant 0 : i32
    %dma_start3A_326 = tpu.memref_slice %arg19[%dma_start3A_323, %dma_start3A_324, %dma_start3A_325] : memref<2x128x64xf32, #tpu.memory_space<vmem>> -> memref<1x128x64xf32, #tpu.memory_space<vmem>>
    %dma_start3A_327 = tpu.memref_squeeze %dma_start3A_326 : memref<1x128x64xf32, #tpu.memory_space<vmem>> -> memref<128x64xf32, #tpu.memory_space<vmem>>
    %dma_start3A_328 = arith.constant 0 : i32
    %dma_start3A_329 = tpu.memref_slice %arg16[%dma_start3A_322, %dma_start3A_328] : memref<4x128xi32, #tpu.memory_space<vmem>> -> memref<1x128xi32, #tpu.memory_space<vmem>>
    %dma_start3A_330 = tpu.memref_squeeze %dma_start3A_329 : memref<1x128xi32, #tpu.memory_space<vmem>> -> memref<128xi32, #tpu.memory_space<vmem>>
    %dma_start3A_331 = arith.constant 0 : i32
    %dma_start3A_332 = arith.constant 0 : i32
    %dma_start3A_333 = tpu.memref_slice %arg8[%dma_start3A_331, %dma_start3A_332] : memref<100000x64xf32, #tpu.memory_space<hbm>> -> memref<100000x64xf32, #tpu.memory_space<hbm>>
    tpu.enqueue_indirect_dma source(%dma_start3A_333 : memref<100000x64xf32, #tpu.memory_space<hbm>>) target(%dma_start3A_327 : memref<128x64xf32, #tpu.memory_space<vmem>>) offsets(%dma_start3A_330 : memref<128xi32, #tpu.memory_space<vmem>>) semaphore(%arg27 : memref<!tpu.dma_semaphore, #tpu.memory_space<semaphore_mem>>)
    %dma_start3A_334 = arith.constant 2 : i32
    %dma_start3A_335 = arith.constant 0 : i32
    %dma_start3A_336 = arith.constant 0 : i32
    %dma_start3A_337 = arith.constant 0 : i32
    %dma_start3A_338 = tpu.memref_slice %arg20[%dma_start3A_335, %dma_start3A_336, %dma_start3A_337] : memref<2x128x64xf32, #tpu.memory_space<vmem>> -> memref<1x128x64xf32, #tpu.memory_space<vmem>>
    %dma_start3A_339 = tpu.memref_squeeze %dma_start3A_338 : memref<1x128x64xf32, #tpu.memory_space<vmem>> -> memref<128x64xf32, #tpu.memory_space<vmem>>
    %dma_start3A_340 = arith.constant 0 : i32
    %dma_start3A_341 = tpu.memref_slice %arg17[%dma_start3A_334, %dma_start3A_340] : memref<4x128xi32, #tpu.memory_space<vmem>> -> memref<1x128xi32, #tpu.memory_space<vmem>>
    %dma_start3A_342 = tpu.memref_squeeze %dma_start3A_341 : memref<1x128xi32, #tpu.memory_space<vmem>> -> memref<128xi32, #tpu.memory_space<vmem>>
    %dma_start3A_343 = arith.constant 0 : i32
    %dma_start3A_344 = arith.constant 0 : i32
    %dma_start3A_345 = tpu.memref_slice %arg9[%dma_start3A_343, %dma_start3A_344] : memref<100000x64xf32, #tpu.memory_space<hbm>> -> memref<100000x64xf32, #tpu.memory_space<hbm>>
    tpu.enqueue_indirect_dma source(%dma_start3A_345 : memref<100000x64xf32, #tpu.memory_space<hbm>>) target(%dma_start3A_339 : memref<128x64xf32, #tpu.memory_space<vmem>>) offsets(%dma_start3A_342 : memref<128xi32, #tpu.memory_space<vmem>>) semaphore(%arg27 : memref<!tpu.dma_semaphore, #tpu.memory_space<semaphore_mem>>)
    %dma_wait3A_346 = arith.constant 1 : i32
    %dma_wait3A_347 = arith.constant 1 : i32
    %dma_wait3A_348 = arith.constant 0 : i32
    %dma_wait3A_349 = arith.constant 0 : i32
    %dma_wait3A_350 = tpu.memref_slice %arg19[%dma_wait3A_347, %dma_wait3A_348, %dma_wait3A_349] : memref<2x128x64xf32, #tpu.memory_space<vmem>> -> memref<1x128x64xf32, #tpu.memory_space<vmem>>
    %dma_wait3A_351 = tpu.memref_squeeze %dma_wait3A_350 : memref<1x128x64xf32, #tpu.memory_space<vmem>> -> memref<128x64xf32, #tpu.memory_space<vmem>>
    %dma_wait3A_352 = arith.constant 0 : i32
    %dma_wait3A_353 = tpu.memref_slice %arg16[%dma_wait3A_346, %dma_wait3A_352] : memref<4x128xi32, #tpu.memory_space<vmem>> -> memref<1x128xi32, #tpu.memory_space<vmem>>
    %dma_wait3A_354 = tpu.memref_squeeze %dma_wait3A_353 : memref<1x128xi32, #tpu.memory_space<vmem>> -> memref<128xi32, #tpu.memory_space<vmem>>
    %dma_wait3A_355 = arith.constant 0 : i32
    %dma_wait3A_356 = arith.constant 0 : i32
    %dma_wait3A_357 = tpu.memref_slice %arg8[%dma_wait3A_355, %dma_wait3A_356] : memref<100000x64xf32, #tpu.memory_space<hbm>> -> memref<100000x64xf32, #tpu.memory_space<hbm>>
    tpu.wait_indirect_dma semaphore(%arg28 : memref<!tpu.dma_semaphore, #tpu.memory_space<semaphore_mem>>) src(%dma_wait3A_357 : memref<100000x64xf32, #tpu.memory_space<hbm>>) dst(%dma_wait3A_351 : memref<128x64xf32, #tpu.memory_space<vmem>>)
    %dma_wait3A_358 = arith.constant 1 : i32
    %dma_wait3A_359 = arith.constant 1 : i32
    %dma_wait3A_360 = arith.constant 0 : i32
    %dma_wait3A_361 = arith.constant 0 : i32
    %dma_wait3A_362 = tpu.memref_slice %arg20[%dma_wait3A_359, %dma_wait3A_360, %dma_wait3A_361] : memref<2x128x64xf32, #tpu.memory_space<vmem>> -> memref<1x128x64xf32, #tpu.memory_space<vmem>>
    %dma_wait3A_363 = tpu.memref_squeeze %dma_wait3A_362 : memref<1x128x64xf32, #tpu.memory_space<vmem>> -> memref<128x64xf32, #tpu.memory_space<vmem>>
    %dma_wait3A_364 = arith.constant 0 : i32
    %dma_wait3A_365 = tpu.memref_slice %arg17[%dma_wait3A_358, %dma_wait3A_364] : memref<4x128xi32, #tpu.memory_space<vmem>> -> memref<1x128xi32, #tpu.memory_space<vmem>>
    %dma_wait3A_366 = tpu.memref_squeeze %dma_wait3A_365 : memref<1x128xi32, #tpu.memory_space<vmem>> -> memref<128xi32, #tpu.memory_space<vmem>>
    %dma_wait3A_367 = arith.constant 0 : i32
    %dma_wait3A_368 = arith.constant 0 : i32
    %dma_wait3A_369 = tpu.memref_slice %arg9[%dma_wait3A_367, %dma_wait3A_368] : memref<100000x64xf32, #tpu.memory_space<hbm>> -> memref<100000x64xf32, #tpu.memory_space<hbm>>
    tpu.wait_indirect_dma semaphore(%arg28 : memref<!tpu.dma_semaphore, #tpu.memory_space<semaphore_mem>>) src(%dma_wait3A_369 : memref<100000x64xf32, #tpu.memory_space<hbm>>) dst(%dma_wait3A_363 : memref<128x64xf32, #tpu.memory_space<vmem>>)
    %broadcast_in_dim3A_370 = arith.constant 1 : i32
    %broadcast_in_dim3A_371 = vector.broadcast %broadcast_in_dim3A_370 : i32 to vector<16xi32>
    %scan3A_372 = arith.constant 0 : i32
    %scan3A_373 = arith.constant 8 : i32
    %scan3A_374 = arith.addi %scan3A_372, %scan3A_373 : i32
    %scan3A_375 = arith.constant 1 : i32
    %scan3A_376 = scf.for %scan3A_474 = %scan3A_372 to %scan3A_374 step %scan3A_375 iter_args(%scan3A_475 = %scan3A_320) -> (vector<16xf32>)  : i32 {
      %mul3A_476 = arith.constant 16 : i32
      %mul3A_477 = arith.muli %scan3A_474, %mul3A_476 : i32
      %get3A = arith.constant 1 : i32
      %get3A_478 = arith.index_cast %get3A : i32 to index
      %get3A_479 = arith.index_cast %mul3A_477 : i32 to index
      %get3A_480 = tpu.vector_load %arg18[%get3A_478, %get3A_479] {strides = array<i32>} : memref<4x128xi32, #tpu.memory_space<vmem>>, vector<16xi32>,
      %mul3A_481 = arith.constant 16 : i32
      %mul3A_482 = arith.muli %scan3A_474, %mul3A_481 : i32
      %add3A_483 = vector.broadcast %mul3A_482 : i32 to vector<16xi32>
      %add3A_484 = arith.addi %add3A_483, %iota3A : vector<16xi32>
      %scan3A_485 = arith.constant 0 : i32
      %scan3A_486 = arith.constant 8 : i32
      %scan3A_487 = arith.addi %scan3A_485, %scan3A_486 : i32
      %scan3A_488 = arith.constant 1 : i32
      %scan3A_489:3 = scf.for %scan3A_558 = %scan3A_485 to %scan3A_487 step %scan3A_488 iter_args(%scan3A_559 = %broadcast_in_dim3A_1, %scan3A_560 = %broadcast_in_dim3A_1, %scan3A_561 = %broadcast_in_dim3A_1) -> (vector<16xf32>, vector<16xf32>, vector<16xf32>)  : i32 {
        %mul3A_562 = arith.constant 8 : i32
        %mul3A_563 = arith.muli %scan3A_558, %mul3A_562 : i32
        %add3A_564 = arith.constant 0 : i32
        %add3A_565 = arith.addi %mul3A_563, %add3A_564 : i32
        %add3A_566 = vector.broadcast %add3A_565 : i32 to vector<16xi32>
        %add3A_567 = arith.addi %add3A_566, %iota3A : vector<16xi32>
        %and3A = arith.constant 63 : i32
        %and3A_568 = vector.broadcast %and3A : i32 to vector<16xi32>
        %and3A_569 = arith.andi %add3A_567, %and3A_568 : vector<16xi32>
        %gather3A_570 = tpu.vector_load_idx %arg19[%broadcast_in_dim3A_371, %add3A_484, %and3A_569] : memref<2x128x64xf32, #tpu.memory_space<vmem>>[vector<16xi32>, vector<16xi32>, vector<16xi32>], vector<16xf32>,
        %gather3A_571 = tpu.vector_load_idx %arg20[%broadcast_in_dim3A_371, %add3A_484, %and3A_569] : memref<2x128x64xf32, #tpu.memory_space<vmem>>[vector<16xi32>, vector<16xi32>, vector<16xi32>], vector<16xf32>,
        %gather3A_572 = tpu.vector_load_idx %arg22[%get3A_480, %and3A_569] : memref<6x64xf32, #tpu.memory_space<vmem>>[vector<16xi32>, vector<16xi32>], vector<16xf32>,
        %gather3A_573 = tpu.vector_load_idx %arg23[%get3A_480, %and3A_569] : memref<6x64xf32, #tpu.memory_space<vmem>>[vector<16xi32>, vector<16xi32>], vector<16xf32>,
        %sub3A_574 = arith.subf %gather3A_570, %gather3A_571 : vector<16xf32>
        %add3A_575 = arith.addf %sub3A_574, %gather3A_573 : vector<16xf32>
        %add3A_576 = arith.addf %scan3A_559, %add3A_575 : vector<16xf32>
        %mul3A_577 = arith.mulf %add3A_575, %add3A_575 : vector<16xf32>
        %add3A_578 = arith.addf %scan3A_560, %mul3A_577 : vector<16xf32>
        %mul3A_579 = arith.mulf %add3A_575, %gather3A_572 : vector<16xf32>
        %add3A_580 = arith.addf %scan3A_561, %mul3A_579 : vector<16xf32>
        %mul3A_581 = arith.constant 8 : i32
        %mul3A_582 = arith.muli %scan3A_558, %mul3A_581 : i32
        %add3A_583 = arith.constant 1 : i32
        %add3A_584 = arith.addi %mul3A_582, %add3A_583 : i32
        %add3A_585 = vector.broadcast %add3A_584 : i32 to vector<16xi32>
        %add3A_586 = arith.addi %add3A_585, %iota3A : vector<16xi32>
        %and3A_587 = arith.constant 63 : i32
        %and3A_588 = vector.broadcast %and3A_587 : i32 to vector<16xi32>
        %and3A_589 = arith.andi %add3A_586, %and3A_588 : vector<16xi32>
        %gather3A_590 = tpu.vector_load_idx %arg19[%broadcast_in_dim3A_371, %add3A_484, %and3A_589] : memref<2x128x64xf32, #tpu.memory_space<vmem>>[vector<16xi32>, vector<16xi32>, vector<16xi32>], vector<16xf32>,
        %gather3A_591 = tpu.vector_load_idx %arg20[%broadcast_in_dim3A_371, %add3A_484, %and3A_589] : memref<2x128x64xf32, #tpu.memory_space<vmem>>[vector<16xi32>, vector<16xi32>, vector<16xi32>], vector<16xf32>,
        %gather3A_592 = tpu.vector_load_idx %arg22[%get3A_480, %and3A_589] : memref<6x64xf32, #tpu.memory_space<vmem>>[vector<16xi32>, vector<16xi32>], vector<16xf32>,
        %gather3A_593 = tpu.vector_load_idx %arg23[%get3A_480, %and3A_589] : memref<6x64xf32, #tpu.memory_space<vmem>>[vector<16xi32>, vector<16xi32>], vector<16xf32>,
        %sub3A_594 = arith.subf %gather3A_590, %gather3A_591 : vector<16xf32>
        %add3A_595 = arith.addf %sub3A_594, %gather3A_593 : vector<16xf32>
        %add3A_596 = arith.addf %add3A_576, %add3A_595 : vector<16xf32>
        %mul3A_597 = arith.mulf %add3A_595, %add3A_595 : vector<16xf32>
        %add3A_598 = arith.addf %add3A_578, %mul3A_597 : vector<16xf32>
        %mul3A_599 = arith.mulf %add3A_595, %gather3A_592 : vector<16xf32>
        %add3A_600 = arith.addf %add3A_580, %mul3A_599 : vector<16xf32>
        %mul3A_601 = arith.constant 8 : i32
        %mul3A_602 = arith.muli %scan3A_558, %mul3A_601 : i32
        %add3A_603 = arith.constant 2 : i32
        %add3A_604 = arith.addi %mul3A_602, %add3A_603 : i32
        %add3A_605 = vector.broadcast %add3A_604 : i32 to vector<16xi32>
        %add3A_606 = arith.addi %add3A_605, %iota3A : vector<16xi32>
        %and3A_607 = arith.constant 63 : i32
        %and3A_608 = vector.broadcast %and3A_607 : i32 to vector<16xi32>
        %and3A_609 = arith.andi %add3A_606, %and3A_608 : vector<16xi32>
        %gather3A_610 = tpu.vector_load_idx %arg19[%broadcast_in_dim3A_371, %add3A_484, %and3A_609] : memref<2x128x64xf32, #tpu.memory_space<vmem>>[vector<16xi32>, vector<16xi32>, vector<16xi32>], vector<16xf32>,
        %gather3A_611 = tpu.vector_load_idx %arg20[%broadcast_in_dim3A_371, %add3A_484, %and3A_609] : memref<2x128x64xf32, #tpu.memory_space<vmem>>[vector<16xi32>, vector<16xi32>, vector<16xi32>], vector<16xf32>,
        %gather3A_612 = tpu.vector_load_idx %arg22[%get3A_480, %and3A_609] : memref<6x64xf32, #tpu.memory_space<vmem>>[vector<16xi32>, vector<16xi32>], vector<16xf32>,
        %gather3A_613 = tpu.vector_load_idx %arg23[%get3A_480, %and3A_609] : memref<6x64xf32, #tpu.memory_space<vmem>>[vector<16xi32>, vector<16xi32>], vector<16xf32>,
        %sub3A_614 = arith.subf %gather3A_610, %gather3A_611 : vector<16xf32>
        %add3A_615 = arith.addf %sub3A_614, %gather3A_613 : vector<16xf32>
        %add3A_616 = arith.addf %add3A_596, %add3A_615 : vector<16xf32>
        %mul3A_617 = arith.mulf %add3A_615, %add3A_615 : vector<16xf32>
        %add3A_618 = arith.addf %add3A_598, %mul3A_617 : vector<16xf32>
        %mul3A_619 = arith.mulf %add3A_615, %gather3A_612 : vector<16xf32>
        %add3A_620 = arith.addf %add3A_600, %mul3A_619 : vector<16xf32>
        %mul3A_621 = arith.constant 8 : i32
        %mul3A_622 = arith.muli %scan3A_558, %mul3A_621 : i32
        %add3A_623 = arith.constant 3 : i32
        %add3A_624 = arith.addi %mul3A_622, %add3A_623 : i32
        %add3A_625 = vector.broadcast %add3A_624 : i32 to vector<16xi32>
        %add3A_626 = arith.addi %add3A_625, %iota3A : vector<16xi32>
        %and3A_627 = arith.constant 63 : i32
        %and3A_628 = vector.broadcast %and3A_627 : i32 to vector<16xi32>
        %and3A_629 = arith.andi %add3A_626, %and3A_628 : vector<16xi32>
        %gather3A_630 = tpu.vector_load_idx %arg19[%broadcast_in_dim3A_371, %add3A_484, %and3A_629] : memref<2x128x64xf32, #tpu.memory_space<vmem>>[vector<16xi32>, vector<16xi32>, vector<16xi32>], vector<16xf32>,
        %gather3A_631 = tpu.vector_load_idx %arg20[%broadcast_in_dim3A_371, %add3A_484, %and3A_629] : memref<2x128x64xf32, #tpu.memory_space<vmem>>[vector<16xi32>, vector<16xi32>, vector<16xi32>], vector<16xf32>,
        %gather3A_632 = tpu.vector_load_idx %arg22[%get3A_480, %and3A_629] : memref<6x64xf32, #tpu.memory_space<vmem>>[vector<16xi32>, vector<16xi32>], vector<16xf32>,
        %gather3A_633 = tpu.vector_load_idx %arg23[%get3A_480, %and3A_629] : memref<6x64xf32, #tpu.memory_space<vmem>>[vector<16xi32>, vector<16xi32>], vector<16xf32>,
        %sub3A_634 = arith.subf %gather3A_630, %gather3A_631 : vector<16xf32>
        %add3A_635 = arith.addf %sub3A_634, %gather3A_633 : vector<16xf32>
        %add3A_636 = arith.addf %add3A_616, %add3A_635 : vector<16xf32>
        %mul3A_637 = arith.mulf %add3A_635, %add3A_635 : vector<16xf32>
        %add3A_638 = arith.addf %add3A_618, %mul3A_637 : vector<16xf32>
        %mul3A_639 = arith.mulf %add3A_635, %gather3A_632 : vector<16xf32>
        %add3A_640 = arith.addf %add3A_620, %mul3A_639 : vector<16xf32>
        %mul3A_641 = arith.constant 8 : i32
        %mul3A_642 = arith.muli %scan3A_558, %mul3A_641 : i32
        %add3A_643 = arith.constant 4 : i32
        %add3A_644 = arith.addi %mul3A_642, %add3A_643 : i32
        %add3A_645 = vector.broadcast %add3A_644 : i32 to vector<16xi32>
        %add3A_646 = arith.addi %add3A_645, %iota3A : vector<16xi32>
        %and3A_647 = arith.constant 63 : i32
        %and3A_648 = vector.broadcast %and3A_647 : i32 to vector<16xi32>
        %and3A_649 = arith.andi %add3A_646, %and3A_648 : vector<16xi32>
        %gather3A_650 = tpu.vector_load_idx %arg19[%broadcast_in_dim3A_371, %add3A_484, %and3A_649] : memref<2x128x64xf32, #tpu.memory_space<vmem>>[vector<16xi32>, vector<16xi32>, vector<16xi32>], vector<16xf32>,
        %gather3A_651 = tpu.vector_load_idx %arg20[%broadcast_in_dim3A_371, %add3A_484, %and3A_649] : memref<2x128x64xf32, #tpu.memory_space<vmem>>[vector<16xi32>, vector<16xi32>, vector<16xi32>], vector<16xf32>,
        %gather3A_652 = tpu.vector_load_idx %arg22[%get3A_480, %and3A_649] : memref<6x64xf32, #tpu.memory_space<vmem>>[vector<16xi32>, vector<16xi32>], vector<16xf32>,
        %gather3A_653 = tpu.vector_load_idx %arg23[%get3A_480, %and3A_649] : memref<6x64xf32, #tpu.memory_space<vmem>>[vector<16xi32>, vector<16xi32>], vector<16xf32>,
        %sub3A_654 = arith.subf %gather3A_650, %gather3A_651 : vector<16xf32>
        %add3A_655 = arith.addf %sub3A_654, %gather3A_653 : vector<16xf32>
        %add3A_656 = arith.addf %add3A_636, %add3A_655 : vector<16xf32>
        %mul3A_657 = arith.mulf %add3A_655, %add3A_655 : vector<16xf32>
        %add3A_658 = arith.addf %add3A_638, %mul3A_657 : vector<16xf32>
        %mul3A_659 = arith.mulf %add3A_655, %gather3A_652 : vector<16xf32>
        %add3A_660 = arith.addf %add3A_640, %mul3A_659 : vector<16xf32>
        %mul3A_661 = arith.constant 8 : i32
        %mul3A_662 = arith.muli %scan3A_558, %mul3A_661 : i32
        %add3A_663 = arith.constant 5 : i32
        %add3A_664 = arith.addi %mul3A_662, %add3A_663 : i32
        %add3A_665 = vector.broadcast %add3A_664 : i32 to vector<16xi32>
        %add3A_666 = arith.addi %add3A_665, %iota3A : vector<16xi32>
        %and3A_667 = arith.constant 63 : i32
        %and3A_668 = vector.broadcast %and3A_667 : i32 to vector<16xi32>
        %and3A_669 = arith.andi %add3A_666, %and3A_668 : vector<16xi32>
        %gather3A_670 = tpu.vector_load_idx %arg19[%broadcast_in_dim3A_371, %add3A_484, %and3A_669] : memref<2x128x64xf32, #tpu.memory_space<vmem>>[vector<16xi32>, vector<16xi32>, vector<16xi32>], vector<16xf32>,
        %gather3A_671 = tpu.vector_load_idx %arg20[%broadcast_in_dim3A_371, %add3A_484, %and3A_669] : memref<2x128x64xf32, #tpu.memory_space<vmem>>[vector<16xi32>, vector<16xi32>, vector<16xi32>], vector<16xf32>,
        %gather3A_672 = tpu.vector_load_idx %arg22[%get3A_480, %and3A_669] : memref<6x64xf32, #tpu.memory_space<vmem>>[vector<16xi32>, vector<16xi32>], vector<16xf32>,
        %gather3A_673 = tpu.vector_load_idx %arg23[%get3A_480, %and3A_669] : memref<6x64xf32, #tpu.memory_space<vmem>>[vector<16xi32>, vector<16xi32>], vector<16xf32>,
        %sub3A_674 = arith.subf %gather3A_670, %gather3A_671 : vector<16xf32>
        %add3A_675 = arith.addf %sub3A_674, %gather3A_673 : vector<16xf32>
        %add3A_676 = arith.addf %add3A_656, %add3A_675 : vector<16xf32>
        %mul3A_677 = arith.mulf %add3A_675, %add3A_675 : vector<16xf32>
        %add3A_678 = arith.addf %add3A_658, %mul3A_677 : vector<16xf32>
        %mul3A_679 = arith.mulf %add3A_675, %gather3A_672 : vector<16xf32>
        %add3A_680 = arith.addf %add3A_660, %mul3A_679 : vector<16xf32>
        %mul3A_681 = arith.constant 8 : i32
        %mul3A_682 = arith.muli %scan3A_558, %mul3A_681 : i32
        %add3A_683 = arith.constant 6 : i32
        %add3A_684 = arith.addi %mul3A_682, %add3A_683 : i32
        %add3A_685 = vector.broadcast %add3A_684 : i32 to vector<16xi32>
        %add3A_686 = arith.addi %add3A_685, %iota3A : vector<16xi32>
        %and3A_687 = arith.constant 63 : i32
        %and3A_688 = vector.broadcast %and3A_687 : i32 to vector<16xi32>
        %and3A_689 = arith.andi %add3A_686, %and3A_688 : vector<16xi32>
        %gather3A_690 = tpu.vector_load_idx %arg19[%broadcast_in_dim3A_371, %add3A_484, %and3A_689] : memref<2x128x64xf32, #tpu.memory_space<vmem>>[vector<16xi32>, vector<16xi32>, vector<16xi32>], vector<16xf32>,
        %gather3A_691 = tpu.vector_load_idx %arg20[%broadcast_in_dim3A_371, %add3A_484, %and3A_689] : memref<2x128x64xf32, #tpu.memory_space<vmem>>[vector<16xi32>, vector<16xi32>, vector<16xi32>], vector<16xf32>,
        %gather3A_692 = tpu.vector_load_idx %arg22[%get3A_480, %and3A_689] : memref<6x64xf32, #tpu.memory_space<vmem>>[vector<16xi32>, vector<16xi32>], vector<16xf32>,
        %gather3A_693 = tpu.vector_load_idx %arg23[%get3A_480, %and3A_689] : memref<6x64xf32, #tpu.memory_space<vmem>>[vector<16xi32>, vector<16xi32>], vector<16xf32>,
        %sub3A_694 = arith.subf %gather3A_690, %gather3A_691 : vector<16xf32>
        %add3A_695 = arith.addf %sub3A_694, %gather3A_693 : vector<16xf32>
        %add3A_696 = arith.addf %add3A_676, %add3A_695 : vector<16xf32>
        %mul3A_697 = arith.mulf %add3A_695, %add3A_695 : vector<16xf32>
        %add3A_698 = arith.addf %add3A_678, %mul3A_697 : vector<16xf32>
        %mul3A_699 = arith.mulf %add3A_695, %gather3A_692 : vector<16xf32>
        %add3A_700 = arith.addf %add3A_680, %mul3A_699 : vector<16xf32>
        %mul3A_701 = arith.constant 8 : i32
        %mul3A_702 = arith.muli %scan3A_558, %mul3A_701 : i32
        %add3A_703 = arith.constant 7 : i32
        %add3A_704 = arith.addi %mul3A_702, %add3A_703 : i32
        %add3A_705 = vector.broadcast %add3A_704 : i32 to vector<16xi32>
        %add3A_706 = arith.addi %add3A_705, %iota3A : vector<16xi32>
        %and3A_707 = arith.constant 63 : i32
        %and3A_708 = vector.broadcast %and3A_707 : i32 to vector<16xi32>
        %and3A_709 = arith.andi %add3A_706, %and3A_708 : vector<16xi32>
        %gather3A_710 = tpu.vector_load_idx %arg19[%broadcast_in_dim3A_371, %add3A_484, %and3A_709] : memref<2x128x64xf32, #tpu.memory_space<vmem>>[vector<16xi32>, vector<16xi32>, vector<16xi32>], vector<16xf32>,
        %gather3A_711 = tpu.vector_load_idx %arg20[%broadcast_in_dim3A_371, %add3A_484, %and3A_709] : memref<2x128x64xf32, #tpu.memory_space<vmem>>[vector<16xi32>, vector<16xi32>, vector<16xi32>], vector<16xf32>,
        %gather3A_712 = tpu.vector_load_idx %arg22[%get3A_480, %and3A_709] : memref<6x64xf32, #tpu.memory_space<vmem>>[vector<16xi32>, vector<16xi32>], vector<16xf32>,
        %gather3A_713 = tpu.vector_load_idx %arg23[%get3A_480, %and3A_709] : memref<6x64xf32, #tpu.memory_space<vmem>>[vector<16xi32>, vector<16xi32>], vector<16xf32>,
        %sub3A_714 = arith.subf %gather3A_710, %gather3A_711 : vector<16xf32>
        %add3A_715 = arith.addf %sub3A_714, %gather3A_713 : vector<16xf32>
        %add3A_716 = arith.addf %add3A_696, %add3A_715 : vector<16xf32>
        %mul3A_717 = arith.mulf %add3A_715, %add3A_715 : vector<16xf32>
        %add3A_718 = arith.addf %add3A_698, %mul3A_717 : vector<16xf32>
        %mul3A_719 = arith.mulf %add3A_715, %gather3A_712 : vector<16xf32>
        %add3A_720 = arith.addf %add3A_700, %mul3A_719 : vector<16xf32>
        scf.yield %add3A_716, %add3A_718, %add3A_720 : vector<16xf32>, vector<16xf32>, vector<16xf32>
      }
      %scan3A_490 = arith.constant 8 : i32
      %gather3A = tpu.vector_load_idx %arg24[%get3A_480] : memref<16xf32, #tpu.memory_space<vmem>>[vector<16xi32>], vector<16xf32>,
      %sub3A = arith.subf %scan3A_489#2, %gather3A : vector<16xf32>
      %gather3A_491 = tpu.vector_load_idx %arg25[%get3A_480] : memref<16xf32, #tpu.memory_space<vmem>>[vector<16xi32>], vector<16xf32>,
      %mul3A_492 = arith.constant 2.000000e+00 : f32
      %mul3A_493 = vector.broadcast %mul3A_492 : f32 to vector<16xf32>
      %mul3A_494 = arith.mulf %mul3A_493, %sub3A : vector<16xf32>
      %mul3A_495 = arith.mulf %mul3A_494, %scan3A_489#2 : vector<16xf32>
      %sub3A_496 = arith.subf %scan3A_489#1, %mul3A_495 : vector<16xf32>
      %mul3A_497 = arith.mulf %sub3A, %sub3A : vector<16xf32>
      %add3A_498 = arith.addf %sub3A_496, %mul3A_497 : vector<16xf32>
      %mul3A_499 = arith.mulf %sub3A, %gather3A_491 : vector<16xf32>
      %sub3A_500 = arith.subf %scan3A_489#0, %mul3A_499 : vector<16xf32>
      %mul3A_501 = arith.constant 2.000000e-06 : f32
      %mul3A_502 = vector.broadcast %mul3A_501 : f32 to vector<16xf32>
      %mul3A_503 = arith.mulf %mul3A_502, %sub3A_500 : vector<16xf32>
      %add3A_504 = arith.addf %add3A_498, %mul3A_503 : vector<16xf32>
      %add3A_505 = arith.constant 6.400000e-11 : f32
      %add3A_506 = vector.broadcast %add3A_505 : f32 to vector<16xf32>
      %add3A_507 = arith.addf %add3A_504, %add3A_506 : vector<16xf32>
      %max3A = arith.constant 1.000000e-24 : f32
      %max3A_508 = vector.broadcast %max3A : f32 to vector<16xf32>
      %max3A_509 = arith.maximumf %add3A_507, %max3A_508 : vector<16xf32>
      %bitcast3A = vector.bitcast %max3A_509 : vector<16xf32> to vector<16xi32>
      %shift_right_arithmetic3A = arith.constant 1 : i32
      %shift_right_arithmetic3A_510 = vector.broadcast %shift_right_arithmetic3A : i32 to vector<16xi32>
      %shift_right_arithmetic3A_511 = arith.shrsi %bitcast3A, %shift_right_arithmetic3A_510 : vector<16xi32>
      %sub3A_512 = arith.constant 1597463007 : i32
      %sub3A_513 = vector.broadcast %sub3A_512 : i32 to vector<16xi32>
      %sub3A_514 = arith.subi %sub3A_513, %shift_right_arithmetic3A_511 : vector<16xi32>
      %bitcast3A_515 = vector.bitcast %sub3A_514 : vector<16xi32> to vector<16xf32>
      %mul3A_516 = arith.constant 5.000000e-01 : f32
      %mul3A_517 = vector.broadcast %mul3A_516 : f32 to vector<16xf32>
      %mul3A_518 = arith.mulf %mul3A_517, %max3A_509 : vector<16xf32>
      %mul3A_519 = arith.mulf %mul3A_518, %bitcast3A_515 : vector<16xf32>
      %mul3A_520 = arith.mulf %mul3A_519, %bitcast3A_515 : vector<16xf32>
      %sub3A_521 = arith.constant 1.500000e+00 : f32
      %sub3A_522 = vector.broadcast %sub3A_521 : f32 to vector<16xf32>
      %sub3A_523 = arith.subf %sub3A_522, %mul3A_520 : vector<16xf32>
      %mul3A_524 = arith.mulf %bitcast3A_515, %sub3A_523 : vector<16xf32>
      %mul3A_525 = arith.constant 5.000000e-01 : f32
      %mul3A_526 = vector.broadcast %mul3A_525 : f32 to vector<16xf32>
      %mul3A_527 = arith.mulf %mul3A_526, %max3A_509 : vector<16xf32>
      %mul3A_528 = arith.mulf %mul3A_527, %mul3A_524 : vector<16xf32>
      %mul3A_529 = arith.mulf %mul3A_528, %mul3A_524 : vector<16xf32>
      %sub3A_530 = arith.constant 1.500000e+00 : f32
      %sub3A_531 = vector.broadcast %sub3A_530 : f32 to vector<16xf32>
      %sub3A_532 = arith.subf %sub3A_531, %mul3A_529 : vector<16xf32>
      %mul3A_533 = arith.mulf %mul3A_524, %sub3A_532 : vector<16xf32>
      %mul3A_534 = arith.constant 5.000000e-01 : f32
      %mul3A_535 = vector.broadcast %mul3A_534 : f32 to vector<16xf32>
      %mul3A_536 = arith.mulf %mul3A_535, %max3A_509 : vector<16xf32>
      %mul3A_537 = arith.mulf %mul3A_536, %mul3A_533 : vector<16xf32>
      %mul3A_538 = arith.mulf %mul3A_537, %mul3A_533 : vector<16xf32>
      %sub3A_539 = arith.constant 1.500000e+00 : f32
      %sub3A_540 = vector.broadcast %sub3A_539 : f32 to vector<16xf32>
      %sub3A_541 = arith.subf %sub3A_540, %mul3A_538 : vector<16xf32>
      %mul3A_542 = arith.mulf %mul3A_533, %sub3A_541 : vector<16xf32>
      %mul3A_543 = arith.mulf %max3A_509, %mul3A_542 : vector<16xf32>
      %mul3A_544 = arith.constant 16 : i32
      %mul3A_545 = arith.muli %scan3A_474, %mul3A_544 : i32
      %add3A_546 = arith.constant 128 : i32
      %add3A_547 = arith.addi %add3A_546, %mul3A_545 : i32
      %get3A_548 = arith.index_cast %add3A_547 : i32 to index
      %get3A_549 = tpu.vector_load %arg21[%get3A_548] {strides = array<i32>} : memref<512xf32, #tpu.memory_space<vmem>>, vector<16xf32>,
      %sub3A_550 = arith.subf %get3A_549, %mul3A_543 : vector<16xf32>
      %add3A_551 = arith.constant 1.000000e+00 : f32
      %add3A_552 = vector.broadcast %add3A_551 : f32 to vector<16xf32>
      %add3A_553 = arith.addf %sub3A_550, %add3A_552 : vector<16xf32>
      %max3A_554 = arith.constant 0.000000e+00 : f32
      %max3A_555 = vector.broadcast %max3A_554 : f32 to vector<16xf32>
      %max3A_556 = arith.maximumf %add3A_553, %max3A_555 : vector<16xf32>
      %add3A_557 = arith.addf %scan3A_475, %max3A_556 : vector<16xf32>
      scf.yield %add3A_557 : vector<16xf32>
    }
    %scan3A_377 = arith.constant 8 : i32
    %dma_start3A_378 = arith.constant 3 : i32
    %dma_start3A_379 = arith.constant 1 : i32
    %dma_start3A_380 = arith.constant 0 : i32
    %dma_start3A_381 = arith.constant 0 : i32
    %dma_start3A_382 = tpu.memref_slice %arg19[%dma_start3A_379, %dma_start3A_380, %dma_start3A_381] : memref<2x128x64xf32, #tpu.memory_space<vmem>> -> memref<1x128x64xf32, #tpu.memory_space<vmem>>
    %dma_start3A_383 = tpu.memref_squeeze %dma_start3A_382 : memref<1x128x64xf32, #tpu.memory_space<vmem>> -> memref<128x64xf32, #tpu.memory_space<vmem>>
    %dma_start3A_384 = arith.constant 0 : i32
    %dma_start3A_385 = tpu.memref_slice %arg16[%dma_start3A_378, %dma_start3A_384] : memref<4x128xi32, #tpu.memory_space<vmem>> -> memref<1x128xi32, #tpu.memory_space<vmem>>
    %dma_start3A_386 = tpu.memref_squeeze %dma_start3A_385 : memref<1x128xi32, #tpu.memory_space<vmem>> -> memref<128xi32, #tpu.memory_space<vmem>>
    %dma_start3A_387 = arith.constant 0 : i32
    %dma_start3A_388 = arith.constant 0 : i32
    %dma_start3A_389 = tpu.memref_slice %arg8[%dma_start3A_387, %dma_start3A_388] : memref<100000x64xf32, #tpu.memory_space<hbm>> -> memref<100000x64xf32, #tpu.memory_space<hbm>>
    tpu.enqueue_indirect_dma source(%dma_start3A_389 : memref<100000x64xf32, #tpu.memory_space<hbm>>) target(%dma_start3A_383 : memref<128x64xf32, #tpu.memory_space<vmem>>) offsets(%dma_start3A_386 : memref<128xi32, #tpu.memory_space<vmem>>) semaphore(%arg28 : memref<!tpu.dma_semaphore, #tpu.memory_space<semaphore_mem>>)
    %dma_start3A_390 = arith.constant 3 : i32
    %dma_start3A_391 = arith.constant 1 : i32
    %dma_start3A_392 = arith.constant 0 : i32
    %dma_start3A_393 = arith.constant 0 : i32
    %dma_start3A_394 = tpu.memref_slice %arg20[%dma_start3A_391, %dma_start3A_392, %dma_start3A_393] : memref<2x128x64xf32, #tpu.memory_space<vmem>> -> memref<1x128x64xf32, #tpu.memory_space<vmem>>
    %dma_start3A_395 = tpu.memref_squeeze %dma_start3A_394 : memref<1x128x64xf32, #tpu.memory_space<vmem>> -> memref<128x64xf32, #tpu.memory_space<vmem>>
    %dma_start3A_396 = arith.constant 0 : i32
    %dma_start3A_397 = tpu.memref_slice %arg17[%dma_start3A_390, %dma_start3A_396] : memref<4x128xi32, #tpu.memory_space<vmem>> -> memref<1x128xi32, #tpu.memory_space<vmem>>
    %dma_start3A_398 = tpu.memref_squeeze %dma_start3A_397 : memref<1x128xi32, #tpu.memory_space<vmem>> -> memref<128xi32, #tpu.memory_space<vmem>>
    %dma_start3A_399 = arith.constant 0 : i32
    %dma_start3A_400 = arith.constant 0 : i32
    %dma_start3A_401 = tpu.memref_slice %arg9[%dma_start3A_399, %dma_start3A_400] : memref<100000x64xf32, #tpu.memory_space<hbm>> -> memref<100000x64xf32, #tpu.memory_space<hbm>>
    tpu.enqueue_indirect_dma source(%dma_start3A_401 : memref<100000x64xf32, #tpu.memory_space<hbm>>) target(%dma_start3A_395 : memref<128x64xf32, #tpu.memory_space<vmem>>) offsets(%dma_start3A_398 : memref<128xi32, #tpu.memory_space<vmem>>) semaphore(%arg28 : memref<!tpu.dma_semaphore, #tpu.memory_space<semaphore_mem>>)
    %dma_wait3A_402 = arith.constant 2 : i32
    %dma_wait3A_403 = arith.constant 0 : i32
    %dma_wait3A_404 = arith.constant 0 : i32
    %dma_wait3A_405 = arith.constant 0 : i32
    %dma_wait3A_406 = tpu.memref_slice %arg19[%dma_wait3A_403, %dma_wait3A_404, %dma_wait3A_405] : memref<2x128x64xf32, #tpu.memory_space<vmem>> -> memref<1x128x64xf32, #tpu.memory_space<vmem>>
    %dma_wait3A_407 = tpu.memref_squeeze %dma_wait3A_406 : memref<1x128x64xf32, #tpu.memory_space<vmem>> -> memref<128x64xf32, #tpu.memory_space<vmem>>
    %dma_wait3A_408 = arith.constant 0 : i32
    %dma_wait3A_409 = tpu.memref_slice %arg16[%dma_wait3A_402, %dma_wait3A_408] : memref<4x128xi32, #tpu.memory_space<vmem>> -> memref<1x128xi32, #tpu.memory_space<vmem>>
    %dma_wait3A_410 = tpu.memref_squeeze %dma_wait3A_409 : memref<1x128xi32, #tpu.memory_space<vmem>> -> memref<128xi32, #tpu.memory_space<vmem>>
    %dma_wait3A_411 = arith.constant 0 : i32
    %dma_wait3A_412 = arith.constant 0 : i32
    %dma_wait3A_413 = tpu.memref_slice %arg8[%dma_wait3A_411, %dma_wait3A_412] : memref<100000x64xf32, #tpu.memory_space<hbm>> -> memref<100000x64xf32, #tpu.memory_space<hbm>>
    tpu.wait_indirect_dma semaphore(%arg27 : memref<!tpu.dma_semaphore, #tpu.memory_space<semaphore_mem>>) src(%dma_wait3A_413 : memref<100000x64xf32, #tpu.memory_space<hbm>>) dst(%dma_wait3A_407 : memref<128x64xf32, #tpu.memory_space<vmem>>)
    %dma_wait3A_414 = arith.constant 2 : i32
    %dma_wait3A_415 = arith.constant 0 : i32
    %dma_wait3A_416 = arith.constant 0 : i32
    %dma_wait3A_417 = arith.constant 0 : i32
    %dma_wait3A_418 = tpu.memref_slice %arg20[%dma_wait3A_415, %dma_wait3A_416, %dma_wait3A_417] : memref<2x128x64xf32, #tpu.memory_space<vmem>> -> memref<1x128x64xf32, #tpu.memory_space<vmem>>
    %dma_wait3A_419 = tpu.memref_squeeze %dma_wait3A_418 : memref<1x128x64xf32, #tpu.memory_space<vmem>> -> memref<128x64xf32, #tpu.memory_space<vmem>>
    %dma_wait3A_420 = arith.constant 0 : i32
    %dma_wait3A_421 = tpu.memref_slice %arg17[%dma_wait3A_414, %dma_wait3A_420] : memref<4x128xi32, #tpu.memory_space<vmem>> -> memref<1x128xi32, #tpu.memory_space<vmem>>
    %dma_wait3A_422 = tpu.memref_squeeze %dma_wait3A_421 : memref<1x128xi32, #tpu.memory_space<vmem>> -> memref<128xi32, #tpu.memory_space<vmem>>
    %dma_wait3A_423 = arith.constant 0 : i32
    %dma_wait3A_424 = arith.constant 0 : i32
    %dma_wait3A_425 = tpu.memref_slice %arg9[%dma_wait3A_423, %dma_wait3A_424] : memref<100000x64xf32, #tpu.memory_space<hbm>> -> memref<100000x64xf32, #tpu.memory_space<hbm>>
    tpu.wait_indirect_dma semaphore(%arg27 : memref<!tpu.dma_semaphore, #tpu.memory_space<semaphore_mem>>) src(%dma_wait3A_425 : memref<100000x64xf32, #tpu.memory_space<hbm>>) dst(%dma_wait3A_419 : memref<128x64xf32, #tpu.memory_space<vmem>>)
    %broadcast_in_dim3A_426 = arith.constant 0 : i32
    %broadcast_in_dim3A_427 = vector.broadcast %broadcast_in_dim3A_426 : i32 to vector<16xi32>
    %scan3A_428 = arith.constant 0 : i32
    %scan3A_429 = arith.constant 8 : i32
    %scan3A_430 = arith.addi %scan3A_428, %scan3A_429 : i32
    %scan3A_431 = arith.constant 1 : i32
    %scan3A_432 = scf.for %scan3A_474 = %scan3A_428 to %scan3A_430 step %scan3A_431 iter_args(%scan3A_475 = %scan3A_376) -> (vector<16xf32>)  : i32 {
      %mul3A_476 = arith.constant 16 : i32
      %mul3A_477 = arith.muli %scan3A_474, %mul3A_476 : i32
      %get3A = arith.constant 2 : i32
      %get3A_478 = arith.index_cast %get3A : i32 to index
      %get3A_479 = arith.index_cast %mul3A_477 : i32 to index
      %get3A_480 = tpu.vector_load %arg18[%get3A_478, %get3A_479] {strides = array<i32>} : memref<4x128xi32, #tpu.memory_space<vmem>>, vector<16xi32>,
      %mul3A_481 = arith.constant 16 : i32
      %mul3A_482 = arith.muli %scan3A_474, %mul3A_481 : i32
      %add3A_483 = vector.broadcast %mul3A_482 : i32 to vector<16xi32>
      %add3A_484 = arith.addi %add3A_483, %iota3A : vector<16xi32>
      %scan3A_485 = arith.constant 0 : i32
      %scan3A_486 = arith.constant 8 : i32
      %scan3A_487 = arith.addi %scan3A_485, %scan3A_486 : i32
      %scan3A_488 = arith.constant 1 : i32
      %scan3A_489:3 = scf.for %scan3A_558 = %scan3A_485 to %scan3A_487 step %scan3A_488 iter_args(%scan3A_559 = %broadcast_in_dim3A_1, %scan3A_560 = %broadcast_in_dim3A_1, %scan3A_561 = %broadcast_in_dim3A_1) -> (vector<16xf32>, vector<16xf32>, vector<16xf32>)  : i32 {
        %mul3A_562 = arith.constant 8 : i32
        %mul3A_563 = arith.muli %scan3A_558, %mul3A_562 : i32
        %add3A_564 = arith.constant 0 : i32
        %add3A_565 = arith.addi %mul3A_563, %add3A_564 : i32
        %add3A_566 = vector.broadcast %add3A_565 : i32 to vector<16xi32>
        %add3A_567 = arith.addi %add3A_566, %iota3A : vector<16xi32>
        %and3A = arith.constant 63 : i32
        %and3A_568 = vector.broadcast %and3A : i32 to vector<16xi32>
        %and3A_569 = arith.andi %add3A_567, %and3A_568 : vector<16xi32>
        %gather3A_570 = tpu.vector_load_idx %arg19[%broadcast_in_dim3A_427, %add3A_484, %and3A_569] : memref<2x128x64xf32, #tpu.memory_space<vmem>>[vector<16xi32>, vector<16xi32>, vector<16xi32>], vector<16xf32>,
        %gather3A_571 = tpu.vector_load_idx %arg20[%broadcast_in_dim3A_427, %add3A_484, %and3A_569] : memref<2x128x64xf32, #tpu.memory_space<vmem>>[vector<16xi32>, vector<16xi32>, vector<16xi32>], vector<16xf32>,
        %gather3A_572 = tpu.vector_load_idx %arg22[%get3A_480, %and3A_569] : memref<6x64xf32, #tpu.memory_space<vmem>>[vector<16xi32>, vector<16xi32>], vector<16xf32>,
        %gather3A_573 = tpu.vector_load_idx %arg23[%get3A_480, %and3A_569] : memref<6x64xf32, #tpu.memory_space<vmem>>[vector<16xi32>, vector<16xi32>], vector<16xf32>,
        %sub3A_574 = arith.subf %gather3A_570, %gather3A_571 : vector<16xf32>
        %add3A_575 = arith.addf %sub3A_574, %gather3A_573 : vector<16xf32>
        %add3A_576 = arith.addf %scan3A_559, %add3A_575 : vector<16xf32>
        %mul3A_577 = arith.mulf %add3A_575, %add3A_575 : vector<16xf32>
        %add3A_578 = arith.addf %scan3A_560, %mul3A_577 : vector<16xf32>
        %mul3A_579 = arith.mulf %add3A_575, %gather3A_572 : vector<16xf32>
        %add3A_580 = arith.addf %scan3A_561, %mul3A_579 : vector<16xf32>
        %mul3A_581 = arith.constant 8 : i32
        %mul3A_582 = arith.muli %scan3A_558, %mul3A_581 : i32
        %add3A_583 = arith.constant 1 : i32
        %add3A_584 = arith.addi %mul3A_582, %add3A_583 : i32
        %add3A_585 = vector.broadcast %add3A_584 : i32 to vector<16xi32>
        %add3A_586 = arith.addi %add3A_585, %iota3A : vector<16xi32>
        %and3A_587 = arith.constant 63 : i32
        %and3A_588 = vector.broadcast %and3A_587 : i32 to vector<16xi32>
        %and3A_589 = arith.andi %add3A_586, %and3A_588 : vector<16xi32>
        %gather3A_590 = tpu.vector_load_idx %arg19[%broadcast_in_dim3A_427, %add3A_484, %and3A_589] : memref<2x128x64xf32, #tpu.memory_space<vmem>>[vector<16xi32>, vector<16xi32>, vector<16xi32>], vector<16xf32>,
        %gather3A_591 = tpu.vector_load_idx %arg20[%broadcast_in_dim3A_427, %add3A_484, %and3A_589] : memref<2x128x64xf32, #tpu.memory_space<vmem>>[vector<16xi32>, vector<16xi32>, vector<16xi32>], vector<16xf32>,
        %gather3A_592 = tpu.vector_load_idx %arg22[%get3A_480, %and3A_589] : memref<6x64xf32, #tpu.memory_space<vmem>>[vector<16xi32>, vector<16xi32>], vector<16xf32>,
        %gather3A_593 = tpu.vector_load_idx %arg23[%get3A_480, %and3A_589] : memref<6x64xf32, #tpu.memory_space<vmem>>[vector<16xi32>, vector<16xi32>], vector<16xf32>,
        %sub3A_594 = arith.subf %gather3A_590, %gather3A_591 : vector<16xf32>
        %add3A_595 = arith.addf %sub3A_594, %gather3A_593 : vector<16xf32>
        %add3A_596 = arith.addf %add3A_576, %add3A_595 : vector<16xf32>
        %mul3A_597 = arith.mulf %add3A_595, %add3A_595 : vector<16xf32>
        %add3A_598 = arith.addf %add3A_578, %mul3A_597 : vector<16xf32>
        %mul3A_599 = arith.mulf %add3A_595, %gather3A_592 : vector<16xf32>
        %add3A_600 = arith.addf %add3A_580, %mul3A_599 : vector<16xf32>
        %mul3A_601 = arith.constant 8 : i32
        %mul3A_602 = arith.muli %scan3A_558, %mul3A_601 : i32
        %add3A_603 = arith.constant 2 : i32
        %add3A_604 = arith.addi %mul3A_602, %add3A_603 : i32
        %add3A_605 = vector.broadcast %add3A_604 : i32 to vector<16xi32>
        %add3A_606 = arith.addi %add3A_605, %iota3A : vector<16xi32>
        %and3A_607 = arith.constant 63 : i32
        %and3A_608 = vector.broadcast %and3A_607 : i32 to vector<16xi32>
        %and3A_609 = arith.andi %add3A_606, %and3A_608 : vector<16xi32>
        %gather3A_610 = tpu.vector_load_idx %arg19[%broadcast_in_dim3A_427, %add3A_484, %and3A_609] : memref<2x128x64xf32, #tpu.memory_space<vmem>>[vector<16xi32>, vector<16xi32>, vector<16xi32>], vector<16xf32>,
        %gather3A_611 = tpu.vector_load_idx %arg20[%broadcast_in_dim3A_427, %add3A_484, %and3A_609] : memref<2x128x64xf32, #tpu.memory_space<vmem>>[vector<16xi32>, vector<16xi32>, vector<16xi32>], vector<16xf32>,
        %gather3A_612 = tpu.vector_load_idx %arg22[%get3A_480, %and3A_609] : memref<6x64xf32, #tpu.memory_space<vmem>>[vector<16xi32>, vector<16xi32>], vector<16xf32>,
        %gather3A_613 = tpu.vector_load_idx %arg23[%get3A_480, %and3A_609] : memref<6x64xf32, #tpu.memory_space<vmem>>[vector<16xi32>, vector<16xi32>], vector<16xf32>,
        %sub3A_614 = arith.subf %gather3A_610, %gather3A_611 : vector<16xf32>
        %add3A_615 = arith.addf %sub3A_614, %gather3A_613 : vector<16xf32>
        %add3A_616 = arith.addf %add3A_596, %add3A_615 : vector<16xf32>
        %mul3A_617 = arith.mulf %add3A_615, %add3A_615 : vector<16xf32>
        %add3A_618 = arith.addf %add3A_598, %mul3A_617 : vector<16xf32>
        %mul3A_619 = arith.mulf %add3A_615, %gather3A_612 : vector<16xf32>
        %add3A_620 = arith.addf %add3A_600, %mul3A_619 : vector<16xf32>
        %mul3A_621 = arith.constant 8 : i32
        %mul3A_622 = arith.muli %scan3A_558, %mul3A_621 : i32
        %add3A_623 = arith.constant 3 : i32
        %add3A_624 = arith.addi %mul3A_622, %add3A_623 : i32
        %add3A_625 = vector.broadcast %add3A_624 : i32 to vector<16xi32>
        %add3A_626 = arith.addi %add3A_625, %iota3A : vector<16xi32>
        %and3A_627 = arith.constant 63 : i32
        %and3A_628 = vector.broadcast %and3A_627 : i32 to vector<16xi32>
        %and3A_629 = arith.andi %add3A_626, %and3A_628 : vector<16xi32>
        %gather3A_630 = tpu.vector_load_idx %arg19[%broadcast_in_dim3A_427, %add3A_484, %and3A_629] : memref<2x128x64xf32, #tpu.memory_space<vmem>>[vector<16xi32>, vector<16xi32>, vector<16xi32>], vector<16xf32>,
        %gather3A_631 = tpu.vector_load_idx %arg20[%broadcast_in_dim3A_427, %add3A_484, %and3A_629] : memref<2x128x64xf32, #tpu.memory_space<vmem>>[vector<16xi32>, vector<16xi32>, vector<16xi32>], vector<16xf32>,
        %gather3A_632 = tpu.vector_load_idx %arg22[%get3A_480, %and3A_629] : memref<6x64xf32, #tpu.memory_space<vmem>>[vector<16xi32>, vector<16xi32>], vector<16xf32>,
        %gather3A_633 = tpu.vector_load_idx %arg23[%get3A_480, %and3A_629] : memref<6x64xf32, #tpu.memory_space<vmem>>[vector<16xi32>, vector<16xi32>], vector<16xf32>,
        %sub3A_634 = arith.subf %gather3A_630, %gather3A_631 : vector<16xf32>
        %add3A_635 = arith.addf %sub3A_634, %gather3A_633 : vector<16xf32>
        %add3A_636 = arith.addf %add3A_616, %add3A_635 : vector<16xf32>
        %mul3A_637 = arith.mulf %add3A_635, %add3A_635 : vector<16xf32>
        %add3A_638 = arith.addf %add3A_618, %mul3A_637 : vector<16xf32>
        %mul3A_639 = arith.mulf %add3A_635, %gather3A_632 : vector<16xf32>
        %add3A_640 = arith.addf %add3A_620, %mul3A_639 : vector<16xf32>
        %mul3A_641 = arith.constant 8 : i32
        %mul3A_642 = arith.muli %scan3A_558, %mul3A_641 : i32
        %add3A_643 = arith.constant 4 : i32
        %add3A_644 = arith.addi %mul3A_642, %add3A_643 : i32
        %add3A_645 = vector.broadcast %add3A_644 : i32 to vector<16xi32>
        %add3A_646 = arith.addi %add3A_645, %iota3A : vector<16xi32>
        %and3A_647 = arith.constant 63 : i32
        %and3A_648 = vector.broadcast %and3A_647 : i32 to vector<16xi32>
        %and3A_649 = arith.andi %add3A_646, %and3A_648 : vector<16xi32>
        %gather3A_650 = tpu.vector_load_idx %arg19[%broadcast_in_dim3A_427, %add3A_484, %and3A_649] : memref<2x128x64xf32, #tpu.memory_space<vmem>>[vector<16xi32>, vector<16xi32>, vector<16xi32>], vector<16xf32>,
        %gather3A_651 = tpu.vector_load_idx %arg20[%broadcast_in_dim3A_427, %add3A_484, %and3A_649] : memref<2x128x64xf32, #tpu.memory_space<vmem>>[vector<16xi32>, vector<16xi32>, vector<16xi32>], vector<16xf32>,
        %gather3A_652 = tpu.vector_load_idx %arg22[%get3A_480, %and3A_649] : memref<6x64xf32, #tpu.memory_space<vmem>>[vector<16xi32>, vector<16xi32>], vector<16xf32>,
        %gather3A_653 = tpu.vector_load_idx %arg23[%get3A_480, %and3A_649] : memref<6x64xf32, #tpu.memory_space<vmem>>[vector<16xi32>, vector<16xi32>], vector<16xf32>,
        %sub3A_654 = arith.subf %gather3A_650, %gather3A_651 : vector<16xf32>
        %add3A_655 = arith.addf %sub3A_654, %gather3A_653 : vector<16xf32>
        %add3A_656 = arith.addf %add3A_636, %add3A_655 : vector<16xf32>
        %mul3A_657 = arith.mulf %add3A_655, %add3A_655 : vector<16xf32>
        %add3A_658 = arith.addf %add3A_638, %mul3A_657 : vector<16xf32>
        %mul3A_659 = arith.mulf %add3A_655, %gather3A_652 : vector<16xf32>
        %add3A_660 = arith.addf %add3A_640, %mul3A_659 : vector<16xf32>
        %mul3A_661 = arith.constant 8 : i32
        %mul3A_662 = arith.muli %scan3A_558, %mul3A_661 : i32
        %add3A_663 = arith.constant 5 : i32
        %add3A_664 = arith.addi %mul3A_662, %add3A_663 : i32
        %add3A_665 = vector.broadcast %add3A_664 : i32 to vector<16xi32>
        %add3A_666 = arith.addi %add3A_665, %iota3A : vector<16xi32>
        %and3A_667 = arith.constant 63 : i32
        %and3A_668 = vector.broadcast %and3A_667 : i32 to vector<16xi32>
        %and3A_669 = arith.andi %add3A_666, %and3A_668 : vector<16xi32>
        %gather3A_670 = tpu.vector_load_idx %arg19[%broadcast_in_dim3A_427, %add3A_484, %and3A_669] : memref<2x128x64xf32, #tpu.memory_space<vmem>>[vector<16xi32>, vector<16xi32>, vector<16xi32>], vector<16xf32>,
        %gather3A_671 = tpu.vector_load_idx %arg20[%broadcast_in_dim3A_427, %add3A_484, %and3A_669] : memref<2x128x64xf32, #tpu.memory_space<vmem>>[vector<16xi32>, vector<16xi32>, vector<16xi32>], vector<16xf32>,
        %gather3A_672 = tpu.vector_load_idx %arg22[%get3A_480, %and3A_669] : memref<6x64xf32, #tpu.memory_space<vmem>>[vector<16xi32>, vector<16xi32>], vector<16xf32>,
        %gather3A_673 = tpu.vector_load_idx %arg23[%get3A_480, %and3A_669] : memref<6x64xf32, #tpu.memory_space<vmem>>[vector<16xi32>, vector<16xi32>], vector<16xf32>,
        %sub3A_674 = arith.subf %gather3A_670, %gather3A_671 : vector<16xf32>
        %add3A_675 = arith.addf %sub3A_674, %gather3A_673 : vector<16xf32>
        %add3A_676 = arith.addf %add3A_656, %add3A_675 : vector<16xf32>
        %mul3A_677 = arith.mulf %add3A_675, %add3A_675 : vector<16xf32>
        %add3A_678 = arith.addf %add3A_658, %mul3A_677 : vector<16xf32>
        %mul3A_679 = arith.mulf %add3A_675, %gather3A_672 : vector<16xf32>
        %add3A_680 = arith.addf %add3A_660, %mul3A_679 : vector<16xf32>
        %mul3A_681 = arith.constant 8 : i32
        %mul3A_682 = arith.muli %scan3A_558, %mul3A_681 : i32
        %add3A_683 = arith.constant 6 : i32
        %add3A_684 = arith.addi %mul3A_682, %add3A_683 : i32
        %add3A_685 = vector.broadcast %add3A_684 : i32 to vector<16xi32>
        %add3A_686 = arith.addi %add3A_685, %iota3A : vector<16xi32>
        %and3A_687 = arith.constant 63 : i32
        %and3A_688 = vector.broadcast %and3A_687 : i32 to vector<16xi32>
        %and3A_689 = arith.andi %add3A_686, %and3A_688 : vector<16xi32>
        %gather3A_690 = tpu.vector_load_idx %arg19[%broadcast_in_dim3A_427, %add3A_484, %and3A_689] : memref<2x128x64xf32, #tpu.memory_space<vmem>>[vector<16xi32>, vector<16xi32>, vector<16xi32>], vector<16xf32>,
        %gather3A_691 = tpu.vector_load_idx %arg20[%broadcast_in_dim3A_427, %add3A_484, %and3A_689] : memref<2x128x64xf32, #tpu.memory_space<vmem>>[vector<16xi32>, vector<16xi32>, vector<16xi32>], vector<16xf32>,
        %gather3A_692 = tpu.vector_load_idx %arg22[%get3A_480, %and3A_689] : memref<6x64xf32, #tpu.memory_space<vmem>>[vector<16xi32>, vector<16xi32>], vector<16xf32>,
        %gather3A_693 = tpu.vector_load_idx %arg23[%get3A_480, %and3A_689] : memref<6x64xf32, #tpu.memory_space<vmem>>[vector<16xi32>, vector<16xi32>], vector<16xf32>,
        %sub3A_694 = arith.subf %gather3A_690, %gather3A_691 : vector<16xf32>
        %add3A_695 = arith.addf %sub3A_694, %gather3A_693 : vector<16xf32>
        %add3A_696 = arith.addf %add3A_676, %add3A_695 : vector<16xf32>
        %mul3A_697 = arith.mulf %add3A_695, %add3A_695 : vector<16xf32>
        %add3A_698 = arith.addf %add3A_678, %mul3A_697 : vector<16xf32>
        %mul3A_699 = arith.mulf %add3A_695, %gather3A_692 : vector<16xf32>
        %add3A_700 = arith.addf %add3A_680, %mul3A_699 : vector<16xf32>
        %mul3A_701 = arith.constant 8 : i32
        %mul3A_702 = arith.muli %scan3A_558, %mul3A_701 : i32
        %add3A_703 = arith.constant 7 : i32
        %add3A_704 = arith.addi %mul3A_702, %add3A_703 : i32
        %add3A_705 = vector.broadcast %add3A_704 : i32 to vector<16xi32>
        %add3A_706 = arith.addi %add3A_705, %iota3A : vector<16xi32>
        %and3A_707 = arith.constant 63 : i32
        %and3A_708 = vector.broadcast %and3A_707 : i32 to vector<16xi32>
        %and3A_709 = arith.andi %add3A_706, %and3A_708 : vector<16xi32>
        %gather3A_710 = tpu.vector_load_idx %arg19[%broadcast_in_dim3A_427, %add3A_484, %and3A_709] : memref<2x128x64xf32, #tpu.memory_space<vmem>>[vector<16xi32>, vector<16xi32>, vector<16xi32>], vector<16xf32>,
        %gather3A_711 = tpu.vector_load_idx %arg20[%broadcast_in_dim3A_427, %add3A_484, %and3A_709] : memref<2x128x64xf32, #tpu.memory_space<vmem>>[vector<16xi32>, vector<16xi32>, vector<16xi32>], vector<16xf32>,
        %gather3A_712 = tpu.vector_load_idx %arg22[%get3A_480, %and3A_709] : memref<6x64xf32, #tpu.memory_space<vmem>>[vector<16xi32>, vector<16xi32>], vector<16xf32>,
        %gather3A_713 = tpu.vector_load_idx %arg23[%get3A_480, %and3A_709] : memref<6x64xf32, #tpu.memory_space<vmem>>[vector<16xi32>, vector<16xi32>], vector<16xf32>,
        %sub3A_714 = arith.subf %gather3A_710, %gather3A_711 : vector<16xf32>
        %add3A_715 = arith.addf %sub3A_714, %gather3A_713 : vector<16xf32>
        %add3A_716 = arith.addf %add3A_696, %add3A_715 : vector<16xf32>
        %mul3A_717 = arith.mulf %add3A_715, %add3A_715 : vector<16xf32>
        %add3A_718 = arith.addf %add3A_698, %mul3A_717 : vector<16xf32>
        %mul3A_719 = arith.mulf %add3A_715, %gather3A_712 : vector<16xf32>
        %add3A_720 = arith.addf %add3A_700, %mul3A_719 : vector<16xf32>
        scf.yield %add3A_716, %add3A_718, %add3A_720 : vector<16xf32>, vector<16xf32>, vector<16xf32>
      }
      %scan3A_490 = arith.constant 8 : i32
      %gather3A = tpu.vector_load_idx %arg24[%get3A_480] : memref<16xf32, #tpu.memory_space<vmem>>[vector<16xi32>], vector<16xf32>,
      %sub3A = arith.subf %scan3A_489#2, %gather3A : vector<16xf32>
      %gather3A_491 = tpu.vector_load_idx %arg25[%get3A_480] : memref<16xf32, #tpu.memory_space<vmem>>[vector<16xi32>], vector<16xf32>,
      %mul3A_492 = arith.constant 2.000000e+00 : f32
      %mul3A_493 = vector.broadcast %mul3A_492 : f32 to vector<16xf32>
      %mul3A_494 = arith.mulf %mul3A_493, %sub3A : vector<16xf32>
      %mul3A_495 = arith.mulf %mul3A_494, %scan3A_489#2 : vector<16xf32>
      %sub3A_496 = arith.subf %scan3A_489#1, %mul3A_495 : vector<16xf32>
      %mul3A_497 = arith.mulf %sub3A, %sub3A : vector<16xf32>
      %add3A_498 = arith.addf %sub3A_496, %mul3A_497 : vector<16xf32>
      %mul3A_499 = arith.mulf %sub3A, %gather3A_491 : vector<16xf32>
      %sub3A_500 = arith.subf %scan3A_489#0, %mul3A_499 : vector<16xf32>
      %mul3A_501 = arith.constant 2.000000e-06 : f32
      %mul3A_502 = vector.broadcast %mul3A_501 : f32 to vector<16xf32>
      %mul3A_503 = arith.mulf %mul3A_502, %sub3A_500 : vector<16xf32>
      %add3A_504 = arith.addf %add3A_498, %mul3A_503 : vector<16xf32>
      %add3A_505 = arith.constant 6.400000e-11 : f32
      %add3A_506 = vector.broadcast %add3A_505 : f32 to vector<16xf32>
      %add3A_507 = arith.addf %add3A_504, %add3A_506 : vector<16xf32>
      %max3A = arith.constant 1.000000e-24 : f32
      %max3A_508 = vector.broadcast %max3A : f32 to vector<16xf32>
      %max3A_509 = arith.maximumf %add3A_507, %max3A_508 : vector<16xf32>
      %bitcast3A = vector.bitcast %max3A_509 : vector<16xf32> to vector<16xi32>
      %shift_right_arithmetic3A = arith.constant 1 : i32
      %shift_right_arithmetic3A_510 = vector.broadcast %shift_right_arithmetic3A : i32 to vector<16xi32>
      %shift_right_arithmetic3A_511 = arith.shrsi %bitcast3A, %shift_right_arithmetic3A_510 : vector<16xi32>
      %sub3A_512 = arith.constant 1597463007 : i32
      %sub3A_513 = vector.broadcast %sub3A_512 : i32 to vector<16xi32>
      %sub3A_514 = arith.subi %sub3A_513, %shift_right_arithmetic3A_511 : vector<16xi32>
      %bitcast3A_515 = vector.bitcast %sub3A_514 : vector<16xi32> to vector<16xf32>
      %mul3A_516 = arith.constant 5.000000e-01 : f32
      %mul3A_517 = vector.broadcast %mul3A_516 : f32 to vector<16xf32>
      %mul3A_518 = arith.mulf %mul3A_517, %max3A_509 : vector<16xf32>
      %mul3A_519 = arith.mulf %mul3A_518, %bitcast3A_515 : vector<16xf32>
      %mul3A_520 = arith.mulf %mul3A_519, %bitcast3A_515 : vector<16xf32>
      %sub3A_521 = arith.constant 1.500000e+00 : f32
      %sub3A_522 = vector.broadcast %sub3A_521 : f32 to vector<16xf32>
      %sub3A_523 = arith.subf %sub3A_522, %mul3A_520 : vector<16xf32>
      %mul3A_524 = arith.mulf %bitcast3A_515, %sub3A_523 : vector<16xf32>
      %mul3A_525 = arith.constant 5.000000e-01 : f32
      %mul3A_526 = vector.broadcast %mul3A_525 : f32 to vector<16xf32>
      %mul3A_527 = arith.mulf %mul3A_526, %max3A_509 : vector<16xf32>
      %mul3A_528 = arith.mulf %mul3A_527, %mul3A_524 : vector<16xf32>
      %mul3A_529 = arith.mulf %mul3A_528, %mul3A_524 : vector<16xf32>
      %sub3A_530 = arith.constant 1.500000e+00 : f32
      %sub3A_531 = vector.broadcast %sub3A_530 : f32 to vector<16xf32>
      %sub3A_532 = arith.subf %sub3A_531, %mul3A_529 : vector<16xf32>
      %mul3A_533 = arith.mulf %mul3A_524, %sub3A_532 : vector<16xf32>
      %mul3A_534 = arith.constant 5.000000e-01 : f32
      %mul3A_535 = vector.broadcast %mul3A_534 : f32 to vector<16xf32>
      %mul3A_536 = arith.mulf %mul3A_535, %max3A_509 : vector<16xf32>
      %mul3A_537 = arith.mulf %mul3A_536, %mul3A_533 : vector<16xf32>
      %mul3A_538 = arith.mulf %mul3A_537, %mul3A_533 : vector<16xf32>
      %sub3A_539 = arith.constant 1.500000e+00 : f32
      %sub3A_540 = vector.broadcast %sub3A_539 : f32 to vector<16xf32>
      %sub3A_541 = arith.subf %sub3A_540, %mul3A_538 : vector<16xf32>
      %mul3A_542 = arith.mulf %mul3A_533, %sub3A_541 : vector<16xf32>
      %mul3A_543 = arith.mulf %max3A_509, %mul3A_542 : vector<16xf32>
      %mul3A_544 = arith.constant 16 : i32
      %mul3A_545 = arith.muli %scan3A_474, %mul3A_544 : i32
      %add3A_546 = arith.constant 256 : i32
      %add3A_547 = arith.addi %add3A_546, %mul3A_545 : i32
      %get3A_548 = arith.index_cast %add3A_547 : i32 to index
      %get3A_549 = tpu.vector_load %arg21[%get3A_548] {strides = array<i32>} : memref<512xf32, #tpu.memory_space<vmem>>, vector<16xf32>,
      %sub3A_550 = arith.subf %get3A_549, %mul3A_543 : vector<16xf32>
      %add3A_551 = arith.constant 1.000000e+00 : f32
      %add3A_552 = vector.broadcast %add3A_551 : f32 to vector<16xf32>
      %add3A_553 = arith.addf %sub3A_550, %add3A_552 : vector<16xf32>
      %max3A_554 = arith.constant 0.000000e+00 : f32
      %max3A_555 = vector.broadcast %max3A_554 : f32 to vector<16xf32>
      %max3A_556 = arith.maximumf %add3A_553, %max3A_555 : vector<16xf32>
      %add3A_557 = arith.addf %scan3A_475, %max3A_556 : vector<16xf32>
      scf.yield %add3A_557 : vector<16xf32>
    }
    %scan3A_433 = arith.constant 8 : i32
    %dma_wait3A_434 = arith.constant 3 : i32
    %dma_wait3A_435 = arith.constant 1 : i32
    %dma_wait3A_436 = arith.constant 0 : i32
    %dma_wait3A_437 = arith.constant 0 : i32
    %dma_wait3A_438 = tpu.memref_slice %arg19[%dma_wait3A_435, %dma_wait3A_436, %dma_wait3A_437] : memref<2x128x64xf32, #tpu.memory_space<vmem>> -> memref<1x128x64xf32, #tpu.memory_space<vmem>>
    %dma_wait3A_439 = tpu.memref_squeeze %dma_wait3A_438 : memref<1x128x64xf32, #tpu.memory_space<vmem>> -> memref<128x64xf32, #tpu.memory_space<vmem>>
    %dma_wait3A_440 = arith.constant 0 : i32
    %dma_wait3A_441 = tpu.memref_slice %arg16[%dma_wait3A_434, %dma_wait3A_440] : memref<4x128xi32, #tpu.memory_space<vmem>> -> memref<1x128xi32, #tpu.memory_space<vmem>>
    %dma_wait3A_442 = tpu.memref_squeeze %dma_wait3A_441 : memref<1x128xi32, #tpu.memory_space<vmem>> -> memref<128xi32, #tpu.memory_space<vmem>>
    %dma_wait3A_443 = arith.constant 0 : i32
    %dma_wait3A_444 = arith.constant 0 : i32
    %dma_wait3A_445 = tpu.memref_slice %arg8[%dma_wait3A_443, %dma_wait3A_444] : memref<100000x64xf32, #tpu.memory_space<hbm>> -> memref<100000x64xf32, #tpu.memory_space<hbm>>
    tpu.wait_indirect_dma semaphore(%arg28 : memref<!tpu.dma_semaphore, #tpu.memory_space<semaphore_mem>>) src(%dma_wait3A_445 : memref<100000x64xf32, #tpu.memory_space<hbm>>) dst(%dma_wait3A_439 : memref<128x64xf32, #tpu.memory_space<vmem>>)
    %dma_wait3A_446 = arith.constant 3 : i32
    %dma_wait3A_447 = arith.constant 1 : i32
    %dma_wait3A_448 = arith.constant 0 : i32
    %dma_wait3A_449 = arith.constant 0 : i32
    %dma_wait3A_450 = tpu.memref_slice %arg20[%dma_wait3A_447, %dma_wait3A_448, %dma_wait3A_449] : memref<2x128x64xf32, #tpu.memory_space<vmem>> -> memref<1x128x64xf32, #tpu.memory_space<vmem>>
    %dma_wait3A_451 = tpu.memref_squeeze %dma_wait3A_450 : memref<1x128x64xf32, #tpu.memory_space<vmem>> -> memref<128x64xf32, #tpu.memory_space<vmem>>
    %dma_wait3A_452 = arith.constant 0 : i32
    %dma_wait3A_453 = tpu.memref_slice %arg17[%dma_wait3A_446, %dma_wait3A_452] : memref<4x128xi32, #tpu.memory_space<vmem>> -> memref<1x128xi32, #tpu.memory_space<vmem>>
    %dma_wait3A_454 = tpu.memref_squeeze %dma_wait3A_453 : memref<1x128xi32, #tpu.memory_space<vmem>> -> memref<128xi32, #tpu.memory_space<vmem>>
    %dma_wait3A_455 = arith.constant 0 : i32
    %dma_wait3A_456 = arith.constant 0 : i32
    %dma_wait3A_457 = tpu.memref_slice %arg9[%dma_wait3A_455, %dma_wait3A_456] : memref<100000x64xf32, #tpu.memory_space<hbm>> -> memref<100000x64xf32, #tpu.memory_space<hbm>>
    tpu.wait_indirect_dma semaphore(%arg28 : memref<!tpu.dma_semaphore, #tpu.memory_space<semaphore_mem>>) src(%dma_wait3A_457 : memref<100000x64xf32, #tpu.memory_space<hbm>>) dst(%dma_wait3A_451 : memref<128x64xf32, #tpu.memory_space<vmem>>)
    %broadcast_in_dim3A_458 = arith.constant 1 : i32
    %broadcast_in_dim3A_459 = vector.broadcast %broadcast_in_dim3A_458 : i32 to vector<16xi32>
    %scan3A_460 = arith.constant 0 : i32
    %scan3A_461 = arith.constant 8 : i32
    %scan3A_462 = arith.addi %scan3A_460, %scan3A_461 : i32
    %scan3A_463 = arith.constant 1 : i32
    %scan3A_464 = scf.for %scan3A_474 = %scan3A_460 to %scan3A_462 step %scan3A_463 iter_args(%scan3A_475 = %scan3A_432) -> (vector<16xf32>)  : i32 {
      %mul3A_476 = arith.constant 16 : i32
      %mul3A_477 = arith.muli %scan3A_474, %mul3A_476 : i32
      %get3A = arith.constant 3 : i32
      %get3A_478 = arith.index_cast %get3A : i32 to index
      %get3A_479 = arith.index_cast %mul3A_477 : i32 to index
      %get3A_480 = tpu.vector_load %arg18[%get3A_478, %get3A_479] {strides = array<i32>} : memref<4x128xi32, #tpu.memory_space<vmem>>, vector<16xi32>,
      %mul3A_481 = arith.constant 16 : i32
      %mul3A_482 = arith.muli %scan3A_474, %mul3A_481 : i32
      %add3A_483 = vector.broadcast %mul3A_482 : i32 to vector<16xi32>
      %add3A_484 = arith.addi %add3A_483, %iota3A : vector<16xi32>
      %scan3A_485 = arith.constant 0 : i32
      %scan3A_486 = arith.constant 8 : i32
      %scan3A_487 = arith.addi %scan3A_485, %scan3A_486 : i32
      %scan3A_488 = arith.constant 1 : i32
      %scan3A_489:3 = scf.for %scan3A_558 = %scan3A_485 to %scan3A_487 step %scan3A_488 iter_args(%scan3A_559 = %broadcast_in_dim3A_1, %scan3A_560 = %broadcast_in_dim3A_1, %scan3A_561 = %broadcast_in_dim3A_1) -> (vector<16xf32>, vector<16xf32>, vector<16xf32>)  : i32 {
        %mul3A_562 = arith.constant 8 : i32
        %mul3A_563 = arith.muli %scan3A_558, %mul3A_562 : i32
        %add3A_564 = arith.constant 0 : i32
        %add3A_565 = arith.addi %mul3A_563, %add3A_564 : i32
        %add3A_566 = vector.broadcast %add3A_565 : i32 to vector<16xi32>
        %add3A_567 = arith.addi %add3A_566, %iota3A : vector<16xi32>
        %and3A = arith.constant 63 : i32
        %and3A_568 = vector.broadcast %and3A : i32 to vector<16xi32>
        %and3A_569 = arith.andi %add3A_567, %and3A_568 : vector<16xi32>
        %gather3A_570 = tpu.vector_load_idx %arg19[%broadcast_in_dim3A_459, %add3A_484, %and3A_569] : memref<2x128x64xf32, #tpu.memory_space<vmem>>[vector<16xi32>, vector<16xi32>, vector<16xi32>], vector<16xf32>,
        %gather3A_571 = tpu.vector_load_idx %arg20[%broadcast_in_dim3A_459, %add3A_484, %and3A_569] : memref<2x128x64xf32, #tpu.memory_space<vmem>>[vector<16xi32>, vector<16xi32>, vector<16xi32>], vector<16xf32>,
        %gather3A_572 = tpu.vector_load_idx %arg22[%get3A_480, %and3A_569] : memref<6x64xf32, #tpu.memory_space<vmem>>[vector<16xi32>, vector<16xi32>], vector<16xf32>,
        %gather3A_573 = tpu.vector_load_idx %arg23[%get3A_480, %and3A_569] : memref<6x64xf32, #tpu.memory_space<vmem>>[vector<16xi32>, vector<16xi32>], vector<16xf32>,
        %sub3A_574 = arith.subf %gather3A_570, %gather3A_571 : vector<16xf32>
        %add3A_575 = arith.addf %sub3A_574, %gather3A_573 : vector<16xf32>
        %add3A_576 = arith.addf %scan3A_559, %add3A_575 : vector<16xf32>
        %mul3A_577 = arith.mulf %add3A_575, %add3A_575 : vector<16xf32>
        %add3A_578 = arith.addf %scan3A_560, %mul3A_577 : vector<16xf32>
        %mul3A_579 = arith.mulf %add3A_575, %gather3A_572 : vector<16xf32>
        %add3A_580 = arith.addf %scan3A_561, %mul3A_579 : vector<16xf32>
        %mul3A_581 = arith.constant 8 : i32
        %mul3A_582 = arith.muli %scan3A_558, %mul3A_581 : i32
        %add3A_583 = arith.constant 1 : i32
        %add3A_584 = arith.addi %mul3A_582, %add3A_583 : i32
        %add3A_585 = vector.broadcast %add3A_584 : i32 to vector<16xi32>
        %add3A_586 = arith.addi %add3A_585, %iota3A : vector<16xi32>
        %and3A_587 = arith.constant 63 : i32
        %and3A_588 = vector.broadcast %and3A_587 : i32 to vector<16xi32>
        %and3A_589 = arith.andi %add3A_586, %and3A_588 : vector<16xi32>
        %gather3A_590 = tpu.vector_load_idx %arg19[%broadcast_in_dim3A_459, %add3A_484, %and3A_589] : memref<2x128x64xf32, #tpu.memory_space<vmem>>[vector<16xi32>, vector<16xi32>, vector<16xi32>], vector<16xf32>,
        %gather3A_591 = tpu.vector_load_idx %arg20[%broadcast_in_dim3A_459, %add3A_484, %and3A_589] : memref<2x128x64xf32, #tpu.memory_space<vmem>>[vector<16xi32>, vector<16xi32>, vector<16xi32>], vector<16xf32>,
        %gather3A_592 = tpu.vector_load_idx %arg22[%get3A_480, %and3A_589] : memref<6x64xf32, #tpu.memory_space<vmem>>[vector<16xi32>, vector<16xi32>], vector<16xf32>,
        %gather3A_593 = tpu.vector_load_idx %arg23[%get3A_480, %and3A_589] : memref<6x64xf32, #tpu.memory_space<vmem>>[vector<16xi32>, vector<16xi32>], vector<16xf32>,
        %sub3A_594 = arith.subf %gather3A_590, %gather3A_591 : vector<16xf32>
        %add3A_595 = arith.addf %sub3A_594, %gather3A_593 : vector<16xf32>
        %add3A_596 = arith.addf %add3A_576, %add3A_595 : vector<16xf32>
        %mul3A_597 = arith.mulf %add3A_595, %add3A_595 : vector<16xf32>
        %add3A_598 = arith.addf %add3A_578, %mul3A_597 : vector<16xf32>
        %mul3A_599 = arith.mulf %add3A_595, %gather3A_592 : vector<16xf32>
        %add3A_600 = arith.addf %add3A_580, %mul3A_599 : vector<16xf32>
        %mul3A_601 = arith.constant 8 : i32
        %mul3A_602 = arith.muli %scan3A_558, %mul3A_601 : i32
        %add3A_603 = arith.constant 2 : i32
        %add3A_604 = arith.addi %mul3A_602, %add3A_603 : i32
        %add3A_605 = vector.broadcast %add3A_604 : i32 to vector<16xi32>
        %add3A_606 = arith.addi %add3A_605, %iota3A : vector<16xi32>
        %and3A_607 = arith.constant 63 : i32
        %and3A_608 = vector.broadcast %and3A_607 : i32 to vector<16xi32>
        %and3A_609 = arith.andi %add3A_606, %and3A_608 : vector<16xi32>
        %gather3A_610 = tpu.vector_load_idx %arg19[%broadcast_in_dim3A_459, %add3A_484, %and3A_609] : memref<2x128x64xf32, #tpu.memory_space<vmem>>[vector<16xi32>, vector<16xi32>, vector<16xi32>], vector<16xf32>,
        %gather3A_611 = tpu.vector_load_idx %arg20[%broadcast_in_dim3A_459, %add3A_484, %and3A_609] : memref<2x128x64xf32, #tpu.memory_space<vmem>>[vector<16xi32>, vector<16xi32>, vector<16xi32>], vector<16xf32>,
        %gather3A_612 = tpu.vector_load_idx %arg22[%get3A_480, %and3A_609] : memref<6x64xf32, #tpu.memory_space<vmem>>[vector<16xi32>, vector<16xi32>], vector<16xf32>,
        %gather3A_613 = tpu.vector_load_idx %arg23[%get3A_480, %and3A_609] : memref<6x64xf32, #tpu.memory_space<vmem>>[vector<16xi32>, vector<16xi32>], vector<16xf32>,
        %sub3A_614 = arith.subf %gather3A_610, %gather3A_611 : vector<16xf32>
        %add3A_615 = arith.addf %sub3A_614, %gather3A_613 : vector<16xf32>
        %add3A_616 = arith.addf %add3A_596, %add3A_615 : vector<16xf32>
        %mul3A_617 = arith.mulf %add3A_615, %add3A_615 : vector<16xf32>
        %add3A_618 = arith.addf %add3A_598, %mul3A_617 : vector<16xf32>
        %mul3A_619 = arith.mulf %add3A_615, %gather3A_612 : vector<16xf32>
        %add3A_620 = arith.addf %add3A_600, %mul3A_619 : vector<16xf32>
        %mul3A_621 = arith.constant 8 : i32
        %mul3A_622 = arith.muli %scan3A_558, %mul3A_621 : i32
        %add3A_623 = arith.constant 3 : i32
        %add3A_624 = arith.addi %mul3A_622, %add3A_623 : i32
        %add3A_625 = vector.broadcast %add3A_624 : i32 to vector<16xi32>
        %add3A_626 = arith.addi %add3A_625, %iota3A : vector<16xi32>
        %and3A_627 = arith.constant 63 : i32
        %and3A_628 = vector.broadcast %and3A_627 : i32 to vector<16xi32>
        %and3A_629 = arith.andi %add3A_626, %and3A_628 : vector<16xi32>
        %gather3A_630 = tpu.vector_load_idx %arg19[%broadcast_in_dim3A_459, %add3A_484, %and3A_629] : memref<2x128x64xf32, #tpu.memory_space<vmem>>[vector<16xi32>, vector<16xi32>, vector<16xi32>], vector<16xf32>,
        %gather3A_631 = tpu.vector_load_idx %arg20[%broadcast_in_dim3A_459, %add3A_484, %and3A_629] : memref<2x128x64xf32, #tpu.memory_space<vmem>>[vector<16xi32>, vector<16xi32>, vector<16xi32>], vector<16xf32>,
        %gather3A_632 = tpu.vector_load_idx %arg22[%get3A_480, %and3A_629] : memref<6x64xf32, #tpu.memory_space<vmem>>[vector<16xi32>, vector<16xi32>], vector<16xf32>,
        %gather3A_633 = tpu.vector_load_idx %arg23[%get3A_480, %and3A_629] : memref<6x64xf32, #tpu.memory_space<vmem>>[vector<16xi32>, vector<16xi32>], vector<16xf32>,
        %sub3A_634 = arith.subf %gather3A_630, %gather3A_631 : vector<16xf32>
        %add3A_635 = arith.addf %sub3A_634, %gather3A_633 : vector<16xf32>
        %add3A_636 = arith.addf %add3A_616, %add3A_635 : vector<16xf32>
        %mul3A_637 = arith.mulf %add3A_635, %add3A_635 : vector<16xf32>
        %add3A_638 = arith.addf %add3A_618, %mul3A_637 : vector<16xf32>
        %mul3A_639 = arith.mulf %add3A_635, %gather3A_632 : vector<16xf32>
        %add3A_640 = arith.addf %add3A_620, %mul3A_639 : vector<16xf32>
        %mul3A_641 = arith.constant 8 : i32
        %mul3A_642 = arith.muli %scan3A_558, %mul3A_641 : i32
        %add3A_643 = arith.constant 4 : i32
        %add3A_644 = arith.addi %mul3A_642, %add3A_643 : i32
        %add3A_645 = vector.broadcast %add3A_644 : i32 to vector<16xi32>
        %add3A_646 = arith.addi %add3A_645, %iota3A : vector<16xi32>
        %and3A_647 = arith.constant 63 : i32
        %and3A_648 = vector.broadcast %and3A_647 : i32 to vector<16xi32>
        %and3A_649 = arith.andi %add3A_646, %and3A_648 : vector<16xi32>
        %gather3A_650 = tpu.vector_load_idx %arg19[%broadcast_in_dim3A_459, %add3A_484, %and3A_649] : memref<2x128x64xf32, #tpu.memory_space<vmem>>[vector<16xi32>, vector<16xi32>, vector<16xi32>], vector<16xf32>,
        %gather3A_651 = tpu.vector_load_idx %arg20[%broadcast_in_dim3A_459, %add3A_484, %and3A_649] : memref<2x128x64xf32, #tpu.memory_space<vmem>>[vector<16xi32>, vector<16xi32>, vector<16xi32>], vector<16xf32>,
        %gather3A_652 = tpu.vector_load_idx %arg22[%get3A_480, %and3A_649] : memref<6x64xf32, #tpu.memory_space<vmem>>[vector<16xi32>, vector<16xi32>], vector<16xf32>,
        %gather3A_653 = tpu.vector_load_idx %arg23[%get3A_480, %and3A_649] : memref<6x64xf32, #tpu.memory_space<vmem>>[vector<16xi32>, vector<16xi32>], vector<16xf32>,
        %sub3A_654 = arith.subf %gather3A_650, %gather3A_651 : vector<16xf32>
        %add3A_655 = arith.addf %sub3A_654, %gather3A_653 : vector<16xf32>
        %add3A_656 = arith.addf %add3A_636, %add3A_655 : vector<16xf32>
        %mul3A_657 = arith.mulf %add3A_655, %add3A_655 : vector<16xf32>
        %add3A_658 = arith.addf %add3A_638, %mul3A_657 : vector<16xf32>
        %mul3A_659 = arith.mulf %add3A_655, %gather3A_652 : vector<16xf32>
        %add3A_660 = arith.addf %add3A_640, %mul3A_659 : vector<16xf32>
        %mul3A_661 = arith.constant 8 : i32
        %mul3A_662 = arith.muli %scan3A_558, %mul3A_661 : i32
        %add3A_663 = arith.constant 5 : i32
        %add3A_664 = arith.addi %mul3A_662, %add3A_663 : i32
        %add3A_665 = vector.broadcast %add3A_664 : i32 to vector<16xi32>
        %add3A_666 = arith.addi %add3A_665, %iota3A : vector<16xi32>
        %and3A_667 = arith.constant 63 : i32
        %and3A_668 = vector.broadcast %and3A_667 : i32 to vector<16xi32>
        %and3A_669 = arith.andi %add3A_666, %and3A_668 : vector<16xi32>
        %gather3A_670 = tpu.vector_load_idx %arg19[%broadcast_in_dim3A_459, %add3A_484, %and3A_669] : memref<2x128x64xf32, #tpu.memory_space<vmem>>[vector<16xi32>, vector<16xi32>, vector<16xi32>], vector<16xf32>,
        %gather3A_671 = tpu.vector_load_idx %arg20[%broadcast_in_dim3A_459, %add3A_484, %and3A_669] : memref<2x128x64xf32, #tpu.memory_space<vmem>>[vector<16xi32>, vector<16xi32>, vector<16xi32>], vector<16xf32>,
        %gather3A_672 = tpu.vector_load_idx %arg22[%get3A_480, %and3A_669] : memref<6x64xf32, #tpu.memory_space<vmem>>[vector<16xi32>, vector<16xi32>], vector<16xf32>,
        %gather3A_673 = tpu.vector_load_idx %arg23[%get3A_480, %and3A_669] : memref<6x64xf32, #tpu.memory_space<vmem>>[vector<16xi32>, vector<16xi32>], vector<16xf32>,
        %sub3A_674 = arith.subf %gather3A_670, %gather3A_671 : vector<16xf32>
        %add3A_675 = arith.addf %sub3A_674, %gather3A_673 : vector<16xf32>
        %add3A_676 = arith.addf %add3A_656, %add3A_675 : vector<16xf32>
        %mul3A_677 = arith.mulf %add3A_675, %add3A_675 : vector<16xf32>
        %add3A_678 = arith.addf %add3A_658, %mul3A_677 : vector<16xf32>
        %mul3A_679 = arith.mulf %add3A_675, %gather3A_672 : vector<16xf32>
        %add3A_680 = arith.addf %add3A_660, %mul3A_679 : vector<16xf32>
        %mul3A_681 = arith.constant 8 : i32
        %mul3A_682 = arith.muli %scan3A_558, %mul3A_681 : i32
        %add3A_683 = arith.constant 6 : i32
        %add3A_684 = arith.addi %mul3A_682, %add3A_683 : i32
        %add3A_685 = vector.broadcast %add3A_684 : i32 to vector<16xi32>
        %add3A_686 = arith.addi %add3A_685, %iota3A : vector<16xi32>
        %and3A_687 = arith.constant 63 : i32
        %and3A_688 = vector.broadcast %and3A_687 : i32 to vector<16xi32>
        %and3A_689 = arith.andi %add3A_686, %and3A_688 : vector<16xi32>
        %gather3A_690 = tpu.vector_load_idx %arg19[%broadcast_in_dim3A_459, %add3A_484, %and3A_689] : memref<2x128x64xf32, #tpu.memory_space<vmem>>[vector<16xi32>, vector<16xi32>, vector<16xi32>], vector<16xf32>,
        %gather3A_691 = tpu.vector_load_idx %arg20[%broadcast_in_dim3A_459, %add3A_484, %and3A_689] : memref<2x128x64xf32, #tpu.memory_space<vmem>>[vector<16xi32>, vector<16xi32>, vector<16xi32>], vector<16xf32>,
        %gather3A_692 = tpu.vector_load_idx %arg22[%get3A_480, %and3A_689] : memref<6x64xf32, #tpu.memory_space<vmem>>[vector<16xi32>, vector<16xi32>], vector<16xf32>,
        %gather3A_693 = tpu.vector_load_idx %arg23[%get3A_480, %and3A_689] : memref<6x64xf32, #tpu.memory_space<vmem>>[vector<16xi32>, vector<16xi32>], vector<16xf32>,
        %sub3A_694 = arith.subf %gather3A_690, %gather3A_691 : vector<16xf32>
        %add3A_695 = arith.addf %sub3A_694, %gather3A_693 : vector<16xf32>
        %add3A_696 = arith.addf %add3A_676, %add3A_695 : vector<16xf32>
        %mul3A_697 = arith.mulf %add3A_695, %add3A_695 : vector<16xf32>
        %add3A_698 = arith.addf %add3A_678, %mul3A_697 : vector<16xf32>
        %mul3A_699 = arith.mulf %add3A_695, %gather3A_692 : vector<16xf32>
        %add3A_700 = arith.addf %add3A_680, %mul3A_699 : vector<16xf32>
        %mul3A_701 = arith.constant 8 : i32
        %mul3A_702 = arith.muli %scan3A_558, %mul3A_701 : i32
        %add3A_703 = arith.constant 7 : i32
        %add3A_704 = arith.addi %mul3A_702, %add3A_703 : i32
        %add3A_705 = vector.broadcast %add3A_704 : i32 to vector<16xi32>
        %add3A_706 = arith.addi %add3A_705, %iota3A : vector<16xi32>
        %and3A_707 = arith.constant 63 : i32
        %and3A_708 = vector.broadcast %and3A_707 : i32 to vector<16xi32>
        %and3A_709 = arith.andi %add3A_706, %and3A_708 : vector<16xi32>
        %gather3A_710 = tpu.vector_load_idx %arg19[%broadcast_in_dim3A_459, %add3A_484, %and3A_709] : memref<2x128x64xf32, #tpu.memory_space<vmem>>[vector<16xi32>, vector<16xi32>, vector<16xi32>], vector<16xf32>,
        %gather3A_711 = tpu.vector_load_idx %arg20[%broadcast_in_dim3A_459, %add3A_484, %and3A_709] : memref<2x128x64xf32, #tpu.memory_space<vmem>>[vector<16xi32>, vector<16xi32>, vector<16xi32>], vector<16xf32>,
        %gather3A_712 = tpu.vector_load_idx %arg22[%get3A_480, %and3A_709] : memref<6x64xf32, #tpu.memory_space<vmem>>[vector<16xi32>, vector<16xi32>], vector<16xf32>,
        %gather3A_713 = tpu.vector_load_idx %arg23[%get3A_480, %and3A_709] : memref<6x64xf32, #tpu.memory_space<vmem>>[vector<16xi32>, vector<16xi32>], vector<16xf32>,
        %sub3A_714 = arith.subf %gather3A_710, %gather3A_711 : vector<16xf32>
        %add3A_715 = arith.addf %sub3A_714, %gather3A_713 : vector<16xf32>
        %add3A_716 = arith.addf %add3A_696, %add3A_715 : vector<16xf32>
        %mul3A_717 = arith.mulf %add3A_715, %add3A_715 : vector<16xf32>
        %add3A_718 = arith.addf %add3A_698, %mul3A_717 : vector<16xf32>
        %mul3A_719 = arith.mulf %add3A_715, %gather3A_712 : vector<16xf32>
        %add3A_720 = arith.addf %add3A_700, %mul3A_719 : vector<16xf32>
        scf.yield %add3A_716, %add3A_718, %add3A_720 : vector<16xf32>, vector<16xf32>, vector<16xf32>
      }
      %scan3A_490 = arith.constant 8 : i32
      %gather3A = tpu.vector_load_idx %arg24[%get3A_480] : memref<16xf32, #tpu.memory_space<vmem>>[vector<16xi32>], vector<16xf32>,
      %sub3A = arith.subf %scan3A_489#2, %gather3A : vector<16xf32>
      %gather3A_491 = tpu.vector_load_idx %arg25[%get3A_480] : memref<16xf32, #tpu.memory_space<vmem>>[vector<16xi32>], vector<16xf32>,
      %mul3A_492 = arith.constant 2.000000e+00 : f32
      %mul3A_493 = vector.broadcast %mul3A_492 : f32 to vector<16xf32>
      %mul3A_494 = arith.mulf %mul3A_493, %sub3A : vector<16xf32>
      %mul3A_495 = arith.mulf %mul3A_494, %scan3A_489#2 : vector<16xf32>
      %sub3A_496 = arith.subf %scan3A_489#1, %mul3A_495 : vector<16xf32>
      %mul3A_497 = arith.mulf %sub3A, %sub3A : vector<16xf32>
      %add3A_498 = arith.addf %sub3A_496, %mul3A_497 : vector<16xf32>
      %mul3A_499 = arith.mulf %sub3A, %gather3A_491 : vector<16xf32>
      %sub3A_500 = arith.subf %scan3A_489#0, %mul3A_499 : vector<16xf32>
      %mul3A_501 = arith.constant 2.000000e-06 : f32
      %mul3A_502 = vector.broadcast %mul3A_501 : f32 to vector<16xf32>
      %mul3A_503 = arith.mulf %mul3A_502, %sub3A_500 : vector<16xf32>
      %add3A_504 = arith.addf %add3A_498, %mul3A_503 : vector<16xf32>
      %add3A_505 = arith.constant 6.400000e-11 : f32
      %add3A_506 = vector.broadcast %add3A_505 : f32 to vector<16xf32>
      %add3A_507 = arith.addf %add3A_504, %add3A_506 : vector<16xf32>
      %max3A = arith.constant 1.000000e-24 : f32
      %max3A_508 = vector.broadcast %max3A : f32 to vector<16xf32>
      %max3A_509 = arith.maximumf %add3A_507, %max3A_508 : vector<16xf32>
      %bitcast3A = vector.bitcast %max3A_509 : vector<16xf32> to vector<16xi32>
      %shift_right_arithmetic3A = arith.constant 1 : i32
      %shift_right_arithmetic3A_510 = vector.broadcast %shift_right_arithmetic3A : i32 to vector<16xi32>
      %shift_right_arithmetic3A_511 = arith.shrsi %bitcast3A, %shift_right_arithmetic3A_510 : vector<16xi32>
      %sub3A_512 = arith.constant 1597463007 : i32
      %sub3A_513 = vector.broadcast %sub3A_512 : i32 to vector<16xi32>
      %sub3A_514 = arith.subi %sub3A_513, %shift_right_arithmetic3A_511 : vector<16xi32>
      %bitcast3A_515 = vector.bitcast %sub3A_514 : vector<16xi32> to vector<16xf32>
      %mul3A_516 = arith.constant 5.000000e-01 : f32
      %mul3A_517 = vector.broadcast %mul3A_516 : f32 to vector<16xf32>
      %mul3A_518 = arith.mulf %mul3A_517, %max3A_509 : vector<16xf32>
      %mul3A_519 = arith.mulf %mul3A_518, %bitcast3A_515 : vector<16xf32>
      %mul3A_520 = arith.mulf %mul3A_519, %bitcast3A_515 : vector<16xf32>
      %sub3A_521 = arith.constant 1.500000e+00 : f32
      %sub3A_522 = vector.broadcast %sub3A_521 : f32 to vector<16xf32>
      %sub3A_523 = arith.subf %sub3A_522, %mul3A_520 : vector<16xf32>
      %mul3A_524 = arith.mulf %bitcast3A_515, %sub3A_523 : vector<16xf32>
      %mul3A_525 = arith.constant 5.000000e-01 : f32
      %mul3A_526 = vector.broadcast %mul3A_525 : f32 to vector<16xf32>
      %mul3A_527 = arith.mulf %mul3A_526, %max3A_509 : vector<16xf32>
      %mul3A_528 = arith.mulf %mul3A_527, %mul3A_524 : vector<16xf32>
      %mul3A_529 = arith.mulf %mul3A_528, %mul3A_524 : vector<16xf32>
      %sub3A_530 = arith.constant 1.500000e+00 : f32
      %sub3A_531 = vector.broadcast %sub3A_530 : f32 to vector<16xf32>
      %sub3A_532 = arith.subf %sub3A_531, %mul3A_529 : vector<16xf32>
      %mul3A_533 = arith.mulf %mul3A_524, %sub3A_532 : vector<16xf32>
      %mul3A_534 = arith.constant 5.000000e-01 : f32
      %mul3A_535 = vector.broadcast %mul3A_534 : f32 to vector<16xf32>
      %mul3A_536 = arith.mulf %mul3A_535, %max3A_509 : vector<16xf32>
      %mul3A_537 = arith.mulf %mul3A_536, %mul3A_533 : vector<16xf32>
      %mul3A_538 = arith.mulf %mul3A_537, %mul3A_533 : vector<16xf32>
      %sub3A_539 = arith.constant 1.500000e+00 : f32
      %sub3A_540 = vector.broadcast %sub3A_539 : f32 to vector<16xf32>
      %sub3A_541 = arith.subf %sub3A_540, %mul3A_538 : vector<16xf32>
      %mul3A_542 = arith.mulf %mul3A_533, %sub3A_541 : vector<16xf32>
      %mul3A_543 = arith.mulf %max3A_509, %mul3A_542 : vector<16xf32>
      %mul3A_544 = arith.constant 16 : i32
      %mul3A_545 = arith.muli %scan3A_474, %mul3A_544 : i32
      %add3A_546 = arith.constant 384 : i32
      %add3A_547 = arith.addi %add3A_546, %mul3A_545 : i32
      %get3A_548 = arith.index_cast %add3A_547 : i32 to index
      %get3A_549 = tpu.vector_load %arg21[%get3A_548] {strides = array<i32>} : memref<512xf32, #tpu.memory_space<vmem>>, vector<16xf32>,
      %sub3A_550 = arith.subf %get3A_549, %mul3A_543 : vector<16xf32>
      %add3A_551 = arith.constant 1.000000e+00 : f32
      %add3A_552 = vector.broadcast %add3A_551 : f32 to vector<16xf32>
      %add3A_553 = arith.addf %sub3A_550, %add3A_552 : vector<16xf32>
      %max3A_554 = arith.constant 0.000000e+00 : f32
      %max3A_555 = vector.broadcast %max3A_554 : f32 to vector<16xf32>
      %max3A_556 = arith.maximumf %add3A_553, %max3A_555 : vector<16xf32>
      %add3A_557 = arith.addf %scan3A_475, %max3A_556 : vector<16xf32>
      scf.yield %add3A_557 : vector<16xf32>
    }
    %scan3A_465 = arith.constant 8 : i32
    %reduce_sum3A = arith.constant true
    %reduce_sum3A_466 = vector.broadcast %reduce_sum3A : i1 to vector<16xi1>
    %reduce_sum3A_467 = tpu.scan <sum>, %scan3A_464 masked %reduce_sum3A_466 : vector<16xf32>, vector<16xi1> -> vector<16xf32>
    %reduce_sum3A_468 = vector.extract %reduce_sum3A_467[15] : f32 from vector<16xf32>
    %broadcast_in_dim3A_469 = vector.broadcast %reduce_sum3A_468 : f32 to vector<16xf32>
    %swap3A_470 = arith.constant 0 : index
    %swap3A_471 = tpu.vector_load %arg26[%swap3A_470] {strides = array<i32>} : memref<16xf32, #tpu.memory_space<vmem>>, vector<16xf32>,
    tpu.vector_store %arg26[%swap3A_470], %broadcast_in_dim3A_469 {strides = array<i32>} : memref<16xf32, #tpu.memory_space<vmem>>, vector<16xf32>,
    %mul3A_472 = arith.constant 16 : i32
    %mul3A_473 = arith.muli %add3A, %mul3A_472 : i32
    "tpu.region"() ({
      %run_scoped3A = tpu.sem_alloc : memref<!tpu.dma_semaphore, #tpu.memory_space<semaphore_mem>>
      %dma_start3A_474 = tpu.memref_slice %arg12[%mul3A_473] : memref<512xf32, #tpu.memory_space<hbm>> -> memref<16xf32, #tpu.memory_space<hbm>>
      %dma_start3A_475 = tpu.memref_slice %arg12[%mul3A_473] : memref<512xf32, #tpu.memory_space<hbm>> -> memref<16xf32, #tpu.memory_space<hbm>>
      tpu.enqueue_dma source(%arg26 : memref<16xf32, #tpu.memory_space<vmem>>) target(%dma_start3A_475 : memref<16xf32, #tpu.memory_space<hbm>>) target_semaphore(%run_scoped3A : memref<!tpu.dma_semaphore, #tpu.memory_space<semaphore_mem>>)
      %dma_wait3A_476 = tpu.memref_slice %arg12[%mul3A_473] : memref<512xf32, #tpu.memory_space<hbm>> -> memref<16xf32, #tpu.memory_space<hbm>>
      %dma_wait3A_477 = tpu.memref_slice %arg12[%mul3A_473] : memref<512xf32, #tpu.memory_space<hbm>> -> memref<16xf32, #tpu.memory_space<hbm>>
      tpu.wait_dma2 semaphore(%run_scoped3A : memref<!tpu.dma_semaphore, #tpu.memory_space<semaphore_mem>>) src(%arg26 : memref<16xf32, #tpu.memory_space<vmem>>) dst(%dma_wait3A_477 : memref<16xf32, #tpu.memory_space<hbm>>)
      tpu.yield
    }) : () -> ()
    return
  }
}

</mosaic_0001>

<sc_bundles>
// kernel: kernel.3.cloned.1.call-start
scs
__scs_entry_jumppad:
0x0: {  	(pc) =	sbr.rel $0x88, $3  }
0x1: {  	(tag) =	ssettag $0x0;
	lr =	simm.s32 $0x1  }
0x2: {  	[smem:$0x3F9B] =	sst lr;
	_ =	strace $0xD0000000  }
0x3: {  	_ = 	snop  }
0x4: {  	_ = 	snop  }
0x5: {  	_ = 	snop  }
0x6: {  	_ = 	snop  }
0x7: {  	_ = 	snop  }
__scs_overlays_trampoline_lowered:
0x8: {  	[smem:$0x3FAA] =	sst s0  }
0x9: {  	[smem:$0x3FAB] =	sst s1  }
0xa: {  	[smem:$0x3FAC] =	sst s2  }
0xb: {  	[smem:$0x3FAD] =	sst s3  }
0xc: {  	[smem:$0x3FAE] =	sst s4  }
0xd: {  	[smem:$0x3FAF] =	sst s5  }
0xe: {  	[smem:$0x3FB0] =	sst s6  }
0xf: {  	[smem:$0x3FB1] =	sst s7  }
0x10: {  	[smem:$0x3FB2] =	sst s8  }
0x11: {  	[smem:$0x3FB3] =	sst s9;
	s0 =	simm.s32 @!p0 $0x0  }
0x12: {  	s1 =	sld [smem:$0x3F99];
	s0 =	simm.s32 @p0 $0x1  }
0x13: {  	[smem:$0x3FB4] =	sst s0;
	s0 =	simm.s32 @!p1 $0x0  }
0x14: {  	s2 =	sld [smem:$0x3F98];
	s0 =	simm.s32 @p1 $0x1  }
0x15: {  	[smem:$0x3FB5] =	sst s0;
	s0 =	simm.s32 @!p2 $0x0  }
0x16: {  	s3 =	sld [smem:$0x3FDB];
	s0 =	simm.s32 @p2 $0x1  }
0x17: {  	s4 =	simm.s32 $0x1BF5;
	[smem:$0x3FB7] =	sst s0  }
0x18: {  	s0 =	sld [smem:$0x3F9A];
	_ =	swait.ge [sflag:s4], $0x0  }
0x19: {  	s7 =	sld [smem:$0x3F9B]  }
0x1a: {  	s8 =	sadd.s32 $0xFFFFE003, lr  }
0x1b: {  	s9 =	sadd.s32 $0xFFFFFEF7, lr;
	s5 =	simm.s32 $0xFFFFFFFF;
	p2 =	slt.u32 s8, $0xFFFFF086  }
0x1c: {  	p1 =	slt.u32 s9, $0xF7A;
	s5 =	simm.s32 @!p2 $0x0  }
0x1d: {  	s5 =	simm.s32 @p1 $0x1;
	p0 =	seq.s32 s7, s2  }
0x1e: {  	s7 =	smul.u32 @!p0 $0xF7A, s2;
	p2 =	seq.s32 @!p0 s5, $0x0  }
0x1f: {  	s9 =	smul.u32 $0xF7A, s1;
	s8 =	simm.s32 @!p0 $0x1BF5;
	p2 =	por !p2, p0  }
0x20: {  	[sflag:s8] =	ssyncset.s32 @!p0 $0xFFFFF086;
	s6 =	sadd.s32 @!p0 s3, s7;
	s7 =	simm.s32 @!p0 $0x108  }
0x21: {  	s3 =	sadd.s32 s3, s9;
	s6 =	sadd.s32 @!p0 $0x88, s6;
	s7 =	simm.s32 @p2 $0x1082  }
0x22: {  	[simem:s7], [sflag:s8] =	dma.local @!p0 [hbm:s6], $0xF7A  }
0x23: {  	s9 =	sor.u32 $0xD0000000, s2;
	s6 =	simm.s32 $0x108;
	_ =	swait.ge @!p0 [sflag:s8], $0x0  }
0x24: {  	s3 =	sadd.s32 $0x88, s3;
	s6 =	simm.s32 @!p1 $0x1082;
	[sflag:s4] =	ssyncset.s32 $0xFFFFF086  }
0x25: {  	[simem:s6], [sflag:s4] =	dma.local [hbm:s3], $0xF7A  }
0x26: {  	[smem:$0x3F9B] =	sst s1;
	(tag) =	ssettag s2;
	_ =	strace s9  }
0x27: {  	s1 =	sld [smem:$0x3FAB]  }
0x28: {  	s2 =	sld [smem:$0x3FAC]  }
0x29: {  	s4 =	sld [smem:$0x3FAE]  }
0x2a: {  	p0 =	seq.s32 s5, $0x0;
	s5 =	sld [smem:$0x3FAF]  }
0x2b: {  	s6 =	sld [smem:$0x3FB0]  }
0x2c: {  	s7 =	sld [smem:$0x3FB1]  }
0x2d: {  	s3 =	simm.s32 $0x108;
	s8 =	sld [smem:$0x3FB2]  }
0x2e: {  	s3 =	simm.s32 @!p0 $0x1082;
	s9 =	sld [smem:$0x3FB3]  }
0x2f: {  	lr =	sadd.s32 s0, s3;
	s0 =	sld [smem:$0x3FAA]  }
0x30: {  	s3 =	sld [smem:$0x3FAD]  }
0x31: {  	[smem:$0x3FB6] =	sst s10  }
0x32: {  	s10 =	sld [smem:$0x3FB4];
	_ =	sdelay $0x3  }
0x33: {  	p0 =	seq.s32 s10, $0x1;
	s10 =	sld [smem:$0x3FB6];
	_ =	sdelay $0x3  }
0x34: {  	[smem:$0x3FB6] =	sst s10  }
0x35: {  	s10 =	sld [smem:$0x3FB5];
	_ =	sdelay $0x3  }
0x36: {  	p1 =	seq.s32 s10, $0x1;
	s10 =	sld [smem:$0x3FB6];
	_ =	sdelay $0x3  }
0x37: {  	[smem:$0x3FB6] =	sst s10  }
0x38: {  	s10 =	sld [smem:$0x3FB7]  }
0x39: {  	_ = 	snop;
	(pc) =	sbr.ind lr, $3  }
0x3a: {  	_ = 	snop  }
0x3b: {  	_ = 	snop  }
0x3c: {  	p2 =	seq.s32 s10, $0x1;
	s10 =	sld [smem:$0x3FB6]  }
0x3d: {  	_ =	shalt  }
0x3e: {  	_ =	shalt  }
0x3f: {  	_ =	shalt  }
0x40: {  	_ =	shalt  }
0x41: {  	_ =	shalt  }
0x42: {  	_ =	shalt  }
0x43: {  	_ =	shalt  }
0x44: {  	_ =	shalt  }
0x45: {  	_ =	shalt  }
0x46: {  	_ =	shalt  }
0x47: {  	_ =	shalt  }
0x48: {  	_ =	shalt  }
0x49: {  	_ =	shalt  }
0x4a: {  	_ =	shalt  }
0x4b: {  	_ =	shalt  }
0x4c: {  	_ =	shalt  }
0x4d: {  	_ =	shalt  }
0x4e: {  	_ =	shalt  }
0x4f: {  	_ =	shalt  }
0x50: {  	_ =	shalt  }
0x51: {  	_ =	shalt  }
0x52: {  	_ =	shalt  }
0x53: {  	_ =	shalt  }
0x54: {  	_ =	shalt  }
0x55: {  	_ =	shalt  }
0x56: {  	_ =	shalt  }
0x57: {  	_ =	shalt  }
0x58: {  	_ =	shalt  }
0x59: {  	_ =	shalt  }
0x5a: {  	_ =	shalt  }
0x5b: {  	_ =	shalt  }
0x5c: {  	_ =	shalt  }
0x5d: {  	_ =	shalt  }
0x5e: {  	_ =	shalt  }
0x5f: {  	_ =	shalt  }
0x60: {  	_ =	shalt  }
0x61: {  	_ =	shalt  }
0x62: {  	_ =	shalt  }
0x63: {  	_ =	shalt  }
0x64: {  	_ =	shalt  }
0x65: {  	_ =	shalt  }
0x66: {  	_ =	shalt  }
0x67: {  	_ =	shalt  }
0x68: {  	_ =	shalt  }
0x69: {  	_ =	shalt  }
0x6a: {  	_ =	shalt  }
0x6b: {  	_ =	shalt  }
0x6c: {  	_ =	shalt  }
0x6d: {  	_ =	shalt  }
0x6e: {  	_ =	shalt  }
0x6f: {  	_ =	shalt  }
0x70: {  	_ =	shalt  }
0x71: {  	_ =	shalt  }
0x72: {  	_ =	shalt  }
0x73: {  	_ =	shalt  }
0x74: {  	_ =	shalt  }
0x75: {  	_ =	shalt  }
0x76: {  	_ =	shalt  }
0x77: {  	_ =	shalt  }
0x78: {  	_ =	shalt  }
0x79: {  	_ =	shalt  }
0x7a: {  	_ =	shalt  }
0x7b: {  	_ =	shalt  }
0x7c: {  	_ =	shalt  }
0x7d: {  	_ =	shalt  }
0x7e: {  	_ =	shalt  }
0x7f: {  	_ =	shalt  }
0x80: {  	_ =	shalt  }
0x81: {  	_ =	shalt  }
0x82: {  	_ =	shalt  }
0x83: {  	_ =	shalt  }
0x84: {  	_ =	shalt  }
0x85: {  	_ =	shalt  }
0x86: {  	_ =	shalt  }
0x87: {  	_ =	shalt  }
.Lfunc_end0:
.L_simem_size_0:
called_computation_lowered:
.L_overlay_start_0:
0x88: {  	s2 =	sld [smem:$0x3FD9]  }
0x89: {  	s3 =	sld [smem:$0x3FFE];
	_ =	sdelay $0x1  }
0x8a: {  	s1 =	srdreg.scid  }
0x8b: {  	s0 =	sand.u32 $0x1, s1  }
0x8c: {  	s16 =	sshll.u32 s0, $0xA;
	s2 =	sadd.s32 s3, s2  }
0x8d: {  	s2 =	sadd.s32 s2, s16  }
0x8e: {  	[smem:$0x3FC2] =	sst s2  }
0x8f: {  	_ = 	snop  }
0x90: {  	(tm) =	ssettm $0x1  }
0x91: {  	s17 =	sld [smem:$0x3FFB];
	_ =	sdelay $0x3  }
0x92: {  	_ =	strace s17  }
0x93: {  	s2 =	sld [smem:$0x3FFC];
	_ =	sdelay $0x3  }
0x94: {  	_ =	strace s2  }
0x95: {  	s2 =	sld [smem:$0x3FFD];
	_ =	sdelay $0x3  }
0x96: {  	_ =	strace s2  }
0x97: {  	_ =	strace $0x8FFFFFFF  }
0x98: {  	s18 =	sld [smem:$0x3FDB];
	_ =	sdelay $0x1  }
0x99: {  	s19 =	simm.s32 $_scs_section_size  }
0x9a: {  	s4 =	simm.s32 $_size__tile_overlayer_lowered;
	s5 =	simm.s32 $_tile_overlayer_lowered  }
0x9b: {  	s22 =	simm.s32 $0x1BFF;
	s21 =	sshll.u32 s5, $0x1;
	s2 =	sadd.s32 s19, s18  }
0x9c: {  	s6 =	simm.s32 $0x0;
	s20 =	sshll.u32 s4, $0x1;
	s4 =	sadd.s32 s21, s2  }
0x9d: {  	[timem:s6], [sflag:s22] =	dma.local [hbm:s4], s20  }
0x9e: {  	_ =	swait.ge [sflag:s22], s20  }
0x9f: {  	s3 =	ssub.s32 $0x0, s20;
	[sflag:s22] =	ssyncset.done $0x0  }
0xa0: {  	[sflag:s22] =	ssyncadd.s32 s3;
	_ =	sdelay $0x1  }
0xa1: {  	s23 =	simm.s32 $0x1B8B  }
0xa2: {  	_ =	swait.ge [sflag:s23], $0x1  }
0xa3: {  	[sflag:s23] =	ssyncset.done $0x0  }
0xa4: {  	s25 =	simm.s32 $0x1B8E;
	s24 =	sld [smem:$0x3FFE];
	[sflag:s23] =	ssyncadd.s32 $0xFFFFFFFF  }
0xa5: {  	s26 =	simm.s32 $execute0_lowered;
	[smem:$0x3FD2] =	sst s25  }
0xa6: {  	s4 =	sshll.u32 s26, $0x1;
	_ =	strace $0x80000046;
	[dreg:$0x1] =	wrdreg $0xFFFFFFFF  }
0xa7: {  	s28 =	simm.s32 $_size_execute0_lowered;
	s2 =	sadd.s32 s2, s4;
	[dreg:$0x0] =	wrdreg $0x0  }
0xa8: {  	s4 =	sshll.u32 s28, $0x1;
	[dreg:$0x2] =	wrdreg s2  }
0xa9: {  	[dreg:$0x3] =	wrdreg s4  }
0xaa: {  	[dreg:$0x4] =	wrdreg $0xC0  }
0xab: {  	_ =	task [dreg:s6], $0x5FFFF  }
0xac: {  	[dreg:$0x1] =	wrdreg $0xFFFFFFFF  }
0xad: {  	[dreg:$0x0] =	wrdreg $0x60  }
0xae: {  	[dreg:$0x2] =	wrdreg s24  }
0xaf: {  	[dreg:$0x3] =	wrdreg $0x9  }
0xb0: {  	_ =	task.clear_ibuf [dreg:s6], $0x4FFFF;
	_ =	strace $0x90000046  }
0xb1: {  	s29 =	simm.s32 $0x9;
	_ =	strace $0x80000048  }
0xb2: {  	_ =	swait.ge [sflag:s29], $0x1  }
0xb3: {  	[sflag:s29] =	ssyncadd.s32 $0xFFFFFFFF  }
0xb4: {  	_ =	strace $0x90000048  }
0xb5: {  	_ =	sfence  }
0xb6: {  	s30 =	sld [smem:$0x0];
	_ =	sdelay $0x2  }
0xb7: {  	s31 =	sshll.u32 s1, $0xD;
	s1 =	sshrl.u32 s1, $0x2  }
0xb8: {  	s3 =	sand.u32 $0x4000, s31;
	s1 =	sadd.s32 s1, s30  }
0xb9: {  	s0 =	sor.u32 s3, s0;
	s1 =	sshll.u32 s1, $0x11  }
0xba: {  	s0 =	sor.u32 s1, s0  }
0xbb: {  	s0 =	sadd.s32 $0x8F2B, s0  }
0xbc: {  	[sflag:s0] =	ssyncadd.remote.s32 $0x1  }
0xbd: {  	_ =	sfence.sel $0xFFFF  }
0xbe: {  	[dreg:$0x0] =	wrdreg $0xFFFFFFFF;
	(pc) =	sbr.abs _section_cstart, $3  }
0xbf: {  	[dreg:$0x1] =	wrdreg $0xFFFFFFFF  }
0xc0: {  	_ =	task.clear_ibuf [dreg:s6], $0x2FFFF;
	_ =	strace $0x9FFFFFFF  }
0xc1: {  	(tm) =	ssettm $0x7FFFFFFF  }
tec
execute0_lowered:
.L_overlay_start_1:
0x0: {  	(tag) =	ssettag $0x1  }
0x1: {  	s0 =	rddreg [dreg:$0x0];
	s1 =	srdreg.scid  }
0x2: {  	s3 =	stileid.u32;
	s2 =	simm.s32 $0x0;
	s15 =	simm.s32 $0x3  }
0x3: {  	s17 =	simm.s32 $0x80;
	s18 =	simm.s32 $0xC00;
	s19 =	simm.s32 $0x4C00  }
0x4: {  	s20 =	simm.s32 $0x2C00;
	s22 =	simm.s32 $0x6C00;
	s28 =	simm.s32 $0x8E00  }
0x5: {  	s29 =	simm.s32 $0x8F80;
	s30 =	simm.s32 $0x1;
	s31 =	simm.s32 $0x9100  }
0x6: {  	s23 =	simm.s32 $0x2;
	s1 =	sand.u32 $0x1, s1;
	s3 =	sshll.u32 s3, $0x1  }
0x7: {  	[smem:$0x7FF] =	sst s2;
	s4 =	sadd.s32 $0x18BE00, s0;
	s5 =	sadd.s32 $0x5600, s0  }
0x8: {  	s24 =	sadd.s32 $0x5400, s0;
	_ =	strace $0x80000047;
	[dreg:$0x2] =	wrdreg s5  }
0x9: {  	s6 =	sor.u32 s1, s3;
	s1 =	ssub.s32 $0x2, s1;
	[dreg:$0x3] =	wrdreg s24  }
0xa: {  	v0 =	vimm.s32 $0xC0804000;
	s3 =	sshll.u32 s6, $0x6;
	s7 =	sshll.u32 s6, $0x1;
	s25 =	sshrl.u32 s1, $0x1  }
0xb: {  	v0 =	vunpack.c.0.s8.s32 v0;
	s12 =	sadd.s32 s3, s0;
	s3 =	sadd.s32 $0x24F400, s0;
	s0 =	sadd.s32 s7, s0  }
0xc: {  	s1 =	ssub.s32 s1, s25;
	s26 =	sadd.s32 $0x3400, s12;
	s8 =	sadd.s32 $0x2C00, s12  }
0xd: {  	vm0 =	vcmask $0xF00;
	v1 =	vand.u32 $0xFF, v0;
	v0 =	vlaneseq.u32;
	s9 =	sadd.s32 $0x2400, s12;
	s10 =	sadd.s32 $0x4C00, s12;
	s11 =	sadd.s32 $0x4400, s12  }
0xe: {  	vm15 =	vcmask $0x1310;
	v2 =	vnsel vm0, $0x140, v1;
	v1 =	vand.u32 $0x7, v0;
	s12 =	sadd.s32 $0x3C00, s12;
	s13 =	sadd.s32 $0x5800, s0;
	s14 =	smax.u32 s1, $0x1  }
0xf: {  	v3 =	vmul.u32 $0x40, v0;
	s0 =	simm.s32 $0x9110;
	v2 =	vsel vm15, $0x100, v2;
	v4 =	vor.u32 $0x2000, v1;
	[dreg:$0x4] =	wrdreg s26;
	s26 =	simm.s32 $0x0  }
.LBB2_1:
0x10: {  	s1 =	rddreg [dreg:$0x4]  }
0x11: {  	[tilespmem:s2], [sflag:$0x3] =	stream.linear.gather [hbm4b:s1+s2], $0x200, $0x38;
	[tilespmem:$0x9130] =	vst v63  }
0x12: {  	_ =	swait.ge [sflag:s15], $0x200  }
0x13: {  	[sflag:s15] =	ssyncset.done $0x0  }
0x14: {  	s24 =	simm.s32 $0x200;
	[sflag:s15] =	ssyncadd.s32 $0xFFFFFE00  }
0x15: {  	[tilespmem:s24], [sflag:$0x3] =	stream.linear.gather [hbm4b:s8+s2], $0x200, $0x38;
	[tilespmem:$0x9130] =	vst v63  }
0x16: {  	_ =	swait.ge [sflag:s15], $0x200  }
0x17: {  	[sflag:s15] =	ssyncset.done $0x0  }
0x18: {  	[sflag:s15] =	ssyncadd.s32 $0xFFFFFE00  }
0x19: {  	[tilespmem:s18], [sflag:$0x1] =	stream.indirect.gather [hbm4b:s3+s17], $0x40, s2, s17, $0xb8;
	[tilespmem:$0x9130] =	vst v63  }
0x1a: {  	_ = 	snop  }
0x1b: {  	[tilespmem:s19], [sflag:$0x1] =	stream.indirect.gather [hbm4b:s4+s17], $0x40, s24, s17, $0xb8;
	[tilespmem:$0x9130] =	vst v63  }
0x1c: {  	_ = 	snop  }
0x1d: {  	[tilespmem:s20], [sflag:$0x2] =	stream.indirect.gather [hbm4b:s3+s17], $0x40, s17, s17, $0xb8;
	[tilespmem:$0x9130] =	vst v63  }
0x1e: {  	s25 =	simm.s32 $0x280  }
0x1f: {  	[tilespmem:s22], [sflag:$0x2] =	stream.indirect.gather [hbm4b:s4+s17], $0x40, s25, s17, $0xb8;
	[tilespmem:$0x9130] =	vst v63  }
0x20: {  	s5 =	simm.s32 $0x400  }
0x21: {  	[tilespmem:s5], [sflag:$0x3] =	stream.linear.gather [hbm4b:s9+s2], $0x200, $0x38;
	[tilespmem:$0x9130] =	vst v63  }
0x22: {  	_ =	swait.ge [sflag:s15], $0x200  }
0x23: {  	[sflag:s15] =	ssyncset.done $0x0  }
0x24: {  	s6 =	simm.s32 $0x600;
	[sflag:s15] =	ssyncadd.s32 $0xFFFFFE00  }
0x25: {  	[tilespmem:s6], [sflag:$0x3] =	stream.linear.gather [hbm4b:s10+s2], $0x200, $0x38;
	[tilespmem:$0x9130] =	vst v63  }
0x26: {  	_ =	swait.ge [sflag:s15], $0x200  }
0x27: {  	[sflag:s15] =	ssyncset.done $0x0  }
0x28: {  	s7 =	simm.s32 $0x800;
	[sflag:s15] =	ssyncadd.s32 $0xFFFFFE00  }
0x29: {  	[tilespmem:s7], [sflag:$0x3] =	stream.linear.gather [hbm4b:s11+s2], $0x200, $0x38;
	[tilespmem:$0x9130] =	vst v63  }
0x2a: {  	_ =	swait.ge [sflag:s15], $0x200  }
0x2b: {  	[sflag:s15] =	ssyncset.done $0x0  }
0x2c: {  	s16 =	simm.s32 $0xA00;
	[sflag:s15] =	ssyncadd.s32 $0xFFFFFE00  }
0x2d: {  	[tilespmem:s16], [sflag:$0x3] =	stream.linear.gather [hbm4b:s12+s2], $0x200, $0x38;
	[tilespmem:$0x9130] =	vst v63  }
0x2e: {  	_ =	swait.ge [sflag:s15], $0x200  }
0x2f: {  	[sflag:s15] =	ssyncset.done $0x0  }
0x30: {  	v5 =	vmov s2;
	s21 =	rddreg [dreg:$0x3];
	[sflag:s15] =	ssyncadd.s32 $0xFFFFFE00  }
0x31: {  	v5 =	vand.u32 $0x3F, v5;
	[tilespmem:s28], [sflag:$0x3] =	stream.linear.gather [hbm4b:s21+s2], $0x180, $0x38;
	[tilespmem:$0x9130] =	vst v63  }
0x32: {  	v5 =	vbroadcast v5, $0x0;
	_ =	swait.ge [sflag:s15], $0x180  }
0x33: {  	[sflag:s15] =	ssyncset.done $0x0  }
0x34: {  	v5 =	vor.u32 v2, v5;
	s24 =	simm.s32 $0x1;
	s5 =	rddreg [dreg:$0x2];
	[sflag:s15] =	ssyncadd.s32 $0xFFFFFE80  }
0x35: {  	v6 =	vmov s24;
	[tilespmem:s29], [sflag:$0x3] =	stream.linear.gather [hbm4b:s5+s2], $0x180, $0x38;
	[tilespmem:$0x9130] =	vst v63  }
0x36: {  	v6 =	vand.u32 $0x3F, v6;
	_ =	swait.ge [sflag:s15], $0x180  }
0x37: {  	v6 =	vbroadcast v6, $0x0;
	[sflag:s15] =	ssyncset.done $0x0  }
0x38: {  	[sflag:s15] =	ssyncadd.s32 $0xFFFFFE80  }
0x39: {  	v8 =	vor.u32 v2, v6;
	v10 =	vld.idx.msk [tilespmem:v5+s28+$0x0], $0xffff  }
0x3a: {  	s25 =	simm.s32 $0x2;
	v11 =	vld.idx.msk [tilespmem:v5+s29+$0x0], $0xffff  }
0x3b: {  	v5 =	vmov s25  }
0x3c: {  	v5 =	vand.u32 $0x3F, v5  }
0x3d: {  	v9 =	vbroadcast v5, $0x0  }
0x3e: {  	v7 =	vimm.f32 $0.0e+00;
	v5 =	vld.idx.msk [tilespmem:v8+s28+$0x0], $0xffff  }
0x3f: {  	s1 =	simm.s32 $0x3;
	v8 =	vld.idx.msk [tilespmem:v8+s29+$0x0], $0xffff;
	v9 =	vor.u32 v2, v9;
	v6 =	vadd.f32 v10, v7;
	v10 =	vmul.f32 v11, v10  }
.LBB2_2:
0x40: {  	p0 =	sne.s32 s1, $0x3F  }
.Ltmp0:
0x41: {  	v11 =	vmov s1;
	v7 =	vadd.f32 v10, v7;
	(pc) =	sbr.rel @p0 .LBB2_2-.Ltmp0, $4  }
0x42: {  	s1 =	sadd.s32 $0x1, s1;
	v12 =	vand.u32 $0x3F, v11  }
0x43: {  	v11 =	vbroadcast v12, $0x0  }
0x44: {  	v6 =	vadd.f32 v5, v6;
	v10 =	vmov v5;
	v5 =	vld.idx.msk [tilespmem:v9+s28+$0x0], $0xffff  }
0x45: {  	v10 =	vmul.f32 v8, v10;
	v8 =	vld.idx.msk [tilespmem:v9+s29+$0x0], $0xffff;
	v9 =	vor.u32 v2, v11  }
0x46: {  	_ =	sdelay $0x3  }
0x47: {  	v11 =	vld.idx.msk [tilespmem:v9+s28+$0x0], $0xffff  }
0x48: {  	v62 =	vld.idx.msk [tilespmem:v9+s29+$0x0], $0xffff;
	_ =	sdelay $0x2  }
0x49: {  	v7 =	vadd.f32 v10, v7;
	v8 =	vmul.f32 v8, v5  }
0x4a: {  	v5 =	vadd.f32 v5, v6  }
0x4b: {  	v63 =	vmul.f32 v62, v11;
	v7 =	vadd.f32 v8, v7  }
0x4c: {  	v5 =	vadd.f32 v11, v5  }
0x4d: {  	v6 =	vadd.f32 v63, v7  }
0x4e: {  	[tilespmem:$0x9110] =	vst v5  }
0x4f: {  	[tilespmem:$0x9100] =	vst v6  }
0x50: {  	_ =	swait.ge [sflag:s30], $0x2000  }
0x51: {  	[sflag:s30] =	ssyncset.done $0x0  }
0x52: {  	[sflag:s30] =	ssyncadd.s32 $0xFFFFE000  }
0x53: {  	_ =	swait.ge [sflag:s30], $0x2000  }
0x54: {  	[sflag:s30] =	ssyncset.done $0x0  }
0x55: {  	s1 =	simm.s32 $0x0;
	[sflag:s30] =	ssyncadd.s32 $0xFFFFE000  }
.LBB2_4:
0x56: {  	s21 =	sshll.u32 s1, $0x4  }
0x57: {  	s16 =	simm.s32 $0x7;
	v5 =	vmov s21  }
0x58: {  	v6 =	vadd.s32 s16, v0;
	v5 =	vshll.u32 v5, $0x6  }
0x59: {  	s5 =	simm.s32 $0x4;
	v11 =	vand.u32 $0x3F, v6;
	v7 =	vor.u32 v3, v5  }
0x5a: {  	v9 =	vadd.s32 s5, v0;
	v6 =	vor.u32 v7, v11  }
0x5b: {  	s24 =	simm.s32 $0x6;
	s6 =	simm.s32 $0x3;
	v20 =	vand.u32 $0x3F, v9  }
0x5c: {  	s25 =	simm.s32 $0x5;
	v9 =	vadd.s32 s6, v0;
	v5 =	vadd.s32 s24, v0;
	v12 =	vor.u32 v7, v20  }
0x5d: {  	v13 =	vand.u32 $0x3F, v9;
	v14 =	vand.u32 $0x3F, v5;
	v5 =	vadd.s32 s25, v0  }
0x5e: {  	v15 =	vor.u32 v7, v13;
	v19 =	vand.u32 $0x3F, v5;
	v5 =	vld [tilespmem:s21+$0x400]  }
0x5f: {  	v21 =	vld.idx.msk [tilespmem:v6+s18+$0x0], $0xffff  }
0x60: {  	v8 =	vor.u32 v7, v14;
	v22 =	vld.idx.msk [tilespmem:v6+s19+$0x0], $0xffff  }
0x61: {  	s7 =	simm.s32 $0x1;
	v28 =	vld.idx.msk [tilespmem:v12+s18+$0x0], $0xffff  }
0x62: {  	v9 =	vadd.s32 s7, v0;
	v10 =	vor.u32 v7, v19;
	v29 =	vld.idx.msk [tilespmem:v12+s19+$0x0], $0xffff  }
0x63: {  	v16 =	vand.u32 $0x3F, v9;
	v30 =	vld.idx.msk [tilespmem:v15+s18+$0x0], $0xffff;
	v6 =	vshll.u32 v5, $0x6  }
0x64: {  	v31 =	vld.idx.msk [tilespmem:v15+s19+$0x0], $0xffff;
	v26 =	vor.u32 v6, v16  }
0x65: {  	s24 =	simm.s32 $0x2;
	v23 =	vld.idx.msk [tilespmem:v8+s18+$0x0], $0xffff;
	v16 =	vor.u32 v7, v16  }
0x66: {  	s25 =	simm.s32 $0x0;
	v24 =	vld.idx.msk [tilespmem:v8+s19+$0x0], $0xffff;
	v8 =	vadd.s32 s24, v0  }
0x67: {  	v25 =	vld.idx.msk [tilespmem:v10+s18+$0x0], $0xffff;
	v17 =	vand.u32 $0x3F, v8;
	v8 =	vadd.s32 s25, v0  }
0x68: {  	v9 =	vor.u32 v1, v7;
	v27 =	vld.idx.msk [tilespmem:v10+s19+$0x0], $0xffff;
	v48 =	vor.u32 v6, v13;
	v8 =	vand.u32 $0x38, v8  }
0x69: {  	v12 =	vor.u32 v9, v8;
	v32 =	vld.idx.msk [tilespmem:v26+s29+$0x0], $0xffff  }
0x6a: {  	v37 =	vld.idx.msk [tilespmem:v16+s18+$0x0], $0xffff  }
0x6b: {  	v35 =	vimm.f32 $0.0e+00;
	s6 =	simm.s32 $0xE;
	v10 =	vor.u32 v1, v6;
	v18 =	vor.u32 v7, v17;
	v46 =	vld.idx.msk [tilespmem:v16+s19+$0x0], $0xffff  }
0x6c: {  	s16 =	simm.s32 $0xB;
	v36 =	vadd.s32 s6, v0;
	s7 =	simm.s32 $0x9;
	s6 =	simm.s32 $0xA;
	v33 =	vor.u32 v10, v8;
	v50 =	vsub.f32 v21, v22;
	v22 =	vld.idx.msk [tilespmem:v26+s28+$0x0], $0xffff  }
0x6d: {  	s5 =	simm.s32 $0xF;
	v38 =	vadd.s32 s16, v0;
	v41 =	vadd.s32 s7, v0;
	v42 =	vadd.s32 s6, v0;
	v26 =	vld.idx.msk [tilespmem:v48+s29+$0x0], $0xffff  }
0x6e: {  	v15 =	vadd.s32 s5, v0;
	v47 =	vor.u32 v6, v11;
	v11 =	vand.u32 $0x3F, v36;
	v40 =	vld.idx.msk [tilespmem:v12+s18+$0x0], $0xffff  }
0x6f: {  	s25 =	simm.s32 $0xC;
	v13 =	vand.u32 $0x3F, v42;
	v61 =	vor.u32 v6, v20;
	v44 =	vor.u32 v6, v17;
	v43 =	vld.idx.msk [tilespmem:v12+s19+$0x0], $0xffff  }
0x70: {  	s5 =	simm.s32 $0xD;
	v62 =	vor.u32 v6, v14;
	v19 =	vor.u32 v6, v19;
	v39 =	vadd.s32 s25, v0;
	v34 =	vld.idx.msk [tilespmem:v18+s18+$0x0], $0xffff  }
0x71: {  	s25 =	simm.s32 $0x8;
	v63 =	vor.u32 v7, v11;
	v8 =	vand.u32 $0x3F, v15;
	v15 =	vadd.s32 s5, v0;
	v59 =	vld.idx.msk [tilespmem:v33+s29+$0x0], $0xffff  }
0x72: {  	v17 =	vadd.s32 s25, v0;
	v45 =	vor.u32 v7, v8;
	v15 =	vand.u32 $0x3F, v15;
	v60 =	vld.idx.msk [tilespmem:v18+s19+$0x0], $0xffff  }
0x73: {  	v28 =	vsub.f32 v28, v29;
	v30 =	vsub.f32 v30, v31;
	v51 =	vor.u32 v7, v15;
	v33 =	vld.idx.msk [tilespmem:v33+s28+$0x0], $0xffff  }
0x74: {  	v24 =	vsub.f32 v23, v24;
	v16 =	vand.u32 $0x3F, v39;
	v49 =	vld.idx.msk [tilespmem:v44+s29+$0x0], $0xffff;
	v14 =	vsub.f32 v40, v43  }
0x75: {  	v25 =	vsub.f32 v25, v27;
	v52 =	vld.idx.msk [tilespmem:v19+s29+$0x0], $0xffff;
	v18 =	vand.u32 $0x3F, v41;
	v23 =	vsub.f32 v37, v46  }
0x76: {  	v21 =	vor.u32 v7, v16;
	v12 =	vand.u32 $0x3F, v38;
	v43 =	vld.idx.msk [tilespmem:v44+s28+$0x0], $0xffff;
	v27 =	vadd.f32 v59, v14  }
0x77: {  	v20 =	vor.u32 v7, v12;
	v29 =	vsub.f32 v34, v60;
	v23 =	vadd.f32 v32, v23  }
0x78: {  	v26 =	vadd.f32 v26, v30;
	v44 =	vld.idx.msk [tilespmem:v61+s29+$0x0], $0xffff;
	v46 =	vmul.f32 v27, v27;
	v33 =	vmul.f32 v27, v33  }
0x79: {  	v48 =	vld.idx.msk [tilespmem:v48+s28+$0x0], $0xffff;
	v29 =	vadd.f32 v49, v29;
	v31 =	vmul.f32 v23, v23;
	v27 =	vadd.f32 v27, v35  }
0x7a: {  	v30 =	vld.idx.msk [tilespmem:v62+s29+$0x0], $0xffff;
	v22 =	vmul.f32 v23, v22;
	v34 =	vadd.f32 v46, v35;
	v33 =	vadd.f32 v33, v35  }
0x7b: {  	v53 =	vld.idx.msk [tilespmem:v61+s28+$0x0], $0xffff;
	v25 =	vadd.f32 v52, v25;
	v54 =	vmul.f32 v29, v43;
	v23 =	vadd.f32 v23, v27  }
0x7c: {  	v55 =	vld.idx.msk [tilespmem:v19+s28+$0x0], $0xffff;
	v27 =	vmul.f32 v29, v29;
	v31 =	vadd.f32 v31, v34;
	v22 =	vadd.f32 v22, v33  }
0x7d: {  	v56 =	vld.idx.msk [tilespmem:v62+s28+$0x0], $0xffff;
	v28 =	vadd.f32 v44, v28;
	v19 =	vadd.f32 v29, v23;
	v23 =	vmul.f32 v26, v26  }
0x7e: {  	v29 =	vld.idx.msk [tilespmem:v47+s29+$0x0], $0xffff;
	v27 =	vadd.f32 v27, v31;
	v22 =	vadd.f32 v54, v22;
	v31 =	vmul.f32 v26, v48  }
0x7f: {  	v58 =	vld.idx.msk [tilespmem:v47+s28+$0x0], $0xffff;
	v30 =	vadd.f32 v30, v24;
	v57 =	vmul.f32 v28, v28;
	v26 =	vadd.f32 v26, v19  }
0x80: {  	v24 =	vld.idx.msk [tilespmem:v63+s19+$0x0], $0xffff;
	v35 =	vmul.f32 v28, v53;
	v27 =	vadd.f32 v23, v27;
	v31 =	vadd.f32 v31, v22  }
0x81: {  	v14 =	vor.u32 v6, v18;
	v59 =	vmul.f32 v25, v55;
	v19 =	vld.idx.msk [tilespmem:v45+s18+$0x0], $0xffff;
	v26 =	vadd.f32 v28, v26  }
0x82: {  	v23 =	vld.idx.msk [tilespmem:v45+s19+$0x0], $0xffff;
	v28 =	vmul.f32 v25, v25;
	v27 =	vadd.f32 v57, v27;
	v31 =	vadd.f32 v35, v31  }
0x83: {  	v61 =	vmul.f32 v30, v30;
	v22 =	vld.idx.msk [tilespmem:v63+s18+$0x0], $0xffff;
	v29 =	vadd.f32 v29, v50;
	v60 =	vadd.f32 v25, v26  }
0x84: {  	v63 =	vmul.f32 v30, v56;
	v25 =	vld.idx.msk [tilespmem:v51+s18+$0x0], $0xffff;
	v62 =	vadd.f32 v28, v27;
	v33 =	vadd.f32 v59, v31  }
0x85: {  	v26 =	vld.idx.msk [tilespmem:v51+s19+$0x0], $0xffff;
	v34 =	vmul.f32 v29, v58;
	v28 =	vor.u32 v7, v13;
	v32 =	vadd.f32 v30, v60  }
0x86: {  	s16 =	simm.s32 $0x17;
	v30 =	vmul.f32 v29, v29;
	v27 =	vld.idx.msk [tilespmem:v21+s18+$0x0], $0xffff;
	v31 =	vadd.f32 v61, v62;
	v33 =	vadd.f32 v63, v33  }
.LBB2_5:
0x87: {  	p0 =	sne.s32 s16, $0x3F;
	v17 =	vand.u32 $0x38, v17;
	v18 =	vor.u32 v7, v18;
	v35 =	vld.idx.msk [tilespmem:v21+s19+$0x0], $0xffff;
	v29 =	vadd.f32 v29, v32;
	v21 =	vmovc v15  }
0x88: {  	v15 =	vor.u32 v9, v17;
	v32 =	vld.idx.msk [tilespmem:v20+s18+$0x0], $0xffff;
	v30 =	vadd.f32 v30, v31;
	v31 =	vadd.f32 v34, v33  }
0x89: {  	v33 =	vld.idx.msk [tilespmem:v20+s19+$0x0], $0xffff;
	v20 =	vmov v16  }
0x8a: {  	v34 =	vld.idx.msk [tilespmem:v14+s29+$0x0], $0xffff  }
0x8b: {  	s5 =	sadd.s32 $0xFFFFFFFF, s16;
	v36 =	vor.u32 v10, v17;
	v16 =	vadd.s32 s16, v0;
	v37 =	vld.idx.msk [tilespmem:v28+s18+$0x0], $0xffff  }
0x8c: {  	s6 =	sadd.s32 $0xFFFFFFFC, s16;
	s24 =	sadd.s32 $0xFFFFFFFD, s16;
	s25 =	sadd.s32 $0xFFFFFFFE, s16;
	v38 =	vadd.s32 s5, v0;
	v16 =	vand.u32 $0x3F, v16;
	v39 =	vld.idx.msk [tilespmem:v18+s18+$0x0], $0xffff  }
0x8d: {  	s7 =	sadd.s32 $0xFFFFFFFB, s16;
	s5 =	sadd.s32 $0xFFFFFFFA, s16;
	v40 =	vadd.s32 s6, v0;
	v41 =	vadd.s32 s24, v0;
	v42 =	vadd.s32 s25, v0;
	v43 =	vld.idx.msk [tilespmem:v15+s18+$0x0], $0xffff  }
0x8e: {  	v47 =	vor.u32 v6, v13;
	s6 =	sadd.s32 $0xFFFFFFF9, s16;
	v45 =	vadd.s32 s7, v0;
	v44 =	vadd.s32 s5, v0;
	v46 =	vld.idx.msk [tilespmem:v15+s19+$0x0], $0xffff  }
0x8f: {  	v50 =	vor.u32 v6, v8;
	v17 =	vadd.s32 s6, v0;
	v48 =	vor.u32 v7, v16;
	v8 =	vmovc v16;
	v49 =	vld.idx.msk [tilespmem:v18+s19+$0x0], $0xffff  }
0x90: {  	v51 =	vor.u32 v6, v12;
	v38 =	vand.u32 $0x3F, v38;
	v15 =	vand.u32 $0x3F, v42;
	v42 =	vld.idx.msk [tilespmem:v36+s29+$0x0], $0xffff  }
0x91: {  	v13 =	vand.u32 $0x3F, v45;
	v12 =	vand.u32 $0x3F, v40;
	v16 =	vand.u32 $0x3F, v41;
	v28 =	vld.idx.msk [tilespmem:v28+s19+$0x0], $0xffff  }
0x92: {  	v40 =	vor.u32 v6, v20;
	v41 =	vor.u32 v6, v11;
	v11 =	vmovc v38;
	v18 =	vand.u32 $0x3F, v44;
	v36 =	vld.idx.msk [tilespmem:v36+s28+$0x0], $0xffff  }
0x93: {  	v52 =	vsub.f32 v19, v23;
	v45 =	vor.u32 v6, v21;
	v38 =	vor.u32 v7, v11;
	v44 =	vld.idx.msk [tilespmem:v47+s29+$0x0], $0xffff  }
0x94: {  	v22 =	vsub.f32 v22, v24;
	v53 =	vor.u32 v7, v15;
	v19 =	vsub.f32 v43, v46;
	v23 =	vld.idx.msk [tilespmem:v14+s28+$0x0], $0xffff  }
0x95: {  	v25 =	vsub.f32 v25, v26;
	v21 =	vor.u32 v7, v16;
	v24 =	vsub.f32 v39, v49;
	v39 =	vld.idx.msk [tilespmem:v51+s29+$0x0], $0xffff  }
0x96: {  	v20 =	vor.u32 v7, v12;
	v27 =	vsub.f32 v27, v35;
	v19 =	vadd.f32 v42, v19;
	v26 =	vld.idx.msk [tilespmem:v47+s28+$0x0], $0xffff  }
0x97: {  	v14 =	vor.u32 v6, v18;
	v24 =	vadd.f32 v34, v24;
	v28 =	vsub.f32 v37, v28;
	v34 =	vld.idx.msk [tilespmem:v40+s29+$0x0], $0xffff  }
0x98: {  	v32 =	vsub.f32 v32, v33;
	v35 =	vmul.f32 v19, v19;
	v36 =	vmul.f32 v19, v36;
	v37 =	vld.idx.msk [tilespmem:v51+s28+$0x0], $0xffff  }
0x99: {  	v19 =	vadd.f32 v19, v29;
	v29 =	vmul.f32 v24, v24;
	v28 =	vadd.f32 v44, v28;
	v33 =	vld.idx.msk [tilespmem:v45+s29+$0x0], $0xffff  }
0x9a: {  	v30 =	vadd.f32 v35, v30;
	v31 =	vadd.f32 v36, v31;
	v23 =	vmul.f32 v24, v23;
	v35 =	vld.idx.msk [tilespmem:v40+s28+$0x0], $0xffff  }
0x9b: {  	v19 =	vadd.f32 v24, v19;
	v24 =	vmul.f32 v28, v28;
	v32 =	vadd.f32 v39, v32;
	v36 =	vld.idx.msk [tilespmem:v41+s29+$0x0], $0xffff  }
0x9c: {  	v29 =	vadd.f32 v29, v30;
	v23 =	vadd.f32 v23, v31;
	v26 =	vmul.f32 v28, v26;
	v30 =	vld.idx.msk [tilespmem:v45+s28+$0x0], $0xffff  }
0x9d: {  	v19 =	vadd.f32 v28, v19;
	v28 =	vmul.f32 v32, v32;
	v27 =	vadd.f32 v34, v27;
	v31 =	vld.idx.msk [tilespmem:v50+s29+$0x0], $0xffff  }
0x9e: {  	v24 =	vadd.f32 v24, v29;
	v23 =	vadd.f32 v26, v23;
	v26 =	vmul.f32 v32, v37;
	v34 =	vld.idx.msk [tilespmem:v41+s28+$0x0], $0xffff  }
0x9f: {  	v29 =	vadd.f32 v32, v19;
	v32 =	vmul.f32 v27, v27;
	v25 =	vadd.f32 v33, v25;
	v37 =	vld.idx.msk [tilespmem:v50+s28+$0x0], $0xffff  }
0xa0: {  	v24 =	vadd.f32 v28, v24;
	v26 =	vadd.f32 v26, v23;
	v28 =	vmul.f32 v27, v35;
	v19 =	vld.idx.msk [tilespmem:v48+s18+$0x0], $0xffff  }
0xa1: {  	v27 =	vadd.f32 v27, v29;
	v33 =	vmul.f32 v25, v25;
	v35 =	vadd.f32 v36, v22;
	v23 =	vld.idx.msk [tilespmem:v48+s19+$0x0], $0xffff  }
.Ltmp1:
0xa2: {  	v32 =	vadd.f32 v32, v24;
	v26 =	vadd.f32 v28, v26;
	v28 =	vmul.f32 v25, v30;
	v22 =	vld.idx.msk [tilespmem:v38+s18+$0x0], $0xffff;
	(pc) =	sbr.rel @p0 .LBB2_5-.Ltmp1, $4  }
0xa3: {  	v27 =	vadd.f32 v25, v27;
	v36 =	vmul.f32 v35, v35;
	v29 =	vadd.f32 v31, v52;
	v24 =	vld.idx.msk [tilespmem:v38+s19+$0x0], $0xffff  }
0xa4: {  	v31 =	vadd.f32 v33, v32;
	v33 =	vadd.f32 v28, v26;
	v34 =	vmul.f32 v35, v34;
	v25 =	vld.idx.msk [tilespmem:v53+s18+$0x0], $0xffff  }
0xa5: {  	v28 =	vor.u32 v7, v13;
	v32 =	vadd.f32 v35, v27;
	v30 =	vmul.f32 v29, v29;
	v26 =	vld.idx.msk [tilespmem:v53+s19+$0x0], $0xffff  }
0xa6: {  	s16 =	sadd.s32 $0x8, s16;
	v31 =	vadd.f32 v36, v31;
	v33 =	vadd.f32 v34, v33;
	v34 =	vmul.f32 v29, v37;
	v27 =	vld.idx.msk [tilespmem:v21+s18+$0x0], $0xffff  }
0xa7: {  	_ =	sdelay $0x3  }
0xa8: {  	v56 =	vld.idx.msk [tilespmem:v21+s19+$0x0], $0xffff  }
0xa9: {  	v17 =	vand.u32 $0x38, v17;
	v7 =	vor.u32 v7, v18;
	v57 =	vld.idx.msk [tilespmem:v20+s18+$0x0], $0xffff  }
0xaa: {  	v58 =	vld.idx.msk [tilespmem:v20+s19+$0x0], $0xffff;
	v9 =	vor.u32 v9, v17  }
0xab: {  	v35 =	vld.idx.msk [tilespmem:v14+s29+$0x0], $0xffff  }
0xac: {  	v59 =	vld.idx.msk [tilespmem:v28+s18+$0x0], $0xffff  }
0xad: {  	v60 =	vld.idx.msk [tilespmem:v28+s19+$0x0], $0xffff;
	v10 =	vor.u32 v10, v17  }
0xae: {  	v36 =	vld.idx.msk [tilespmem:v7+s18+$0x0], $0xffff  }
0xaf: {  	v37 =	vld.idx.msk [tilespmem:v9+s18+$0x0], $0xffff  }
0xb0: {  	v13 =	vor.u32 v6, v13;
	v9 =	vld.idx.msk [tilespmem:v9+s19+$0x0], $0xffff  }
0xb1: {  	v12 =	vor.u32 v6, v12;
	v7 =	vld.idx.msk [tilespmem:v7+s19+$0x0], $0xffff  }
0xb2: {  	v38 =	vld.idx.msk [tilespmem:v10+s29+$0x0], $0xffff  }
0xb3: {  	v16 =	vor.u32 v6, v16;
	v62 =	vld.idx.msk [tilespmem:v14+s28+$0x0], $0xffff  }
0xb4: {  	v10 =	vld.idx.msk [tilespmem:v10+s28+$0x0], $0xffff  }
0xb5: {  	v15 =	vor.u32 v6, v15;
	v61 =	vld.idx.msk [tilespmem:v13+s29+$0x0], $0xffff;
	v9 =	vsub.f32 v37, v9  }
0xb6: {  	v29 =	vadd.f32 v29, v32;
	v63 =	vld.idx.msk [tilespmem:v12+s29+$0x0], $0xffff  }
0xb7: {  	v13 =	vld.idx.msk [tilespmem:v13+s28+$0x0], $0xffff;
	v7 =	vsub.f32 v36, v7;
	v9 =	vadd.f32 v38, v9  }
0xb8: {  	v11 =	vor.u32 v6, v11;
	v19 =	vsub.f32 v19, v23;
	v17 =	vsub.f32 v59, v60;
	v39 =	vld.idx.msk [tilespmem:v16+s29+$0x0], $0xffff  }
0xb9: {  	v40 =	vld.idx.msk [tilespmem:v12+s28+$0x0], $0xffff;
	v7 =	vadd.f32 v35, v7;
	v38 =	vadd.f32 v34, v33;
	v10 =	vmul.f32 v9, v10  }
0xba: {  	v6 =	vor.u32 v6, v8;
	v30 =	vadd.f32 v30, v31;
	v41 =	vsub.f32 v57, v58;
	v42 =	vld.idx.msk [tilespmem:v15+s29+$0x0], $0xffff  }
0xbb: {  	v16 =	vld.idx.msk [tilespmem:v16+s28+$0x0], $0xffff;
	v17 =	vadd.f32 v61, v17;
	v14 =	vmul.f32 v7, v62;
	v10 =	vadd.f32 v10, v38  }
0xbc: {  	v44 =	vsub.f32 v22, v24;
	v18 =	vsub.f32 v27, v56  }
0xbd: {  	v43 =	vld.idx.msk [tilespmem:v11+s29+$0x0], $0xffff;
	v12 =	vadd.f32 v63, v41;
	v13 =	vmul.f32 v17, v13;
	v10 =	vadd.f32 v14, v10  }
0xbe: {  	v45 =	vsub.f32 v25, v26;
	v15 =	vld.idx.msk [tilespmem:v15+s28+$0x0], $0xffff;
	v18 =	vadd.f32 v39, v18  }
0xbf: {  	v47 =	vld.idx.msk [tilespmem:v6+s29+$0x0], $0xffff;
	v8 =	vmul.f32 v12, v40;
	v46 =	vmul.f32 v9, v9;
	v10 =	vadd.f32 v13, v10  }
0xc0: {  	v11 =	vld.idx.msk [tilespmem:v11+s28+$0x0], $0xffff;
	v20 =	vadd.f32 v42, v45;
	v49 =	vmul.f32 v18, v16;
	v9 =	vadd.f32 v9, v29  }
0xc1: {  	v48 =	vmul.f32 v7, v7;
	v23 =	vadd.f32 v46, v30;
	v8 =	vadd.f32 v8, v10  }
0xc2: {  	v6 =	vld.idx.msk [tilespmem:v6+s28+$0x0], $0xffff;
	v50 =	vmul.f32 v17, v17;
	v7 =	vadd.f32 v7, v9;
	v14 =	vadd.f32 v43, v44  }
0xc3: {  	v51 =	vmul.f32 v20, v15;
	v13 =	vadd.f32 v48, v23;
	v8 =	vadd.f32 v49, v8  }
0xc4: {  	v53 =	vadd.f32 v47, v19;
	v52 =	vmul.f32 v12, v12;
	v7 =	vadd.f32 v17, v7  }
0xc5: {  	v54 =	vmul.f32 v14, v11;
	v9 =	vadd.f32 v50, v13;
	v8 =	vadd.f32 v51, v8  }
0xc6: {  	v56 =	vld.idx.msk [tilespmem:v5+s31+$0x0], $0xffff;
	v55 =	vmul.f32 v18, v18;
	v7 =	vadd.f32 v12, v7  }
0xc7: {  	v6 =	vmul.f32 v53, v6;
	v9 =	vadd.f32 v52, v9;
	v8 =	vadd.f32 v54, v8  }
0xc8: {  	v7 =	vadd.f32 v18, v7  }
0xc9: {  	v57 =	vmul.f32 v20, v20;
	v9 =	vadd.f32 v55, v9;
	v6 =	vadd.f32 v6, v8  }
0xca: {  	v5 =	vld.idx.msk [tilespmem:v5+s0+$0x0], $0xffff;
	v7 =	vadd.f32 v20, v7  }
0xcb: {  	v58 =	vmul.f32 v14, v14;
	v9 =	vadd.f32 v57, v9;
	v59 =	vsub.f32 v6, v56  }
0xcc: {  	v7 =	vadd.f32 v14, v7  }
0xcd: {  	v60 =	vmul.f32 v53, v53;
	v8 =	vadd.f32 v58, v9;
	v61 =	vadd.f32 v59, v59  }
0xce: {  	v7 =	vadd.f32 v53, v7  }
0xcf: {  	v8 =	vadd.f32 v60, v8;
	v5 =	vmul.f32 v5, v59;
	v6 =	vmul.f32 v61, v6;
	_ =	sdelay $0x1  }
0xd0: {  	v62 =	vmul.f32 v59, v59;
	v5 =	vsub.f32 v7, v5;
	v6 =	vsub.f32 v8, v6;
	_ =	sdelay $0x1  }
0xd1: {  	v5 =	vmul.f32 $1.999999990e-06, v5;
	v6 =	vadd.f32 v6, v62;
	_ =	sdelay $0x1  }
0xd2: {  	v5 =	vadd.f32 v6, v5;
	_ =	sdelay $0x1  }
0xd3: {  	v5 =	vadd.f32 $6.399999970e-11, v5;
	_ =	sdelay $0x1  }
0xd4: {  	v5 =	vmax.f32 v5, $1.000000020e-24  }
0xd5: {  	v6 =	vshra.s32 v5, $0x1;
	v7 =	vmul.f32 $5.000000000e-01, v5  }
0xd6: {  	v6 =	vsub.s32 $0x5F3759DF, v6  }
0xd7: {  	v63 =	vmul.f32 v6, v7;
	_ =	sdelay $0x1  }
0xd8: {  	v8 =	vmul.f32 v6, v63;
	_ =	sdelay $0x1  }
0xd9: {  	v8 =	vsub.f32 $1.500000000e+00, v8;
	_ =	sdelay $0x1  }
0xda: {  	v6 =	vmul.f32 v6, v8;
	_ =	sdelay $0x1  }
0xdb: {  	v8 =	vmul.f32 v6, v7;
	_ =	sdelay $0x1  }
0xdc: {  	v8 =	vmul.f32 v8, v6;
	_ =	sdelay $0x1  }
0xdd: {  	v8 =	vsub.f32 $1.500000000e+00, v8;
	_ =	sdelay $0x1  }
0xde: {  	v6 =	vmul.f32 v8, v6;
	_ =	sdelay $0x1  }
0xdf: {  	v7 =	vmul.f32 v6, v7;
	_ =	sdelay $0x1  }
0xe0: {  	v7 =	vmul.f32 v7, v6;
	_ =	sdelay $0x1  }
0xe1: {  	s1 =	sadd.s32 $0x1, s1;
	v7 =	vsub.f32 $1.500000000e+00, v7  }
0xe2: {  	p0 =	sne.s32 s1, $0x8  }
.Ltmp2:
0xe3: {  	v6 =	vmul.f32 v7, v6;
	(pc) =	sbr.rel @p0 .LBB2_4-.Ltmp2, $3  }
0xe4: {  	_ = 	snop  }
0xe5: {  	v5 =	vmul.f32 v6, v5;
	_ =	sdelay $0x1  }
0xe6: {  	[tilespmem:s21+$0x8C00] =	vst v5  }
0xe7: {  	s1 =	simm.s32 $0x100  }
0xe8: {  	[tilespmem:s18], [sflag:$0x1] =	stream.indirect.gather [hbm4b:s3+s17], $0x40, s1, s17, $0xb8;
	[tilespmem:$0x9130] =	vst v63  }
0xe9: {  	s25 =	simm.s32 $0x300  }
0xea: {  	[tilespmem:s19], [sflag:$0x1] =	stream.indirect.gather [hbm4b:s4+s17], $0x40, s25, s17, $0xb8;
	[tilespmem:$0x9130] =	vst v63  }
0xeb: {  	_ =	swait.ge [sflag:s23], $0x2000  }
0xec: {  	[sflag:s23] =	ssyncset.done $0x0  }
0xed: {  	[sflag:s23] =	ssyncadd.s32 $0xFFFFE000  }
0xee: {  	_ =	swait.ge [sflag:s23], $0x2000  }
0xef: {  	[sflag:s23] =	ssyncset.done $0x0  }
0xf0: {  	s1 =	simm.s32 $0x0;
	[sflag:s23] =	ssyncadd.s32 $0xFFFFE000  }
.LBB2_8:
0xf1: {  	s21 =	sshll.u32 s1, $0x4  }
0xf2: {  	v5 =	vmov s21  }
0xf3: {  	s5 =	simm.s32 $0x7;
	v5 =	vshll.u32 v5, $0x6  }
0xf4: {  	v8 =	vor.u32 v3, v5;
	v5 =	vadd.s32 s5, v0  }
0xf5: {  	s16 =	simm.s32 $0x4;
	v7 =	vadd.s32 $0x2000, v8;
	v11 =	vand.u32 $0x3F, v5  }
0xf6: {  	v10 =	vadd.s32 s16, v0;
	v6 =	vor.u32 v7, v11  }
0xf7: {  	s6 =	simm.s32 $0x6;
	s24 =	simm.s32 $0x3;
	v20 =	vand.u32 $0x3F, v10  }
0xf8: {  	s7 =	simm.s32 $0x5;
	v10 =	vadd.s32 s24, v0;
	v5 =	vadd.s32 s6, v0;
	v13 =	vor.u32 v7, v20  }
0xf9: {  	v16 =	vand.u32 $0x3F, v10;
	v14 =	vand.u32 $0x3F, v5;
	v5 =	vadd.s32 s7, v0  }
0xfa: {  	v15 =	vor.u32 v7, v16;
	v19 =	vand.u32 $0x3F, v5;
	v5 =	vld [tilespmem:s21+$0x480]  }
0xfb: {  	v9 =	vor.u32 v7, v14;
	v21 =	vld.idx.msk [tilespmem:v6+s18+$0x0], $0xffff  }
0xfc: {  	v22 =	vld.idx.msk [tilespmem:v6+s19+$0x0], $0xffff  }
0xfd: {  	s25 =	simm.s32 $0x1;
	v12 =	vor.u32 v7, v19;
	v28 =	vld.idx.msk [tilespmem:v13+s18+$0x0], $0xffff  }
0xfe: {  	v10 =	vadd.s32 s25, v0;
	v29 =	vld.idx.msk [tilespmem:v13+s19+$0x0], $0xffff  }
0xff: {  	v10 =	vand.u32 $0x3F, v10;
	v30 =	vld.idx.msk [tilespmem:v15+s18+$0x0], $0xffff;
	v6 =	vshll.u32 v5, $0x6  }
0x100: {  	s6 =	simm.s32 $0x2;
	v23 =	vld.idx.msk [tilespmem:v9+s18+$0x0], $0xffff;
	v26 =	vor.u32 v6, v10  }
0x101: {  	v24 =	vld.idx.msk [tilespmem:v9+s19+$0x0], $0xffff;
	v9 =	vadd.s32 s6, v0  }
0x102: {  	s7 =	simm.s32 $0x0;
	v25 =	vld.idx.msk [tilespmem:v12+s18+$0x0], $0xffff;
	v17 =	vand.u32 $0x3F, v9;
	v48 =	vor.u32 v6, v16  }
0x103: {  	v27 =	vld.idx.msk [tilespmem:v12+s19+$0x0], $0xffff;
	v12 =	vadd.s32 s7, v0;
	v18 =	vor.u32 v7, v17  }
0x104: {  	v31 =	vld.idx.msk [tilespmem:v15+s19+$0x0], $0xffff;
	v9 =	vadd.s32 v4, v8;
	v8 =	vand.u32 $0x38, v12;
	v12 =	vor.u32 v7, v10  }
0x105: {  	v13 =	vor.u32 v9, v8;
	v32 =	vld.idx.msk [tilespmem:v26+s29+$0x0], $0xffff  }
0x106: {  	v50 =	vsub.f32 v21, v22;
	v22 =	vld.idx.msk [tilespmem:v26+s28+$0x0], $0xffff  }
0x107: {  	s24 =	simm.s32 $0xE;
	v10 =	vor.u32 v1, v6;
	v26 =	vld.idx.msk [tilespmem:v48+s29+$0x0], $0xffff  }
0x108: {  	v35 =	vimm.f32 $0.0e+00;
	s16 =	simm.s32 $0xF;
	s25 =	simm.s32 $0xB;
	v36 =	vadd.s32 s24, v0;
	s24 =	simm.s32 $0xA;
	v33 =	vor.u32 v10, v8;
	v34 =	vld.idx.msk [tilespmem:v18+s18+$0x0], $0xffff  }
0x109: {  	v38 =	vadd.s32 s25, v0;
	v42 =	vadd.s32 s24, v0;
	v15 =	vadd.s32 s16, v0;
	s6 =	simm.s32 $0x9;
	v37 =	vld.idx.msk [tilespmem:v12+s18+$0x0], $0xffff  }
0x10a: {  	v41 =	vadd.s32 s6, v0;
	v47 =	vor.u32 v6, v11;
	v11 =	vand.u32 $0x3F, v36;
	v40 =	vld.idx.msk [tilespmem:v13+s18+$0x0], $0xffff  }
0x10b: {  	s25 =	simm.s32 $0x8;
	s7 =	simm.s32 $0xC;
	v61 =	vor.u32 v6, v20;
	v62 =	vor.u32 v6, v14;
	v44 =	vor.u32 v6, v17;
	v43 =	vld.idx.msk [tilespmem:v13+s19+$0x0], $0xffff  }
0x10c: {  	s16 =	simm.s32 $0xD;
	v19 =	vor.u32 v6, v19;
	v39 =	vadd.s32 s7, v0;
	v17 =	vadd.s32 s25, v0;
	v46 =	vld.idx.msk [tilespmem:v12+s19+$0x0], $0xffff  }
0x10d: {  	v63 =	vor.u32 v7, v11;
	v8 =	vand.u32 $0x3F, v15;
	v15 =	vadd.s32 s16, v0;
	v59 =	vld.idx.msk [tilespmem:v33+s29+$0x0], $0xffff  }
0x10e: {  	v16 =	vand.u32 $0x3F, v39;
	v45 =	vor.u32 v7, v8;
	v15 =	vand.u32 $0x3F, v15;
	v60 =	vld.idx.msk [tilespmem:v18+s19+$0x0], $0xffff  }
0x10f: {  	v21 =	vor.u32 v7, v16;
	v28 =	vsub.f32 v28, v29;
	v30 =	vsub.f32 v30, v31;
	v33 =	vld.idx.msk [tilespmem:v33+s28+$0x0], $0xffff  }
0x110: {  	v51 =	vor.u32 v7, v15;
	v24 =	vsub.f32 v23, v24;
	v49 =	vld.idx.msk [tilespmem:v44+s29+$0x0], $0xffff;
	v14 =	vsub.f32 v40, v43  }
0x111: {  	v25 =	vsub.f32 v25, v27;
	v52 =	vld.idx.msk [tilespmem:v19+s29+$0x0], $0xffff;
	v12 =	vand.u32 $0x3F, v38;
	v23 =	vsub.f32 v37, v46  }
0x112: {  	v18 =	vand.u32 $0x3F, v41;
	v13 =	vand.u32 $0x3F, v42;
	v43 =	vld.idx.msk [tilespmem:v44+s28+$0x0], $0xffff;
	v27 =	vadd.f32 v59, v14  }
0x113: {  	v20 =	vor.u32 v7, v12;
	v29 =	vsub.f32 v34, v60;
	v23 =	vadd.f32 v32, v23  }
0x114: {  	v26 =	vadd.f32 v26, v30;
	v44 =	vld.idx.msk [tilespmem:v61+s29+$0x0], $0xffff;
	v46 =	vmul.f32 v27, v27;
	v33 =	vmul.f32 v27, v33  }
0x115: {  	v48 =	vld.idx.msk [tilespmem:v48+s28+$0x0], $0xffff;
	v29 =	vadd.f32 v49, v29;
	v31 =	vmul.f32 v23, v23;
	v27 =	vadd.f32 v27, v35  }
0x116: {  	v30 =	vld.idx.msk [tilespmem:v62+s29+$0x0], $0xffff;
	v22 =	vmul.f32 v23, v22;
	v34 =	vadd.f32 v46, v35;
	v33 =	vadd.f32 v33, v35  }
0x117: {  	v53 =	vld.idx.msk [tilespmem:v61+s28+$0x0], $0xffff;
	v25 =	vadd.f32 v52, v25;
	v54 =	vmul.f32 v29, v43;
	v23 =	vadd.f32 v23, v27  }
0x118: {  	v55 =	vld.idx.msk [tilespmem:v19+s28+$0x0], $0xffff;
	v27 =	vmul.f32 v29, v29;
	v31 =	vadd.f32 v31, v34;
	v22 =	vadd.f32 v22, v33  }
0x119: {  	v56 =	vld.idx.msk [tilespmem:v62+s28+$0x0], $0xffff;
	v28 =	vadd.f32 v44, v28;
	v19 =	vadd.f32 v29, v23;
	v23 =	vmul.f32 v26, v26  }
0x11a: {  	v29 =	vld.idx.msk [tilespmem:v47+s29+$0x0], $0xffff;
	v27 =	vadd.f32 v27, v31;
	v22 =	vadd.f32 v54, v22;
	v31 =	vmul.f32 v26, v48  }
0x11b: {  	v58 =	vld.idx.msk [tilespmem:v47+s28+$0x0], $0xffff;
	v30 =	vadd.f32 v30, v24;
	v57 =	vmul.f32 v28, v28;
	v26 =	vadd.f32 v26, v19  }
0x11c: {  	v24 =	vld.idx.msk [tilespmem:v63+s19+$0x0], $0xffff;
	v35 =	vmul.f32 v28, v53;
	v27 =	vadd.f32 v23, v27;
	v31 =	vadd.f32 v31, v22  }
0x11d: {  	v14 =	vor.u32 v6, v18;
	v59 =	vmul.f32 v25, v55;
	v19 =	vld.idx.msk [tilespmem:v45+s18+$0x0], $0xffff;
	v26 =	vadd.f32 v28, v26  }
0x11e: {  	v23 =	vld.idx.msk [tilespmem:v45+s19+$0x0], $0xffff;
	v28 =	vmul.f32 v25, v25;
	v27 =	vadd.f32 v57, v27;
	v31 =	vadd.f32 v35, v31  }
0x11f: {  	v61 =	vmul.f32 v30, v30;
	v22 =	vld.idx.msk [tilespmem:v63+s18+$0x0], $0xffff;
	v29 =	vadd.f32 v29, v50;
	v60 =	vadd.f32 v25, v26  }
0x120: {  	v63 =	vmul.f32 v30, v56;
	v25 =	vld.idx.msk [tilespmem:v51+s18+$0x0], $0xffff;
	v62 =	vadd.f32 v28, v27;
	v33 =	vadd.f32 v59, v31  }
0x121: {  	v26 =	vld.idx.msk [tilespmem:v51+s19+$0x0], $0xffff;
	v34 =	vmul.f32 v29, v58;
	v28 =	vor.u32 v7, v13;
	v32 =	vadd.f32 v30, v60  }
0x122: {  	s16 =	simm.s32 $0x17;
	v30 =	vmul.f32 v29, v29;
	v27 =	vld.idx.msk [tilespmem:v21+s18+$0x0], $0xffff;
	v31 =	vadd.f32 v61, v62;
	v33 =	vadd.f32 v63, v33  }
.LBB2_9:
0x123: {  	p0 =	sne.s32 s16, $0x3F;
	v17 =	vand.u32 $0x38, v17;
	v18 =	vor.u32 v7, v18;
	v35 =	vld.idx.msk [tilespmem:v21+s19+$0x0], $0xffff;
	v29 =	vadd.f32 v29, v32;
	v21 =	vmovc v15  }
0x124: {  	v15 =	vor.u32 v9, v17;
	v32 =	vld.idx.msk [tilespmem:v20+s18+$0x0], $0xffff;
	v30 =	vadd.f32 v30, v31;
	v31 =	vadd.f32 v34, v33  }
0x125: {  	v33 =	vld.idx.msk [tilespmem:v20+s19+$0x0], $0xffff;
	v20 =	vmov v16  }
0x126: {  	v34 =	vld.idx.msk [tilespmem:v14+s29+$0x0], $0xffff  }
0x127: {  	s5 =	sadd.s32 $0xFFFFFFFF, s16;
	v36 =	vor.u32 v10, v17;
	v16 =	vadd.s32 s16, v0;
	v37 =	vld.idx.msk [tilespmem:v28+s18+$0x0], $0xffff  }
0x128: {  	s6 =	sadd.s32 $0xFFFFFFFC, s16;
	s7 =	sadd.s32 $0xFFFFFFFD, s16;
	s24 =	sadd.s32 $0xFFFFFFFE, s16;
	v38 =	vadd.s32 s5, v0;
	v16 =	vand.u32 $0x3F, v16;
	v39 =	vld.idx.msk [tilespmem:v18+s18+$0x0], $0xffff  }
0x129: {  	s25 =	sadd.s32 $0xFFFFFFFB, s16;
	s5 =	sadd.s32 $0xFFFFFFFA, s16;
	v40 =	vadd.s32 s6, v0;
	v41 =	vadd.s32 s7, v0;
	v42 =	vadd.s32 s24, v0;
	v43 =	vld.idx.msk [tilespmem:v15+s18+$0x0], $0xffff  }
0x12a: {  	v47 =	vor.u32 v6, v13;
	s6 =	sadd.s32 $0xFFFFFFF9, s16;
	v45 =	vadd.s32 s25, v0;
	v44 =	vadd.s32 s5, v0;
	v46 =	vld.idx.msk [tilespmem:v15+s19+$0x0], $0xffff  }
0x12b: {  	v50 =	vor.u32 v6, v8;
	v17 =	vadd.s32 s6, v0;
	v48 =	vor.u32 v7, v16;
	v8 =	vmovc v16;
	v49 =	vld.idx.msk [tilespmem:v18+s19+$0x0], $0xffff  }
0x12c: {  	v51 =	vor.u32 v6, v12;
	v38 =	vand.u32 $0x3F, v38;
	v15 =	vand.u32 $0x3F, v42;
	v42 =	vld.idx.msk [tilespmem:v36+s29+$0x0], $0xffff  }
0x12d: {  	v13 =	vand.u32 $0x3F, v45;
	v12 =	vand.u32 $0x3F, v40;
	v16 =	vand.u32 $0x3F, v41;
	v28 =	vld.idx.msk [tilespmem:v28+s19+$0x0], $0xffff  }
0x12e: {  	v40 =	vor.u32 v6, v20;
	v41 =	vor.u32 v6, v11;
	v11 =	vmovc v38;
	v18 =	vand.u32 $0x3F, v44;
	v36 =	vld.idx.msk [tilespmem:v36+s28+$0x0], $0xffff  }
0x12f: {  	v52 =	vsub.f32 v19, v23;
	v45 =	vor.u32 v6, v21;
	v38 =	vor.u32 v7, v11;
	v44 =	vld.idx.msk [tilespmem:v47+s29+$0x0], $0xffff  }
0x130: {  	v22 =	vsub.f32 v22, v24;
	v53 =	vor.u32 v7, v15;
	v19 =	vsub.f32 v43, v46;
	v23 =	vld.idx.msk [tilespmem:v14+s28+$0x0], $0xffff  }
0x131: {  	v25 =	vsub.f32 v25, v26;
	v21 =	vor.u32 v7, v16;
	v24 =	vsub.f32 v39, v49;
	v39 =	vld.idx.msk [tilespmem:v51+s29+$0x0], $0xffff  }
0x132: {  	v20 =	vor.u32 v7, v12;
	v27 =	vsub.f32 v27, v35;
	v19 =	vadd.f32 v42, v19;
	v26 =	vld.idx.msk [tilespmem:v47+s28+$0x0], $0xffff  }
0x133: {  	v14 =	vor.u32 v6, v18;
	v24 =	vadd.f32 v34, v24;
	v28 =	vsub.f32 v37, v28;
	v34 =	vld.idx.msk [tilespmem:v40+s29+$0x0], $0xffff  }
0x134: {  	v32 =	vsub.f32 v32, v33;
	v35 =	vmul.f32 v19, v19;
	v36 =	vmul.f32 v19, v36;
	v37 =	vld.idx.msk [tilespmem:v51+s28+$0x0], $0xffff  }
0x135: {  	v19 =	vadd.f32 v19, v29;
	v29 =	vmul.f32 v24, v24;
	v28 =	vadd.f32 v44, v28;
	v33 =	vld.idx.msk [tilespmem:v45+s29+$0x0], $0xffff  }
0x136: {  	v30 =	vadd.f32 v35, v30;
	v31 =	vadd.f32 v36, v31;
	v23 =	vmul.f32 v24, v23;
	v35 =	vld.idx.msk [tilespmem:v40+s28+$0x0], $0xffff  }
0x137: {  	v19 =	vadd.f32 v24, v19;
	v24 =	vmul.f32 v28, v28;
	v32 =	vadd.f32 v39, v32;
	v36 =	vld.idx.msk [tilespmem:v41+s29+$0x0], $0xffff  }
0x138: {  	v29 =	vadd.f32 v29, v30;
	v23 =	vadd.f32 v23, v31;
	v26 =	vmul.f32 v28, v26;
	v30 =	vld.idx.msk [tilespmem:v45+s28+$0x0], $0xffff  }
0x139: {  	v19 =	vadd.f32 v28, v19;
	v28 =	vmul.f32 v32, v32;
	v27 =	vadd.f32 v34, v27;
	v31 =	vld.idx.msk [tilespmem:v50+s29+$0x0], $0xffff  }
0x13a: {  	v24 =	vadd.f32 v24, v29;
	v23 =	vadd.f32 v26, v23;
	v26 =	vmul.f32 v32, v37;
	v34 =	vld.idx.msk [tilespmem:v41+s28+$0x0], $0xffff  }
0x13b: {  	v29 =	vadd.f32 v32, v19;
	v32 =	vmul.f32 v27, v27;
	v25 =	vadd.f32 v33, v25;
	v37 =	vld.idx.msk [tilespmem:v50+s28+$0x0], $0xffff  }
0x13c: {  	v24 =	vadd.f32 v28, v24;
	v26 =	vadd.f32 v26, v23;
	v28 =	vmul.f32 v27, v35;
	v19 =	vld.idx.msk [tilespmem:v48+s18+$0x0], $0xffff  }
0x13d: {  	v27 =	vadd.f32 v27, v29;
	v33 =	vmul.f32 v25, v25;
	v35 =	vadd.f32 v36, v22;
	v23 =	vld.idx.msk [tilespmem:v48+s19+$0x0], $0xffff  }
.Ltmp3:
0x13e: {  	v32 =	vadd.f32 v32, v24;
	v26 =	vadd.f32 v28, v26;
	v28 =	vmul.f32 v25, v30;
	v22 =	vld.idx.msk [tilespmem:v38+s18+$0x0], $0xffff;
	(pc) =	sbr.rel @p0 .LBB2_9-.Ltmp3, $4  }
0x13f: {  	v27 =	vadd.f32 v25, v27;
	v36 =	vmul.f32 v35, v35;
	v29 =	vadd.f32 v31, v52;
	v24 =	vld.idx.msk [tilespmem:v38+s19+$0x0], $0xffff  }
0x140: {  	v31 =	vadd.f32 v33, v32;
	v33 =	vadd.f32 v28, v26;
	v34 =	vmul.f32 v35, v34;
	v25 =	vld.idx.msk [tilespmem:v53+s18+$0x0], $0xffff  }
0x141: {  	v28 =	vor.u32 v7, v13;
	v32 =	vadd.f32 v35, v27;
	v30 =	vmul.f32 v29, v29;
	v26 =	vld.idx.msk [tilespmem:v53+s19+$0x0], $0xffff  }
0x142: {  	s16 =	sadd.s32 $0x8, s16;
	v31 =	vadd.f32 v36, v31;
	v33 =	vadd.f32 v34, v33;
	v34 =	vmul.f32 v29, v37;
	v27 =	vld.idx.msk [tilespmem:v21+s18+$0x0], $0xffff  }
0x143: {  	_ =	sdelay $0x3  }
0x144: {  	v56 =	vld.idx.msk [tilespmem:v21+s19+$0x0], $0xffff  }
0x145: {  	v17 =	vand.u32 $0x38, v17;
	v7 =	vor.u32 v7, v18;
	v57 =	vld.idx.msk [tilespmem:v20+s18+$0x0], $0xffff  }
0x146: {  	v58 =	vld.idx.msk [tilespmem:v20+s19+$0x0], $0xffff;
	v9 =	vor.u32 v9, v17  }
0x147: {  	v35 =	vld.idx.msk [tilespmem:v14+s29+$0x0], $0xffff  }
0x148: {  	v59 =	vld.idx.msk [tilespmem:v28+s18+$0x0], $0xffff  }
0x149: {  	v60 =	vld.idx.msk [tilespmem:v28+s19+$0x0], $0xffff;
	v10 =	vor.u32 v10, v17  }
0x14a: {  	v36 =	vld.idx.msk [tilespmem:v7+s18+$0x0], $0xffff  }
0x14b: {  	v37 =	vld.idx.msk [tilespmem:v9+s18+$0x0], $0xffff  }
0x14c: {  	v13 =	vor.u32 v6, v13;
	v9 =	vld.idx.msk [tilespmem:v9+s19+$0x0], $0xffff  }
0x14d: {  	v12 =	vor.u32 v6, v12;
	v7 =	vld.idx.msk [tilespmem:v7+s19+$0x0], $0xffff  }
0x14e: {  	v38 =	vld.idx.msk [tilespmem:v10+s29+$0x0], $0xffff  }
0x14f: {  	v16 =	vor.u32 v6, v16;
	v62 =	vld.idx.msk [tilespmem:v14+s28+$0x0], $0xffff  }
0x150: {  	v10 =	vld.idx.msk [tilespmem:v10+s28+$0x0], $0xffff  }
0x151: {  	v15 =	vor.u32 v6, v15;
	v61 =	vld.idx.msk [tilespmem:v13+s29+$0x0], $0xffff;
	v9 =	vsub.f32 v37, v9  }
0x152: {  	v29 =	vadd.f32 v29, v32;
	v63 =	vld.idx.msk [tilespmem:v12+s29+$0x0], $0xffff  }
0x153: {  	v13 =	vld.idx.msk [tilespmem:v13+s28+$0x0], $0xffff;
	v7 =	vsub.f32 v36, v7;
	v9 =	vadd.f32 v38, v9  }
0x154: {  	v11 =	vor.u32 v6, v11;
	v19 =	vsub.f32 v19, v23;
	v17 =	vsub.f32 v59, v60;
	v39 =	vld.idx.msk [tilespmem:v16+s29+$0x0], $0xffff  }
0x155: {  	v40 =	vld.idx.msk [tilespmem:v12+s28+$0x0], $0xffff;
	v7 =	vadd.f32 v35, v7;
	v38 =	vadd.f32 v34, v33;
	v10 =	vmul.f32 v9, v10  }
0x156: {  	v6 =	vor.u32 v6, v8;
	v30 =	vadd.f32 v30, v31;
	v41 =	vsub.f32 v57, v58;
	v42 =	vld.idx.msk [tilespmem:v15+s29+$0x0], $0xffff  }
0x157: {  	v16 =	vld.idx.msk [tilespmem:v16+s28+$0x0], $0xffff;
	v17 =	vadd.f32 v61, v17;
	v14 =	vmul.f32 v7, v62;
	v10 =	vadd.f32 v10, v38  }
0x158: {  	v44 =	vsub.f32 v22, v24;
	v18 =	vsub.f32 v27, v56  }
0x159: {  	v43 =	vld.idx.msk [tilespmem:v11+s29+$0x0], $0xffff;
	v12 =	vadd.f32 v63, v41;
	v13 =	vmul.f32 v17, v13;
	v10 =	vadd.f32 v14, v10  }
0x15a: {  	v45 =	vsub.f32 v25, v26;
	v15 =	vld.idx.msk [tilespmem:v15+s28+$0x0], $0xffff;
	v18 =	vadd.f32 v39, v18  }
0x15b: {  	v47 =	vld.idx.msk [tilespmem:v6+s29+$0x0], $0xffff;
	v8 =	vmul.f32 v12, v40;
	v46 =	vmul.f32 v9, v9;
	v10 =	vadd.f32 v13, v10  }
0x15c: {  	v11 =	vld.idx.msk [tilespmem:v11+s28+$0x0], $0xffff;
	v20 =	vadd.f32 v42, v45;
	v49 =	vmul.f32 v18, v16;
	v9 =	vadd.f32 v9, v29  }
0x15d: {  	v48 =	vmul.f32 v7, v7;
	v23 =	vadd.f32 v46, v30;
	v8 =	vadd.f32 v8, v10  }
0x15e: {  	v6 =	vld.idx.msk [tilespmem:v6+s28+$0x0], $0xffff;
	v50 =	vmul.f32 v17, v17;
	v7 =	vadd.f32 v7, v9;
	v14 =	vadd.f32 v43, v44  }
0x15f: {  	v51 =	vmul.f32 v20, v15;
	v13 =	vadd.f32 v48, v23;
	v8 =	vadd.f32 v49, v8  }
0x160: {  	v53 =	vadd.f32 v47, v19;
	v52 =	vmul.f32 v12, v12;
	v7 =	vadd.f32 v17, v7  }
0x161: {  	v54 =	vmul.f32 v14, v11;
	v9 =	vadd.f32 v50, v13;
	v8 =	vadd.f32 v51, v8  }
0x162: {  	v56 =	vld.idx.msk [tilespmem:v5+s31+$0x0], $0xffff;
	v55 =	vmul.f32 v18, v18;
	v7 =	vadd.f32 v12, v7  }
0x163: {  	v6 =	vmul.f32 v53, v6;
	v9 =	vadd.f32 v52, v9;
	v8 =	vadd.f32 v54, v8  }
0x164: {  	v7 =	vadd.f32 v18, v7  }
0x165: {  	v57 =	vmul.f32 v20, v20;
	v9 =	vadd.f32 v55, v9;
	v6 =	vadd.f32 v6, v8  }
0x166: {  	v5 =	vld.idx.msk [tilespmem:v5+s0+$0x0], $0xffff;
	v7 =	vadd.f32 v20, v7  }
0x167: {  	v58 =	vmul.f32 v14, v14;
	v9 =	vadd.f32 v57, v9;
	v59 =	vsub.f32 v6, v56  }
0x168: {  	v7 =	vadd.f32 v14, v7  }
0x169: {  	v60 =	vmul.f32 v53, v53;
	v8 =	vadd.f32 v58, v9;
	v61 =	vadd.f32 v59, v59  }
0x16a: {  	v7 =	vadd.f32 v53, v7  }
0x16b: {  	v8 =	vadd.f32 v60, v8;
	v5 =	vmul.f32 v5, v59;
	v6 =	vmul.f32 v61, v6;
	_ =	sdelay $0x1  }
0x16c: {  	v62 =	vmul.f32 v59, v59;
	v5 =	vsub.f32 v7, v5;
	v6 =	vsub.f32 v8, v6;
	_ =	sdelay $0x1  }
0x16d: {  	v5 =	vmul.f32 $1.999999990e-06, v5;
	v6 =	vadd.f32 v6, v62;
	_ =	sdelay $0x1  }
0x16e: {  	v5 =	vadd.f32 v6, v5;
	_ =	sdelay $0x1  }
0x16f: {  	v5 =	vadd.f32 $6.399999970e-11, v5;
	_ =	sdelay $0x1  }
0x170: {  	v5 =	vmax.f32 v5, $1.000000020e-24  }
0x171: {  	v6 =	vshra.s32 v5, $0x1;
	v7 =	vmul.f32 $5.000000000e-01, v5  }
0x172: {  	v6 =	vsub.s32 $0x5F3759DF, v6  }
0x173: {  	v63 =	vmul.f32 v6, v7;
	_ =	sdelay $0x1  }
0x174: {  	v8 =	vmul.f32 v6, v63;
	_ =	sdelay $0x1  }
0x175: {  	v8 =	vsub.f32 $1.500000000e+00, v8;
	_ =	sdelay $0x1  }
0x176: {  	v6 =	vmul.f32 v6, v8;
	_ =	sdelay $0x1  }
0x177: {  	v8 =	vmul.f32 v6, v7;
	_ =	sdelay $0x1  }
0x178: {  	v8 =	vmul.f32 v8, v6;
	_ =	sdelay $0x1  }
0x179: {  	v8 =	vsub.f32 $1.500000000e+00, v8;
	_ =	sdelay $0x1  }
0x17a: {  	v6 =	vmul.f32 v8, v6;
	_ =	sdelay $0x1  }
0x17b: {  	v7 =	vmul.f32 v6, v7;
	_ =	sdelay $0x1  }
0x17c: {  	v7 =	vmul.f32 v7, v6;
	_ =	sdelay $0x1  }
0x17d: {  	s1 =	sadd.s32 $0x1, s1;
	v7 =	vsub.f32 $1.500000000e+00, v7  }
0x17e: {  	p0 =	sne.s32 s1, $0x8  }
.Ltmp4:
0x17f: {  	v6 =	vmul.f32 v7, v6;
	(pc) =	sbr.rel @p0 .LBB2_8-.Ltmp4, $3  }
0x180: {  	_ = 	snop  }
0x181: {  	v5 =	vmul.f32 v6, v5;
	_ =	sdelay $0x1  }
0x182: {  	[tilespmem:s21+$0x8C80] =	vst v5  }
0x183: {  	s1 =	simm.s32 $0x180  }
0x184: {  	[tilespmem:s20], [sflag:$0x2] =	stream.indirect.gather [hbm4b:s3+s17], $0x40, s1, s17, $0xb8;
	[tilespmem:$0x9130] =	vst v63  }
0x185: {  	s25 =	simm.s32 $0x380  }
0x186: {  	[tilespmem:s22], [sflag:$0x2] =	stream.indirect.gather [hbm4b:s4+s17], $0x40, s25, s17, $0xb8;
	[tilespmem:$0x9130] =	vst v63  }
0x187: {  	_ =	swait.ge [sflag:s30], $0x2000  }
0x188: {  	[sflag:s30] =	ssyncset.done $0x0  }
0x189: {  	[sflag:s30] =	ssyncadd.s32 $0xFFFFE000  }
0x18a: {  	_ =	swait.ge [sflag:s30], $0x2000  }
0x18b: {  	[sflag:s30] =	ssyncset.done $0x0  }
0x18c: {  	s1 =	simm.s32 $0x0;
	[sflag:s30] =	ssyncadd.s32 $0xFFFFE000  }
.LBB2_12:
0x18d: {  	s21 =	sshll.u32 s1, $0x4  }
0x18e: {  	s5 =	simm.s32 $0x7;
	v5 =	vmov s21  }
0x18f: {  	v6 =	vadd.s32 s5, v0;
	v5 =	vshll.u32 v5, $0x6  }
0x190: {  	s16 =	simm.s32 $0x4;
	v11 =	vand.u32 $0x3F, v6;
	v7 =	vor.u32 v3, v5  }
0x191: {  	v9 =	vadd.s32 s16, v0;
	v6 =	vor.u32 v7, v11  }
0x192: {  	s6 =	simm.s32 $0x6;
	s24 =	simm.s32 $0x3;
	v20 =	vand.u32 $0x3F, v9  }
0x193: {  	s7 =	simm.s32 $0x5;
	v9 =	vadd.s32 s24, v0;
	v5 =	vadd.s32 s6, v0;
	v12 =	vor.u32 v7, v20  }
0x194: {  	v13 =	vand.u32 $0x3F, v9;
	v14 =	vand.u32 $0x3F, v5;
	v5 =	vadd.s32 s7, v0  }
0x195: {  	v15 =	vor.u32 v7, v13;
	v19 =	vand.u32 $0x3F, v5;
	v5 =	vld [tilespmem:s21+$0x500]  }
0x196: {  	v21 =	vld.idx.msk [tilespmem:v6+s18+$0x0], $0xffff  }
0x197: {  	v8 =	vor.u32 v7, v14;
	v22 =	vld.idx.msk [tilespmem:v6+s19+$0x0], $0xffff  }
0x198: {  	s25 =	simm.s32 $0x1;
	v28 =	vld.idx.msk [tilespmem:v12+s18+$0x0], $0xffff  }
0x199: {  	v9 =	vadd.s32 s25, v0;
	v10 =	vor.u32 v7, v19;
	v29 =	vld.idx.msk [tilespmem:v12+s19+$0x0], $0xffff  }
0x19a: {  	v16 =	vand.u32 $0x3F, v9;
	v30 =	vld.idx.msk [tilespmem:v15+s18+$0x0], $0xffff;
	v6 =	vshll.u32 v5, $0x6  }
0x19b: {  	v31 =	vld.idx.msk [tilespmem:v15+s19+$0x0], $0xffff;
	v26 =	vor.u32 v6, v16  }
0x19c: {  	s6 =	simm.s32 $0x2;
	v23 =	vld.idx.msk [tilespmem:v8+s18+$0x0], $0xffff;
	v16 =	vor.u32 v7, v16  }
0x19d: {  	s7 =	simm.s32 $0x0;
	v24 =	vld.idx.msk [tilespmem:v8+s19+$0x0], $0xffff;
	v8 =	vadd.s32 s6, v0  }
0x19e: {  	v25 =	vld.idx.msk [tilespmem:v10+s18+$0x0], $0xffff;
	v17 =	vand.u32 $0x3F, v8;
	v8 =	vadd.s32 s7, v0  }
0x19f: {  	v9 =	vor.u32 v1, v7;
	v27 =	vld.idx.msk [tilespmem:v10+s19+$0x0], $0xffff;
	v48 =	vor.u32 v6, v13;
	v8 =	vand.u32 $0x38, v8  }
0x1a0: {  	v12 =	vor.u32 v9, v8;
	v32 =	vld.idx.msk [tilespmem:v26+s29+$0x0], $0xffff  }
0x1a1: {  	v37 =	vld.idx.msk [tilespmem:v16+s18+$0x0], $0xffff  }
0x1a2: {  	v35 =	vimm.f32 $0.0e+00;
	s24 =	simm.s32 $0xE;
	v10 =	vor.u32 v1, v6;
	v18 =	vor.u32 v7, v17;
	v46 =	vld.idx.msk [tilespmem:v16+s19+$0x0], $0xffff  }
0x1a3: {  	s16 =	simm.s32 $0xF;
	s25 =	simm.s32 $0xB;
	v36 =	vadd.s32 s24, v0;
	s24 =	simm.s32 $0xA;
	v33 =	vor.u32 v10, v8;
	v50 =	vsub.f32 v21, v22;
	v22 =	vld.idx.msk [tilespmem:v26+s28+$0x0], $0xffff  }
0x1a4: {  	v38 =	vadd.s32 s25, v0;
	v42 =	vadd.s32 s24, v0;
	v15 =	vadd.s32 s16, v0;
	s6 =	simm.s32 $0x9;
	v26 =	vld.idx.msk [tilespmem:v48+s29+$0x0], $0xffff  }
0x1a5: {  	v41 =	vadd.s32 s6, v0;
	v47 =	vor.u32 v6, v11;
	v11 =	vand.u32 $0x3F, v36;
	v40 =	vld.idx.msk [tilespmem:v12+s18+$0x0], $0xffff  }
0x1a6: {  	s7 =	simm.s32 $0xC;
	v13 =	vand.u32 $0x3F, v42;
	v61 =	vor.u32 v6, v20;
	v44 =	vor.u32 v6, v17;
	v43 =	vld.idx.msk [tilespmem:v12+s19+$0x0], $0xffff  }
0x1a7: {  	s25 =	simm.s32 $0x8;
	s16 =	simm.s32 $0xD;
	v62 =	vor.u32 v6, v14;
	v19 =	vor.u32 v6, v19;
	v39 =	vadd.s32 s7, v0;
	v34 =	vld.idx.msk [tilespmem:v18+s18+$0x0], $0xffff  }
0x1a8: {  	v17 =	vadd.s32 s25, v0;
	v8 =	vand.u32 $0x3F, v15;
	v15 =	vadd.s32 s16, v0;
	v59 =	vld.idx.msk [tilespmem:v33+s29+$0x0], $0xffff  }
0x1a9: {  	v63 =	vor.u32 v7, v11;
	v45 =	vor.u32 v7, v8;
	v15 =	vand.u32 $0x3F, v15;
	v60 =	vld.idx.msk [tilespmem:v18+s19+$0x0], $0xffff  }
0x1aa: {  	v28 =	vsub.f32 v28, v29;
	v30 =	vsub.f32 v30, v31;
	v51 =	vor.u32 v7, v15;
	v33 =	vld.idx.msk [tilespmem:v33+s28+$0x0], $0xffff  }
0x1ab: {  	v24 =	vsub.f32 v23, v24;
	v16 =	vand.u32 $0x3F, v39;
	v49 =	vld.idx.msk [tilespmem:v44+s29+$0x0], $0xffff;
	v14 =	vsub.f32 v40, v43  }
0x1ac: {  	v25 =	vsub.f32 v25, v27;
	v52 =	vld.idx.msk [tilespmem:v19+s29+$0x0], $0xffff;
	v18 =	vand.u32 $0x3F, v41;
	v23 =	vsub.f32 v37, v46  }
0x1ad: {  	v21 =	vor.u32 v7, v16;
	v12 =	vand.u32 $0x3F, v38;
	v43 =	vld.idx.msk [tilespmem:v44+s28+$0x0], $0xffff;
	v27 =	vadd.f32 v59, v14  }
0x1ae: {  	v20 =	vor.u32 v7, v12;
	v29 =	vsub.f32 v34, v60;
	v23 =	vadd.f32 v32, v23  }
0x1af: {  	v26 =	vadd.f32 v26, v30;
	v44 =	vld.idx.msk [tilespmem:v61+s29+$0x0], $0xffff;
	v46 =	vmul.f32 v27, v27;
	v33 =	vmul.f32 v27, v33  }
0x1b0: {  	v48 =	vld.idx.msk [tilespmem:v48+s28+$0x0], $0xffff;
	v29 =	vadd.f32 v49, v29;
	v31 =	vmul.f32 v23, v23;
	v27 =	vadd.f32 v27, v35  }
0x1b1: {  	v30 =	vld.idx.msk [tilespmem:v62+s29+$0x0], $0xffff;
	v22 =	vmul.f32 v23, v22;
	v34 =	vadd.f32 v46, v35;
	v33 =	vadd.f32 v33, v35  }
0x1b2: {  	v53 =	vld.idx.msk [tilespmem:v61+s28+$0x0], $0xffff;
	v25 =	vadd.f32 v52, v25;
	v54 =	vmul.f32 v29, v43;
	v23 =	vadd.f32 v23, v27  }
0x1b3: {  	v55 =	vld.idx.msk [tilespmem:v19+s28+$0x0], $0xffff;
	v27 =	vmul.f32 v29, v29;
	v31 =	vadd.f32 v31, v34;
	v22 =	vadd.f32 v22, v33  }
0x1b4: {  	v56 =	vld.idx.msk [tilespmem:v62+s28+$0x0], $0xffff;
	v28 =	vadd.f32 v44, v28;
	v19 =	vadd.f32 v29, v23;
	v23 =	vmul.f32 v26, v26  }
0x1b5: {  	v29 =	vld.idx.msk [tilespmem:v47+s29+$0x0], $0xffff;
	v27 =	vadd.f32 v27, v31;
	v22 =	vadd.f32 v54, v22;
	v31 =	vmul.f32 v26, v48  }
0x1b6: {  	v58 =	vld.idx.msk [tilespmem:v47+s28+$0x0], $0xffff;
	v30 =	vadd.f32 v30, v24;
	v57 =	vmul.f32 v28, v28;
	v26 =	vadd.f32 v26, v19  }
0x1b7: {  	v24 =	vld.idx.msk [tilespmem:v63+s19+$0x0], $0xffff;
	v35 =	vmul.f32 v28, v53;
	v27 =	vadd.f32 v23, v27;
	v31 =	vadd.f32 v31, v22  }
0x1b8: {  	v14 =	vor.u32 v6, v18;
	v59 =	vmul.f32 v25, v55;
	v19 =	vld.idx.msk [tilespmem:v45+s18+$0x0], $0xffff;
	v26 =	vadd.f32 v28, v26  }
0x1b9: {  	v23 =	vld.idx.msk [tilespmem:v45+s19+$0x0], $0xffff;
	v28 =	vmul.f32 v25, v25;
	v27 =	vadd.f32 v57, v27;
	v31 =	vadd.f32 v35, v31  }
0x1ba: {  	v61 =	vmul.f32 v30, v30;
	v22 =	vld.idx.msk [tilespmem:v63+s18+$0x0], $0xffff;
	v29 =	vadd.f32 v29, v50;
	v60 =	vadd.f32 v25, v26  }
0x1bb: {  	v63 =	vmul.f32 v30, v56;
	v25 =	vld.idx.msk [tilespmem:v51+s18+$0x0], $0xffff;
	v62 =	vadd.f32 v28, v27;
	v33 =	vadd.f32 v59, v31  }
0x1bc: {  	v26 =	vld.idx.msk [tilespmem:v51+s19+$0x0], $0xffff;
	v34 =	vmul.f32 v29, v58;
	v28 =	vor.u32 v7, v13;
	v32 =	vadd.f32 v30, v60  }
0x1bd: {  	s16 =	simm.s32 $0x17;
	v30 =	vmul.f32 v29, v29;
	v27 =	vld.idx.msk [tilespmem:v21+s18+$0x0], $0xffff;
	v31 =	vadd.f32 v61, v62;
	v33 =	vadd.f32 v63, v33  }
.LBB2_13:
0x1be: {  	p0 =	sne.s32 s16, $0x3F;
	v17 =	vand.u32 $0x38, v17;
	v18 =	vor.u32 v7, v18;
	v35 =	vld.idx.msk [tilespmem:v21+s19+$0x0], $0xffff;
	v29 =	vadd.f32 v29, v32;
	v21 =	vmovc v15  }
0x1bf: {  	v15 =	vor.u32 v9, v17;
	v32 =	vld.idx.msk [tilespmem:v20+s18+$0x0], $0xffff;
	v30 =	vadd.f32 v30, v31;
	v31 =	vadd.f32 v34, v33  }
0x1c0: {  	v33 =	vld.idx.msk [tilespmem:v20+s19+$0x0], $0xffff;
	v20 =	vmov v16  }
0x1c1: {  	v34 =	vld.idx.msk [tilespmem:v14+s29+$0x0], $0xffff  }
0x1c2: {  	s5 =	sadd.s32 $0xFFFFFFFF, s16;
	v36 =	vor.u32 v10, v17;
	v16 =	vadd.s32 s16, v0;
	v37 =	vld.idx.msk [tilespmem:v28+s18+$0x0], $0xffff  }
0x1c3: {  	s6 =	sadd.s32 $0xFFFFFFFC, s16;
	s7 =	sadd.s32 $0xFFFFFFFD, s16;
	s24 =	sadd.s32 $0xFFFFFFFE, s16;
	v38 =	vadd.s32 s5, v0;
	v16 =	vand.u32 $0x3F, v16;
	v39 =	vld.idx.msk [tilespmem:v18+s18+$0x0], $0xffff  }
0x1c4: {  	s25 =	sadd.s32 $0xFFFFFFFB, s16;
	s5 =	sadd.s32 $0xFFFFFFFA, s16;
	v40 =	vadd.s32 s6, v0;
	v41 =	vadd.s32 s7, v0;
	v42 =	vadd.s32 s24, v0;
	v43 =	vld.idx.msk [tilespmem:v15+s18+$0x0], $0xffff  }
0x1c5: {  	v47 =	vor.u32 v6, v13;
	s6 =	sadd.s32 $0xFFFFFFF9, s16;
	v45 =	vadd.s32 s25, v0;
	v44 =	vadd.s32 s5, v0;
	v46 =	vld.idx.msk [tilespmem:v15+s19+$0x0], $0xffff  }
0x1c6: {  	v50 =	vor.u32 v6, v8;
	v17 =	vadd.s32 s6, v0;
	v48 =	vor.u32 v7, v16;
	v8 =	vmovc v16;
	v49 =	vld.idx.msk [tilespmem:v18+s19+$0x0], $0xffff  }
0x1c7: {  	v51 =	vor.u32 v6, v12;
	v38 =	vand.u32 $0x3F, v38;
	v15 =	vand.u32 $0x3F, v42;
	v42 =	vld.idx.msk [tilespmem:v36+s29+$0x0], $0xffff  }
0x1c8: {  	v13 =	vand.u32 $0x3F, v45;
	v12 =	vand.u32 $0x3F, v40;
	v16 =	vand.u32 $0x3F, v41;
	v28 =	vld.idx.msk [tilespmem:v28+s19+$0x0], $0xffff  }
0x1c9: {  	v40 =	vor.u32 v6, v20;
	v41 =	vor.u32 v6, v11;
	v11 =	vmovc v38;
	v18 =	vand.u32 $0x3F, v44;
	v36 =	vld.idx.msk [tilespmem:v36+s28+$0x0], $0xffff  }
0x1ca: {  	v52 =	vsub.f32 v19, v23;
	v45 =	vor.u32 v6, v21;
	v38 =	vor.u32 v7, v11;
	v44 =	vld.idx.msk [tilespmem:v47+s29+$0x0], $0xffff  }
0x1cb: {  	v22 =	vsub.f32 v22, v24;
	v53 =	vor.u32 v7, v15;
	v19 =	vsub.f32 v43, v46;
	v23 =	vld.idx.msk [tilespmem:v14+s28+$0x0], $0xffff  }
0x1cc: {  	v25 =	vsub.f32 v25, v26;
	v21 =	vor.u32 v7, v16;
	v24 =	vsub.f32 v39, v49;
	v39 =	vld.idx.msk [tilespmem:v51+s29+$0x0], $0xffff  }
0x1cd: {  	v20 =	vor.u32 v7, v12;
	v27 =	vsub.f32 v27, v35;
	v19 =	vadd.f32 v42, v19;
	v26 =	vld.idx.msk [tilespmem:v47+s28+$0x0], $0xffff  }
0x1ce: {  	v14 =	vor.u32 v6, v18;
	v24 =	vadd.f32 v34, v24;
	v28 =	vsub.f32 v37, v28;
	v34 =	vld.idx.msk [tilespmem:v40+s29+$0x0], $0xffff  }
0x1cf: {  	v32 =	vsub.f32 v32, v33;
	v35 =	vmul.f32 v19, v19;
	v36 =	vmul.f32 v19, v36;
	v37 =	vld.idx.msk [tilespmem:v51+s28+$0x0], $0xffff  }
0x1d0: {  	v19 =	vadd.f32 v19, v29;
	v29 =	vmul.f32 v24, v24;
	v28 =	vadd.f32 v44, v28;
	v33 =	vld.idx.msk [tilespmem:v45+s29+$0x0], $0xffff  }
0x1d1: {  	v30 =	vadd.f32 v35, v30;
	v31 =	vadd.f32 v36, v31;
	v23 =	vmul.f32 v24, v23;
	v35 =	vld.idx.msk [tilespmem:v40+s28+$0x0], $0xffff  }
0x1d2: {  	v19 =	vadd.f32 v24, v19;
	v24 =	vmul.f32 v28, v28;
	v32 =	vadd.f32 v39, v32;
	v36 =	vld.idx.msk [tilespmem:v41+s29+$0x0], $0xffff  }
0x1d3: {  	v29 =	vadd.f32 v29, v30;
	v23 =	vadd.f32 v23, v31;
	v26 =	vmul.f32 v28, v26;
	v30 =	vld.idx.msk [tilespmem:v45+s28+$0x0], $0xffff  }
0x1d4: {  	v19 =	vadd.f32 v28, v19;
	v28 =	vmul.f32 v32, v32;
	v27 =	vadd.f32 v34, v27;
	v31 =	vld.idx.msk [tilespmem:v50+s29+$0x0], $0xffff  }
0x1d5: {  	v24 =	vadd.f32 v24, v29;
	v23 =	vadd.f32 v26, v23;
	v26 =	vmul.f32 v32, v37;
	v34 =	vld.idx.msk [tilespmem:v41+s28+$0x0], $0xffff  }
0x1d6: {  	v29 =	vadd.f32 v32, v19;
	v32 =	vmul.f32 v27, v27;
	v25 =	vadd.f32 v33, v25;
	v37 =	vld.idx.msk [tilespmem:v50+s28+$0x0], $0xffff  }
0x1d7: {  	v24 =	vadd.f32 v28, v24;
	v26 =	vadd.f32 v26, v23;
	v28 =	vmul.f32 v27, v35;
	v19 =	vld.idx.msk [tilespmem:v48+s18+$0x0], $0xffff  }
0x1d8: {  	v27 =	vadd.f32 v27, v29;
	v33 =	vmul.f32 v25, v25;
	v35 =	vadd.f32 v36, v22;
	v23 =	vld.idx.msk [tilespmem:v48+s19+$0x0], $0xffff  }
.Ltmp5:
0x1d9: {  	v32 =	vadd.f32 v32, v24;
	v26 =	vadd.f32 v28, v26;
	v28 =	vmul.f32 v25, v30;
	v22 =	vld.idx.msk [tilespmem:v38+s18+$0x0], $0xffff;
	(pc) =	sbr.rel @p0 .LBB2_13-.Ltmp5, $4  }
0x1da: {  	v27 =	vadd.f32 v25, v27;
	v36 =	vmul.f32 v35, v35;
	v29 =	vadd.f32 v31, v52;
	v24 =	vld.idx.msk [tilespmem:v38+s19+$0x0], $0xffff  }
0x1db: {  	v31 =	vadd.f32 v33, v32;
	v33 =	vadd.f32 v28, v26;
	v34 =	vmul.f32 v35, v34;
	v25 =	vld.idx.msk [tilespmem:v53+s18+$0x0], $0xffff  }
0x1dc: {  	v28 =	vor.u32 v7, v13;
	v32 =	vadd.f32 v35, v27;
	v30 =	vmul.f32 v29, v29;
	v26 =	vld.idx.msk [tilespmem:v53+s19+$0x0], $0xffff  }
0x1dd: {  	s16 =	sadd.s32 $0x8, s16;
	v31 =	vadd.f32 v36, v31;
	v33 =	vadd.f32 v34, v33;
	v34 =	vmul.f32 v29, v37;
	v27 =	vld.idx.msk [tilespmem:v21+s18+$0x0], $0xffff  }
0x1de: {  	_ =	sdelay $0x3  }
0x1df: {  	v56 =	vld.idx.msk [tilespmem:v21+s19+$0x0], $0xffff  }
0x1e0: {  	v17 =	vand.u32 $0x38, v17;
	v7 =	vor.u32 v7, v18;
	v57 =	vld.idx.msk [tilespmem:v20+s18+$0x0], $0xffff  }
0x1e1: {  	v58 =	vld.idx.msk [tilespmem:v20+s19+$0x0], $0xffff;
	v9 =	vor.u32 v9, v17  }
0x1e2: {  	v35 =	vld.idx.msk [tilespmem:v14+s29+$0x0], $0xffff  }
0x1e3: {  	v59 =	vld.idx.msk [tilespmem:v28+s18+$0x0], $0xffff  }
0x1e4: {  	v60 =	vld.idx.msk [tilespmem:v28+s19+$0x0], $0xffff;
	v10 =	vor.u32 v10, v17  }
0x1e5: {  	v36 =	vld.idx.msk [tilespmem:v7+s18+$0x0], $0xffff  }
0x1e6: {  	v37 =	vld.idx.msk [tilespmem:v9+s18+$0x0], $0xffff  }
0x1e7: {  	v13 =	vor.u32 v6, v13;
	v9 =	vld.idx.msk [tilespmem:v9+s19+$0x0], $0xffff  }
0x1e8: {  	v12 =	vor.u32 v6, v12;
	v7 =	vld.idx.msk [tilespmem:v7+s19+$0x0], $0xffff  }
0x1e9: {  	v38 =	vld.idx.msk [tilespmem:v10+s29+$0x0], $0xffff  }
0x1ea: {  	v16 =	vor.u32 v6, v16;
	v62 =	vld.idx.msk [tilespmem:v14+s28+$0x0], $0xffff  }
0x1eb: {  	v10 =	vld.idx.msk [tilespmem:v10+s28+$0x0], $0xffff  }
0x1ec: {  	v15 =	vor.u32 v6, v15;
	v61 =	vld.idx.msk [tilespmem:v13+s29+$0x0], $0xffff;
	v9 =	vsub.f32 v37, v9  }
0x1ed: {  	v29 =	vadd.f32 v29, v32;
	v63 =	vld.idx.msk [tilespmem:v12+s29+$0x0], $0xffff  }
0x1ee: {  	v13 =	vld.idx.msk [tilespmem:v13+s28+$0x0], $0xffff;
	v7 =	vsub.f32 v36, v7;
	v9 =	vadd.f32 v38, v9  }
0x1ef: {  	v11 =	vor.u32 v6, v11;
	v19 =	vsub.f32 v19, v23;
	v17 =	vsub.f32 v59, v60;
	v39 =	vld.idx.msk [tilespmem:v16+s29+$0x0], $0xffff  }
0x1f0: {  	v40 =	vld.idx.msk [tilespmem:v12+s28+$0x0], $0xffff;
	v7 =	vadd.f32 v35, v7;
	v38 =	vadd.f32 v34, v33;
	v10 =	vmul.f32 v9, v10  }
0x1f1: {  	v6 =	vor.u32 v6, v8;
	v30 =	vadd.f32 v30, v31;
	v41 =	vsub.f32 v57, v58;
	v42 =	vld.idx.msk [tilespmem:v15+s29+$0x0], $0xffff  }
0x1f2: {  	v16 =	vld.idx.msk [tilespmem:v16+s28+$0x0], $0xffff;
	v17 =	vadd.f32 v61, v17;
	v14 =	vmul.f32 v7, v62;
	v10 =	vadd.f32 v10, v38  }
0x1f3: {  	v44 =	vsub.f32 v22, v24;
	v18 =	vsub.f32 v27, v56  }
0x1f4: {  	v43 =	vld.idx.msk [tilespmem:v11+s29+$0x0], $0xffff;
	v12 =	vadd.f32 v63, v41;
	v13 =	vmul.f32 v17, v13;
	v10 =	vadd.f32 v14, v10  }
0x1f5: {  	v45 =	vsub.f32 v25, v26;
	v15 =	vld.idx.msk [tilespmem:v15+s28+$0x0], $0xffff;
	v18 =	vadd.f32 v39, v18  }
0x1f6: {  	v47 =	vld.idx.msk [tilespmem:v6+s29+$0x0], $0xffff;
	v8 =	vmul.f32 v12, v40;
	v46 =	vmul.f32 v9, v9;
	v10 =	vadd.f32 v13, v10  }
0x1f7: {  	v11 =	vld.idx.msk [tilespmem:v11+s28+$0x0], $0xffff;
	v20 =	vadd.f32 v42, v45;
	v49 =	vmul.f32 v18, v16;
	v9 =	vadd.f32 v9, v29  }
0x1f8: {  	v48 =	vmul.f32 v7, v7;
	v23 =	vadd.f32 v46, v30;
	v8 =	vadd.f32 v8, v10  }
0x1f9: {  	v6 =	vld.idx.msk [tilespmem:v6+s28+$0x0], $0xffff;
	v50 =	vmul.f32 v17, v17;
	v7 =	vadd.f32 v7, v9;
	v14 =	vadd.f32 v43, v44  }
0x1fa: {  	v51 =	vmul.f32 v20, v15;
	v13 =	vadd.f32 v48, v23;
	v8 =	vadd.f32 v49, v8  }
0x1fb: {  	v53 =	vadd.f32 v47, v19;
	v52 =	vmul.f32 v12, v12;
	v7 =	vadd.f32 v17, v7  }
0x1fc: {  	v54 =	vmul.f32 v14, v11;
	v9 =	vadd.f32 v50, v13;
	v8 =	vadd.f32 v51, v8  }
0x1fd: {  	v56 =	vld.idx.msk [tilespmem:v5+s31+$0x0], $0xffff;
	v55 =	vmul.f32 v18, v18;
	v7 =	vadd.f32 v12, v7  }
0x1fe: {  	v6 =	vmul.f32 v53, v6;
	v9 =	vadd.f32 v52, v9;
	v8 =	vadd.f32 v54, v8  }
0x1ff: {  	v7 =	vadd.f32 v18, v7  }
0x200: {  	v57 =	vmul.f32 v20, v20;
	v9 =	vadd.f32 v55, v9;
	v6 =	vadd.f32 v6, v8  }
0x201: {  	v5 =	vld.idx.msk [tilespmem:v5+s0+$0x0], $0xffff;
	v7 =	vadd.f32 v20, v7  }
0x202: {  	v58 =	vmul.f32 v14, v14;
	v9 =	vadd.f32 v57, v9;
	v59 =	vsub.f32 v6, v56  }
0x203: {  	v7 =	vadd.f32 v14, v7  }
0x204: {  	v60 =	vmul.f32 v53, v53;
	v8 =	vadd.f32 v58, v9;
	v61 =	vadd.f32 v59, v59  }
0x205: {  	v7 =	vadd.f32 v53, v7  }
0x206: {  	v8 =	vadd.f32 v60, v8;
	v5 =	vmul.f32 v5, v59;
	v6 =	vmul.f32 v61, v6;
	_ =	sdelay $0x1  }
0x207: {  	v62 =	vmul.f32 v59, v59;
	v5 =	vsub.f32 v7, v5;
	v6 =	vsub.f32 v8, v6;
	_ =	sdelay $0x1  }
0x208: {  	v5 =	vmul.f32 $1.999999990e-06, v5;
	v6 =	vadd.f32 v6, v62;
	_ =	sdelay $0x1  }
0x209: {  	v5 =	vadd.f32 v6, v5;
	_ =	sdelay $0x1  }
0x20a: {  	v5 =	vadd.f32 $6.399999970e-11, v5;
	_ =	sdelay $0x1  }
0x20b: {  	v5 =	vmax.f32 v5, $1.000000020e-24  }
0x20c: {  	v6 =	vshra.s32 v5, $0x1;
	v7 =	vmul.f32 $5.000000000e-01, v5  }
0x20d: {  	v6 =	vsub.s32 $0x5F3759DF, v6  }
0x20e: {  	v63 =	vmul.f32 v6, v7;
	_ =	sdelay $0x1  }
0x20f: {  	v8 =	vmul.f32 v6, v63;
	_ =	sdelay $0x1  }
0x210: {  	v8 =	vsub.f32 $1.500000000e+00, v8;
	_ =	sdelay $0x1  }
0x211: {  	v6 =	vmul.f32 v6, v8;
	_ =	sdelay $0x1  }
0x212: {  	v8 =	vmul.f32 v6, v7;
	_ =	sdelay $0x1  }
0x213: {  	v8 =	vmul.f32 v8, v6;
	_ =	sdelay $0x1  }
0x214: {  	v8 =	vsub.f32 $1.500000000e+00, v8;
	_ =	sdelay $0x1  }
0x215: {  	v6 =	vmul.f32 v8, v6;
	_ =	sdelay $0x1  }
0x216: {  	v7 =	vmul.f32 v6, v7;
	_ =	sdelay $0x1  }
0x217: {  	v7 =	vmul.f32 v7, v6;
	_ =	sdelay $0x1  }
0x218: {  	s1 =	sadd.s32 $0x1, s1;
	v7 =	vsub.f32 $1.500000000e+00, v7  }
0x219: {  	p0 =	sne.s32 s1, $0x8  }
.Ltmp6:
0x21a: {  	v6 =	vmul.f32 v7, v6;
	(pc) =	sbr.rel @p0 .LBB2_12-.Ltmp6, $3  }
0x21b: {  	_ = 	snop  }
0x21c: {  	v5 =	vmul.f32 v6, v5;
	_ =	sdelay $0x1  }
0x21d: {  	[tilespmem:s21+$0x8D00] =	vst v5  }
0x21e: {  	s1 =	simm.s32 $0x600  }
0x21f: {  	[tilespmem:s18], [sflag:$0x1] =	stream.indirect.gather [hbm4b:s3+s17], $0x40, s1, s17, $0xb8;
	[tilespmem:$0x9130] =	vst v63  }
0x220: {  	s25 =	simm.s32 $0x800  }
0x221: {  	[tilespmem:s19], [sflag:$0x1] =	stream.indirect.gather [hbm4b:s4+s17], $0x40, s25, s17, $0xb8;
	[tilespmem:$0x9130] =	vst v63  }
0x222: {  	_ =	swait.ge [sflag:s23], $0x2000  }
0x223: {  	[sflag:s23] =	ssyncset.done $0x0  }
0x224: {  	[sflag:s23] =	ssyncadd.s32 $0xFFFFE000  }
0x225: {  	_ =	swait.ge [sflag:s23], $0x2000  }
0x226: {  	[sflag:s23] =	ssyncset.done $0x0  }
0x227: {  	s1 =	simm.s32 $0x0;
	[sflag:s23] =	ssyncadd.s32 $0xFFFFE000  }
.LBB2_16:
0x228: {  	s21 =	sshll.u32 s1, $0x4  }
0x229: {  	v5 =	vmov s21  }
0x22a: {  	s5 =	simm.s32 $0x7;
	v5 =	vshll.u32 v5, $0x6  }
0x22b: {  	v8 =	vor.u32 v3, v5;
	v5 =	vadd.s32 s5, v0  }
0x22c: {  	s16 =	simm.s32 $0x4;
	v7 =	vadd.s32 $0x2000, v8;
	v11 =	vand.u32 $0x3F, v5  }
0x22d: {  	v10 =	vadd.s32 s16, v0;
	v6 =	vor.u32 v7, v11  }
0x22e: {  	s6 =	simm.s32 $0x6;
	s24 =	simm.s32 $0x3;
	v20 =	vand.u32 $0x3F, v10  }
0x22f: {  	s7 =	simm.s32 $0x5;
	v10 =	vadd.s32 s24, v0;
	v5 =	vadd.s32 s6, v0;
	v13 =	vor.u32 v7, v20  }
0x230: {  	v16 =	vand.u32 $0x3F, v10;
	v14 =	vand.u32 $0x3F, v5;
	v5 =	vadd.s32 s7, v0  }
0x231: {  	v15 =	vor.u32 v7, v16;
	v19 =	vand.u32 $0x3F, v5;
	v5 =	vld [tilespmem:s21+$0x580]  }
0x232: {  	v9 =	vor.u32 v7, v14;
	v21 =	vld.idx.msk [tilespmem:v6+s18+$0x0], $0xffff  }
0x233: {  	v22 =	vld.idx.msk [tilespmem:v6+s19+$0x0], $0xffff  }
0x234: {  	s25 =	simm.s32 $0x1;
	v12 =	vor.u32 v7, v19;
	v28 =	vld.idx.msk [tilespmem:v13+s18+$0x0], $0xffff  }
0x235: {  	v10 =	vadd.s32 s25, v0;
	v29 =	vld.idx.msk [tilespmem:v13+s19+$0x0], $0xffff  }
0x236: {  	v10 =	vand.u32 $0x3F, v10;
	v30 =	vld.idx.msk [tilespmem:v15+s18+$0x0], $0xffff;
	v6 =	vshll.u32 v5, $0x6  }
0x237: {  	s6 =	simm.s32 $0x2;
	v23 =	vld.idx.msk [tilespmem:v9+s18+$0x0], $0xffff;
	v26 =	vor.u32 v6, v10  }
0x238: {  	v24 =	vld.idx.msk [tilespmem:v9+s19+$0x0], $0xffff;
	v9 =	vadd.s32 s6, v0  }
0x239: {  	s7 =	simm.s32 $0x0;
	v25 =	vld.idx.msk [tilespmem:v12+s18+$0x0], $0xffff;
	v17 =	vand.u32 $0x3F, v9;
	v48 =	vor.u32 v6, v16  }
0x23a: {  	v27 =	vld.idx.msk [tilespmem:v12+s19+$0x0], $0xffff;
	v12 =	vadd.s32 s7, v0;
	v18 =	vor.u32 v7, v17  }
0x23b: {  	v31 =	vld.idx.msk [tilespmem:v15+s19+$0x0], $0xffff;
	v9 =	vadd.s32 v4, v8;
	v8 =	vand.u32 $0x38, v12;
	v12 =	vor.u32 v7, v10  }
0x23c: {  	v13 =	vor.u32 v9, v8;
	v32 =	vld.idx.msk [tilespmem:v26+s29+$0x0], $0xffff  }
0x23d: {  	v50 =	vsub.f32 v21, v22;
	v22 =	vld.idx.msk [tilespmem:v26+s28+$0x0], $0xffff  }
0x23e: {  	s24 =	simm.s32 $0xE;
	v10 =	vor.u32 v1, v6;
	v26 =	vld.idx.msk [tilespmem:v48+s29+$0x0], $0xffff  }
0x23f: {  	v35 =	vimm.f32 $0.0e+00;
	s16 =	simm.s32 $0xF;
	s25 =	simm.s32 $0xB;
	v36 =	vadd.s32 s24, v0;
	s24 =	simm.s32 $0xA;
	v33 =	vor.u32 v10, v8;
	v34 =	vld.idx.msk [tilespmem:v18+s18+$0x0], $0xffff  }
0x240: {  	v38 =	vadd.s32 s25, v0;
	v42 =	vadd.s32 s24, v0;
	v15 =	vadd.s32 s16, v0;
	s6 =	simm.s32 $0x9;
	v37 =	vld.idx.msk [tilespmem:v12+s18+$0x0], $0xffff  }
0x241: {  	v41 =	vadd.s32 s6, v0;
	v47 =	vor.u32 v6, v11;
	v11 =	vand.u32 $0x3F, v36;
	v40 =	vld.idx.msk [tilespmem:v13+s18+$0x0], $0xffff  }
0x242: {  	s25 =	simm.s32 $0x8;
	s7 =	simm.s32 $0xC;
	v61 =	vor.u32 v6, v20;
	v62 =	vor.u32 v6, v14;
	v44 =	vor.u32 v6, v17;
	v43 =	vld.idx.msk [tilespmem:v13+s19+$0x0], $0xffff  }
0x243: {  	s16 =	simm.s32 $0xD;
	v19 =	vor.u32 v6, v19;
	v39 =	vadd.s32 s7, v0;
	v17 =	vadd.s32 s25, v0;
	v46 =	vld.idx.msk [tilespmem:v12+s19+$0x0], $0xffff  }
0x244: {  	v63 =	vor.u32 v7, v11;
	v8 =	vand.u32 $0x3F, v15;
	v15 =	vadd.s32 s16, v0;
	v59 =	vld.idx.msk [tilespmem:v33+s29+$0x0], $0xffff  }
0x245: {  	v16 =	vand.u32 $0x3F, v39;
	v45 =	vor.u32 v7, v8;
	v15 =	vand.u32 $0x3F, v15;
	v60 =	vld.idx.msk [tilespmem:v18+s19+$0x0], $0xffff  }
0x246: {  	v21 =	vor.u32 v7, v16;
	v28 =	vsub.f32 v28, v29;
	v30 =	vsub.f32 v30, v31;
	v33 =	vld.idx.msk [tilespmem:v33+s28+$0x0], $0xffff  }
0x247: {  	v51 =	vor.u32 v7, v15;
	v24 =	vsub.f32 v23, v24;
	v49 =	vld.idx.msk [tilespmem:v44+s29+$0x0], $0xffff;
	v14 =	vsub.f32 v40, v43  }
0x248: {  	v25 =	vsub.f32 v25, v27;
	v52 =	vld.idx.msk [tilespmem:v19+s29+$0x0], $0xffff;
	v12 =	vand.u32 $0x3F, v38;
	v23 =	vsub.f32 v37, v46  }
0x249: {  	v18 =	vand.u32 $0x3F, v41;
	v13 =	vand.u32 $0x3F, v42;
	v43 =	vld.idx.msk [tilespmem:v44+s28+$0x0], $0xffff;
	v27 =	vadd.f32 v59, v14  }
0x24a: {  	v20 =	vor.u32 v7, v12;
	v29 =	vsub.f32 v34, v60;
	v23 =	vadd.f32 v32, v23  }
0x24b: {  	v26 =	vadd.f32 v26, v30;
	v44 =	vld.idx.msk [tilespmem:v61+s29+$0x0], $0xffff;
	v46 =	vmul.f32 v27, v27;
	v33 =	vmul.f32 v27, v33  }
0x24c: {  	v48 =	vld.idx.msk [tilespmem:v48+s28+$0x0], $0xffff;
	v29 =	vadd.f32 v49, v29;
	v31 =	vmul.f32 v23, v23;
	v27 =	vadd.f32 v27, v35  }
0x24d: {  	v30 =	vld.idx.msk [tilespmem:v62+s29+$0x0], $0xffff;
	v22 =	vmul.f32 v23, v22;
	v34 =	vadd.f32 v46, v35;
	v33 =	vadd.f32 v33, v35  }
0x24e: {  	v53 =	vld.idx.msk [tilespmem:v61+s28+$0x0], $0xffff;
	v25 =	vadd.f32 v52, v25;
	v54 =	vmul.f32 v29, v43;
	v23 =	vadd.f32 v23, v27  }
0x24f: {  	v55 =	vld.idx.msk [tilespmem:v19+s28+$0x0], $0xffff;
	v27 =	vmul.f32 v29, v29;
	v31 =	vadd.f32 v31, v34;
	v22 =	vadd.f32 v22, v33  }
0x250: {  	v56 =	vld.idx.msk [tilespmem:v62+s28+$0x0], $0xffff;
	v28 =	vadd.f32 v44, v28;
	v19 =	vadd.f32 v29, v23;
	v23 =	vmul.f32 v26, v26  }
0x251: {  	v29 =	vld.idx.msk [tilespmem:v47+s29+$0x0], $0xffff;
	v27 =	vadd.f32 v27, v31;
	v22 =	vadd.f32 v54, v22;
	v31 =	vmul.f32 v26, v48  }
0x252: {  	v58 =	vld.idx.msk [tilespmem:v47+s28+$0x0], $0xffff;
	v30 =	vadd.f32 v30, v24;
	v57 =	vmul.f32 v28, v28;
	v26 =	vadd.f32 v26, v19  }
0x253: {  	v24 =	vld.idx.msk [tilespmem:v63+s19+$0x0], $0xffff;
	v35 =	vmul.f32 v28, v53;
	v27 =	vadd.f32 v23, v27;
	v31 =	vadd.f32 v31, v22  }
0x254: {  	v14 =	vor.u32 v6, v18;
	v59 =	vmul.f32 v25, v55;
	v19 =	vld.idx.msk [tilespmem:v45+s18+$0x0], $0xffff;
	v26 =	vadd.f32 v28, v26  }
0x255: {  	v23 =	vld.idx.msk [tilespmem:v45+s19+$0x0], $0xffff;
	v28 =	vmul.f32 v25, v25;
	v27 =	vadd.f32 v57, v27;
	v31 =	vadd.f32 v35, v31  }
0x256: {  	v61 =	vmul.f32 v30, v30;
	v22 =	vld.idx.msk [tilespmem:v63+s18+$0x0], $0xffff;
	v29 =	vadd.f32 v29, v50;
	v60 =	vadd.f32 v25, v26  }
0x257: {  	v63 =	vmul.f32 v30, v56;
	v25 =	vld.idx.msk [tilespmem:v51+s18+$0x0], $0xffff;
	v62 =	vadd.f32 v28, v27;
	v33 =	vadd.f32 v59, v31  }
0x258: {  	v26 =	vld.idx.msk [tilespmem:v51+s19+$0x0], $0xffff;
	v34 =	vmul.f32 v29, v58;
	v28 =	vor.u32 v7, v13;
	v32 =	vadd.f32 v30, v60  }
0x259: {  	s16 =	simm.s32 $0x17;
	v30 =	vmul.f32 v29, v29;
	v27 =	vld.idx.msk [tilespmem:v21+s18+$0x0], $0xffff;
	v31 =	vadd.f32 v61, v62;
	v33 =	vadd.f32 v63, v33  }
.LBB2_17:
0x25a: {  	p0 =	sne.s32 s16, $0x3F;
	v17 =	vand.u32 $0x38, v17;
	v18 =	vor.u32 v7, v18;
	v35 =	vld.idx.msk [tilespmem:v21+s19+$0x0], $0xffff;
	v29 =	vadd.f32 v29, v32;
	v21 =	vmovc v15  }
0x25b: {  	v15 =	vor.u32 v9, v17;
	v32 =	vld.idx.msk [tilespmem:v20+s18+$0x0], $0xffff;
	v30 =	vadd.f32 v30, v31;
	v31 =	vadd.f32 v34, v33  }
0x25c: {  	v33 =	vld.idx.msk [tilespmem:v20+s19+$0x0], $0xffff;
	v20 =	vmov v16  }
0x25d: {  	v34 =	vld.idx.msk [tilespmem:v14+s29+$0x0], $0xffff  }
0x25e: {  	s5 =	sadd.s32 $0xFFFFFFFF, s16;
	v36 =	vor.u32 v10, v17;
	v16 =	vadd.s32 s16, v0;
	v37 =	vld.idx.msk [tilespmem:v28+s18+$0x0], $0xffff  }
0x25f: {  	s6 =	sadd.s32 $0xFFFFFFFC, s16;
	s7 =	sadd.s32 $0xFFFFFFFD, s16;
	s24 =	sadd.s32 $0xFFFFFFFE, s16;
	v38 =	vadd.s32 s5, v0;
	v16 =	vand.u32 $0x3F, v16;
	v39 =	vld.idx.msk [tilespmem:v18+s18+$0x0], $0xffff  }
0x260: {  	s25 =	sadd.s32 $0xFFFFFFFB, s16;
	s5 =	sadd.s32 $0xFFFFFFFA, s16;
	v40 =	vadd.s32 s6, v0;
	v41 =	vadd.s32 s7, v0;
	v42 =	vadd.s32 s24, v0;
	v43 =	vld.idx.msk [tilespmem:v15+s18+$0x0], $0xffff  }
0x261: {  	v47 =	vor.u32 v6, v13;
	s6 =	sadd.s32 $0xFFFFFFF9, s16;
	v45 =	vadd.s32 s25, v0;
	v44 =	vadd.s32 s5, v0;
	v46 =	vld.idx.msk [tilespmem:v15+s19+$0x0], $0xffff  }
0x262: {  	v50 =	vor.u32 v6, v8;
	v17 =	vadd.s32 s6, v0;
	v48 =	vor.u32 v7, v16;
	v8 =	vmovc v16;
	v49 =	vld.idx.msk [tilespmem:v18+s19+$0x0], $0xffff  }
0x263: {  	v51 =	vor.u32 v6, v12;
	v38 =	vand.u32 $0x3F, v38;
	v15 =	vand.u32 $0x3F, v42;
	v42 =	vld.idx.msk [tilespmem:v36+s29+$0x0], $0xffff  }
0x264: {  	v13 =	vand.u32 $0x3F, v45;
	v12 =	vand.u32 $0x3F, v40;
	v16 =	vand.u32 $0x3F, v41;
	v28 =	vld.idx.msk [tilespmem:v28+s19+$0x0], $0xffff  }
0x265: {  	v40 =	vor.u32 v6, v20;
	v41 =	vor.u32 v6, v11;
	v11 =	vmovc v38;
	v18 =	vand.u32 $0x3F, v44;
	v36 =	vld.idx.msk [tilespmem:v36+s28+$0x0], $0xffff  }
0x266: {  	v52 =	vsub.f32 v19, v23;
	v45 =	vor.u32 v6, v21;
	v38 =	vor.u32 v7, v11;
	v44 =	vld.idx.msk [tilespmem:v47+s29+$0x0], $0xffff  }
0x267: {  	v22 =	vsub.f32 v22, v24;
	v53 =	vor.u32 v7, v15;
	v19 =	vsub.f32 v43, v46;
	v23 =	vld.idx.msk [tilespmem:v14+s28+$0x0], $0xffff  }
0x268: {  	v25 =	vsub.f32 v25, v26;
	v21 =	vor.u32 v7, v16;
	v24 =	vsub.f32 v39, v49;
	v39 =	vld.idx.msk [tilespmem:v51+s29+$0x0], $0xffff  }
0x269: {  	v20 =	vor.u32 v7, v12;
	v27 =	vsub.f32 v27, v35;
	v19 =	vadd.f32 v42, v19;
	v26 =	vld.idx.msk [tilespmem:v47+s28+$0x0], $0xffff  }
0x26a: {  	v14 =	vor.u32 v6, v18;
	v24 =	vadd.f32 v34, v24;
	v28 =	vsub.f32 v37, v28;
	v34 =	vld.idx.msk [tilespmem:v40+s29+$0x0], $0xffff  }
0x26b: {  	v32 =	vsub.f32 v32, v33;
	v35 =	vmul.f32 v19, v19;
	v36 =	vmul.f32 v19, v36;
	v37 =	vld.idx.msk [tilespmem:v51+s28+$0x0], $0xffff  }
0x26c: {  	v19 =	vadd.f32 v19, v29;
	v29 =	vmul.f32 v24, v24;
	v28 =	vadd.f32 v44, v28;
	v33 =	vld.idx.msk [tilespmem:v45+s29+$0x0], $0xffff  }
0x26d: {  	v30 =	vadd.f32 v35, v30;
	v31 =	vadd.f32 v36, v31;
	v23 =	vmul.f32 v24, v23;
	v35 =	vld.idx.msk [tilespmem:v40+s28+$0x0], $0xffff  }
0x26e: {  	v19 =	vadd.f32 v24, v19;
	v24 =	vmul.f32 v28, v28;
	v32 =	vadd.f32 v39, v32;
	v36 =	vld.idx.msk [tilespmem:v41+s29+$0x0], $0xffff  }
0x26f: {  	v29 =	vadd.f32 v29, v30;
	v23 =	vadd.f32 v23, v31;
	v26 =	vmul.f32 v28, v26;
	v30 =	vld.idx.msk [tilespmem:v45+s28+$0x0], $0xffff  }
0x270: {  	v19 =	vadd.f32 v28, v19;
	v28 =	vmul.f32 v32, v32;
	v27 =	vadd.f32 v34, v27;
	v31 =	vld.idx.msk [tilespmem:v50+s29+$0x0], $0xffff  }
0x271: {  	v24 =	vadd.f32 v24, v29;
	v23 =	vadd.f32 v26, v23;
	v26 =	vmul.f32 v32, v37;
	v34 =	vld.idx.msk [tilespmem:v41+s28+$0x0], $0xffff  }
0x272: {  	v29 =	vadd.f32 v32, v19;
	v32 =	vmul.f32 v27, v27;
	v25 =	vadd.f32 v33, v25;
	v37 =	vld.idx.msk [tilespmem:v50+s28+$0x0], $0xffff  }
0x273: {  	v24 =	vadd.f32 v28, v24;
	v26 =	vadd.f32 v26, v23;
	v28 =	vmul.f32 v27, v35;
	v19 =	vld.idx.msk [tilespmem:v48+s18+$0x0], $0xffff  }
0x274: {  	v27 =	vadd.f32 v27, v29;
	v33 =	vmul.f32 v25, v25;
	v35 =	vadd.f32 v36, v22;
	v23 =	vld.idx.msk [tilespmem:v48+s19+$0x0], $0xffff  }
.Ltmp7:
0x275: {  	v32 =	vadd.f32 v32, v24;
	v26 =	vadd.f32 v28, v26;
	v28 =	vmul.f32 v25, v30;
	v22 =	vld.idx.msk [tilespmem:v38+s18+$0x0], $0xffff;
	(pc) =	sbr.rel @p0 .LBB2_17-.Ltmp7, $4  }
0x276: {  	v27 =	vadd.f32 v25, v27;
	v36 =	vmul.f32 v35, v35;
	v29 =	vadd.f32 v31, v52;
	v24 =	vld.idx.msk [tilespmem:v38+s19+$0x0], $0xffff  }
0x277: {  	v31 =	vadd.f32 v33, v32;
	v33 =	vadd.f32 v28, v26;
	v34 =	vmul.f32 v35, v34;
	v25 =	vld.idx.msk [tilespmem:v53+s18+$0x0], $0xffff  }
0x278: {  	v28 =	vor.u32 v7, v13;
	v32 =	vadd.f32 v35, v27;
	v30 =	vmul.f32 v29, v29;
	v26 =	vld.idx.msk [tilespmem:v53+s19+$0x0], $0xffff  }
0x279: {  	s16 =	sadd.s32 $0x8, s16;
	v31 =	vadd.f32 v36, v31;
	v33 =	vadd.f32 v34, v33;
	v34 =	vmul.f32 v29, v37;
	v27 =	vld.idx.msk [tilespmem:v21+s18+$0x0], $0xffff  }
0x27a: {  	_ =	sdelay $0x3  }
0x27b: {  	v56 =	vld.idx.msk [tilespmem:v21+s19+$0x0], $0xffff  }
0x27c: {  	v17 =	vand.u32 $0x38, v17;
	v7 =	vor.u32 v7, v18;
	v57 =	vld.idx.msk [tilespmem:v20+s18+$0x0], $0xffff  }
0x27d: {  	v58 =	vld.idx.msk [tilespmem:v20+s19+$0x0], $0xffff;
	v9 =	vor.u32 v9, v17  }
0x27e: {  	v35 =	vld.idx.msk [tilespmem:v14+s29+$0x0], $0xffff  }
0x27f: {  	v59 =	vld.idx.msk [tilespmem:v28+s18+$0x0], $0xffff  }
0x280: {  	v60 =	vld.idx.msk [tilespmem:v28+s19+$0x0], $0xffff;
	v10 =	vor.u32 v10, v17  }
0x281: {  	v36 =	vld.idx.msk [tilespmem:v7+s18+$0x0], $0xffff  }
0x282: {  	v37 =	vld.idx.msk [tilespmem:v9+s18+$0x0], $0xffff  }
0x283: {  	v13 =	vor.u32 v6, v13;
	v9 =	vld.idx.msk [tilespmem:v9+s19+$0x0], $0xffff  }
0x284: {  	v12 =	vor.u32 v6, v12;
	v7 =	vld.idx.msk [tilespmem:v7+s19+$0x0], $0xffff  }
0x285: {  	v38 =	vld.idx.msk [tilespmem:v10+s29+$0x0], $0xffff  }
0x286: {  	v16 =	vor.u32 v6, v16;
	v62 =	vld.idx.msk [tilespmem:v14+s28+$0x0], $0xffff  }
0x287: {  	v10 =	vld.idx.msk [tilespmem:v10+s28+$0x0], $0xffff  }
0x288: {  	v15 =	vor.u32 v6, v15;
	v61 =	vld.idx.msk [tilespmem:v13+s29+$0x0], $0xffff;
	v9 =	vsub.f32 v37, v9  }
0x289: {  	v29 =	vadd.f32 v29, v32;
	v63 =	vld.idx.msk [tilespmem:v12+s29+$0x0], $0xffff  }
0x28a: {  	v13 =	vld.idx.msk [tilespmem:v13+s28+$0x0], $0xffff;
	v7 =	vsub.f32 v36, v7;
	v9 =	vadd.f32 v38, v9  }
0x28b: {  	v11 =	vor.u32 v6, v11;
	v19 =	vsub.f32 v19, v23;
	v17 =	vsub.f32 v59, v60;
	v39 =	vld.idx.msk [tilespmem:v16+s29+$0x0], $0xffff  }
0x28c: {  	v40 =	vld.idx.msk [tilespmem:v12+s28+$0x0], $0xffff;
	v7 =	vadd.f32 v35, v7;
	v38 =	vadd.f32 v34, v33;
	v10 =	vmul.f32 v9, v10  }
0x28d: {  	v6 =	vor.u32 v6, v8;
	v30 =	vadd.f32 v30, v31;
	v41 =	vsub.f32 v57, v58;
	v42 =	vld.idx.msk [tilespmem:v15+s29+$0x0], $0xffff  }
0x28e: {  	v16 =	vld.idx.msk [tilespmem:v16+s28+$0x0], $0xffff;
	v17 =	vadd.f32 v61, v17;
	v14 =	vmul.f32 v7, v62;
	v10 =	vadd.f32 v10, v38  }
0x28f: {  	v44 =	vsub.f32 v22, v24;
	v18 =	vsub.f32 v27, v56  }
0x290: {  	v43 =	vld.idx.msk [tilespmem:v11+s29+$0x0], $0xffff;
	v12 =	vadd.f32 v63, v41;
	v13 =	vmul.f32 v17, v13;
	v10 =	vadd.f32 v14, v10  }
0x291: {  	v45 =	vsub.f32 v25, v26;
	v15 =	vld.idx.msk [tilespmem:v15+s28+$0x0], $0xffff;
	v18 =	vadd.f32 v39, v18  }
0x292: {  	v47 =	vld.idx.msk [tilespmem:v6+s29+$0x0], $0xffff;
	v8 =	vmul.f32 v12, v40;
	v46 =	vmul.f32 v9, v9;
	v10 =	vadd.f32 v13, v10  }
0x293: {  	v11 =	vld.idx.msk [tilespmem:v11+s28+$0x0], $0xffff;
	v20 =	vadd.f32 v42, v45;
	v49 =	vmul.f32 v18, v16;
	v9 =	vadd.f32 v9, v29  }
0x294: {  	v48 =	vmul.f32 v7, v7;
	v23 =	vadd.f32 v46, v30;
	v8 =	vadd.f32 v8, v10  }
0x295: {  	v6 =	vld.idx.msk [tilespmem:v6+s28+$0x0], $0xffff;
	v50 =	vmul.f32 v17, v17;
	v7 =	vadd.f32 v7, v9;
	v14 =	vadd.f32 v43, v44  }
0x296: {  	v51 =	vmul.f32 v20, v15;
	v13 =	vadd.f32 v48, v23;
	v8 =	vadd.f32 v49, v8  }
0x297: {  	v53 =	vadd.f32 v47, v19;
	v52 =	vmul.f32 v12, v12;
	v7 =	vadd.f32 v17, v7  }
0x298: {  	v54 =	vmul.f32 v14, v11;
	v9 =	vadd.f32 v50, v13;
	v8 =	vadd.f32 v51, v8  }
0x299: {  	v56 =	vld.idx.msk [tilespmem:v5+s31+$0x0], $0xffff;
	v55 =	vmul.f32 v18, v18;
	v7 =	vadd.f32 v12, v7  }
0x29a: {  	v6 =	vmul.f32 v53, v6;
	v9 =	vadd.f32 v52, v9;
	v8 =	vadd.f32 v54, v8  }
0x29b: {  	v7 =	vadd.f32 v18, v7  }
0x29c: {  	v57 =	vmul.f32 v20, v20;
	v9 =	vadd.f32 v55, v9;
	v6 =	vadd.f32 v6, v8  }
0x29d: {  	v5 =	vld.idx.msk [tilespmem:v5+s0+$0x0], $0xffff;
	v7 =	vadd.f32 v20, v7  }
0x29e: {  	v58 =	vmul.f32 v14, v14;
	v9 =	vadd.f32 v57, v9;
	v59 =	vsub.f32 v6, v56  }
0x29f: {  	v7 =	vadd.f32 v14, v7  }
0x2a0: {  	v60 =	vmul.f32 v53, v53;
	v8 =	vadd.f32 v58, v9;
	v61 =	vadd.f32 v59, v59  }
0x2a1: {  	v7 =	vadd.f32 v53, v7  }
0x2a2: {  	v8 =	vadd.f32 v60, v8;
	v5 =	vmul.f32 v5, v59;
	v6 =	vmul.f32 v61, v6;
	_ =	sdelay $0x1  }
0x2a3: {  	v62 =	vmul.f32 v59, v59;
	v5 =	vsub.f32 v7, v5;
	v6 =	vsub.f32 v8, v6;
	_ =	sdelay $0x1  }
0x2a4: {  	v5 =	vmul.f32 $1.999999990e-06, v5;
	v6 =	vadd.f32 v6, v62;
	_ =	sdelay $0x1  }
0x2a5: {  	v5 =	vadd.f32 v6, v5;
	_ =	sdelay $0x1  }
0x2a6: {  	v5 =	vadd.f32 $6.399999970e-11, v5;
	_ =	sdelay $0x1  }
0x2a7: {  	v5 =	vmax.f32 v5, $1.000000020e-24  }
0x2a8: {  	v6 =	vshra.s32 v5, $0x1;
	v7 =	vmul.f32 $5.000000000e-01, v5  }
0x2a9: {  	v6 =	vsub.s32 $0x5F3759DF, v6  }
0x2aa: {  	v63 =	vmul.f32 v6, v7;
	_ =	sdelay $0x1  }
0x2ab: {  	v8 =	vmul.f32 v6, v63;
	_ =	sdelay $0x1  }
0x2ac: {  	v8 =	vsub.f32 $1.500000000e+00, v8;
	_ =	sdelay $0x1  }
0x2ad: {  	v6 =	vmul.f32 v6, v8;
	_ =	sdelay $0x1  }
0x2ae: {  	v8 =	vmul.f32 v6, v7;
	_ =	sdelay $0x1  }
0x2af: {  	v8 =	vmul.f32 v8, v6;
	_ =	sdelay $0x1  }
0x2b0: {  	v8 =	vsub.f32 $1.500000000e+00, v8;
	_ =	sdelay $0x1  }
0x2b1: {  	v6 =	vmul.f32 v8, v6;
	_ =	sdelay $0x1  }
0x2b2: {  	v7 =	vmul.f32 v6, v7;
	_ =	sdelay $0x1  }
0x2b3: {  	v7 =	vmul.f32 v7, v6;
	_ =	sdelay $0x1  }
0x2b4: {  	s1 =	sadd.s32 $0x1, s1;
	v7 =	vsub.f32 $1.500000000e+00, v7  }
0x2b5: {  	p0 =	sne.s32 s1, $0x8  }
.Ltmp8:
0x2b6: {  	v6 =	vmul.f32 v7, v6;
	(pc) =	sbr.rel @p0 .LBB2_16-.Ltmp8, $3  }
0x2b7: {  	_ = 	snop  }
0x2b8: {  	v5 =	vmul.f32 v6, v5;
	_ =	sdelay $0x1  }
0x2b9: {  	[tilespmem:s21+$0x8D80] =	vst v5  }
0x2ba: {  	s1 =	simm.s32 $0x680  }
0x2bb: {  	[tilespmem:s20], [sflag:$0x2] =	stream.indirect.gather [hbm4b:s3+s17], $0x40, s1, s17, $0xb8;
	[tilespmem:$0x9130] =	vst v63  }
0x2bc: {  	s25 =	simm.s32 $0x880  }
0x2bd: {  	[tilespmem:s22], [sflag:$0x2] =	stream.indirect.gather [hbm4b:s4+s17], $0x40, s25, s17, $0xb8;
	[tilespmem:$0x9130] =	vst v63  }
0x2be: {  	_ =	swait.ge [sflag:s30], $0x2000  }
0x2bf: {  	[sflag:s30] =	ssyncset.done $0x0  }
0x2c0: {  	[sflag:s30] =	ssyncadd.s32 $0xFFFFE000  }
0x2c1: {  	_ =	swait.ge [sflag:s30], $0x2000  }
0x2c2: {  	[sflag:s30] =	ssyncset.done $0x0  }
0x2c3: {  	v6 =	vimm.f32 $0.0e+00;
	v5 =	vimm.f32 $0.0e+00;
	s1 =	simm.s32 $0x0;
	[sflag:s30] =	ssyncadd.s32 $0xFFFFE000  }
.LBB2_20:
0x2c4: {  	s21 =	sshll.u32 s1, $0x4  }
0x2c5: {  	s5 =	simm.s32 $0x7;
	v7 =	vmov s21  }
0x2c6: {  	v8 =	vadd.s32 s5, v0;
	v7 =	vshll.u32 v7, $0x6  }
0x2c7: {  	s16 =	simm.s32 $0x4;
	v13 =	vand.u32 $0x3F, v8;
	v9 =	vor.u32 v3, v7  }
0x2c8: {  	v11 =	vadd.s32 s16, v0;
	v8 =	vor.u32 v9, v13  }
0x2c9: {  	s6 =	simm.s32 $0x6;
	s24 =	simm.s32 $0x3;
	v22 =	vand.u32 $0x3F, v11  }
0x2ca: {  	s7 =	simm.s32 $0x5;
	v11 =	vadd.s32 s24, v0;
	v7 =	vadd.s32 s6, v0;
	v14 =	vor.u32 v9, v22  }
0x2cb: {  	v15 =	vand.u32 $0x3F, v11;
	v16 =	vand.u32 $0x3F, v7;
	v7 =	vadd.s32 s7, v0  }
0x2cc: {  	v17 =	vor.u32 v9, v15;
	v21 =	vand.u32 $0x3F, v7;
	v7 =	vld [tilespmem:s21+$0xA00]  }
0x2cd: {  	v23 =	vld.idx.msk [tilespmem:v8+s18+$0x0], $0xffff  }
0x2ce: {  	v10 =	vor.u32 v9, v16;
	v24 =	vld.idx.msk [tilespmem:v8+s19+$0x0], $0xffff  }
0x2cf: {  	s25 =	simm.s32 $0x1;
	v30 =	vld.idx.msk [tilespmem:v14+s18+$0x0], $0xffff  }
0x2d0: {  	v11 =	vadd.s32 s25, v0;
	v12 =	vor.u32 v9, v21;
	v31 =	vld.idx.msk [tilespmem:v14+s19+$0x0], $0xffff  }
0x2d1: {  	v18 =	vand.u32 $0x3F, v11;
	v32 =	vld.idx.msk [tilespmem:v17+s18+$0x0], $0xffff;
	v8 =	vshll.u32 v7, $0x6  }
0x2d2: {  	v33 =	vld.idx.msk [tilespmem:v17+s19+$0x0], $0xffff;
	v28 =	vor.u32 v8, v18  }
0x2d3: {  	s6 =	simm.s32 $0x2;
	v25 =	vld.idx.msk [tilespmem:v10+s18+$0x0], $0xffff;
	v18 =	vor.u32 v9, v18  }
0x2d4: {  	s7 =	simm.s32 $0x0;
	v26 =	vld.idx.msk [tilespmem:v10+s19+$0x0], $0xffff;
	v10 =	vadd.s32 s6, v0  }
0x2d5: {  	v27 =	vld.idx.msk [tilespmem:v12+s18+$0x0], $0xffff;
	v19 =	vand.u32 $0x3F, v10;
	v10 =	vadd.s32 s7, v0  }
0x2d6: {  	v11 =	vor.u32 v1, v9;
	v29 =	vld.idx.msk [tilespmem:v12+s19+$0x0], $0xffff;
	v49 =	vor.u32 v8, v15;
	v10 =	vand.u32 $0x38, v10  }
0x2d7: {  	v14 =	vor.u32 v11, v10;
	v34 =	vld.idx.msk [tilespmem:v28+s29+$0x0], $0xffff  }
0x2d8: {  	v38 =	vld.idx.msk [tilespmem:v18+s18+$0x0], $0xffff  }
0x2d9: {  	s24 =	simm.s32 $0xE;
	v12 =	vor.u32 v1, v8;
	v20 =	vor.u32 v9, v19;
	v47 =	vld.idx.msk [tilespmem:v18+s19+$0x0], $0xffff  }
0x2da: {  	s16 =	simm.s32 $0xF;
	s25 =	simm.s32 $0xB;
	v37 =	vadd.s32 s24, v0;
	s24 =	simm.s32 $0xA;
	v35 =	vor.u32 v12, v10;
	v51 =	vsub.f32 v23, v24;
	v24 =	vld.idx.msk [tilespmem:v28+s28+$0x0], $0xffff  }
0x2db: {  	v39 =	vadd.s32 s25, v0;
	v43 =	vadd.s32 s24, v0;
	v17 =	vadd.s32 s16, v0;
	s6 =	simm.s32 $0x9;
	v28 =	vld.idx.msk [tilespmem:v49+s29+$0x0], $0xffff  }
0x2dc: {  	v42 =	vadd.s32 s6, v0;
	v48 =	vor.u32 v8, v13;
	v13 =	vand.u32 $0x3F, v37;
	v41 =	vld.idx.msk [tilespmem:v14+s18+$0x0], $0xffff  }
0x2dd: {  	s7 =	simm.s32 $0xC;
	v15 =	vand.u32 $0x3F, v43;
	v58 =	vor.u32 v8, v22;
	v45 =	vor.u32 v8, v19;
	v44 =	vld.idx.msk [tilespmem:v14+s19+$0x0], $0xffff  }
0x2de: {  	s25 =	simm.s32 $0x8;
	s16 =	simm.s32 $0xD;
	v59 =	vor.u32 v8, v16;
	v21 =	vor.u32 v8, v21;
	v40 =	vadd.s32 s7, v0;
	v36 =	vld.idx.msk [tilespmem:v20+s18+$0x0], $0xffff  }
0x2df: {  	v19 =	vadd.s32 s25, v0;
	v10 =	vand.u32 $0x3F, v17;
	v17 =	vadd.s32 s16, v0;
	v56 =	vld.idx.msk [tilespmem:v35+s29+$0x0], $0xffff  }
0x2e0: {  	v60 =	vor.u32 v9, v13;
	v46 =	vor.u32 v9, v10;
	v17 =	vand.u32 $0x3F, v17;
	v57 =	vld.idx.msk [tilespmem:v20+s19+$0x0], $0xffff  }
0x2e1: {  	v30 =	vsub.f32 v30, v31;
	v32 =	vsub.f32 v32, v33;
	v52 =	vor.u32 v9, v17;
	v35 =	vld.idx.msk [tilespmem:v35+s28+$0x0], $0xffff  }
0x2e2: {  	v26 =	vsub.f32 v25, v26;
	v18 =	vand.u32 $0x3F, v40;
	v50 =	vld.idx.msk [tilespmem:v45+s29+$0x0], $0xffff;
	v16 =	vsub.f32 v41, v44  }
0x2e3: {  	v27 =	vsub.f32 v27, v29;
	v62 =	vld.idx.msk [tilespmem:v58+s29+$0x0], $0xffff;
	v20 =	vand.u32 $0x3F, v42;
	v25 =	vsub.f32 v38, v47  }
0x2e4: {  	v23 =	vor.u32 v9, v18;
	v61 =	vld.idx.msk [tilespmem:v45+s28+$0x0], $0xffff;
	v14 =	vand.u32 $0x3F, v39;
	v29 =	vadd.f32 v56, v16  }
0x2e5: {  	v22 =	vor.u32 v9, v14;
	v47 =	vld.idx.msk [tilespmem:v21+s29+$0x0], $0xffff;
	v31 =	vsub.f32 v36, v57;
	v25 =	vadd.f32 v34, v25  }
0x2e6: {  	v28 =	vadd.f32 v28, v32;
	v44 =	vld.idx.msk [tilespmem:v49+s28+$0x0], $0xffff;
	v63 =	vmul.f32 v29, v29;
	v35 =	vmul.f32 v29, v35  }
0x2e7: {  	v40 =	vld.idx.msk [tilespmem:v58+s28+$0x0], $0xffff;
	v31 =	vadd.f32 v50, v31;
	v45 =	vmul.f32 v25, v25;
	v29 =	vadd.f32 v29, v6  }
0x2e8: {  	v49 =	vld.idx.msk [tilespmem:v59+s29+$0x0], $0xffff;
	v24 =	vmul.f32 v25, v24;
	v36 =	vadd.f32 v63, v6;
	v35 =	vadd.f32 v35, v6  }
0x2e9: {  	v30 =	vadd.f32 v62, v30;
	v50 =	vmul.f32 v31, v61;
	v25 =	vadd.f32 v25, v29  }
0x2ea: {  	v53 =	vld.idx.msk [tilespmem:v21+s28+$0x0], $0xffff;
	v29 =	vmul.f32 v31, v31;
	v33 =	vadd.f32 v45, v36;
	v24 =	vadd.f32 v24, v35  }
0x2eb: {  	v55 =	vld.idx.msk [tilespmem:v59+s28+$0x0], $0xffff;
	v27 =	vadd.f32 v47, v27;
	v54 =	vmul.f32 v28, v44;
	v21 =	vadd.f32 v31, v25  }
0x2ec: {  	v25 =	vmul.f32 v28, v28;
	v31 =	vld.idx.msk [tilespmem:v48+s29+$0x0], $0xffff;
	v29 =	vadd.f32 v29, v33;
	v24 =	vadd.f32 v50, v24  }
0x2ed: {  	v57 =	vld.idx.msk [tilespmem:v48+s28+$0x0], $0xffff;
	v58 =	vmul.f32 v30, v40;
	v32 =	vadd.f32 v49, v26;
	v28 =	vadd.f32 v28, v21  }
0x2ee: {  	v56 =	vmul.f32 v30, v30;
	v26 =	vld.idx.msk [tilespmem:v60+s19+$0x0], $0xffff;
	v29 =	vadd.f32 v25, v29;
	v33 =	vadd.f32 v54, v24  }
0x2ef: {  	v16 =	vor.u32 v8, v20;
	v59 =	vmul.f32 v27, v53;
	v21 =	vld.idx.msk [tilespmem:v46+s18+$0x0], $0xffff;
	v28 =	vadd.f32 v30, v28  }
0x2f0: {  	v25 =	vld.idx.msk [tilespmem:v46+s19+$0x0], $0xffff;
	v30 =	vmul.f32 v27, v27;
	v29 =	vadd.f32 v56, v29;
	v33 =	vadd.f32 v58, v33  }
0x2f1: {  	v61 =	vmul.f32 v32, v32;
	v24 =	vld.idx.msk [tilespmem:v60+s18+$0x0], $0xffff;
	v31 =	vadd.f32 v31, v51;
	v60 =	vadd.f32 v27, v28  }
0x2f2: {  	v63 =	vmul.f32 v32, v55;
	v27 =	vld.idx.msk [tilespmem:v52+s18+$0x0], $0xffff;
	v62 =	vadd.f32 v30, v29;
	v35 =	vadd.f32 v59, v33  }
0x2f3: {  	v28 =	vld.idx.msk [tilespmem:v52+s19+$0x0], $0xffff;
	v36 =	vmul.f32 v31, v57;
	v30 =	vor.u32 v9, v15;
	v34 =	vadd.f32 v32, v60  }
0x2f4: {  	s16 =	simm.s32 $0x17;
	v32 =	vmul.f32 v31, v31;
	v29 =	vld.idx.msk [tilespmem:v23+s18+$0x0], $0xffff;
	v33 =	vadd.f32 v61, v62;
	v35 =	vadd.f32 v63, v35  }
.LBB2_21:
0x2f5: {  	p0 =	sne.s32 s16, $0x3F;
	v19 =	vand.u32 $0x38, v19;
	v20 =	vor.u32 v9, v20;
	v37 =	vld.idx.msk [tilespmem:v23+s19+$0x0], $0xffff;
	v31 =	vadd.f32 v31, v34;
	v23 =	vmovc v17  }
0x2f6: {  	v17 =	vor.u32 v11, v19;
	v34 =	vld.idx.msk [tilespmem:v22+s18+$0x0], $0xffff;
	v32 =	vadd.f32 v32, v33;
	v33 =	vadd.f32 v36, v35  }
0x2f7: {  	v35 =	vld.idx.msk [tilespmem:v22+s19+$0x0], $0xffff;
	v22 =	vmov v18  }
0x2f8: {  	v36 =	vld.idx.msk [tilespmem:v16+s29+$0x0], $0xffff  }
0x2f9: {  	s5 =	sadd.s32 $0xFFFFFFFF, s16;
	v38 =	vor.u32 v12, v19;
	v18 =	vadd.s32 s16, v0;
	v39 =	vld.idx.msk [tilespmem:v30+s18+$0x0], $0xffff  }
0x2fa: {  	s6 =	sadd.s32 $0xFFFFFFFC, s16;
	s7 =	sadd.s32 $0xFFFFFFFD, s16;
	s24 =	sadd.s32 $0xFFFFFFFE, s16;
	v40 =	vadd.s32 s5, v0;
	v18 =	vand.u32 $0x3F, v18;
	v41 =	vld.idx.msk [tilespmem:v20+s18+$0x0], $0xffff  }
0x2fb: {  	s25 =	sadd.s32 $0xFFFFFFFB, s16;
	s5 =	sadd.s32 $0xFFFFFFFA, s16;
	v42 =	vadd.s32 s6, v0;
	v43 =	vadd.s32 s7, v0;
	v44 =	vadd.s32 s24, v0;
	v45 =	vld.idx.msk [tilespmem:v17+s18+$0x0], $0xffff  }
0x2fc: {  	v49 =	vor.u32 v8, v15;
	s6 =	sadd.s32 $0xFFFFFFF9, s16;
	v47 =	vadd.s32 s25, v0;
	v46 =	vadd.s32 s5, v0;
	v48 =	vld.idx.msk [tilespmem:v17+s19+$0x0], $0xffff  }
0x2fd: {  	v52 =	vor.u32 v8, v10;
	v19 =	vadd.s32 s6, v0;
	v50 =	vor.u32 v9, v18;
	v10 =	vmovc v18;
	v51 =	vld.idx.msk [tilespmem:v20+s19+$0x0], $0xffff  }
0x2fe: {  	v53 =	vor.u32 v8, v14;
	v40 =	vand.u32 $0x3F, v40;
	v17 =	vand.u32 $0x3F, v44;
	v44 =	vld.idx.msk [tilespmem:v38+s29+$0x0], $0xffff  }
0x2ff: {  	v15 =	vand.u32 $0x3F, v47;
	v14 =	vand.u32 $0x3F, v42;
	v18 =	vand.u32 $0x3F, v43;
	v30 =	vld.idx.msk [tilespmem:v30+s19+$0x0], $0xffff  }
0x300: {  	v42 =	vor.u32 v8, v22;
	v43 =	vor.u32 v8, v13;
	v13 =	vmovc v40;
	v20 =	vand.u32 $0x3F, v46;
	v38 =	vld.idx.msk [tilespmem:v38+s28+$0x0], $0xffff  }
0x301: {  	v54 =	vsub.f32 v21, v25;
	v47 =	vor.u32 v8, v23;
	v40 =	vor.u32 v9, v13;
	v46 =	vld.idx.msk [tilespmem:v49+s29+$0x0], $0xffff  }
0x302: {  	v24 =	vsub.f32 v24, v26;
	v55 =	vor.u32 v9, v17;
	v21 =	vsub.f32 v45, v48;
	v25 =	vld.idx.msk [tilespmem:v16+s28+$0x0], $0xffff  }
0x303: {  	v27 =	vsub.f32 v27, v28;
	v23 =	vor.u32 v9, v18;
	v26 =	vsub.f32 v41, v51;
	v41 =	vld.idx.msk [tilespmem:v53+s29+$0x0], $0xffff  }
0x304: {  	v22 =	vor.u32 v9, v14;
	v29 =	vsub.f32 v29, v37;
	v21 =	vadd.f32 v44, v21;
	v28 =	vld.idx.msk [tilespmem:v49+s28+$0x0], $0xffff  }
0x305: {  	v16 =	vor.u32 v8, v20;
	v26 =	vadd.f32 v36, v26;
	v30 =	vsub.f32 v39, v30;
	v36 =	vld.idx.msk [tilespmem:v42+s29+$0x0], $0xffff  }
0x306: {  	v34 =	vsub.f32 v34, v35;
	v37 =	vmul.f32 v21, v21;
	v38 =	vmul.f32 v21, v38;
	v39 =	vld.idx.msk [tilespmem:v53+s28+$0x0], $0xffff  }
0x307: {  	v21 =	vadd.f32 v21, v31;
	v31 =	vmul.f32 v26, v26;
	v30 =	vadd.f32 v46, v30;
	v35 =	vld.idx.msk [tilespmem:v47+s29+$0x0], $0xffff  }
0x308: {  	v32 =	vadd.f32 v37, v32;
	v33 =	vadd.f32 v38, v33;
	v25 =	vmul.f32 v26, v25;
	v37 =	vld.idx.msk [tilespmem:v42+s28+$0x0], $0xffff  }
0x309: {  	v21 =	vadd.f32 v26, v21;
	v26 =	vmul.f32 v30, v30;
	v34 =	vadd.f32 v41, v34;
	v38 =	vld.idx.msk [tilespmem:v43+s29+$0x0], $0xffff  }
0x30a: {  	v31 =	vadd.f32 v31, v32;
	v25 =	vadd.f32 v25, v33;
	v28 =	vmul.f32 v30, v28;
	v32 =	vld.idx.msk [tilespmem:v47+s28+$0x0], $0xffff  }
0x30b: {  	v21 =	vadd.f32 v30, v21;
	v30 =	vmul.f32 v34, v34;
	v29 =	vadd.f32 v36, v29;
	v33 =	vld.idx.msk [tilespmem:v52+s29+$0x0], $0xffff  }
0x30c: {  	v26 =	vadd.f32 v26, v31;
	v25 =	vadd.f32 v28, v25;
	v28 =	vmul.f32 v34, v39;
	v36 =	vld.idx.msk [tilespmem:v43+s28+$0x0], $0xffff  }
0x30d: {  	v31 =	vadd.f32 v34, v21;
	v34 =	vmul.f32 v29, v29;
	v27 =	vadd.f32 v35, v27;
	v39 =	vld.idx.msk [tilespmem:v52+s28+$0x0], $0xffff  }
0x30e: {  	v26 =	vadd.f32 v30, v26;
	v28 =	vadd.f32 v28, v25;
	v30 =	vmul.f32 v29, v37;
	v21 =	vld.idx.msk [tilespmem:v50+s18+$0x0], $0xffff  }
0x30f: {  	v29 =	vadd.f32 v29, v31;
	v35 =	vmul.f32 v27, v27;
	v37 =	vadd.f32 v38, v24;
	v25 =	vld.idx.msk [tilespmem:v50+s19+$0x0], $0xffff  }
.Ltmp9:
0x310: {  	v34 =	vadd.f32 v34, v26;
	v28 =	vadd.f32 v30, v28;
	v30 =	vmul.f32 v27, v32;
	v24 =	vld.idx.msk [tilespmem:v40+s18+$0x0], $0xffff;
	(pc) =	sbr.rel @p0 .LBB2_21-.Ltmp9, $4  }
0x311: {  	v29 =	vadd.f32 v27, v29;
	v38 =	vmul.f32 v37, v37;
	v31 =	vadd.f32 v33, v54;
	v26 =	vld.idx.msk [tilespmem:v40+s19+$0x0], $0xffff  }
0x312: {  	v33 =	vadd.f32 v35, v34;
	v35 =	vadd.f32 v30, v28;
	v36 =	vmul.f32 v37, v36;
	v27 =	vld.idx.msk [tilespmem:v55+s18+$0x0], $0xffff  }
0x313: {  	v30 =	vor.u32 v9, v15;
	v34 =	vadd.f32 v37, v29;
	v32 =	vmul.f32 v31, v31;
	v28 =	vld.idx.msk [tilespmem:v55+s19+$0x0], $0xffff  }
0x314: {  	s16 =	sadd.s32 $0x8, s16;
	v33 =	vadd.f32 v38, v33;
	v35 =	vadd.f32 v36, v35;
	v36 =	vmul.f32 v31, v39;
	v29 =	vld.idx.msk [tilespmem:v23+s18+$0x0], $0xffff  }
0x315: {  	_ =	sdelay $0x3  }
0x316: {  	v19 =	vand.u32 $0x38, v19;
	v9 =	vor.u32 v9, v20;
	v54 =	vld.idx.msk [tilespmem:v23+s19+$0x0], $0xffff  }
0x317: {  	v55 =	vld.idx.msk [tilespmem:v22+s18+$0x0], $0xffff;
	v11 =	vor.u32 v11, v19  }
0x318: {  	v56 =	vld.idx.msk [tilespmem:v22+s19+$0x0], $0xffff  }
0x319: {  	v37 =	vld.idx.msk [tilespmem:v16+s29+$0x0], $0xffff  }
0x31a: {  	v57 =	vld.idx.msk [tilespmem:v30+s18+$0x0], $0xffff;
	v12 =	vor.u32 v12, v19  }
0x31b: {  	v38 =	vld.idx.msk [tilespmem:v9+s18+$0x0], $0xffff  }
0x31c: {  	v39 =	vld.idx.msk [tilespmem:v11+s18+$0x0], $0xffff  }
0x31d: {  	v15 =	vor.u32 v8, v15;
	v11 =	vld.idx.msk [tilespmem:v11+s19+$0x0], $0xffff  }
0x31e: {  	v9 =	vld.idx.msk [tilespmem:v9+s19+$0x0], $0xffff  }
0x31f: {  	v14 =	vor.u32 v8, v14;
	v40 =	vld.idx.msk [tilespmem:v12+s29+$0x0], $0xffff  }
0x320: {  	v58 =	vld.idx.msk [tilespmem:v30+s19+$0x0], $0xffff  }
0x321: {  	v18 =	vor.u32 v8, v18;
	v12 =	vld.idx.msk [tilespmem:v12+s28+$0x0], $0xffff  }
0x322: {  	v59 =	vld.idx.msk [tilespmem:v15+s29+$0x0], $0xffff;
	v11 =	vsub.f32 v39, v11  }
0x323: {  	v60 =	vld.idx.msk [tilespmem:v16+s28+$0x0], $0xffff  }
0x324: {  	v17 =	vor.u32 v8, v17;
	v61 =	vld.idx.msk [tilespmem:v14+s29+$0x0], $0xffff;
	v9 =	vsub.f32 v38, v9;
	v11 =	vadd.f32 v40, v11  }
0x325: {  	v31 =	vadd.f32 v31, v34;
	v13 =	vor.u32 v8, v13;
	v15 =	vld.idx.msk [tilespmem:v15+s28+$0x0], $0xffff;
	v19 =	vsub.f32 v57, v58  }
0x326: {  	v62 =	vadd.f32 v36, v35;
	v63 =	vld.idx.msk [tilespmem:v18+s29+$0x0], $0xffff;
	v9 =	vadd.f32 v37, v9;
	v12 =	vmul.f32 v11, v12  }
0x327: {  	v8 =	vor.u32 v8, v10;
	v21 =	vsub.f32 v21, v25;
	v36 =	vld.idx.msk [tilespmem:v14+s28+$0x0], $0xffff;
	v19 =	vadd.f32 v59, v19  }
0x328: {  	v18 =	vld.idx.msk [tilespmem:v18+s28+$0x0], $0xffff;
	v37 =	vsub.f32 v55, v56;
	v16 =	vmul.f32 v9, v60;
	v12 =	vadd.f32 v12, v62  }
0x329: {  	v32 =	vadd.f32 v32, v33;
	v20 =	vsub.f32 v29, v54;
	v40 =	vld.idx.msk [tilespmem:v17+s29+$0x0], $0xffff  }
0x32a: {  	v41 =	vld.idx.msk [tilespmem:v13+s29+$0x0], $0xffff;
	v15 =	vmul.f32 v19, v15;
	v14 =	vadd.f32 v61, v37;
	v12 =	vadd.f32 v16, v12  }
0x32b: {  	v42 =	vsub.f32 v24, v26;
	v20 =	vadd.f32 v63, v20;
	v17 =	vld.idx.msk [tilespmem:v17+s28+$0x0], $0xffff;
	v44 =	vmul.f32 v11, v11  }
0x32c: {  	v43 =	vsub.f32 v27, v28;
	v45 =	vld.idx.msk [tilespmem:v8+s29+$0x0], $0xffff;
	v10 =	vmul.f32 v14, v36;
	v12 =	vadd.f32 v15, v12  }
0x32d: {  	v13 =	vld.idx.msk [tilespmem:v13+s28+$0x0], $0xffff;
	v47 =	vmul.f32 v20, v18;
	v11 =	vadd.f32 v11, v31;
	v25 =	vadd.f32 v44, v32  }
0x32e: {  	v46 =	vmul.f32 v9, v9;
	v22 =	vadd.f32 v40, v43;
	v10 =	vadd.f32 v10, v12  }
0x32f: {  	v8 =	vld.idx.msk [tilespmem:v8+s28+$0x0], $0xffff;
	v48 =	vmul.f32 v19, v19;
	v9 =	vadd.f32 v9, v11;
	v16 =	vadd.f32 v41, v42  }
0x330: {  	v49 =	vmul.f32 v22, v17;
	v15 =	vadd.f32 v46, v25;
	v10 =	vadd.f32 v47, v10  }
0x331: {  	v51 =	vadd.f32 v45, v21;
	v50 =	vmul.f32 v14, v14;
	v9 =	vadd.f32 v19, v9  }
0x332: {  	v52 =	vmul.f32 v16, v13;
	v11 =	vadd.f32 v48, v15;
	v10 =	vadd.f32 v49, v10  }
0x333: {  	v54 =	vld.idx.msk [tilespmem:v7+s31+$0x0], $0xffff;
	v53 =	vmul.f32 v20, v20;
	v9 =	vadd.f32 v14, v9  }
0x334: {  	v8 =	vmul.f32 v51, v8;
	v11 =	vadd.f32 v50, v11;
	v10 =	vadd.f32 v52, v10  }
0x335: {  	v9 =	vadd.f32 v20, v9  }
0x336: {  	v55 =	vmul.f32 v22, v22;
	v11 =	vadd.f32 v53, v11;
	v8 =	vadd.f32 v8, v10  }
0x337: {  	v7 =	vld.idx.msk [tilespmem:v7+s0+$0x0], $0xffff;
	v9 =	vadd.f32 v22, v9  }
0x338: {  	v56 =	vmul.f32 v16, v16;
	v11 =	vadd.f32 v55, v11;
	v57 =	vsub.f32 v8, v54  }
0x339: {  	v9 =	vadd.f32 v16, v9  }
0x33a: {  	v58 =	vmul.f32 v51, v51;
	v10 =	vadd.f32 v56, v11;
	v59 =	vadd.f32 v57, v57  }
0x33b: {  	v9 =	vadd.f32 v51, v9  }
0x33c: {  	v10 =	vadd.f32 v58, v10;
	v7 =	vmul.f32 v7, v57;
	v8 =	vmul.f32 v59, v8;
	_ =	sdelay $0x1  }
0x33d: {  	v60 =	vmul.f32 v57, v57;
	v7 =	vsub.f32 v9, v7;
	v8 =	vsub.f32 v10, v8;
	_ =	sdelay $0x1  }
0x33e: {  	v7 =	vmul.f32 $1.999999990e-06, v7;
	v8 =	vadd.f32 v8, v60;
	_ =	sdelay $0x1  }
0x33f: {  	v7 =	vadd.f32 v8, v7;
	_ =	sdelay $0x1  }
0x340: {  	v7 =	vadd.f32 $6.399999970e-11, v7;
	_ =	sdelay $0x1  }
0x341: {  	v7 =	vmax.f32 v7, $1.000000020e-24  }
0x342: {  	v8 =	vshra.s32 v7, $0x1;
	v61 =	vmul.f32 $5.000000000e-01, v7  }
0x343: {  	v8 =	vsub.s32 $0x5F3759DF, v8  }
0x344: {  	v62 =	vmul.f32 v8, v61;
	_ =	sdelay $0x1  }
0x345: {  	v10 =	vmul.f32 v8, v62;
	_ =	sdelay $0x1  }
0x346: {  	v10 =	vsub.f32 $1.500000000e+00, v10;
	_ =	sdelay $0x1  }
0x347: {  	v8 =	vmul.f32 v8, v10;
	_ =	sdelay $0x1  }
0x348: {  	v10 =	vmul.f32 v8, v61;
	_ =	sdelay $0x1  }
0x349: {  	v10 =	vmul.f32 v10, v8;
	_ =	sdelay $0x1  }
0x34a: {  	v10 =	vsub.f32 $1.500000000e+00, v10;
	_ =	sdelay $0x1  }
0x34b: {  	v8 =	vmul.f32 v10, v8;
	_ =	sdelay $0x1  }
0x34c: {  	v9 =	vmul.f32 v8, v61;
	_ =	sdelay $0x1  }
0x34d: {  	v9 =	vmul.f32 v9, v8;
	_ =	sdelay $0x1  }
0x34e: {  	v9 =	vsub.f32 $1.500000000e+00, v9  }
0x34f: {  	v63 =	vld [tilespmem:s21+$0x8C00]  }
0x350: {  	v8 =	vmul.f32 v9, v8;
	_ =	sdelay $0x1  }
0x351: {  	v7 =	vmul.f32 v8, v7  }
0x352: {  	s1 =	sadd.s32 $0x1, s1  }
0x353: {  	p0 =	sne.s32 s1, $0x8;
	v7 =	vsub.f32 v63, v7  }
.Ltmp10:
0x354: {  	_ = 	snop;
	(pc) =	sbr.rel @p0 .LBB2_20-.Ltmp10, $3  }
0x355: {  	v7 =	vadd.f32 $1.000000000e+00, v7;
	_ =	sdelay $0x1  }
0x356: {  	v7 =	vmax.f32 v7, $0.0e+00  }
0x357: {  	v5 =	vadd.f32 v7, v5  }
0x358: {  	s1 =	simm.s32 $0x700  }
0x359: {  	[tilespmem:s18], [sflag:$0x1] =	stream.indirect.gather [hbm4b:s3+s17], $0x40, s1, s17, $0xb8;
	[tilespmem:$0x9130] =	vst v63  }
0x35a: {  	s25 =	simm.s32 $0x900  }
0x35b: {  	[tilespmem:s19], [sflag:$0x1] =	stream.indirect.gather [hbm4b:s4+s17], $0x40, s25, s17, $0xb8;
	[tilespmem:$0x9130] =	vst v63  }
0x35c: {  	_ =	swait.ge [sflag:s23], $0x2000  }
0x35d: {  	[sflag:s23] =	ssyncset.done $0x0  }
0x35e: {  	[sflag:s23] =	ssyncadd.s32 $0xFFFFE000  }
0x35f: {  	_ =	swait.ge [sflag:s23], $0x2000  }
0x360: {  	[sflag:s23] =	ssyncset.done $0x0  }
0x361: {  	s1 =	simm.s32 $0x0;
	[sflag:s23] =	ssyncadd.s32 $0xFFFFE000  }
.LBB2_24:
0x362: {  	s21 =	sshll.u32 s1, $0x4  }
0x363: {  	v6 =	vmov s21  }
0x364: {  	s5 =	simm.s32 $0x7;
	v6 =	vshll.u32 v6, $0x6  }
0x365: {  	v9 =	vor.u32 v3, v6;
	v6 =	vadd.s32 s5, v0  }
0x366: {  	s16 =	simm.s32 $0x4;
	v8 =	vadd.s32 $0x2000, v9;
	v12 =	vand.u32 $0x3F, v6  }
0x367: {  	v11 =	vadd.s32 s16, v0;
	v7 =	vor.u32 v8, v12  }
0x368: {  	s6 =	simm.s32 $0x6;
	s24 =	simm.s32 $0x3;
	v21 =	vand.u32 $0x3F, v11  }
0x369: {  	s7 =	simm.s32 $0x5;
	v11 =	vadd.s32 s24, v0;
	v6 =	vadd.s32 s6, v0;
	v14 =	vor.u32 v8, v21  }
0x36a: {  	v17 =	vand.u32 $0x3F, v11;
	v15 =	vand.u32 $0x3F, v6;
	v6 =	vadd.s32 s7, v0  }
0x36b: {  	v16 =	vor.u32 v8, v17;
	v20 =	vand.u32 $0x3F, v6;
	v6 =	vld [tilespmem:s21+$0xA80]  }
0x36c: {  	v10 =	vor.u32 v8, v15;
	v22 =	vld.idx.msk [tilespmem:v7+s18+$0x0], $0xffff  }
0x36d: {  	v23 =	vld.idx.msk [tilespmem:v7+s19+$0x0], $0xffff  }
0x36e: {  	s25 =	simm.s32 $0x1;
	v13 =	vor.u32 v8, v20;
	v29 =	vld.idx.msk [tilespmem:v14+s18+$0x0], $0xffff  }
0x36f: {  	v11 =	vadd.s32 s25, v0;
	v30 =	vld.idx.msk [tilespmem:v14+s19+$0x0], $0xffff  }
0x370: {  	v11 =	vand.u32 $0x3F, v11;
	v31 =	vld.idx.msk [tilespmem:v16+s18+$0x0], $0xffff;
	v7 =	vshll.u32 v6, $0x6  }
0x371: {  	s6 =	simm.s32 $0x2;
	v24 =	vld.idx.msk [tilespmem:v10+s18+$0x0], $0xffff;
	v27 =	vor.u32 v7, v11  }
0x372: {  	v25 =	vld.idx.msk [tilespmem:v10+s19+$0x0], $0xffff;
	v10 =	vadd.s32 s6, v0  }
0x373: {  	s7 =	simm.s32 $0x0;
	v26 =	vld.idx.msk [tilespmem:v13+s18+$0x0], $0xffff;
	v18 =	vand.u32 $0x3F, v10;
	v49 =	vor.u32 v7, v17  }
0x374: {  	v28 =	vld.idx.msk [tilespmem:v13+s19+$0x0], $0xffff;
	v13 =	vadd.s32 s7, v0;
	v19 =	vor.u32 v8, v18  }
0x375: {  	v32 =	vld.idx.msk [tilespmem:v16+s19+$0x0], $0xffff;
	v10 =	vadd.s32 v4, v9;
	v9 =	vand.u32 $0x38, v13;
	v13 =	vor.u32 v8, v11  }
0x376: {  	v14 =	vor.u32 v10, v9;
	v33 =	vld.idx.msk [tilespmem:v27+s29+$0x0], $0xffff  }
0x377: {  	v51 =	vsub.f32 v22, v23;
	v23 =	vld.idx.msk [tilespmem:v27+s28+$0x0], $0xffff  }
0x378: {  	s24 =	simm.s32 $0xE;
	v11 =	vor.u32 v1, v7;
	v27 =	vld.idx.msk [tilespmem:v49+s29+$0x0], $0xffff  }
0x379: {  	v36 =	vimm.f32 $0.0e+00;
	s16 =	simm.s32 $0xF;
	s25 =	simm.s32 $0xB;
	v37 =	vadd.s32 s24, v0;
	s24 =	simm.s32 $0xA;
	v34 =	vor.u32 v11, v9;
	v35 =	vld.idx.msk [tilespmem:v19+s18+$0x0], $0xffff  }
0x37a: {  	v39 =	vadd.s32 s25, v0;
	v43 =	vadd.s32 s24, v0;
	v16 =	vadd.s32 s16, v0;
	s6 =	simm.s32 $0x9;
	v38 =	vld.idx.msk [tilespmem:v13+s18+$0x0], $0xffff  }
0x37b: {  	v42 =	vadd.s32 s6, v0;
	v48 =	vor.u32 v7, v12;
	v12 =	vand.u32 $0x3F, v37;
	v41 =	vld.idx.msk [tilespmem:v14+s18+$0x0], $0xffff  }
0x37c: {  	s25 =	simm.s32 $0x8;
	s7 =	simm.s32 $0xC;
	v59 =	vor.u32 v7, v21;
	v60 =	vor.u32 v7, v15;
	v45 =	vor.u32 v7, v18;
	v44 =	vld.idx.msk [tilespmem:v14+s19+$0x0], $0xffff  }
0x37d: {  	s16 =	simm.s32 $0xD;
	v20 =	vor.u32 v7, v20;
	v40 =	vadd.s32 s7, v0;
	v18 =	vadd.s32 s25, v0;
	v47 =	vld.idx.msk [tilespmem:v13+s19+$0x0], $0xffff  }
0x37e: {  	v61 =	vor.u32 v8, v12;
	v9 =	vand.u32 $0x3F, v16;
	v16 =	vadd.s32 s16, v0;
	v57 =	vld.idx.msk [tilespmem:v34+s29+$0x0], $0xffff  }
0x37f: {  	v17 =	vand.u32 $0x3F, v40;
	v46 =	vor.u32 v8, v9;
	v16 =	vand.u32 $0x3F, v16;
	v58 =	vld.idx.msk [tilespmem:v19+s19+$0x0], $0xffff  }
0x380: {  	v22 =	vor.u32 v8, v17;
	v29 =	vsub.f32 v29, v30;
	v31 =	vsub.f32 v31, v32;
	v34 =	vld.idx.msk [tilespmem:v34+s28+$0x0], $0xffff  }
0x381: {  	v52 =	vor.u32 v8, v16;
	v25 =	vsub.f32 v24, v25;
	v50 =	vld.idx.msk [tilespmem:v45+s29+$0x0], $0xffff;
	v15 =	vsub.f32 v41, v44  }
0x382: {  	v26 =	vsub.f32 v26, v28;
	v63 =	vld.idx.msk [tilespmem:v59+s29+$0x0], $0xffff;
	v13 =	vand.u32 $0x3F, v39;
	v24 =	vsub.f32 v38, v47  }
0x383: {  	v19 =	vand.u32 $0x3F, v42;
	v62 =	vld.idx.msk [tilespmem:v45+s28+$0x0], $0xffff;
	v14 =	vand.u32 $0x3F, v43;
	v28 =	vadd.f32 v57, v15  }
0x384: {  	v45 =	vld.idx.msk [tilespmem:v49+s28+$0x0], $0xffff;
	v21 =	vor.u32 v8, v13;
	v30 =	vsub.f32 v35, v58;
	v24 =	vadd.f32 v33, v24  }
0x385: {  	v49 =	vld.idx.msk [tilespmem:v20+s29+$0x0], $0xffff;
	v27 =	vadd.f32 v27, v31;
	v44 =	vmul.f32 v28, v28;
	v34 =	vmul.f32 v28, v34  }
0x386: {  	v30 =	vadd.f32 v50, v30;
	v47 =	vmul.f32 v24, v24;
	v28 =	vadd.f32 v28, v36  }
0x387: {  	v31 =	vld.idx.msk [tilespmem:v60+s29+$0x0], $0xffff;
	v23 =	vmul.f32 v24, v23;
	v35 =	vadd.f32 v44, v36;
	v34 =	vadd.f32 v34, v36  }
0x388: {  	v29 =	vadd.f32 v63, v29;
	v50 =	vld.idx.msk [tilespmem:v59+s28+$0x0], $0xffff;
	v53 =	vmul.f32 v30, v62;
	v24 =	vadd.f32 v24, v28  }
0x389: {  	v54 =	vld.idx.msk [tilespmem:v20+s28+$0x0], $0xffff;
	v28 =	vmul.f32 v30, v30;
	v32 =	vadd.f32 v47, v35;
	v23 =	vadd.f32 v23, v34  }
0x38a: {  	v56 =	vld.idx.msk [tilespmem:v60+s28+$0x0], $0xffff;
	v26 =	vadd.f32 v49, v26;
	v55 =	vmul.f32 v27, v45;
	v20 =	vadd.f32 v30, v24  }
0x38b: {  	v24 =	vmul.f32 v27, v27;
	v30 =	vld.idx.msk [tilespmem:v48+s29+$0x0], $0xffff;
	v28 =	vadd.f32 v28, v32;
	v23 =	vadd.f32 v53, v23  }
0x38c: {  	v58 =	vld.idx.msk [tilespmem:v48+s28+$0x0], $0xffff;
	v57 =	vmul.f32 v29, v29;
	v31 =	vadd.f32 v31, v25;
	v27 =	vadd.f32 v27, v20  }
0x38d: {  	v25 =	vld.idx.msk [tilespmem:v61+s19+$0x0], $0xffff;
	v36 =	vmul.f32 v29, v50;
	v28 =	vadd.f32 v24, v28;
	v32 =	vadd.f32 v55, v23  }
0x38e: {  	v59 =	vmul.f32 v26, v54;
	v15 =	vor.u32 v7, v19;
	v20 =	vld.idx.msk [tilespmem:v46+s18+$0x0], $0xffff;
	v27 =	vadd.f32 v29, v27  }
0x38f: {  	v24 =	vld.idx.msk [tilespmem:v46+s19+$0x0], $0xffff;
	v29 =	vmul.f32 v26, v26;
	v28 =	vadd.f32 v57, v28;
	v32 =	vadd.f32 v36, v32  }
0x390: {  	v63 =	vmul.f32 v31, v56;
	v23 =	vld.idx.msk [tilespmem:v61+s18+$0x0], $0xffff;
	v30 =	vadd.f32 v30, v51;
	v60 =	vadd.f32 v26, v27  }
0x391: {  	v61 =	vmul.f32 v31, v31;
	v26 =	vld.idx.msk [tilespmem:v52+s18+$0x0], $0xffff;
	v62 =	vadd.f32 v29, v28;
	v34 =	vadd.f32 v59, v32  }
0x392: {  	v27 =	vld.idx.msk [tilespmem:v52+s19+$0x0], $0xffff;
	v35 =	vmul.f32 v30, v58;
	v29 =	vor.u32 v8, v14;
	v33 =	vadd.f32 v31, v60  }
0x393: {  	s16 =	simm.s32 $0x17;
	v31 =	vmul.f32 v30, v30;
	v28 =	vld.idx.msk [tilespmem:v22+s18+$0x0], $0xffff;
	v32 =	vadd.f32 v61, v62;
	v34 =	vadd.f32 v63, v34  }
.LBB2_25:
0x394: {  	p0 =	sne.s32 s16, $0x3F;
	v18 =	vand.u32 $0x38, v18;
	v19 =	vor.u32 v8, v19;
	v36 =	vld.idx.msk [tilespmem:v22+s19+$0x0], $0xffff;
	v30 =	vadd.f32 v30, v33;
	v22 =	vmovc v16  }
0x395: {  	v16 =	vor.u32 v10, v18;
	v33 =	vld.idx.msk [tilespmem:v21+s18+$0x0], $0xffff;
	v31 =	vadd.f32 v31, v32;
	v32 =	vadd.f32 v35, v34  }
0x396: {  	v34 =	vld.idx.msk [tilespmem:v21+s19+$0x0], $0xffff;
	v21 =	vmov v17  }
0x397: {  	v35 =	vld.idx.msk [tilespmem:v15+s29+$0x0], $0xffff  }
0x398: {  	s5 =	sadd.s32 $0xFFFFFFFF, s16;
	v37 =	vor.u32 v11, v18;
	v17 =	vadd.s32 s16, v0;
	v38 =	vld.idx.msk [tilespmem:v29+s18+$0x0], $0xffff  }
0x399: {  	s6 =	sadd.s32 $0xFFFFFFFC, s16;
	s7 =	sadd.s32 $0xFFFFFFFD, s16;
	s24 =	sadd.s32 $0xFFFFFFFE, s16;
	v39 =	vadd.s32 s5, v0;
	v17 =	vand.u32 $0x3F, v17;
	v40 =	vld.idx.msk [tilespmem:v19+s18+$0x0], $0xffff  }
0x39a: {  	s25 =	sadd.s32 $0xFFFFFFFB, s16;
	s5 =	sadd.s32 $0xFFFFFFFA, s16;
	v41 =	vadd.s32 s6, v0;
	v42 =	vadd.s32 s7, v0;
	v43 =	vadd.s32 s24, v0;
	v44 =	vld.idx.msk [tilespmem:v16+s18+$0x0], $0xffff  }
0x39b: {  	v48 =	vor.u32 v7, v14;
	s6 =	sadd.s32 $0xFFFFFFF9, s16;
	v46 =	vadd.s32 s25, v0;
	v45 =	vadd.s32 s5, v0;
	v47 =	vld.idx.msk [tilespmem:v16+s19+$0x0], $0xffff  }
0x39c: {  	v51 =	vor.u32 v7, v9;
	v18 =	vadd.s32 s6, v0;
	v49 =	vor.u32 v8, v17;
	v9 =	vmovc v17;
	v50 =	vld.idx.msk [tilespmem:v19+s19+$0x0], $0xffff  }
0x39d: {  	v52 =	vor.u32 v7, v13;
	v39 =	vand.u32 $0x3F, v39;
	v16 =	vand.u32 $0x3F, v43;
	v43 =	vld.idx.msk [tilespmem:v37+s29+$0x0], $0xffff  }
0x39e: {  	v14 =	vand.u32 $0x3F, v46;
	v13 =	vand.u32 $0x3F, v41;
	v17 =	vand.u32 $0x3F, v42;
	v29 =	vld.idx.msk [tilespmem:v29+s19+$0x0], $0xffff  }
0x39f: {  	v41 =	vor.u32 v7, v21;
	v42 =	vor.u32 v7, v12;
	v12 =	vmovc v39;
	v19 =	vand.u32 $0x3F, v45;
	v37 =	vld.idx.msk [tilespmem:v37+s28+$0x0], $0xffff  }
0x3a0: {  	v53 =	vsub.f32 v20, v24;
	v46 =	vor.u32 v7, v22;
	v39 =	vor.u32 v8, v12;
	v45 =	vld.idx.msk [tilespmem:v48+s29+$0x0], $0xffff  }
0x3a1: {  	v23 =	vsub.f32 v23, v25;
	v54 =	vor.u32 v8, v16;
	v20 =	vsub.f32 v44, v47;
	v24 =	vld.idx.msk [tilespmem:v15+s28+$0x0], $0xffff  }
0x3a2: {  	v26 =	vsub.f32 v26, v27;
	v22 =	vor.u32 v8, v17;
	v25 =	vsub.f32 v40, v50;
	v40 =	vld.idx.msk [tilespmem:v52+s29+$0x0], $0xffff  }
0x3a3: {  	v21 =	vor.u32 v8, v13;
	v28 =	vsub.f32 v28, v36;
	v20 =	vadd.f32 v43, v20;
	v27 =	vld.idx.msk [tilespmem:v48+s28+$0x0], $0xffff  }
0x3a4: {  	v15 =	vor.u32 v7, v19;
	v25 =	vadd.f32 v35, v25;
	v29 =	vsub.f32 v38, v29;
	v35 =	vld.idx.msk [tilespmem:v41+s29+$0x0], $0xffff  }
0x3a5: {  	v33 =	vsub.f32 v33, v34;
	v36 =	vmul.f32 v20, v20;
	v37 =	vmul.f32 v20, v37;
	v38 =	vld.idx.msk [tilespmem:v52+s28+$0x0], $0xffff  }
0x3a6: {  	v20 =	vadd.f32 v20, v30;
	v30 =	vmul.f32 v25, v25;
	v29 =	vadd.f32 v45, v29;
	v34 =	vld.idx.msk [tilespmem:v46+s29+$0x0], $0xffff  }
0x3a7: {  	v31 =	vadd.f32 v36, v31;
	v32 =	vadd.f32 v37, v32;
	v24 =	vmul.f32 v25, v24;
	v36 =	vld.idx.msk [tilespmem:v41+s28+$0x0], $0xffff  }
0x3a8: {  	v20 =	vadd.f32 v25, v20;
	v25 =	vmul.f32 v29, v29;
	v33 =	vadd.f32 v40, v33;
	v37 =	vld.idx.msk [tilespmem:v42+s29+$0x0], $0xffff  }
0x3a9: {  	v30 =	vadd.f32 v30, v31;
	v24 =	vadd.f32 v24, v32;
	v27 =	vmul.f32 v29, v27;
	v31 =	vld.idx.msk [tilespmem:v46+s28+$0x0], $0xffff  }
0x3aa: {  	v20 =	vadd.f32 v29, v20;
	v29 =	vmul.f32 v33, v33;
	v28 =	vadd.f32 v35, v28;
	v32 =	vld.idx.msk [tilespmem:v51+s29+$0x0], $0xffff  }
0x3ab: {  	v25 =	vadd.f32 v25, v30;
	v24 =	vadd.f32 v27, v24;
	v27 =	vmul.f32 v33, v38;
	v35 =	vld.idx.msk [tilespmem:v42+s28+$0x0], $0xffff  }
0x3ac: {  	v30 =	vadd.f32 v33, v20;
	v33 =	vmul.f32 v28, v28;
	v26 =	vadd.f32 v34, v26;
	v38 =	vld.idx.msk [tilespmem:v51+s28+$0x0], $0xffff  }
0x3ad: {  	v25 =	vadd.f32 v29, v25;
	v27 =	vadd.f32 v27, v24;
	v29 =	vmul.f32 v28, v36;
	v20 =	vld.idx.msk [tilespmem:v49+s18+$0x0], $0xffff  }
0x3ae: {  	v28 =	vadd.f32 v28, v30;
	v34 =	vmul.f32 v26, v26;
	v36 =	vadd.f32 v37, v23;
	v24 =	vld.idx.msk [tilespmem:v49+s19+$0x0], $0xffff  }
.Ltmp11:
0x3af: {  	v33 =	vadd.f32 v33, v25;
	v27 =	vadd.f32 v29, v27;
	v29 =	vmul.f32 v26, v31;
	v23 =	vld.idx.msk [tilespmem:v39+s18+$0x0], $0xffff;
	(pc) =	sbr.rel @p0 .LBB2_25-.Ltmp11, $4  }
0x3b0: {  	v28 =	vadd.f32 v26, v28;
	v37 =	vmul.f32 v36, v36;
	v30 =	vadd.f32 v32, v53;
	v25 =	vld.idx.msk [tilespmem:v39+s19+$0x0], $0xffff  }
0x3b1: {  	v32 =	vadd.f32 v34, v33;
	v34 =	vadd.f32 v29, v27;
	v35 =	vmul.f32 v36, v35;
	v26 =	vld.idx.msk [tilespmem:v54+s18+$0x0], $0xffff  }
0x3b2: {  	v29 =	vor.u32 v8, v14;
	v33 =	vadd.f32 v36, v28;
	v31 =	vmul.f32 v30, v30;
	v27 =	vld.idx.msk [tilespmem:v54+s19+$0x0], $0xffff  }
0x3b3: {  	s16 =	sadd.s32 $0x8, s16;
	v32 =	vadd.f32 v37, v32;
	v34 =	vadd.f32 v35, v34;
	v35 =	vmul.f32 v30, v38;
	v28 =	vld.idx.msk [tilespmem:v22+s18+$0x0], $0xffff  }
0x3b4: {  	_ =	sdelay $0x3  }
0x3b5: {  	v55 =	vld.idx.msk [tilespmem:v22+s19+$0x0], $0xffff  }
0x3b6: {  	v18 =	vand.u32 $0x38, v18;
	v8 =	vor.u32 v8, v19;
	v56 =	vld.idx.msk [tilespmem:v21+s18+$0x0], $0xffff  }
0x3b7: {  	v57 =	vld.idx.msk [tilespmem:v21+s19+$0x0], $0xffff;
	v10 =	vor.u32 v10, v18  }
0x3b8: {  	v36 =	vld.idx.msk [tilespmem:v15+s29+$0x0], $0xffff  }
0x3b9: {  	v58 =	vld.idx.msk [tilespmem:v29+s18+$0x0], $0xffff  }
0x3ba: {  	v59 =	vld.idx.msk [tilespmem:v29+s19+$0x0], $0xffff;
	v11 =	vor.u32 v11, v18  }
0x3bb: {  	v37 =	vld.idx.msk [tilespmem:v8+s18+$0x0], $0xffff  }
0x3bc: {  	v38 =	vld.idx.msk [tilespmem:v10+s18+$0x0], $0xffff  }
0x3bd: {  	v14 =	vor.u32 v7, v14;
	v10 =	vld.idx.msk [tilespmem:v10+s19+$0x0], $0xffff  }
0x3be: {  	v13 =	vor.u32 v7, v13;
	v8 =	vld.idx.msk [tilespmem:v8+s19+$0x0], $0xffff  }
0x3bf: {  	v39 =	vld.idx.msk [tilespmem:v11+s29+$0x0], $0xffff  }
0x3c0: {  	v17 =	vor.u32 v7, v17;
	v61 =	vld.idx.msk [tilespmem:v15+s28+$0x0], $0xffff  }
0x3c1: {  	v16 =	vor.u32 v7, v16;
	v11 =	vld.idx.msk [tilespmem:v11+s28+$0x0], $0xffff  }
0x3c2: {  	v60 =	vld.idx.msk [tilespmem:v14+s29+$0x0], $0xffff;
	v10 =	vsub.f32 v38, v10  }
0x3c3: {  	v30 =	vadd.f32 v30, v33;
	v62 =	vld.idx.msk [tilespmem:v13+s29+$0x0], $0xffff  }
0x3c4: {  	v14 =	vld.idx.msk [tilespmem:v14+s28+$0x0], $0xffff;
	v8 =	vsub.f32 v37, v8;
	v10 =	vadd.f32 v39, v10  }
0x3c5: {  	v12 =	vor.u32 v7, v12;
	v63 =	vadd.f32 v35, v34;
	v18 =	vsub.f32 v58, v59;
	v35 =	vld.idx.msk [tilespmem:v17+s29+$0x0], $0xffff  }
0x3c6: {  	v20 =	vsub.f32 v20, v24;
	v40 =	vld.idx.msk [tilespmem:v16+s29+$0x0], $0xffff;
	v8 =	vadd.f32 v36, v8;
	v11 =	vmul.f32 v10, v11  }
0x3c7: {  	v7 =	vor.u32 v7, v9;
	v31 =	vadd.f32 v31, v32;
	v18 =	vadd.f32 v60, v18;
	v36 =	vld.idx.msk [tilespmem:v13+s28+$0x0], $0xffff  }
0x3c8: {  	v17 =	vld.idx.msk [tilespmem:v17+s28+$0x0], $0xffff;
	v39 =	vsub.f32 v56, v57;
	v15 =	vmul.f32 v8, v61;
	v11 =	vadd.f32 v11, v63  }
0x3c9: {  	v42 =	vsub.f32 v23, v25;
	v19 =	vsub.f32 v28, v55  }
0x3ca: {  	v41 =	vld.idx.msk [tilespmem:v12+s29+$0x0], $0xffff;
	v14 =	vmul.f32 v18, v14;
	v13 =	vadd.f32 v62, v39;
	v11 =	vadd.f32 v15, v11  }
0x3cb: {  	v43 =	vsub.f32 v26, v27;
	v16 =	vld.idx.msk [tilespmem:v16+s28+$0x0], $0xffff;
	v19 =	vadd.f32 v35, v19  }
0x3cc: {  	v45 =	vld.idx.msk [tilespmem:v7+s29+$0x0], $0xffff;
	v44 =	vmul.f32 v10, v10;
	v9 =	vmul.f32 v13, v36;
	v11 =	vadd.f32 v14, v11  }
0x3cd: {  	v12 =	vld.idx.msk [tilespmem:v12+s28+$0x0], $0xffff;
	v21 =	vadd.f32 v40, v43;
	v47 =	vmul.f32 v19, v17;
	v10 =	vadd.f32 v10, v30  }
0x3ce: {  	v46 =	vmul.f32 v8, v8;
	v24 =	vadd.f32 v44, v31;
	v9 =	vadd.f32 v9, v11  }
0x3cf: {  	v7 =	vld.idx.msk [tilespmem:v7+s28+$0x0], $0xffff;
	v48 =	vmul.f32 v18, v18;
	v8 =	vadd.f32 v8, v10;
	v15 =	vadd.f32 v41, v42  }
0x3d0: {  	v49 =	vmul.f32 v21, v16;
	v14 =	vadd.f32 v46, v24;
	v9 =	vadd.f32 v47, v9  }
0x3d1: {  	v51 =	vadd.f32 v45, v20;
	v50 =	vmul.f32 v13, v13;
	v8 =	vadd.f32 v18, v8  }
0x3d2: {  	v52 =	vmul.f32 v15, v12;
	v10 =	vadd.f32 v48, v14;
	v9 =	vadd.f32 v49, v9  }
0x3d3: {  	v54 =	vld.idx.msk [tilespmem:v6+s31+$0x0], $0xffff;
	v53 =	vmul.f32 v19, v19;
	v8 =	vadd.f32 v13, v8  }
0x3d4: {  	v7 =	vmul.f32 v51, v7;
	v10 =	vadd.f32 v50, v10;
	v9 =	vadd.f32 v52, v9  }
0x3d5: {  	v8 =	vadd.f32 v19, v8  }
0x3d6: {  	v55 =	vmul.f32 v21, v21;
	v10 =	vadd.f32 v53, v10;
	v7 =	vadd.f32 v7, v9  }
0x3d7: {  	v6 =	vld.idx.msk [tilespmem:v6+s0+$0x0], $0xffff;
	v8 =	vadd.f32 v21, v8  }
0x3d8: {  	v56 =	vmul.f32 v15, v15;
	v10 =	vadd.f32 v55, v10;
	v57 =	vsub.f32 v7, v54  }
0x3d9: {  	v8 =	vadd.f32 v15, v8  }
0x3da: {  	v58 =	vmul.f32 v51, v51;
	v9 =	vadd.f32 v56, v10;
	v59 =	vadd.f32 v57, v57  }
0x3db: {  	v8 =	vadd.f32 v51, v8  }
0x3dc: {  	v9 =	vadd.f32 v58, v9;
	v6 =	vmul.f32 v6, v57;
	v7 =	vmul.f32 v59, v7;
	_ =	sdelay $0x1  }
0x3dd: {  	v60 =	vmul.f32 v57, v57;
	v6 =	vsub.f32 v8, v6;
	v7 =	vsub.f32 v9, v7;
	_ =	sdelay $0x1  }
0x3de: {  	v6 =	vmul.f32 $1.999999990e-06, v6;
	v7 =	vadd.f32 v7, v60;
	_ =	sdelay $0x1  }
0x3df: {  	v6 =	vadd.f32 v7, v6;
	_ =	sdelay $0x1  }
0x3e0: {  	v6 =	vadd.f32 $6.399999970e-11, v6;
	_ =	sdelay $0x1  }
0x3e1: {  	v6 =	vmax.f32 v6, $1.000000020e-24  }
0x3e2: {  	v7 =	vshra.s32 v6, $0x1;
	v61 =	vmul.f32 $5.000000000e-01, v6  }
0x3e3: {  	v7 =	vsub.s32 $0x5F3759DF, v7  }
0x3e4: {  	v62 =	vmul.f32 v7, v61;
	_ =	sdelay $0x1  }
0x3e5: {  	v9 =	vmul.f32 v7, v62;
	_ =	sdelay $0x1  }
0x3e6: {  	v9 =	vsub.f32 $1.500000000e+00, v9;
	_ =	sdelay $0x1  }
0x3e7: {  	v7 =	vmul.f32 v7, v9;
	_ =	sdelay $0x1  }
0x3e8: {  	v9 =	vmul.f32 v7, v61;
	_ =	sdelay $0x1  }
0x3e9: {  	v9 =	vmul.f32 v9, v7;
	_ =	sdelay $0x1  }
0x3ea: {  	v9 =	vsub.f32 $1.500000000e+00, v9;
	_ =	sdelay $0x1  }
0x3eb: {  	v7 =	vmul.f32 v9, v7;
	_ =	sdelay $0x1  }
0x3ec: {  	v8 =	vmul.f32 v7, v61;
	_ =	sdelay $0x1  }
0x3ed: {  	v8 =	vmul.f32 v8, v7;
	_ =	sdelay $0x1  }
0x3ee: {  	v8 =	vsub.f32 $1.500000000e+00, v8  }
0x3ef: {  	v63 =	vld [tilespmem:s21+$0x8C80]  }
0x3f0: {  	v7 =	vmul.f32 v8, v7;
	_ =	sdelay $0x1  }
0x3f1: {  	v6 =	vmul.f32 v7, v6  }
0x3f2: {  	s1 =	sadd.s32 $0x1, s1  }
0x3f3: {  	p0 =	sne.s32 s1, $0x8;
	v6 =	vsub.f32 v63, v6  }
.Ltmp12:
0x3f4: {  	_ = 	snop;
	(pc) =	sbr.rel @p0 .LBB2_24-.Ltmp12, $3  }
0x3f5: {  	v6 =	vadd.f32 $1.000000000e+00, v6;
	_ =	sdelay $0x1  }
0x3f6: {  	v6 =	vmax.f32 v6, $0.0e+00  }
0x3f7: {  	v5 =	vadd.f32 v6, v5  }
0x3f8: {  	s1 =	simm.s32 $0x780  }
0x3f9: {  	[tilespmem:s20], [sflag:$0x2] =	stream.indirect.gather [hbm4b:s3+s17], $0x40, s1, s17, $0xb8;
	[tilespmem:$0x9130] =	vst v63  }
0x3fa: {  	s25 =	simm.s32 $0x980  }
0x3fb: {  	[tilespmem:s22], [sflag:$0x2] =	stream.indirect.gather [hbm4b:s4+s17], $0x40, s25, s17, $0xb8;
	[tilespmem:$0x9130] =	vst v63  }
0x3fc: {  	_ =	swait.ge [sflag:s30], $0x2000  }
0x3fd: {  	[sflag:s30] =	ssyncset.done $0x0  }
0x3fe: {  	[sflag:s30] =	ssyncadd.s32 $0xFFFFE000  }
0x3ff: {  	_ =	swait.ge [sflag:s30], $0x2000  }
0x400: {  	[sflag:s30] =	ssyncset.done $0x0  }
0x401: {  	s1 =	simm.s32 $0x0;
	[sflag:s30] =	ssyncadd.s32 $0xFFFFE000  }
.LBB2_28:
0x402: {  	s21 =	sshll.u32 s1, $0x4  }
0x403: {  	s5 =	simm.s32 $0x7;
	v6 =	vmov s21  }
0x404: {  	v7 =	vadd.s32 s5, v0;
	v6 =	vshll.u32 v6, $0x6  }
0x405: {  	s16 =	simm.s32 $0x4;
	v12 =	vand.u32 $0x3F, v7;
	v8 =	vor.u32 v3, v6  }
0x406: {  	v10 =	vadd.s32 s16, v0;
	v7 =	vor.u32 v8, v12  }
0x407: {  	s6 =	simm.s32 $0x6;
	s24 =	simm.s32 $0x3;
	v21 =	vand.u32 $0x3F, v10  }
0x408: {  	s7 =	simm.s32 $0x5;
	v10 =	vadd.s32 s24, v0;
	v6 =	vadd.s32 s6, v0;
	v13 =	vor.u32 v8, v21  }
0x409: {  	v14 =	vand.u32 $0x3F, v10;
	v15 =	vand.u32 $0x3F, v6;
	v6 =	vadd.s32 s7, v0  }
0x40a: {  	v16 =	vor.u32 v8, v14;
	v20 =	vand.u32 $0x3F, v6;
	v6 =	vld [tilespmem:s21+$0xB00]  }
0x40b: {  	v22 =	vld.idx.msk [tilespmem:v7+s18+$0x0], $0xffff  }
0x40c: {  	v9 =	vor.u32 v8, v15;
	v23 =	vld.idx.msk [tilespmem:v7+s19+$0x0], $0xffff  }
0x40d: {  	s25 =	simm.s32 $0x1;
	v29 =	vld.idx.msk [tilespmem:v13+s18+$0x0], $0xffff  }
0x40e: {  	v10 =	vadd.s32 s25, v0;
	v11 =	vor.u32 v8, v20;
	v30 =	vld.idx.msk [tilespmem:v13+s19+$0x0], $0xffff  }
0x40f: {  	v17 =	vand.u32 $0x3F, v10;
	v31 =	vld.idx.msk [tilespmem:v16+s18+$0x0], $0xffff;
	v7 =	vshll.u32 v6, $0x6  }
0x410: {  	v32 =	vld.idx.msk [tilespmem:v16+s19+$0x0], $0xffff;
	v27 =	vor.u32 v7, v17  }
0x411: {  	s6 =	simm.s32 $0x2;
	v24 =	vld.idx.msk [tilespmem:v9+s18+$0x0], $0xffff;
	v17 =	vor.u32 v8, v17  }
0x412: {  	s7 =	simm.s32 $0x0;
	v25 =	vld.idx.msk [tilespmem:v9+s19+$0x0], $0xffff;
	v9 =	vadd.s32 s6, v0  }
0x413: {  	v26 =	vld.idx.msk [tilespmem:v11+s18+$0x0], $0xffff;
	v18 =	vand.u32 $0x3F, v9;
	v9 =	vadd.s32 s7, v0  }
0x414: {  	v10 =	vor.u32 v1, v8;
	v28 =	vld.idx.msk [tilespmem:v11+s19+$0x0], $0xffff;
	v49 =	vor.u32 v7, v14;
	v9 =	vand.u32 $0x38, v9  }
0x415: {  	v13 =	vor.u32 v10, v9;
	v33 =	vld.idx.msk [tilespmem:v27+s29+$0x0], $0xffff  }
0x416: {  	v38 =	vld.idx.msk [tilespmem:v17+s18+$0x0], $0xffff  }
0x417: {  	v36 =	vimm.f32 $0.0e+00;
	s24 =	simm.s32 $0xE;
	v11 =	vor.u32 v1, v7;
	v19 =	vor.u32 v8, v18;
	v47 =	vld.idx.msk [tilespmem:v17+s19+$0x0], $0xffff  }
0x418: {  	s16 =	simm.s32 $0xF;
	s25 =	simm.s32 $0xB;
	v37 =	vadd.s32 s24, v0;
	s24 =	simm.s32 $0xA;
	v34 =	vor.u32 v11, v9;
	v51 =	vsub.f32 v22, v23;
	v23 =	vld.idx.msk [tilespmem:v27+s28+$0x0], $0xffff  }
0x419: {  	v39 =	vadd.s32 s25, v0;
	v43 =	vadd.s32 s24, v0;
	v16 =	vadd.s32 s16, v0;
	s6 =	simm.s32 $0x9;
	v27 =	vld.idx.msk [tilespmem:v49+s29+$0x0], $0xffff  }
0x41a: {  	v42 =	vadd.s32 s6, v0;
	v48 =	vor.u32 v7, v12;
	v12 =	vand.u32 $0x3F, v37;
	v41 =	vld.idx.msk [tilespmem:v13+s18+$0x0], $0xffff  }
0x41b: {  	s7 =	simm.s32 $0xC;
	v14 =	vand.u32 $0x3F, v43;
	v59 =	vor.u32 v7, v21;
	v45 =	vor.u32 v7, v18;
	v44 =	vld.idx.msk [tilespmem:v13+s19+$0x0], $0xffff  }
0x41c: {  	s25 =	simm.s32 $0x8;
	s16 =	simm.s32 $0xD;
	v60 =	vor.u32 v7, v15;
	v20 =	vor.u32 v7, v20;
	v40 =	vadd.s32 s7, v0;
	v35 =	vld.idx.msk [tilespmem:v19+s18+$0x0], $0xffff  }
0x41d: {  	v18 =	vadd.s32 s25, v0;
	v9 =	vand.u32 $0x3F, v16;
	v16 =	vadd.s32 s16, v0;
	v57 =	vld.idx.msk [tilespmem:v34+s29+$0x0], $0xffff  }
0x41e: {  	v61 =	vor.u32 v8, v12;
	v46 =	vor.u32 v8, v9;
	v16 =	vand.u32 $0x3F, v16;
	v58 =	vld.idx.msk [tilespmem:v19+s19+$0x0], $0xffff  }
0x41f: {  	v29 =	vsub.f32 v29, v30;
	v31 =	vsub.f32 v31, v32;
	v52 =	vor.u32 v8, v16;
	v34 =	vld.idx.msk [tilespmem:v34+s28+$0x0], $0xffff  }
0x420: {  	v25 =	vsub.f32 v24, v25;
	v17 =	vand.u32 $0x3F, v40;
	v50 =	vld.idx.msk [tilespmem:v45+s29+$0x0], $0xffff;
	v15 =	vsub.f32 v41, v44  }
0x421: {  	v26 =	vsub.f32 v26, v28;
	v63 =	vld.idx.msk [tilespmem:v59+s29+$0x0], $0xffff;
	v19 =	vand.u32 $0x3F, v42;
	v24 =	vsub.f32 v38, v47  }
0x422: {  	v22 =	vor.u32 v8, v17;
	v62 =	vld.idx.msk [tilespmem:v45+s28+$0x0], $0xffff;
	v13 =	vand.u32 $0x3F, v39;
	v28 =	vadd.f32 v57, v15  }
0x423: {  	v45 =	vld.idx.msk [tilespmem:v49+s28+$0x0], $0xffff;
	v21 =	vor.u32 v8, v13;
	v30 =	vsub.f32 v35, v58;
	v24 =	vadd.f32 v33, v24  }
0x424: {  	v49 =	vld.idx.msk [tilespmem:v20+s29+$0x0], $0xffff;
	v27 =	vadd.f32 v27, v31;
	v44 =	vmul.f32 v28, v28;
	v34 =	vmul.f32 v28, v34  }
0x425: {  	v30 =	vadd.f32 v50, v30;
	v47 =	vmul.f32 v24, v24;
	v28 =	vadd.f32 v28, v36  }
0x426: {  	v31 =	vld.idx.msk [tilespmem:v60+s29+$0x0], $0xffff;
	v23 =	vmul.f32 v24, v23;
	v35 =	vadd.f32 v44, v36;
	v34 =	vadd.f32 v34, v36  }
0x427: {  	v29 =	vadd.f32 v63, v29;
	v50 =	vld.idx.msk [tilespmem:v59+s28+$0x0], $0xffff;
	v53 =	vmul.f32 v30, v62;
	v24 =	vadd.f32 v24, v28  }
0x428: {  	v54 =	vld.idx.msk [tilespmem:v20+s28+$0x0], $0xffff;
	v28 =	vmul.f32 v30, v30;
	v32 =	vadd.f32 v47, v35;
	v23 =	vadd.f32 v23, v34  }
0x429: {  	v56 =	vld.idx.msk [tilespmem:v60+s28+$0x0], $0xffff;
	v26 =	vadd.f32 v49, v26;
	v55 =	vmul.f32 v27, v45;
	v20 =	vadd.f32 v30, v24  }
0x42a: {  	v24 =	vmul.f32 v27, v27;
	v30 =	vld.idx.msk [tilespmem:v48+s29+$0x0], $0xffff;
	v28 =	vadd.f32 v28, v32;
	v23 =	vadd.f32 v53, v23  }
0x42b: {  	v58 =	vld.idx.msk [tilespmem:v48+s28+$0x0], $0xffff;
	v57 =	vmul.f32 v29, v29;
	v31 =	vadd.f32 v31, v25;
	v27 =	vadd.f32 v27, v20  }
0x42c: {  	v25 =	vld.idx.msk [tilespmem:v61+s19+$0x0], $0xffff;
	v36 =	vmul.f32 v29, v50;
	v28 =	vadd.f32 v24, v28;
	v32 =	vadd.f32 v55, v23  }
0x42d: {  	v59 =	vmul.f32 v26, v54;
	v15 =	vor.u32 v7, v19;
	v20 =	vld.idx.msk [tilespmem:v46+s18+$0x0], $0xffff;
	v27 =	vadd.f32 v29, v27  }
0x42e: {  	v24 =	vld.idx.msk [tilespmem:v46+s19+$0x0], $0xffff;
	v29 =	vmul.f32 v26, v26;
	v28 =	vadd.f32 v57, v28;
	v32 =	vadd.f32 v36, v32  }
0x42f: {  	v63 =	vmul.f32 v31, v56;
	v23 =	vld.idx.msk [tilespmem:v61+s18+$0x0], $0xffff;
	v30 =	vadd.f32 v30, v51;
	v60 =	vadd.f32 v26, v27  }
0x430: {  	v61 =	vmul.f32 v31, v31;
	v26 =	vld.idx.msk [tilespmem:v52+s18+$0x0], $0xffff;
	v62 =	vadd.f32 v29, v28;
	v34 =	vadd.f32 v59, v32  }
0x431: {  	v27 =	vld.idx.msk [tilespmem:v52+s19+$0x0], $0xffff;
	v35 =	vmul.f32 v30, v58;
	v29 =	vor.u32 v8, v14;
	v33 =	vadd.f32 v31, v60  }
0x432: {  	s16 =	simm.s32 $0x17;
	v31 =	vmul.f32 v30, v30;
	v28 =	vld.idx.msk [tilespmem:v22+s18+$0x0], $0xffff;
	v32 =	vadd.f32 v61, v62;
	v34 =	vadd.f32 v63, v34  }
.LBB2_29:
0x433: {  	p0 =	sne.s32 s16, $0x3F;
	v18 =	vand.u32 $0x38, v18;
	v19 =	vor.u32 v8, v19;
	v36 =	vld.idx.msk [tilespmem:v22+s19+$0x0], $0xffff;
	v30 =	vadd.f32 v30, v33;
	v22 =	vmovc v16  }
0x434: {  	v16 =	vor.u32 v10, v18;
	v33 =	vld.idx.msk [tilespmem:v21+s18+$0x0], $0xffff;
	v31 =	vadd.f32 v31, v32;
	v32 =	vadd.f32 v35, v34  }
0x435: {  	v34 =	vld.idx.msk [tilespmem:v21+s19+$0x0], $0xffff;
	v21 =	vmov v17  }
0x436: {  	v35 =	vld.idx.msk [tilespmem:v15+s29+$0x0], $0xffff  }
0x437: {  	s5 =	sadd.s32 $0xFFFFFFFF, s16;
	v37 =	vor.u32 v11, v18;
	v17 =	vadd.s32 s16, v0;
	v38 =	vld.idx.msk [tilespmem:v29+s18+$0x0], $0xffff  }
0x438: {  	s6 =	sadd.s32 $0xFFFFFFFC, s16;
	s7 =	sadd.s32 $0xFFFFFFFD, s16;
	s24 =	sadd.s32 $0xFFFFFFFE, s16;
	v39 =	vadd.s32 s5, v0;
	v17 =	vand.u32 $0x3F, v17;
	v40 =	vld.idx.msk [tilespmem:v19+s18+$0x0], $0xffff  }
0x439: {  	s25 =	sadd.s32 $0xFFFFFFFB, s16;
	s5 =	sadd.s32 $0xFFFFFFFA, s16;
	v41 =	vadd.s32 s6, v0;
	v42 =	vadd.s32 s7, v0;
	v43 =	vadd.s32 s24, v0;
	v44 =	vld.idx.msk [tilespmem:v16+s18+$0x0], $0xffff  }
0x43a: {  	v48 =	vor.u32 v7, v14;
	s6 =	sadd.s32 $0xFFFFFFF9, s16;
	v46 =	vadd.s32 s25, v0;
	v45 =	vadd.s32 s5, v0;
	v47 =	vld.idx.msk [tilespmem:v16+s19+$0x0], $0xffff  }
0x43b: {  	v51 =	vor.u32 v7, v9;
	v18 =	vadd.s32 s6, v0;
	v49 =	vor.u32 v8, v17;
	v9 =	vmovc v17;
	v50 =	vld.idx.msk [tilespmem:v19+s19+$0x0], $0xffff  }
0x43c: {  	v52 =	vor.u32 v7, v13;
	v39 =	vand.u32 $0x3F, v39;
	v16 =	vand.u32 $0x3F, v43;
	v43 =	vld.idx.msk [tilespmem:v37+s29+$0x0], $0xffff  }
0x43d: {  	v14 =	vand.u32 $0x3F, v46;
	v13 =	vand.u32 $0x3F, v41;
	v17 =	vand.u32 $0x3F, v42;
	v29 =	vld.idx.msk [tilespmem:v29+s19+$0x0], $0xffff  }
0x43e: {  	v41 =	vor.u32 v7, v21;
	v42 =	vor.u32 v7, v12;
	v12 =	vmovc v39;
	v19 =	vand.u32 $0x3F, v45;
	v37 =	vld.idx.msk [tilespmem:v37+s28+$0x0], $0xffff  }
0x43f: {  	v53 =	vsub.f32 v20, v24;
	v46 =	vor.u32 v7, v22;
	v39 =	vor.u32 v8, v12;
	v45 =	vld.idx.msk [tilespmem:v48+s29+$0x0], $0xffff  }
0x440: {  	v23 =	vsub.f32 v23, v25;
	v54 =	vor.u32 v8, v16;
	v20 =	vsub.f32 v44, v47;
	v24 =	vld.idx.msk [tilespmem:v15+s28+$0x0], $0xffff  }
0x441: {  	v26 =	vsub.f32 v26, v27;
	v22 =	vor.u32 v8, v17;
	v25 =	vsub.f32 v40, v50;
	v40 =	vld.idx.msk [tilespmem:v52+s29+$0x0], $0xffff  }
0x442: {  	v21 =	vor.u32 v8, v13;
	v28 =	vsub.f32 v28, v36;
	v20 =	vadd.f32 v43, v20;
	v27 =	vld.idx.msk [tilespmem:v48+s28+$0x0], $0xffff  }
0x443: {  	v15 =	vor.u32 v7, v19;
	v25 =	vadd.f32 v35, v25;
	v29 =	vsub.f32 v38, v29;
	v35 =	vld.idx.msk [tilespmem:v41+s29+$0x0], $0xffff  }
0x444: {  	v33 =	vsub.f32 v33, v34;
	v36 =	vmul.f32 v20, v20;
	v37 =	vmul.f32 v20, v37;
	v38 =	vld.idx.msk [tilespmem:v52+s28+$0x0], $0xffff  }
0x445: {  	v20 =	vadd.f32 v20, v30;
	v30 =	vmul.f32 v25, v25;
	v29 =	vadd.f32 v45, v29;
	v34 =	vld.idx.msk [tilespmem:v46+s29+$0x0], $0xffff  }
0x446: {  	v31 =	vadd.f32 v36, v31;
	v32 =	vadd.f32 v37, v32;
	v24 =	vmul.f32 v25, v24;
	v36 =	vld.idx.msk [tilespmem:v41+s28+$0x0], $0xffff  }
0x447: {  	v20 =	vadd.f32 v25, v20;
	v25 =	vmul.f32 v29, v29;
	v33 =	vadd.f32 v40, v33;
	v37 =	vld.idx.msk [tilespmem:v42+s29+$0x0], $0xffff  }
0x448: {  	v30 =	vadd.f32 v30, v31;
	v24 =	vadd.f32 v24, v32;
	v27 =	vmul.f32 v29, v27;
	v31 =	vld.idx.msk [tilespmem:v46+s28+$0x0], $0xffff  }
0x449: {  	v20 =	vadd.f32 v29, v20;
	v29 =	vmul.f32 v33, v33;
	v28 =	vadd.f32 v35, v28;
	v32 =	vld.idx.msk [tilespmem:v51+s29+$0x0], $0xffff  }
0x44a: {  	v25 =	vadd.f32 v25, v30;
	v24 =	vadd.f32 v27, v24;
	v27 =	vmul.f32 v33, v38;
	v35 =	vld.idx.msk [tilespmem:v42+s28+$0x0], $0xffff  }
0x44b: {  	v30 =	vadd.f32 v33, v20;
	v33 =	vmul.f32 v28, v28;
	v26 =	vadd.f32 v34, v26;
	v38 =	vld.idx.msk [tilespmem:v51+s28+$0x0], $0xffff  }
0x44c: {  	v25 =	vadd.f32 v29, v25;
	v27 =	vadd.f32 v27, v24;
	v29 =	vmul.f32 v28, v36;
	v20 =	vld.idx.msk [tilespmem:v49+s18+$0x0], $0xffff  }
0x44d: {  	v28 =	vadd.f32 v28, v30;
	v34 =	vmul.f32 v26, v26;
	v36 =	vadd.f32 v37, v23;
	v24 =	vld.idx.msk [tilespmem:v49+s19+$0x0], $0xffff  }
.Ltmp13:
0x44e: {  	v33 =	vadd.f32 v33, v25;
	v27 =	vadd.f32 v29, v27;
	v29 =	vmul.f32 v26, v31;
	v23 =	vld.idx.msk [tilespmem:v39+s18+$0x0], $0xffff;
	(pc) =	sbr.rel @p0 .LBB2_29-.Ltmp13, $4  }
0x44f: {  	v28 =	vadd.f32 v26, v28;
	v37 =	vmul.f32 v36, v36;
	v30 =	vadd.f32 v32, v53;
	v25 =	vld.idx.msk [tilespmem:v39+s19+$0x0], $0xffff  }
0x450: {  	v32 =	vadd.f32 v34, v33;
	v34 =	vadd.f32 v29, v27;
	v35 =	vmul.f32 v36, v35;
	v26 =	vld.idx.msk [tilespmem:v54+s18+$0x0], $0xffff  }
0x451: {  	v29 =	vor.u32 v8, v14;
	v33 =	vadd.f32 v36, v28;
	v31 =	vmul.f32 v30, v30;
	v27 =	vld.idx.msk [tilespmem:v54+s19+$0x0], $0xffff  }
0x452: {  	s16 =	sadd.s32 $0x8, s16;
	v32 =	vadd.f32 v37, v32;
	v34 =	vadd.f32 v35, v34;
	v35 =	vmul.f32 v30, v38;
	v28 =	vld.idx.msk [tilespmem:v22+s18+$0x0], $0xffff  }
0x453: {  	_ =	sdelay $0x3  }
0x454: {  	v55 =	vld.idx.msk [tilespmem:v22+s19+$0x0], $0xffff  }
0x455: {  	v18 =	vand.u32 $0x38, v18;
	v8 =	vor.u32 v8, v19;
	v56 =	vld.idx.msk [tilespmem:v21+s18+$0x0], $0xffff  }
0x456: {  	v57 =	vld.idx.msk [tilespmem:v21+s19+$0x0], $0xffff;
	v10 =	vor.u32 v10, v18  }
0x457: {  	v36 =	vld.idx.msk [tilespmem:v15+s29+$0x0], $0xffff  }
0x458: {  	v58 =	vld.idx.msk [tilespmem:v29+s18+$0x0], $0xffff  }
0x459: {  	v59 =	vld.idx.msk [tilespmem:v29+s19+$0x0], $0xffff;
	v11 =	vor.u32 v11, v18  }
0x45a: {  	v37 =	vld.idx.msk [tilespmem:v8+s18+$0x0], $0xffff  }
0x45b: {  	v38 =	vld.idx.msk [tilespmem:v10+s18+$0x0], $0xffff  }
0x45c: {  	v14 =	vor.u32 v7, v14;
	v10 =	vld.idx.msk [tilespmem:v10+s19+$0x0], $0xffff  }
0x45d: {  	v13 =	vor.u32 v7, v13;
	v8 =	vld.idx.msk [tilespmem:v8+s19+$0x0], $0xffff  }
0x45e: {  	v39 =	vld.idx.msk [tilespmem:v11+s29+$0x0], $0xffff  }
0x45f: {  	v17 =	vor.u32 v7, v17;
	v61 =	vld.idx.msk [tilespmem:v15+s28+$0x0], $0xffff  }
0x460: {  	v16 =	vor.u32 v7, v16;
	v11 =	vld.idx.msk [tilespmem:v11+s28+$0x0], $0xffff  }
0x461: {  	v60 =	vld.idx.msk [tilespmem:v14+s29+$0x0], $0xffff;
	v10 =	vsub.f32 v38, v10  }
0x462: {  	v30 =	vadd.f32 v30, v33;
	v62 =	vld.idx.msk [tilespmem:v13+s29+$0x0], $0xffff  }
0x463: {  	v14 =	vld.idx.msk [tilespmem:v14+s28+$0x0], $0xffff;
	v8 =	vsub.f32 v37, v8;
	v10 =	vadd.f32 v39, v10  }
0x464: {  	v12 =	vor.u32 v7, v12;
	v63 =	vadd.f32 v35, v34;
	v18 =	vsub.f32 v58, v59;
	v35 =	vld.idx.msk [tilespmem:v17+s29+$0x0], $0xffff  }
0x465: {  	v20 =	vsub.f32 v20, v24;
	v40 =	vld.idx.msk [tilespmem:v16+s29+$0x0], $0xffff;
	v8 =	vadd.f32 v36, v8;
	v11 =	vmul.f32 v10, v11  }
0x466: {  	v7 =	vor.u32 v7, v9;
	v31 =	vadd.f32 v31, v32;
	v18 =	vadd.f32 v60, v18;
	v36 =	vld.idx.msk [tilespmem:v13+s28+$0x0], $0xffff  }
0x467: {  	v17 =	vld.idx.msk [tilespmem:v17+s28+$0x0], $0xffff;
	v39 =	vsub.f32 v56, v57;
	v15 =	vmul.f32 v8, v61;
	v11 =	vadd.f32 v11, v63  }
0x468: {  	v42 =	vsub.f32 v23, v25;
	v19 =	vsub.f32 v28, v55  }
0x469: {  	v41 =	vld.idx.msk [tilespmem:v12+s29+$0x0], $0xffff;
	v14 =	vmul.f32 v18, v14;
	v13 =	vadd.f32 v62, v39;
	v11 =	vadd.f32 v15, v11  }
0x46a: {  	v43 =	vsub.f32 v26, v27;
	v16 =	vld.idx.msk [tilespmem:v16+s28+$0x0], $0xffff;
	v19 =	vadd.f32 v35, v19  }
0x46b: {  	v45 =	vld.idx.msk [tilespmem:v7+s29+$0x0], $0xffff;
	v44 =	vmul.f32 v10, v10;
	v9 =	vmul.f32 v13, v36;
	v11 =	vadd.f32 v14, v11  }
0x46c: {  	v12 =	vld.idx.msk [tilespmem:v12+s28+$0x0], $0xffff;
	v21 =	vadd.f32 v40, v43;
	v47 =	vmul.f32 v19, v17;
	v10 =	vadd.f32 v10, v30  }
0x46d: {  	v46 =	vmul.f32 v8, v8;
	v24 =	vadd.f32 v44, v31;
	v9 =	vadd.f32 v9, v11  }
0x46e: {  	v7 =	vld.idx.msk [tilespmem:v7+s28+$0x0], $0xffff;
	v48 =	vmul.f32 v18, v18;
	v8 =	vadd.f32 v8, v10;
	v15 =	vadd.f32 v41, v42  }
0x46f: {  	v49 =	vmul.f32 v21, v16;
	v14 =	vadd.f32 v46, v24;
	v9 =	vadd.f32 v47, v9  }
0x470: {  	v51 =	vadd.f32 v45, v20;
	v50 =	vmul.f32 v13, v13;
	v8 =	vadd.f32 v18, v8  }
0x471: {  	v52 =	vmul.f32 v15, v12;
	v10 =	vadd.f32 v48, v14;
	v9 =	vadd.f32 v49, v9  }
0x472: {  	v54 =	vld.idx.msk [tilespmem:v6+s31+$0x0], $0xffff;
	v53 =	vmul.f32 v19, v19;
	v8 =	vadd.f32 v13, v8  }
0x473: {  	v7 =	vmul.f32 v51, v7;
	v10 =	vadd.f32 v50, v10;
	v9 =	vadd.f32 v52, v9  }
0x474: {  	v8 =	vadd.f32 v19, v8  }
0x475: {  	v55 =	vmul.f32 v21, v21;
	v10 =	vadd.f32 v53, v10;
	v7 =	vadd.f32 v7, v9  }
0x476: {  	v6 =	vld.idx.msk [tilespmem:v6+s0+$0x0], $0xffff;
	v8 =	vadd.f32 v21, v8  }
0x477: {  	v56 =	vmul.f32 v15, v15;
	v10 =	vadd.f32 v55, v10;
	v57 =	vsub.f32 v7, v54  }
0x478: {  	v8 =	vadd.f32 v15, v8  }
0x479: {  	v58 =	vmul.f32 v51, v51;
	v9 =	vadd.f32 v56, v10;
	v59 =	vadd.f32 v57, v57  }
0x47a: {  	v8 =	vadd.f32 v51, v8  }
0x47b: {  	v9 =	vadd.f32 v58, v9;
	v6 =	vmul.f32 v6, v57;
	v7 =	vmul.f32 v59, v7;
	_ =	sdelay $0x1  }
0x47c: {  	v60 =	vmul.f32 v57, v57;
	v6 =	vsub.f32 v8, v6;
	v7 =	vsub.f32 v9, v7;
	_ =	sdelay $0x1  }
0x47d: {  	v6 =	vmul.f32 $1.999999990e-06, v6;
	v7 =	vadd.f32 v7, v60;
	_ =	sdelay $0x1  }
0x47e: {  	v6 =	vadd.f32 v7, v6;
	_ =	sdelay $0x1  }
0x47f: {  	v6 =	vadd.f32 $6.399999970e-11, v6;
	_ =	sdelay $0x1  }
0x480: {  	v6 =	vmax.f32 v6, $1.000000020e-24  }
0x481: {  	v7 =	vshra.s32 v6, $0x1;
	v61 =	vmul.f32 $5.000000000e-01, v6  }
0x482: {  	v7 =	vsub.s32 $0x5F3759DF, v7  }
0x483: {  	v62 =	vmul.f32 v7, v61;
	_ =	sdelay $0x1  }
0x484: {  	v9 =	vmul.f32 v7, v62;
	_ =	sdelay $0x1  }
0x485: {  	v9 =	vsub.f32 $1.500000000e+00, v9;
	_ =	sdelay $0x1  }
0x486: {  	v7 =	vmul.f32 v7, v9;
	_ =	sdelay $0x1  }
0x487: {  	v9 =	vmul.f32 v7, v61;
	_ =	sdelay $0x1  }
0x488: {  	v9 =	vmul.f32 v9, v7;
	_ =	sdelay $0x1  }
0x489: {  	v9 =	vsub.f32 $1.500000000e+00, v9;
	_ =	sdelay $0x1  }
0x48a: {  	v7 =	vmul.f32 v9, v7;
	_ =	sdelay $0x1  }
0x48b: {  	v8 =	vmul.f32 v7, v61;
	_ =	sdelay $0x1  }
0x48c: {  	v8 =	vmul.f32 v8, v7;
	_ =	sdelay $0x1  }
0x48d: {  	v8 =	vsub.f32 $1.500000000e+00, v8  }
0x48e: {  	v63 =	vld [tilespmem:s21+$0x8D00]  }
0x48f: {  	v7 =	vmul.f32 v8, v7;
	_ =	sdelay $0x1  }
0x490: {  	v6 =	vmul.f32 v7, v6  }
0x491: {  	s1 =	sadd.s32 $0x1, s1  }
0x492: {  	p0 =	sne.s32 s1, $0x8;
	v6 =	vsub.f32 v63, v6  }
.Ltmp14:
0x493: {  	_ = 	snop;
	(pc) =	sbr.rel @p0 .LBB2_28-.Ltmp14, $3  }
0x494: {  	v6 =	vadd.f32 $1.000000000e+00, v6;
	_ =	sdelay $0x1  }
0x495: {  	v6 =	vmax.f32 v6, $0.0e+00  }
0x496: {  	v5 =	vadd.f32 v6, v5  }
0x497: {  	_ =	swait.ge [sflag:s23], $0x2000  }
0x498: {  	[sflag:s23] =	ssyncset.done $0x0  }
0x499: {  	[sflag:s23] =	ssyncadd.s32 $0xFFFFE000  }
0x49a: {  	_ =	swait.ge [sflag:s23], $0x2000  }
0x49b: {  	[sflag:s23] =	ssyncset.done $0x0  }
0x49c: {  	s1 =	simm.s32 $0x0;
	[sflag:s23] =	ssyncadd.s32 $0xFFFFE000  }
.LBB2_32:
0x49d: {  	s21 =	sshll.u32 s1, $0x4  }
0x49e: {  	v6 =	vmov s21  }
0x49f: {  	s5 =	simm.s32 $0x7;
	v6 =	vshll.u32 v6, $0x6  }
0x4a0: {  	v9 =	vor.u32 v3, v6;
	v6 =	vadd.s32 s5, v0  }
0x4a1: {  	s16 =	simm.s32 $0x4;
	v8 =	vadd.s32 $0x2000, v9;
	v12 =	vand.u32 $0x3F, v6  }
0x4a2: {  	v11 =	vadd.s32 s16, v0;
	v7 =	vor.u32 v8, v12  }
0x4a3: {  	s6 =	simm.s32 $0x6;
	s24 =	simm.s32 $0x3;
	v21 =	vand.u32 $0x3F, v11  }
0x4a4: {  	s7 =	simm.s32 $0x5;
	v11 =	vadd.s32 s24, v0;
	v6 =	vadd.s32 s6, v0;
	v14 =	vor.u32 v8, v21  }
0x4a5: {  	v17 =	vand.u32 $0x3F, v11;
	v15 =	vand.u32 $0x3F, v6;
	v6 =	vadd.s32 s7, v0  }
0x4a6: {  	v16 =	vor.u32 v8, v17;
	v20 =	vand.u32 $0x3F, v6;
	v6 =	vld [tilespmem:s21+$0xB80]  }
0x4a7: {  	v10 =	vor.u32 v8, v15;
	v22 =	vld.idx.msk [tilespmem:v7+s18+$0x0], $0xffff  }
0x4a8: {  	v23 =	vld.idx.msk [tilespmem:v7+s19+$0x0], $0xffff  }
0x4a9: {  	s25 =	simm.s32 $0x1;
	v13 =	vor.u32 v8, v20;
	v29 =	vld.idx.msk [tilespmem:v14+s18+$0x0], $0xffff  }
0x4aa: {  	v11 =	vadd.s32 s25, v0;
	v30 =	vld.idx.msk [tilespmem:v14+s19+$0x0], $0xffff  }
0x4ab: {  	v11 =	vand.u32 $0x3F, v11;
	v31 =	vld.idx.msk [tilespmem:v16+s18+$0x0], $0xffff;
	v7 =	vshll.u32 v6, $0x6  }
0x4ac: {  	s6 =	simm.s32 $0x2;
	v24 =	vld.idx.msk [tilespmem:v10+s18+$0x0], $0xffff;
	v27 =	vor.u32 v7, v11  }
0x4ad: {  	v25 =	vld.idx.msk [tilespmem:v10+s19+$0x0], $0xffff;
	v10 =	vadd.s32 s6, v0  }
0x4ae: {  	s7 =	simm.s32 $0x0;
	v26 =	vld.idx.msk [tilespmem:v13+s18+$0x0], $0xffff;
	v18 =	vand.u32 $0x3F, v10;
	v49 =	vor.u32 v7, v17  }
0x4af: {  	v28 =	vld.idx.msk [tilespmem:v13+s19+$0x0], $0xffff;
	v13 =	vadd.s32 s7, v0;
	v19 =	vor.u32 v8, v18  }
0x4b0: {  	v32 =	vld.idx.msk [tilespmem:v16+s19+$0x0], $0xffff;
	v10 =	vadd.s32 v4, v9;
	v9 =	vand.u32 $0x38, v13;
	v13 =	vor.u32 v8, v11  }
0x4b1: {  	v14 =	vor.u32 v10, v9;
	v33 =	vld.idx.msk [tilespmem:v27+s29+$0x0], $0xffff  }
0x4b2: {  	v51 =	vsub.f32 v22, v23;
	v23 =	vld.idx.msk [tilespmem:v27+s28+$0x0], $0xffff  }
0x4b3: {  	s24 =	simm.s32 $0xE;
	v11 =	vor.u32 v1, v7;
	v27 =	vld.idx.msk [tilespmem:v49+s29+$0x0], $0xffff  }
0x4b4: {  	v36 =	vimm.f32 $0.0e+00;
	s16 =	simm.s32 $0xF;
	s25 =	simm.s32 $0xB;
	v37 =	vadd.s32 s24, v0;
	s24 =	simm.s32 $0xA;
	v34 =	vor.u32 v11, v9;
	v35 =	vld.idx.msk [tilespmem:v19+s18+$0x0], $0xffff  }
0x4b5: {  	v39 =	vadd.s32 s25, v0;
	v43 =	vadd.s32 s24, v0;
	v16 =	vadd.s32 s16, v0;
	s6 =	simm.s32 $0x9;
	v38 =	vld.idx.msk [tilespmem:v13+s18+$0x0], $0xffff  }
0x4b6: {  	v42 =	vadd.s32 s6, v0;
	v48 =	vor.u32 v7, v12;
	v12 =	vand.u32 $0x3F, v37;
	v41 =	vld.idx.msk [tilespmem:v14+s18+$0x0], $0xffff  }
0x4b7: {  	s25 =	simm.s32 $0x8;
	s7 =	simm.s32 $0xC;
	v59 =	vor.u32 v7, v21;
	v60 =	vor.u32 v7, v15;
	v45 =	vor.u32 v7, v18;
	v44 =	vld.idx.msk [tilespmem:v14+s19+$0x0], $0xffff  }
0x4b8: {  	s16 =	simm.s32 $0xD;
	v20 =	vor.u32 v7, v20;
	v40 =	vadd.s32 s7, v0;
	v18 =	vadd.s32 s25, v0;
	v47 =	vld.idx.msk [tilespmem:v13+s19+$0x0], $0xffff  }
0x4b9: {  	v61 =	vor.u32 v8, v12;
	v9 =	vand.u32 $0x3F, v16;
	v16 =	vadd.s32 s16, v0;
	v57 =	vld.idx.msk [tilespmem:v34+s29+$0x0], $0xffff  }
0x4ba: {  	v17 =	vand.u32 $0x3F, v40;
	v46 =	vor.u32 v8, v9;
	v16 =	vand.u32 $0x3F, v16;
	v58 =	vld.idx.msk [tilespmem:v19+s19+$0x0], $0xffff  }
0x4bb: {  	v22 =	vor.u32 v8, v17;
	v29 =	vsub.f32 v29, v30;
	v31 =	vsub.f32 v31, v32;
	v34 =	vld.idx.msk [tilespmem:v34+s28+$0x0], $0xffff  }
0x4bc: {  	v52 =	vor.u32 v8, v16;
	v25 =	vsub.f32 v24, v25;
	v50 =	vld.idx.msk [tilespmem:v45+s29+$0x0], $0xffff;
	v15 =	vsub.f32 v41, v44  }
0x4bd: {  	v26 =	vsub.f32 v26, v28;
	v63 =	vld.idx.msk [tilespmem:v59+s29+$0x0], $0xffff;
	v13 =	vand.u32 $0x3F, v39;
	v24 =	vsub.f32 v38, v47  }
0x4be: {  	v19 =	vand.u32 $0x3F, v42;
	v62 =	vld.idx.msk [tilespmem:v45+s28+$0x0], $0xffff;
	v14 =	vand.u32 $0x3F, v43;
	v28 =	vadd.f32 v57, v15  }
0x4bf: {  	v45 =	vld.idx.msk [tilespmem:v49+s28+$0x0], $0xffff;
	v21 =	vor.u32 v8, v13;
	v30 =	vsub.f32 v35, v58;
	v24 =	vadd.f32 v33, v24  }
0x4c0: {  	v49 =	vld.idx.msk [tilespmem:v20+s29+$0x0], $0xffff;
	v27 =	vadd.f32 v27, v31;
	v44 =	vmul.f32 v28, v28;
	v34 =	vmul.f32 v28, v34  }
0x4c1: {  	v30 =	vadd.f32 v50, v30;
	v47 =	vmul.f32 v24, v24;
	v28 =	vadd.f32 v28, v36  }
0x4c2: {  	v31 =	vld.idx.msk [tilespmem:v60+s29+$0x0], $0xffff;
	v23 =	vmul.f32 v24, v23;
	v35 =	vadd.f32 v44, v36;
	v34 =	vadd.f32 v34, v36  }
0x4c3: {  	v29 =	vadd.f32 v63, v29;
	v50 =	vld.idx.msk [tilespmem:v59+s28+$0x0], $0xffff;
	v53 =	vmul.f32 v30, v62;
	v24 =	vadd.f32 v24, v28  }
0x4c4: {  	v54 =	vld.idx.msk [tilespmem:v20+s28+$0x0], $0xffff;
	v28 =	vmul.f32 v30, v30;
	v32 =	vadd.f32 v47, v35;
	v23 =	vadd.f32 v23, v34  }
0x4c5: {  	v56 =	vld.idx.msk [tilespmem:v60+s28+$0x0], $0xffff;
	v26 =	vadd.f32 v49, v26;
	v55 =	vmul.f32 v27, v45;
	v20 =	vadd.f32 v30, v24  }
0x4c6: {  	v24 =	vmul.f32 v27, v27;
	v30 =	vld.idx.msk [tilespmem:v48+s29+$0x0], $0xffff;
	v28 =	vadd.f32 v28, v32;
	v23 =	vadd.f32 v53, v23  }
0x4c7: {  	v58 =	vld.idx.msk [tilespmem:v48+s28+$0x0], $0xffff;
	v57 =	vmul.f32 v29, v29;
	v31 =	vadd.f32 v31, v25;
	v27 =	vadd.f32 v27, v20  }
0x4c8: {  	v25 =	vld.idx.msk [tilespmem:v61+s19+$0x0], $0xffff;
	v36 =	vmul.f32 v29, v50;
	v28 =	vadd.f32 v24, v28;
	v32 =	vadd.f32 v55, v23  }
0x4c9: {  	v59 =	vmul.f32 v26, v54;
	v15 =	vor.u32 v7, v19;
	v20 =	vld.idx.msk [tilespmem:v46+s18+$0x0], $0xffff;
	v27 =	vadd.f32 v29, v27  }
0x4ca: {  	v24 =	vld.idx.msk [tilespmem:v46+s19+$0x0], $0xffff;
	v29 =	vmul.f32 v26, v26;
	v28 =	vadd.f32 v57, v28;
	v32 =	vadd.f32 v36, v32  }
0x4cb: {  	v63 =	vmul.f32 v31, v56;
	v23 =	vld.idx.msk [tilespmem:v61+s18+$0x0], $0xffff;
	v30 =	vadd.f32 v30, v51;
	v60 =	vadd.f32 v26, v27  }
0x4cc: {  	v61 =	vmul.f32 v31, v31;
	v26 =	vld.idx.msk [tilespmem:v52+s18+$0x0], $0xffff;
	v62 =	vadd.f32 v29, v28;
	v34 =	vadd.f32 v59, v32  }
0x4cd: {  	v27 =	vld.idx.msk [tilespmem:v52+s19+$0x0], $0xffff;
	v35 =	vmul.f32 v30, v58;
	v29 =	vor.u32 v8, v14;
	v33 =	vadd.f32 v31, v60  }
0x4ce: {  	s16 =	simm.s32 $0x17;
	v31 =	vmul.f32 v30, v30;
	v28 =	vld.idx.msk [tilespmem:v22+s18+$0x0], $0xffff;
	v32 =	vadd.f32 v61, v62;
	v34 =	vadd.f32 v63, v34  }
.LBB2_33:
0x4cf: {  	p0 =	sne.s32 s16, $0x3F;
	v18 =	vand.u32 $0x38, v18;
	v19 =	vor.u32 v8, v19;
	v36 =	vld.idx.msk [tilespmem:v22+s19+$0x0], $0xffff;
	v30 =	vadd.f32 v30, v33;
	v22 =	vmovc v16  }
0x4d0: {  	v16 =	vor.u32 v10, v18;
	v33 =	vld.idx.msk [tilespmem:v21+s18+$0x0], $0xffff;
	v31 =	vadd.f32 v31, v32;
	v32 =	vadd.f32 v35, v34  }
0x4d1: {  	v34 =	vld.idx.msk [tilespmem:v21+s19+$0x0], $0xffff;
	v21 =	vmov v17  }
0x4d2: {  	v35 =	vld.idx.msk [tilespmem:v15+s29+$0x0], $0xffff  }
0x4d3: {  	s5 =	sadd.s32 $0xFFFFFFFF, s16;
	v37 =	vor.u32 v11, v18;
	v17 =	vadd.s32 s16, v0;
	v38 =	vld.idx.msk [tilespmem:v29+s18+$0x0], $0xffff  }
0x4d4: {  	s6 =	sadd.s32 $0xFFFFFFFC, s16;
	s7 =	sadd.s32 $0xFFFFFFFD, s16;
	s24 =	sadd.s32 $0xFFFFFFFE, s16;
	v39 =	vadd.s32 s5, v0;
	v17 =	vand.u32 $0x3F, v17;
	v40 =	vld.idx.msk [tilespmem:v19+s18+$0x0], $0xffff  }
0x4d5: {  	s25 =	sadd.s32 $0xFFFFFFFB, s16;
	s5 =	sadd.s32 $0xFFFFFFFA, s16;
	v41 =	vadd.s32 s6, v0;
	v42 =	vadd.s32 s7, v0;
	v43 =	vadd.s32 s24, v0;
	v44 =	vld.idx.msk [tilespmem:v16+s18+$0x0], $0xffff  }
0x4d6: {  	v48 =	vor.u32 v7, v14;
	s6 =	sadd.s32 $0xFFFFFFF9, s16;
	v46 =	vadd.s32 s25, v0;
	v45 =	vadd.s32 s5, v0;
	v47 =	vld.idx.msk [tilespmem:v16+s19+$0x0], $0xffff  }
0x4d7: {  	v51 =	vor.u32 v7, v9;
	v18 =	vadd.s32 s6, v0;
	v49 =	vor.u32 v8, v17;
	v9 =	vmovc v17;
	v50 =	vld.idx.msk [tilespmem:v19+s19+$0x0], $0xffff  }
0x4d8: {  	v52 =	vor.u32 v7, v13;
	v39 =	vand.u32 $0x3F, v39;
	v16 =	vand.u32 $0x3F, v43;
	v43 =	vld.idx.msk [tilespmem:v37+s29+$0x0], $0xffff  }
0x4d9: {  	v14 =	vand.u32 $0x3F, v46;
	v13 =	vand.u32 $0x3F, v41;
	v17 =	vand.u32 $0x3F, v42;
	v29 =	vld.idx.msk [tilespmem:v29+s19+$0x0], $0xffff  }
0x4da: {  	v41 =	vor.u32 v7, v21;
	v42 =	vor.u32 v7, v12;
	v12 =	vmovc v39;
	v19 =	vand.u32 $0x3F, v45;
	v37 =	vld.idx.msk [tilespmem:v37+s28+$0x0], $0xffff  }
0x4db: {  	v53 =	vsub.f32 v20, v24;
	v46 =	vor.u32 v7, v22;
	v39 =	vor.u32 v8, v12;
	v45 =	vld.idx.msk [tilespmem:v48+s29+$0x0], $0xffff  }
0x4dc: {  	v23 =	vsub.f32 v23, v25;
	v54 =	vor.u32 v8, v16;
	v20 =	vsub.f32 v44, v47;
	v24 =	vld.idx.msk [tilespmem:v15+s28+$0x0], $0xffff  }
0x4dd: {  	v26 =	vsub.f32 v26, v27;
	v22 =	vor.u32 v8, v17;
	v25 =	vsub.f32 v40, v50;
	v40 =	vld.idx.msk [tilespmem:v52+s29+$0x0], $0xffff  }
0x4de: {  	v21 =	vor.u32 v8, v13;
	v28 =	vsub.f32 v28, v36;
	v20 =	vadd.f32 v43, v20;
	v27 =	vld.idx.msk [tilespmem:v48+s28+$0x0], $0xffff  }
0x4df: {  	v15 =	vor.u32 v7, v19;
	v25 =	vadd.f32 v35, v25;
	v29 =	vsub.f32 v38, v29;
	v35 =	vld.idx.msk [tilespmem:v41+s29+$0x0], $0xffff  }
0x4e0: {  	v33 =	vsub.f32 v33, v34;
	v36 =	vmul.f32 v20, v20;
	v37 =	vmul.f32 v20, v37;
	v38 =	vld.idx.msk [tilespmem:v52+s28+$0x0], $0xffff  }
0x4e1: {  	v20 =	vadd.f32 v20, v30;
	v30 =	vmul.f32 v25, v25;
	v29 =	vadd.f32 v45, v29;
	v34 =	vld.idx.msk [tilespmem:v46+s29+$0x0], $0xffff  }
0x4e2: {  	v31 =	vadd.f32 v36, v31;
	v32 =	vadd.f32 v37, v32;
	v24 =	vmul.f32 v25, v24;
	v36 =	vld.idx.msk [tilespmem:v41+s28+$0x0], $0xffff  }
0x4e3: {  	v20 =	vadd.f32 v25, v20;
	v25 =	vmul.f32 v29, v29;
	v33 =	vadd.f32 v40, v33;
	v37 =	vld.idx.msk [tilespmem:v42+s29+$0x0], $0xffff  }
0x4e4: {  	v30 =	vadd.f32 v30, v31;
	v24 =	vadd.f32 v24, v32;
	v27 =	vmul.f32 v29, v27;
	v31 =	vld.idx.msk [tilespmem:v46+s28+$0x0], $0xffff  }
0x4e5: {  	v20 =	vadd.f32 v29, v20;
	v29 =	vmul.f32 v33, v33;
	v28 =	vadd.f32 v35, v28;
	v32 =	vld.idx.msk [tilespmem:v51+s29+$0x0], $0xffff  }
0x4e6: {  	v25 =	vadd.f32 v25, v30;
	v24 =	vadd.f32 v27, v24;
	v27 =	vmul.f32 v33, v38;
	v35 =	vld.idx.msk [tilespmem:v42+s28+$0x0], $0xffff  }
0x4e7: {  	v30 =	vadd.f32 v33, v20;
	v33 =	vmul.f32 v28, v28;
	v26 =	vadd.f32 v34, v26;
	v38 =	vld.idx.msk [tilespmem:v51+s28+$0x0], $0xffff  }
0x4e8: {  	v25 =	vadd.f32 v29, v25;
	v27 =	vadd.f32 v27, v24;
	v29 =	vmul.f32 v28, v36;
	v20 =	vld.idx.msk [tilespmem:v49+s18+$0x0], $0xffff  }
0x4e9: {  	v28 =	vadd.f32 v28, v30;
	v34 =	vmul.f32 v26, v26;
	v36 =	vadd.f32 v37, v23;
	v24 =	vld.idx.msk [tilespmem:v49+s19+$0x0], $0xffff  }
.Ltmp15:
0x4ea: {  	v33 =	vadd.f32 v33, v25;
	v27 =	vadd.f32 v29, v27;
	v29 =	vmul.f32 v26, v31;
	v23 =	vld.idx.msk [tilespmem:v39+s18+$0x0], $0xffff;
	(pc) =	sbr.rel @p0 .LBB2_33-.Ltmp15, $4  }
0x4eb: {  	v28 =	vadd.f32 v26, v28;
	v37 =	vmul.f32 v36, v36;
	v30 =	vadd.f32 v32, v53;
	v25 =	vld.idx.msk [tilespmem:v39+s19+$0x0], $0xffff  }
0x4ec: {  	v32 =	vadd.f32 v34, v33;
	v34 =	vadd.f32 v29, v27;
	v35 =	vmul.f32 v36, v35;
	v26 =	vld.idx.msk [tilespmem:v54+s18+$0x0], $0xffff  }
0x4ed: {  	v29 =	vor.u32 v8, v14;
	v33 =	vadd.f32 v36, v28;
	v31 =	vmul.f32 v30, v30;
	v27 =	vld.idx.msk [tilespmem:v54+s19+$0x0], $0xffff  }
0x4ee: {  	s16 =	sadd.s32 $0x8, s16;
	v32 =	vadd.f32 v37, v32;
	v34 =	vadd.f32 v35, v34;
	v35 =	vmul.f32 v30, v38;
	v28 =	vld.idx.msk [tilespmem:v22+s18+$0x0], $0xffff  }
0x4ef: {  	_ =	sdelay $0x3  }
0x4f0: {  	v55 =	vld.idx.msk [tilespmem:v22+s19+$0x0], $0xffff  }
0x4f1: {  	v18 =	vand.u32 $0x38, v18;
	v8 =	vor.u32 v8, v19;
	v56 =	vld.idx.msk [tilespmem:v21+s18+$0x0], $0xffff  }
0x4f2: {  	v57 =	vld.idx.msk [tilespmem:v21+s19+$0x0], $0xffff;
	v10 =	vor.u32 v10, v18  }
0x4f3: {  	v36 =	vld.idx.msk [tilespmem:v15+s29+$0x0], $0xffff  }
0x4f4: {  	v58 =	vld.idx.msk [tilespmem:v29+s18+$0x0], $0xffff  }
0x4f5: {  	v59 =	vld.idx.msk [tilespmem:v29+s19+$0x0], $0xffff;
	v11 =	vor.u32 v11, v18  }
0x4f6: {  	v37 =	vld.idx.msk [tilespmem:v8+s18+$0x0], $0xffff  }
0x4f7: {  	v38 =	vld.idx.msk [tilespmem:v10+s18+$0x0], $0xffff  }
0x4f8: {  	v14 =	vor.u32 v7, v14;
	v10 =	vld.idx.msk [tilespmem:v10+s19+$0x0], $0xffff  }
0x4f9: {  	v13 =	vor.u32 v7, v13;
	v8 =	vld.idx.msk [tilespmem:v8+s19+$0x0], $0xffff  }
0x4fa: {  	v39 =	vld.idx.msk [tilespmem:v11+s29+$0x0], $0xffff  }
0x4fb: {  	v17 =	vor.u32 v7, v17;
	v61 =	vld.idx.msk [tilespmem:v15+s28+$0x0], $0xffff  }
0x4fc: {  	v16 =	vor.u32 v7, v16;
	v11 =	vld.idx.msk [tilespmem:v11+s28+$0x0], $0xffff  }
0x4fd: {  	v60 =	vld.idx.msk [tilespmem:v14+s29+$0x0], $0xffff;
	v10 =	vsub.f32 v38, v10  }
0x4fe: {  	v30 =	vadd.f32 v30, v33;
	v62 =	vld.idx.msk [tilespmem:v13+s29+$0x0], $0xffff  }
0x4ff: {  	v14 =	vld.idx.msk [tilespmem:v14+s28+$0x0], $0xffff;
	v8 =	vsub.f32 v37, v8;
	v10 =	vadd.f32 v39, v10  }
0x500: {  	v12 =	vor.u32 v7, v12;
	v63 =	vadd.f32 v35, v34;
	v18 =	vsub.f32 v58, v59;
	v35 =	vld.idx.msk [tilespmem:v17+s29+$0x0], $0xffff  }
0x501: {  	v20 =	vsub.f32 v20, v24;
	v40 =	vld.idx.msk [tilespmem:v16+s29+$0x0], $0xffff;
	v8 =	vadd.f32 v36, v8;
	v11 =	vmul.f32 v10, v11  }
0x502: {  	v7 =	vor.u32 v7, v9;
	v31 =	vadd.f32 v31, v32;
	v18 =	vadd.f32 v60, v18;
	v36 =	vld.idx.msk [tilespmem:v13+s28+$0x0], $0xffff  }
0x503: {  	v17 =	vld.idx.msk [tilespmem:v17+s28+$0x0], $0xffff;
	v39 =	vsub.f32 v56, v57;
	v15 =	vmul.f32 v8, v61;
	v11 =	vadd.f32 v11, v63  }
0x504: {  	v42 =	vsub.f32 v23, v25;
	v19 =	vsub.f32 v28, v55  }
0x505: {  	v41 =	vld.idx.msk [tilespmem:v12+s29+$0x0], $0xffff;
	v14 =	vmul.f32 v18, v14;
	v13 =	vadd.f32 v62, v39;
	v11 =	vadd.f32 v15, v11  }
0x506: {  	v43 =	vsub.f32 v26, v27;
	v16 =	vld.idx.msk [tilespmem:v16+s28+$0x0], $0xffff;
	v19 =	vadd.f32 v35, v19  }
0x507: {  	v45 =	vld.idx.msk [tilespmem:v7+s29+$0x0], $0xffff;
	v44 =	vmul.f32 v10, v10;
	v9 =	vmul.f32 v13, v36;
	v11 =	vadd.f32 v14, v11  }
0x508: {  	v12 =	vld.idx.msk [tilespmem:v12+s28+$0x0], $0xffff;
	v21 =	vadd.f32 v40, v43;
	v47 =	vmul.f32 v19, v17;
	v10 =	vadd.f32 v10, v30  }
0x509: {  	v46 =	vmul.f32 v8, v8;
	v24 =	vadd.f32 v44, v31;
	v9 =	vadd.f32 v9, v11  }
0x50a: {  	v7 =	vld.idx.msk [tilespmem:v7+s28+$0x0], $0xffff;
	v48 =	vmul.f32 v18, v18;
	v8 =	vadd.f32 v8, v10;
	v15 =	vadd.f32 v41, v42  }
0x50b: {  	v49 =	vmul.f32 v21, v16;
	v14 =	vadd.f32 v46, v24;
	v9 =	vadd.f32 v47, v9  }
0x50c: {  	v51 =	vadd.f32 v45, v20;
	v50 =	vmul.f32 v13, v13;
	v8 =	vadd.f32 v18, v8  }
0x50d: {  	v52 =	vmul.f32 v15, v12;
	v10 =	vadd.f32 v48, v14;
	v9 =	vadd.f32 v49, v9  }
0x50e: {  	v54 =	vld.idx.msk [tilespmem:v6+s31+$0x0], $0xffff;
	v53 =	vmul.f32 v19, v19;
	v8 =	vadd.f32 v13, v8  }
0x50f: {  	v7 =	vmul.f32 v51, v7;
	v10 =	vadd.f32 v50, v10;
	v9 =	vadd.f32 v52, v9  }
0x510: {  	v8 =	vadd.f32 v19, v8  }
0x511: {  	v55 =	vmul.f32 v21, v21;
	v10 =	vadd.f32 v53, v10;
	v7 =	vadd.f32 v7, v9  }
0x512: {  	v6 =	vld.idx.msk [tilespmem:v6+s0+$0x0], $0xffff;
	v8 =	vadd.f32 v21, v8  }
0x513: {  	v56 =	vmul.f32 v15, v15;
	v10 =	vadd.f32 v55, v10;
	v57 =	vsub.f32 v7, v54  }
0x514: {  	v8 =	vadd.f32 v15, v8  }
0x515: {  	v58 =	vmul.f32 v51, v51;
	v9 =	vadd.f32 v56, v10;
	v59 =	vadd.f32 v57, v57  }
0x516: {  	v8 =	vadd.f32 v51, v8  }
0x517: {  	v9 =	vadd.f32 v58, v9;
	v6 =	vmul.f32 v6, v57;
	v7 =	vmul.f32 v59, v7;
	_ =	sdelay $0x1  }
0x518: {  	v60 =	vmul.f32 v57, v57;
	v6 =	vsub.f32 v8, v6;
	v7 =	vsub.f32 v9, v7;
	_ =	sdelay $0x1  }
0x519: {  	v6 =	vmul.f32 $1.999999990e-06, v6;
	v7 =	vadd.f32 v7, v60;
	_ =	sdelay $0x1  }
0x51a: {  	v6 =	vadd.f32 v7, v6;
	_ =	sdelay $0x1  }
0x51b: {  	v6 =	vadd.f32 $6.399999970e-11, v6;
	_ =	sdelay $0x1  }
0x51c: {  	v6 =	vmax.f32 v6, $1.000000020e-24  }
0x51d: {  	v7 =	vshra.s32 v6, $0x1;
	v61 =	vmul.f32 $5.000000000e-01, v6  }
0x51e: {  	v7 =	vsub.s32 $0x5F3759DF, v7  }
0x51f: {  	v62 =	vmul.f32 v7, v61;
	_ =	sdelay $0x1  }
0x520: {  	v9 =	vmul.f32 v7, v62;
	_ =	sdelay $0x1  }
0x521: {  	v9 =	vsub.f32 $1.500000000e+00, v9;
	_ =	sdelay $0x1  }
0x522: {  	v7 =	vmul.f32 v7, v9;
	_ =	sdelay $0x1  }
0x523: {  	v9 =	vmul.f32 v7, v61;
	_ =	sdelay $0x1  }
0x524: {  	v9 =	vmul.f32 v9, v7;
	_ =	sdelay $0x1  }
0x525: {  	v9 =	vsub.f32 $1.500000000e+00, v9;
	_ =	sdelay $0x1  }
0x526: {  	v7 =	vmul.f32 v9, v7;
	_ =	sdelay $0x1  }
0x527: {  	v8 =	vmul.f32 v7, v61;
	_ =	sdelay $0x1  }
0x528: {  	v8 =	vmul.f32 v8, v7;
	_ =	sdelay $0x1  }
0x529: {  	v8 =	vsub.f32 $1.500000000e+00, v8  }
0x52a: {  	v63 =	vld [tilespmem:s21+$0x8D80]  }
0x52b: {  	v7 =	vmul.f32 v8, v7;
	_ =	sdelay $0x1  }
0x52c: {  	v6 =	vmul.f32 v7, v6  }
0x52d: {  	s1 =	sadd.s32 $0x1, s1  }
0x52e: {  	p0 =	sne.s32 s1, $0x8;
	v6 =	vsub.f32 v63, v6  }
.Ltmp16:
0x52f: {  	_ = 	snop;
	(pc) =	sbr.rel @p0 .LBB2_32-.Ltmp16, $3  }
0x530: {  	v6 =	vadd.f32 $1.000000000e+00, v6;
	_ =	sdelay $0x1  }
0x531: {  	v6 =	vmax.f32 v6, $0.0e+00  }
0x532: {  	v5 =	vadd.f32 v6, v5  }
0x533: {  	_ = 	snop  }
0x534: {  	(xrf2) =	vadd.scan.msk.f32 $0xffff, v5;
	_ =	sdelay $0x9  }
0x535: {  	v5, _, _ =	vpop (xrf2)  }
0x536: {  	s26 =	sadd.s32 $0x1, s26;
	v5 =	vbroadcast v5, $0xF  }
0x537: {  	p0 =	sne.s32 s26, s14  }
.Ltmp17:
0x538: {  	s1 =	simm.s32 $0x9120;
	[tilespmem:$0x9120] =	vst v5;
	(pc) =	sbr.rel @p0 .LBB2_1-.Ltmp17, $4  }
0x539: {  	[hbm4b:s13+s2] =	stream.linear.scatter [tilespmem:s1], [sflag:$0x3], $0x10, $0x38;
	[tilespmem:$0x9130] =	vst v63  }
0x53a: {  	_ =	swait.ge [sflag:s15], $0x10  }
0x53b: {  	[sflag:s15] =	ssyncset.done $0x0  }
0x53c: {  	[sflag:s15] =	ssyncadd.s32 $0xFFFFFFF0  }
0x53d: {  	_ =	sfence.sel $0x180000  }
0x53e: {  	[bflag:$0x0] =	sbarrier.arrive $0xFFFF  }
0x53f: {  	_ =	strace $0x90000047  }
0x540: {  	s0 =	stileid.u32;
	[bflag:$0x2] =	sbarrier.arrive $0xFFFF  }
0x541: {  	p0 =	sne.s32 s0, $0x0;
	s0 =	rddreg [dreg:$0x1]  }
0x542: {  	s0 =	sadd.s32 @!p0 $0x100000, s0  }
0x543: {  	[sflag:s0] =	ssyncadd.tile.s32 @!p0 $0x1;
	_ =	shalt  }
.Lfunc_end2:
_tile_overlayer_lowered:
.L_overlay_start_2:
0x544: {  	(tag) =	ssettag $0x2  }
0x545: {  	s0 =	rddreg [dreg:$0x0];
	s2 =	stileid.u32  }
0x546: {  	s1 =	rddreg [dreg:$0x1];
	p0 =	sne.s32 s2, $0x0  }
0x547: {  	s3 =	rddreg [dreg:$0x2];
	[bflag:$0x3] =	sbarrier.arrive $0xFFFF;
	s2 =	simm.s32 @!p0 $0x1C03  }
0x548: {  	[timem:s3], [sflag:s2] =	dma.local @!p0 [hbm:s0], s1  }
0x549: {  	s0 =	simm.s32 @!p0 $0x3  }
0x54a: {  	_ =	swait.ge @!p0 [sflag:s0], s1  }
0x54b: {  	s1 =	ssub.s32 @!p0 $0x0, s1;
	[sflag:s0] =	ssyncset.done @!p0 $0x0  }
0x54c: {  	[sflag:s0] =	ssyncadd.s32 @!p0 s1  }
0x54d: {  	[bflag:$0x3] =	sbarrier.arrive $0xFFFF  }
0x54e: {  	_ =	shalt  }

</sc_bundles>
